<compile_context>
chip_gen: v7x
topology: tpu7x:2x2x1
jax: 0.10.2.dev20260603
libtpu: 0.0.44.dev20260713+nightly
codegen_flags: <defaults>
</compile_context>

<pallas_src>
import jax
import jax.numpy as jnp
from jax import lax
from jax.experimental import pallas as pl
from jax.experimental.pallas import tpu as pltpu
from jax.experimental.pallas import tpu_sc as plsc

_DIM = 33
_NLUT = _DIM ** 3
_NLUT_PAD = 35968
_NIMG = 4
_NCH = 3
_NW = 32
_TPP = (512 // 8) * (512 // 128)
_TPW = _TPP // _NW
_NCHUNK = _NIMG * _TPW
_NPAIR = _NCHUNK // 2
_G = (8 * 128) // 16


def _tile_slices(wid, t):
    n = t // _TPW
    tau = wid * _TPW + (t - n * _TPW)
    rt = tau // 4
    ct = tau - rt * 4
    return n * _NCH, rt * 8, ct * 128


def _in_dma(x_hbm, wid, t, ibuf, sem):
    p0, row0, col0 = _tile_slices(wid, t)
    return pltpu.make_async_copy(
        x_hbm.at[pl.ds(p0, _NCH), pl.ds(row0, 8), pl.ds(col0, 128)], ibuf, sem)


def _out_dma(out_hbm, wid, t, obuf, sem):
    p0, row0, col0 = _tile_slices(wid, t)
    return pltpu.make_async_copy(
        obuf, out_hbm.at[pl.ds(p0, _NCH), pl.ds(row0, 8), pl.ds(col0, 128)],
        sem)


def _lerp_pair(packed, rd):
    lo, d = plsc.unpack(plsc.bitcast(packed, jnp.bfloat16),
                        format=plsc.PackFormat.INTERLEAVED)
    return lo + rd * d


def _compute_chunk(lut0, lut1, lut2, ibuf, obuf):
    @plsc.parallel_loop(0, _G // 2, unroll=2)
    def paired_body(i2):
        row = i2 // 4
        colbase = pl.multiple_of((i2 - row * 4) * 32, 32)
        for h in (0, 1):
            _one_group(lut0, lut1, lut2, ibuf, obuf, row, colbase + h * 16)


def _one_group(lut0, lut1, lut2, ibuf, obuf, row, col):
        r = ibuf[0, row, pl.ds(col, 16)]
        g = ibuf[1, row, pl.ds(col, 16)]
        b = ibuf[2, row, pl.ds(col, 16)]
        rs = r * float(_DIM - 1)
        gs = g * float(_DIM - 1)
        bs = b * float(_DIM - 1)
        ri = rs.astype(jnp.int32)
        gi = gs.astype(jnp.int32)
        bi = bs.astype(jnp.int32)
        rd = rs - ri.astype(jnp.float32)
        gd = gs - gi.astype(jnp.float32)
        bd = bs - bi.astype(jnp.float32)
        gm = 1.0 - gd
        bm = 1.0 - bd
        w00 = gm * bm
        w01 = gd * bm
        w10 = gm * bd
        w11 = gd * bd
        i00 = ri + gi * _DIM + bi * (_DIM * _DIM)
        i01 = i00 + _DIM
        i10 = i00 + _DIM * _DIM
        i11 = i00 + (_DIM * _DIM + _DIM)
        for c, lut_ref in enumerate((lut0, lut1, lut2)):
            q00 = _lerp_pair(plsc.load_gather(lut_ref, [i00]), rd)
            q01 = _lerp_pair(plsc.load_gather(lut_ref, [i01]), rd)
            q10 = _lerp_pair(plsc.load_gather(lut_ref, [i10]), rd)
            q11 = _lerp_pair(plsc.load_gather(lut_ref, [i11]), rd)
            acc = w00 * q00 + w01 * q01 + w10 * q10 + w11 * q11
            obuf[c, row, pl.ds(col, 16)] = acc


def _dlut_body(lut_hbm, x_hbm, out_hbm,
               lut0, lut1, lut2,
               ib0, ib1, ob0, ob1,
               sin0, sin1, sout0, sout1):
    wid = lax.axis_index("s") * 2 + lax.axis_index("c")
    lut_copies = tuple(
        pltpu.make_async_copy(
            lut_hbm.at[pl.ds(c * _NLUT_PAD, _NLUT_PAD)], dst, sout0)
        for c, dst in ((0, lut0), (1, lut1), (2, lut2)))
    for d in lut_copies:
        d.start()
    _in_dma(x_hbm, wid, 0, ib0, sin0).start()
    _in_dma(x_hbm, wid, 1, ib1, sin1).start()
    for d in lut_copies:
        d.wait()

    bufs = ((ib0, ob0, sin0, sout0), (ib1, ob1, sin1, sout1))

    def pair_body(k, carry):
        for p in (0, 1):
            ib, ob, si, so = bufs[p]
            t = 2 * k + p
            _in_dma(x_hbm, wid, t, ib, si).wait()

            @pl.when(k > 0)
            def _wait_out():
                _out_dma(out_hbm, wid, t - 2, ob, so).wait()

            _compute_chunk(lut0, lut1, lut2, ib, ob)

            @pl.when(k < _NPAIR - 1)
            def _next_in():
                _in_dma(x_hbm, wid, t + 2, ib, si).start()

            _out_dma(out_hbm, wid, t, ob, so).start()
        return carry

    lax.fori_loop(0, _NPAIR, pair_body, 0)
    _out_dma(out_hbm, wid, _NCHUNK - 2, ob0, sout0).wait()
    _out_dma(out_hbm, wid, _NCHUNK - 1, ob1, sout1).wait()


def _pack_pairs(LUT):
    lutc = LUT.reshape(_NCH, _NLUT)
    lo = lutc.astype(jnp.bfloat16)
    delta = jnp.pad(lutc[:, 1:] - lutc[:, :-1],
                    ((0, 0), (0, 1))).astype(jnp.bfloat16)
    lo_u = lax.bitcast_convert_type(lo, jnp.uint16).astype(jnp.uint32)
    d_u = lax.bitcast_convert_type(delta, jnp.uint16).astype(jnp.uint32)
    packed = lax.bitcast_convert_type(lo_u | (d_u << 16), jnp.int32)
    return jnp.pad(packed, ((0, 0), (0, _NLUT_PAD - _NLUT))).reshape(-1)


def kernel(LUT, x):
    lut_packed = _pack_pairs(LUT)
    xr = x.reshape(_NIMG * _NCH, 512, 512)
    mesh = plsc.VectorSubcoreMesh(core_axis_name="c", subcore_axis_name="s")
    run = pl.kernel(
        _dlut_body,
        out_type=jax.ShapeDtypeStruct((_NIMG * _NCH, 512, 512), jnp.float32),
        mesh=mesh,
        compiler_params=pltpu.CompilerParams(
            needs_layout_passes=False, use_tc_tiling_on_sc=True),
        scratch_types=(
            [pltpu.VMEM((_NLUT_PAD,), jnp.int32)] * 3
            + [pltpu.VMEM((_NCH, 8, 128), jnp.float32)] * 4
            + [pltpu.SemaphoreType.DMA] * 4
        ),
    )
    out = run(lut_packed, xr)
    return out.reshape(_NIMG, _NCH, 512, 512)

# --- scband reference (transcript-rebuilt; emitter-appended) ---
"""Pipeline reference for scband-generator3-dlut-zero-20744692039901 (READ-ONLY COPY).

The authoritative reference and input builder live on the scoring server;
editing this copy changes nothing except your own understanding.
"""

import jax, jax.numpy as jnp
import numpy as np

DIM = 33

def setup_inputs(seed: int = 0) -> dict:
    key = jax.random.key(seed)
    k1, k2 = jax.random.split(key)
    x = jax.random.uniform(k1, (4, 3, 512, 512), dtype=jnp.float32)
    # learned parameter: Generator3DLUT_zero initializes to zeros; use small random values
    # so the interpolation produces nontrivial outputs/grads
    LUT = jax.random.normal(k2, (3, DIM, DIM, DIM), dtype=jnp.float32) * 0.1
    return {"LUT": LUT, "x": x}

def reference(LUT, x):
    # Faithful port of trilinear_ext.forward: per-pixel trilinear interpolation into a 3D LUT.
    # LUT layout per channel is flattened with id = r_id + dim*g_id + dim*dim*b_id,
    # i.e. LUT[c, b_id, g_id, r_id].
    dim = LUT.shape[1]
    binsize = 1.0 / (dim - 1)
    r = x[:, 0]; g = x[:, 1]; b = x[:, 2]
    r_id = jnp.clip(jnp.floor(r / binsize).astype(jnp.int32), 0, dim - 2)
    g_id = jnp.clip(jnp.floor(g / binsize).astype(jnp.int32), 0, dim - 2)
    b_id = jnp.clip(jnp.floor(b / binsize).astype(jnp.int32), 0, dim - 2)
    r_d = r / binsize - r_id.astype(x.dtype)
    g_d = g / binsize - g_id.astype(x.dtype)
    b_d = b / binsize - b_id.astype(x.dtype)
    id000 = r_id + dim * g_id + dim * dim * b_id
    ids = [id000,
           id000 + 1,
           id000 + dim,
           id000 + dim + 1,
           id000 + dim * dim,
           id000 + dim * dim + 1,
           id000 + dim * dim + dim,
           id000 + dim * dim + dim + 1]
    w000 = (1 - r_d) * (1 - g_d) * (1 - b_d)
    w100 = r_d * (1 - g_d) * (1 - b_d)
    w010 = (1 - r_d) * g_d * (1 - b_d)
    w110 = r_d * g_d * (1 - b_d)
    w001 = (1 - r_d) * (1 - g_d) * b_d
    w101 = r_d * (1 - g_d) * b_d
    w011 = (1 - r_d) * g_d * b_d
    w111 = r_d * g_d * b_d
    ws = [w000, w100, w010, w110, w001, w101, w011, w111]
    lut = LUT.reshape(3, dim * dim * dim)
    outs = []
    for c in range(3):
        oc = jnp.zeros_like(r)
        for w, i in zip(ws, ids):
            oc = oc + w * jnp.take(lut[c], i)
        outs.append(oc)
    return jnp.stack(outs, axis=1)

if __name__ == "__main__":
    import jax
    _d = setup_inputs()
    print(jax.jit(kernel)(*tuple(_d.values())))

</pallas_src>

<mosaic_0001>
#map = affine_map<(d0, d1) -> (0)>
#map1 = affine_map<(d0, d1) -> (0, 0, 0)>
module attributes {stable_mosaic.version = 14 : i64} {
  func.func @_dlut_body(%arg0: i32, %arg1: i32, %arg2: memref<107904xi32, #tpu.memory_space<hbm>>, %arg3: memref<12x512x512xf32, #tpu.memory_space<hbm>>, %arg4: memref<12x512x512xf32, #tpu.memory_space<hbm>>, %arg5: memref<35968xi32, #tpu.memory_space<vmem>>, %arg6: memref<35968xi32, #tpu.memory_space<vmem>>, %arg7: memref<35968xi32, #tpu.memory_space<vmem>>, %arg8: memref<3x8x128xf32, #tpu.memory_space<vmem>>, %arg9: memref<3x8x128xf32, #tpu.memory_space<vmem>>, %arg10: memref<3x8x128xf32, #tpu.memory_space<vmem>>, %arg11: memref<3x8x128xf32, #tpu.memory_space<vmem>>, %arg12: memref<!tpu.dma_semaphore, #tpu.memory_space<semaphore_mem>>, %arg13: memref<!tpu.dma_semaphore, #tpu.memory_space<semaphore_mem>>, %arg14: memref<!tpu.dma_semaphore, #tpu.memory_space<semaphore_mem>>, %arg15: memref<!tpu.dma_semaphore, #tpu.memory_space<semaphore_mem>>) attributes {dimension_semantics = [#tpu.dimension_semantics<core_parallel>, #tpu.dimension_semantics<subcore_parallel>], iteration_bounds = array<i64: 2, 16>, scalar_prefetch = 0 : i64, scratch_operands = 11 : i64, tpu.core_type = #tpu.core_type<sc_vector_subcore>, window_params = [{transform_indices = #map}, {transform_indices = #map1}, {transform_indices = #map1}]} {
    %mul3A = arith.constant 2 : i32
    %mul3A_0 = arith.muli %arg1, %mul3A : i32
    %add3A = arith.addi %mul3A_0, %arg0 : i32
    %dma_start3A = arith.constant 0 : i32
    %dma_start3A_1 = tpu.memref_slice %arg2[%dma_start3A] : memref<107904xi32, #tpu.memory_space<hbm>> -> memref<35968xi32, #tpu.memory_space<hbm>>
    %dma_start3A_2 = arith.constant 0 : i32
    %dma_start3A_3 = tpu.memref_slice %arg2[%dma_start3A_2] : memref<107904xi32, #tpu.memory_space<hbm>> -> memref<35968xi32, #tpu.memory_space<hbm>>
    tpu.enqueue_dma source(%dma_start3A_3 : memref<35968xi32, #tpu.memory_space<hbm>>) target(%arg5 : memref<35968xi32, #tpu.memory_space<vmem>>) target_semaphore(%arg14 : memref<!tpu.dma_semaphore, #tpu.memory_space<semaphore_mem>>)
    %dma_start3A_4 = arith.constant 35968 : i32
    %dma_start3A_5 = tpu.memref_slice %arg2[%dma_start3A_4] : memref<107904xi32, #tpu.memory_space<hbm>> -> memref<35968xi32, #tpu.memory_space<hbm>>
    %dma_start3A_6 = arith.constant 35968 : i32
    %dma_start3A_7 = tpu.memref_slice %arg2[%dma_start3A_6] : memref<107904xi32, #tpu.memory_space<hbm>> -> memref<35968xi32, #tpu.memory_space<hbm>>
    tpu.enqueue_dma source(%dma_start3A_7 : memref<35968xi32, #tpu.memory_space<hbm>>) target(%arg6 : memref<35968xi32, #tpu.memory_space<vmem>>) target_semaphore(%arg14 : memref<!tpu.dma_semaphore, #tpu.memory_space<semaphore_mem>>)
    %dma_start3A_8 = arith.constant 71936 : i32
    %dma_start3A_9 = tpu.memref_slice %arg2[%dma_start3A_8] : memref<107904xi32, #tpu.memory_space<hbm>> -> memref<35968xi32, #tpu.memory_space<hbm>>
    %dma_start3A_10 = arith.constant 71936 : i32
    %dma_start3A_11 = tpu.memref_slice %arg2[%dma_start3A_10] : memref<107904xi32, #tpu.memory_space<hbm>> -> memref<35968xi32, #tpu.memory_space<hbm>>
    tpu.enqueue_dma source(%dma_start3A_11 : memref<35968xi32, #tpu.memory_space<hbm>>) target(%arg7 : memref<35968xi32, #tpu.memory_space<vmem>>) target_semaphore(%arg14 : memref<!tpu.dma_semaphore, #tpu.memory_space<semaphore_mem>>)
    %mul3A_12 = arith.constant 8 : i32
    %mul3A_13 = arith.muli %add3A, %mul3A_12 : i32
    %add3A_14 = arith.constant 0 : i32
    %add3A_15 = arith.addi %mul3A_13, %add3A_14 : i32
    %jit3A = arith.constant 4 : i32
    %div3A = arith.divsi %add3A_15, %jit3A : i32
    %sign3A = arith.constant 0 : i32
    %sign3A_16 = arith.cmpi sgt, %add3A_15, %sign3A : i32
    %sign3A_17 = arith.extui %sign3A_16 : i1 to i32
    %sign3A_18 = arith.constant 0 : i32
    %sign3A_19 = arith.cmpi slt, %add3A_15, %sign3A_18 : i32
    %sign3A_20 = arith.extui %sign3A_19 : i1 to i32
    %sign3A_21 = arith.subi %sign3A_17, %sign3A_20 : i32
    %sign3A_22 = arith.constant 0 : i32
    %sign3A_23 = arith.cmpi sgt, %jit3A, %sign3A_22 : i32
    %sign3A_24 = arith.extui %sign3A_23 : i1 to i32
    %sign3A_25 = arith.constant 0 : i32
    %sign3A_26 = arith.cmpi slt, %jit3A, %sign3A_25 : i32
    %sign3A_27 = arith.extui %sign3A_26 : i1 to i32
    %sign3A_28 = arith.subi %sign3A_24, %sign3A_27 : i32
    %ne3A = arith.cmpi ne, %sign3A_21, %sign3A_28 : i32
    %rem3A = arith.remsi %add3A_15, %jit3A : i32
    %ne3A_29 = arith.constant 0 : i32
    %ne3A_30 = arith.cmpi ne, %rem3A, %ne3A_29 : i32
    %and3A = arith.andi %ne3A, %ne3A_30 : i1
    %sub3A = arith.constant 1 : i32
    %sub3A_31 = arith.subi %div3A, %sub3A : i32
    %select_n3A = arith.select %and3A, %sub3A_31, %div3A : i32
    %mul3A_32 = arith.constant 4 : i32
    %mul3A_33 = arith.muli %select_n3A, %mul3A_32 : i32
    %sub3A_34 = arith.subi %add3A_15, %mul3A_33 : i32
    %mul3A_35 = arith.constant 8 : i32
    %mul3A_36 = arith.muli %select_n3A, %mul3A_35 : i32
    %mul3A_37 = arith.constant 128 : i32
    %mul3A_38 = arith.muli %sub3A_34, %mul3A_37 : i32
    %dma_start3A_39 = arith.constant 0 : i32
    %dma_start3A_40 = tpu.memref_slice %arg3[%dma_start3A_39, %mul3A_36, %mul3A_38] : memref<12x512x512xf32, #tpu.memory_space<hbm>> -> memref<3x8x128xf32, #tpu.memory_space<hbm>>
    %dma_start3A_41 = arith.constant 0 : i32
    %dma_start3A_42 = tpu.memref_slice %arg3[%dma_start3A_41, %mul3A_36, %mul3A_38] : memref<12x512x512xf32, #tpu.memory_space<hbm>> -> memref<3x8x128xf32, #tpu.memory_space<hbm>>
    tpu.enqueue_dma source(%dma_start3A_42 : memref<3x8x128xf32, #tpu.memory_space<hbm>>) target(%arg8 : memref<3x8x128xf32, #tpu.memory_space<vmem>>) target_semaphore(%arg12 : memref<!tpu.dma_semaphore, #tpu.memory_space<semaphore_mem>>)
    %mul3A_43 = arith.constant 8 : i32
    %mul3A_44 = arith.muli %add3A, %mul3A_43 : i32
    %add3A_45 = arith.constant 1 : i32
    %add3A_46 = arith.addi %mul3A_44, %add3A_45 : i32
    %jit3A_47 = arith.constant 4 : i32
    %div3A_48 = arith.divsi %add3A_46, %jit3A_47 : i32
    %sign3A_49 = arith.constant 0 : i32
    %sign3A_50 = arith.cmpi sgt, %add3A_46, %sign3A_49 : i32
    %sign3A_51 = arith.extui %sign3A_50 : i1 to i32
    %sign3A_52 = arith.constant 0 : i32
    %sign3A_53 = arith.cmpi slt, %add3A_46, %sign3A_52 : i32
    %sign3A_54 = arith.extui %sign3A_53 : i1 to i32
    %sign3A_55 = arith.subi %sign3A_51, %sign3A_54 : i32
    %sign3A_56 = arith.constant 0 : i32
    %sign3A_57 = arith.cmpi sgt, %jit3A_47, %sign3A_56 : i32
    %sign3A_58 = arith.extui %sign3A_57 : i1 to i32
    %sign3A_59 = arith.constant 0 : i32
    %sign3A_60 = arith.cmpi slt, %jit3A_47, %sign3A_59 : i32
    %sign3A_61 = arith.extui %sign3A_60 : i1 to i32
    %sign3A_62 = arith.subi %sign3A_58, %sign3A_61 : i32
    %ne3A_63 = arith.cmpi ne, %sign3A_55, %sign3A_62 : i32
    %rem3A_64 = arith.remsi %add3A_46, %jit3A_47 : i32
    %ne3A_65 = arith.constant 0 : i32
    %ne3A_66 = arith.cmpi ne, %rem3A_64, %ne3A_65 : i32
    %and3A_67 = arith.andi %ne3A_63, %ne3A_66 : i1
    %sub3A_68 = arith.constant 1 : i32
    %sub3A_69 = arith.subi %div3A_48, %sub3A_68 : i32
    %select_n3A_70 = arith.select %and3A_67, %sub3A_69, %div3A_48 : i32
    %mul3A_71 = arith.constant 4 : i32
    %mul3A_72 = arith.muli %select_n3A_70, %mul3A_71 : i32
    %sub3A_73 = arith.subi %add3A_46, %mul3A_72 : i32
    %mul3A_74 = arith.constant 8 : i32
    %mul3A_75 = arith.muli %select_n3A_70, %mul3A_74 : i32
    %mul3A_76 = arith.constant 128 : i32
    %mul3A_77 = arith.muli %sub3A_73, %mul3A_76 : i32
    %dma_start3A_78 = arith.constant 0 : i32
    %dma_start3A_79 = tpu.memref_slice %arg3[%dma_start3A_78, %mul3A_75, %mul3A_77] : memref<12x512x512xf32, #tpu.memory_space<hbm>> -> memref<3x8x128xf32, #tpu.memory_space<hbm>>
    %dma_start3A_80 = arith.constant 0 : i32
    %dma_start3A_81 = tpu.memref_slice %arg3[%dma_start3A_80, %mul3A_75, %mul3A_77] : memref<12x512x512xf32, #tpu.memory_space<hbm>> -> memref<3x8x128xf32, #tpu.memory_space<hbm>>
    tpu.enqueue_dma source(%dma_start3A_81 : memref<3x8x128xf32, #tpu.memory_space<hbm>>) target(%arg9 : memref<3x8x128xf32, #tpu.memory_space<vmem>>) target_semaphore(%arg13 : memref<!tpu.dma_semaphore, #tpu.memory_space<semaphore_mem>>)
    %dma_wait3A = arith.constant 0 : i32
    %dma_wait3A_82 = tpu.memref_slice %arg2[%dma_wait3A] : memref<107904xi32, #tpu.memory_space<hbm>> -> memref<35968xi32, #tpu.memory_space<hbm>>
    %dma_wait3A_83 = arith.constant 0 : i32
    %dma_wait3A_84 = tpu.memref_slice %arg2[%dma_wait3A_83] : memref<107904xi32, #tpu.memory_space<hbm>> -> memref<35968xi32, #tpu.memory_space<hbm>>
    tpu.wait_dma2 semaphore(%arg14 : memref<!tpu.dma_semaphore, #tpu.memory_space<semaphore_mem>>) src(%dma_wait3A_84 : memref<35968xi32, #tpu.memory_space<hbm>>) dst(%arg5 : memref<35968xi32, #tpu.memory_space<vmem>>)
    %dma_wait3A_85 = arith.constant 35968 : i32
    %dma_wait3A_86 = tpu.memref_slice %arg2[%dma_wait3A_85] : memref<107904xi32, #tpu.memory_space<hbm>> -> memref<35968xi32, #tpu.memory_space<hbm>>
    %dma_wait3A_87 = arith.constant 35968 : i32
    %dma_wait3A_88 = tpu.memref_slice %arg2[%dma_wait3A_87] : memref<107904xi32, #tpu.memory_space<hbm>> -> memref<35968xi32, #tpu.memory_space<hbm>>
    tpu.wait_dma2 semaphore(%arg14 : memref<!tpu.dma_semaphore, #tpu.memory_space<semaphore_mem>>) src(%dma_wait3A_88 : memref<35968xi32, #tpu.memory_space<hbm>>) dst(%arg6 : memref<35968xi32, #tpu.memory_space<vmem>>)
    %dma_wait3A_89 = arith.constant 71936 : i32
    %dma_wait3A_90 = tpu.memref_slice %arg2[%dma_wait3A_89] : memref<107904xi32, #tpu.memory_space<hbm>> -> memref<35968xi32, #tpu.memory_space<hbm>>
    %dma_wait3A_91 = arith.constant 71936 : i32
    %dma_wait3A_92 = tpu.memref_slice %arg2[%dma_wait3A_91] : memref<107904xi32, #tpu.memory_space<hbm>> -> memref<35968xi32, #tpu.memory_space<hbm>>
    tpu.wait_dma2 semaphore(%arg14 : memref<!tpu.dma_semaphore, #tpu.memory_space<semaphore_mem>>) src(%dma_wait3A_92 : memref<35968xi32, #tpu.memory_space<hbm>>) dst(%arg7 : memref<35968xi32, #tpu.memory_space<vmem>>)
    %scan3A = arith.constant 0 : i32
    %scan3A_93 = arith.constant 0 : i32
    %scan3A_94 = arith.constant 16 : i32
    %scan3A_95 = arith.addi %scan3A_93, %scan3A_94 : i32
    %scan3A_96 = arith.constant 1 : i32
    scf.for %scan3A_176 = %scan3A_93 to %scan3A_95 step %scan3A_96  : i32 {
      %mul3A_177 = arith.constant 2 : i32
      %mul3A_178 = arith.muli %mul3A_177, %scan3A_176 : i32
      %add3A_179 = arith.constant 0 : i32
      %add3A_180 = arith.addi %mul3A_178, %add3A_179 : i32
      %jit3A_181 = arith.constant 8 : i32
      %div3A_182 = arith.divsi %add3A_180, %jit3A_181 : i32
      %sign3A_183 = arith.constant 0 : i32
      %sign3A_184 = arith.cmpi sgt, %add3A_180, %sign3A_183 : i32
      %sign3A_185 = arith.extui %sign3A_184 : i1 to i32
      %sign3A_186 = arith.constant 0 : i32
      %sign3A_187 = arith.cmpi slt, %add3A_180, %sign3A_186 : i32
      %sign3A_188 = arith.extui %sign3A_187 : i1 to i32
      %sign3A_189 = arith.subi %sign3A_185, %sign3A_188 : i32
      %sign3A_190 = arith.constant 0 : i32
      %sign3A_191 = arith.cmpi sgt, %jit3A_181, %sign3A_190 : i32
      %sign3A_192 = arith.extui %sign3A_191 : i1 to i32
      %sign3A_193 = arith.constant 0 : i32
      %sign3A_194 = arith.cmpi slt, %jit3A_181, %sign3A_193 : i32
      %sign3A_195 = arith.extui %sign3A_194 : i1 to i32
      %sign3A_196 = arith.subi %sign3A_192, %sign3A_195 : i32
      %ne3A_197 = arith.cmpi ne, %sign3A_189, %sign3A_196 : i32
      %rem3A_198 = arith.remsi %add3A_180, %jit3A_181 : i32
      %ne3A_199 = arith.constant 0 : i32
      %ne3A_200 = arith.cmpi ne, %rem3A_198, %ne3A_199 : i32
      %and3A_201 = arith.andi %ne3A_197, %ne3A_200 : i1
      %sub3A_202 = arith.constant 1 : i32
      %sub3A_203 = arith.subi %div3A_182, %sub3A_202 : i32
      %select_n3A_204 = arith.select %and3A_201, %sub3A_203, %div3A_182 : i32
      %mul3A_205 = arith.constant 8 : i32
      %mul3A_206 = arith.muli %add3A, %mul3A_205 : i32
      %mul3A_207 = arith.constant 8 : i32
      %mul3A_208 = arith.muli %select_n3A_204, %mul3A_207 : i32
      %sub3A_209 = arith.subi %add3A_180, %mul3A_208 : i32
      %add3A_210 = arith.addi %mul3A_206, %sub3A_209 : i32
      %jit3A_211 = arith.constant 4 : i32
      %div3A_212 = arith.divsi %add3A_210, %jit3A_211 : i32
      %sign3A_213 = arith.constant 0 : i32
      %sign3A_214 = arith.cmpi sgt, %add3A_210, %sign3A_213 : i32
      %sign3A_215 = arith.extui %sign3A_214 : i1 to i32
      %sign3A_216 = arith.constant 0 : i32
      %sign3A_217 = arith.cmpi slt, %add3A_210, %sign3A_216 : i32
      %sign3A_218 = arith.extui %sign3A_217 : i1 to i32
      %sign3A_219 = arith.subi %sign3A_215, %sign3A_218 : i32
      %sign3A_220 = arith.constant 0 : i32
      %sign3A_221 = arith.cmpi sgt, %jit3A_211, %sign3A_220 : i32
      %sign3A_222 = arith.extui %sign3A_221 : i1 to i32
      %sign3A_223 = arith.constant 0 : i32
      %sign3A_224 = arith.cmpi slt, %jit3A_211, %sign3A_223 : i32
      %sign3A_225 = arith.extui %sign3A_224 : i1 to i32
      %sign3A_226 = arith.subi %sign3A_222, %sign3A_225 : i32
      %ne3A_227 = arith.cmpi ne, %sign3A_219, %sign3A_226 : i32
      %rem3A_228 = arith.remsi %add3A_210, %jit3A_211 : i32
      %ne3A_229 = arith.constant 0 : i32
      %ne3A_230 = arith.cmpi ne, %rem3A_228, %ne3A_229 : i32
      %and3A_231 = arith.andi %ne3A_227, %ne3A_230 : i1
      %sub3A_232 = arith.constant 1 : i32
      %sub3A_233 = arith.subi %div3A_212, %sub3A_232 : i32
      %select_n3A_234 = arith.select %and3A_231, %sub3A_233, %div3A_212 : i32
      %mul3A_235 = arith.constant 4 : i32
      %mul3A_236 = arith.muli %select_n3A_234, %mul3A_235 : i32
      %sub3A_237 = arith.subi %add3A_210, %mul3A_236 : i32
      %mul3A_238 = arith.constant 3 : i32
      %mul3A_239 = arith.muli %select_n3A_204, %mul3A_238 : i32
      %mul3A_240 = arith.constant 8 : i32
      %mul3A_241 = arith.muli %select_n3A_234, %mul3A_240 : i32
      %mul3A_242 = arith.constant 128 : i32
      %mul3A_243 = arith.muli %sub3A_237, %mul3A_242 : i32
      %dma_wait3A_244 = tpu.memref_slice %arg3[%mul3A_239, %mul3A_241, %mul3A_243] : memref<12x512x512xf32, #tpu.memory_space<hbm>> -> memref<3x8x128xf32, #tpu.memory_space<hbm>>
      %dma_wait3A_245 = tpu.memref_slice %arg3[%mul3A_239, %mul3A_241, %mul3A_243] : memref<12x512x512xf32, #tpu.memory_space<hbm>> -> memref<3x8x128xf32, #tpu.memory_space<hbm>>
      tpu.wait_dma2 semaphore(%arg12 : memref<!tpu.dma_semaphore, #tpu.memory_space<semaphore_mem>>) src(%dma_wait3A_245 : memref<3x8x128xf32, #tpu.memory_space<hbm>>) dst(%arg8 : memref<3x8x128xf32, #tpu.memory_space<vmem>>)
      %gt3A = arith.constant 0 : i32
      %gt3A_246 = arith.cmpi sgt, %scan3A_176, %gt3A : i32
      %convert_element_type3A = arith.extui %gt3A_246 : i1 to i32
      %cond3A = arith.constant 0 : i32
      %cond3A_247 = arith.cmpi ne, %convert_element_type3A, %cond3A : i32
      scf.if %cond3A_247 {
        %sub3A_466 = arith.constant 2 : i32
        %sub3A_467 = arith.subi %add3A_180, %sub3A_466 : i32
        %jit3A_468 = arith.constant 8 : i32
        %div3A_469 = arith.divsi %sub3A_467, %jit3A_468 : i32
        %sign3A_470 = arith.constant 0 : i32
        %sign3A_471 = arith.cmpi sgt, %sub3A_467, %sign3A_470 : i32
        %sign3A_472 = arith.extui %sign3A_471 : i1 to i32
        %sign3A_473 = arith.constant 0 : i32
        %sign3A_474 = arith.cmpi slt, %sub3A_467, %sign3A_473 : i32
        %sign3A_475 = arith.extui %sign3A_474 : i1 to i32
        %sign3A_476 = arith.subi %sign3A_472, %sign3A_475 : i32
        %sign3A_477 = arith.constant 0 : i32
        %sign3A_478 = arith.cmpi sgt, %jit3A_468, %sign3A_477 : i32
        %sign3A_479 = arith.extui %sign3A_478 : i1 to i32
        %sign3A_480 = arith.constant 0 : i32
        %sign3A_481 = arith.cmpi slt, %jit3A_468, %sign3A_480 : i32
        %sign3A_482 = arith.extui %sign3A_481 : i1 to i32
        %sign3A_483 = arith.subi %sign3A_479, %sign3A_482 : i32
        %ne3A_484 = arith.cmpi ne, %sign3A_476, %sign3A_483 : i32
        %rem3A_485 = arith.remsi %sub3A_467, %jit3A_468 : i32
        %ne3A_486 = arith.constant 0 : i32
        %ne3A_487 = arith.cmpi ne, %rem3A_485, %ne3A_486 : i32
        %and3A_488 = arith.andi %ne3A_484, %ne3A_487 : i1
        %sub3A_489 = arith.constant 1 : i32
        %sub3A_490 = arith.subi %div3A_469, %sub3A_489 : i32
        %select_n3A_491 = arith.select %and3A_488, %sub3A_490, %div3A_469 : i32
        %mul3A_492 = arith.constant 8 : i32
        %mul3A_493 = arith.muli %add3A, %mul3A_492 : i32
        %mul3A_494 = arith.constant 8 : i32
        %mul3A_495 = arith.muli %select_n3A_491, %mul3A_494 : i32
        %sub3A_496 = arith.subi %sub3A_467, %mul3A_495 : i32
        %add3A_497 = arith.addi %mul3A_493, %sub3A_496 : i32
        %jit3A_498 = arith.constant 4 : i32
        %div3A_499 = arith.divsi %add3A_497, %jit3A_498 : i32
        %sign3A_500 = arith.constant 0 : i32
        %sign3A_501 = arith.cmpi sgt, %add3A_497, %sign3A_500 : i32
        %sign3A_502 = arith.extui %sign3A_501 : i1 to i32
        %sign3A_503 = arith.constant 0 : i32
        %sign3A_504 = arith.cmpi slt, %add3A_497, %sign3A_503 : i32
        %sign3A_505 = arith.extui %sign3A_504 : i1 to i32
        %sign3A_506 = arith.subi %sign3A_502, %sign3A_505 : i32
        %sign3A_507 = arith.constant 0 : i32
        %sign3A_508 = arith.cmpi sgt, %jit3A_498, %sign3A_507 : i32
        %sign3A_509 = arith.extui %sign3A_508 : i1 to i32
        %sign3A_510 = arith.constant 0 : i32
        %sign3A_511 = arith.cmpi slt, %jit3A_498, %sign3A_510 : i32
        %sign3A_512 = arith.extui %sign3A_511 : i1 to i32
        %sign3A_513 = arith.subi %sign3A_509, %sign3A_512 : i32
        %ne3A_514 = arith.cmpi ne, %sign3A_506, %sign3A_513 : i32
        %rem3A_515 = arith.remsi %add3A_497, %jit3A_498 : i32
        %ne3A_516 = arith.constant 0 : i32
        %ne3A_517 = arith.cmpi ne, %rem3A_515, %ne3A_516 : i32
        %and3A_518 = arith.andi %ne3A_514, %ne3A_517 : i1
        %sub3A_519 = arith.constant 1 : i32
        %sub3A_520 = arith.subi %div3A_499, %sub3A_519 : i32
        %select_n3A_521 = arith.select %and3A_518, %sub3A_520, %div3A_499 : i32
        %mul3A_522 = arith.constant 4 : i32
        %mul3A_523 = arith.muli %select_n3A_521, %mul3A_522 : i32
        %sub3A_524 = arith.subi %add3A_497, %mul3A_523 : i32
        %mul3A_525 = arith.constant 3 : i32
        %mul3A_526 = arith.muli %select_n3A_491, %mul3A_525 : i32
        %mul3A_527 = arith.constant 8 : i32
        %mul3A_528 = arith.muli %select_n3A_521, %mul3A_527 : i32
        %mul3A_529 = arith.constant 128 : i32
        %mul3A_530 = arith.muli %sub3A_524, %mul3A_529 : i32
        %dma_wait3A_531 = tpu.memref_slice %arg4[%mul3A_526, %mul3A_528, %mul3A_530] : memref<12x512x512xf32, #tpu.memory_space<hbm>> -> memref<3x8x128xf32, #tpu.memory_space<hbm>>
        %dma_wait3A_532 = tpu.memref_slice %arg4[%mul3A_526, %mul3A_528, %mul3A_530] : memref<12x512x512xf32, #tpu.memory_space<hbm>> -> memref<3x8x128xf32, #tpu.memory_space<hbm>>
        tpu.wait_dma2 semaphore(%arg14 : memref<!tpu.dma_semaphore, #tpu.memory_space<semaphore_mem>>) src(%arg10 : memref<3x8x128xf32, #tpu.memory_space<vmem>>) dst(%dma_wait3A_532 : memref<3x8x128xf32, #tpu.memory_space<hbm>>)
      } else {
      }
      %parallel_loop3A = arith.constant 0 : i32
      %parallel_loop3A_248 = arith.constant 32 : i32
      %parallel_loop3A_249 = arith.constant 1 : i32
      scf.for %parallel_loop3A_466 = %parallel_loop3A to %parallel_loop3A_248 step %parallel_loop3A_249  : i32 {
        %parallel_loop3A_467 = arith.constant 4 : i32
        %parallel_loop3A_468 = arith.divsi %parallel_loop3A_466, %parallel_loop3A_467 : i32
        %parallel_loop3A_469 = arith.constant 0 : i32
        %parallel_loop3A_470 = arith.cmpi sgt, %parallel_loop3A_466, %parallel_loop3A_469 : i32
        %parallel_loop3A_471 = arith.extui %parallel_loop3A_470 : i1 to i32
        %parallel_loop3A_472 = arith.constant 0 : i32
        %parallel_loop3A_473 = arith.cmpi slt, %parallel_loop3A_466, %parallel_loop3A_472 : i32
        %parallel_loop3A_474 = arith.extui %parallel_loop3A_473 : i1 to i32
        %parallel_loop3A_475 = arith.subi %parallel_loop3A_471, %parallel_loop3A_474 : i32
        %parallel_loop3A_476 = arith.constant 0 : i32
        %parallel_loop3A_477 = arith.cmpi sgt, %parallel_loop3A_467, %parallel_loop3A_476 : i32
        %parallel_loop3A_478 = arith.extui %parallel_loop3A_477 : i1 to i32
        %parallel_loop3A_479 = arith.constant 0 : i32
        %parallel_loop3A_480 = arith.cmpi slt, %parallel_loop3A_467, %parallel_loop3A_479 : i32
        %parallel_loop3A_481 = arith.extui %parallel_loop3A_480 : i1 to i32
        %parallel_loop3A_482 = arith.subi %parallel_loop3A_478, %parallel_loop3A_481 : i32
        %parallel_loop3A_483 = arith.cmpi ne, %parallel_loop3A_475, %parallel_loop3A_482 : i32
        %parallel_loop3A_484 = arith.remsi %parallel_loop3A_466, %parallel_loop3A_467 : i32
        %parallel_loop3A_485 = arith.constant 0 : i32
        %parallel_loop3A_486 = arith.cmpi ne, %parallel_loop3A_484, %parallel_loop3A_485 : i32
        %parallel_loop3A_487 = arith.andi %parallel_loop3A_483, %parallel_loop3A_486 : i1
        %parallel_loop3A_488 = arith.constant 1 : i32
        %parallel_loop3A_489 = arith.subi %parallel_loop3A_468, %parallel_loop3A_488 : i32
        %parallel_loop3A_490 = arith.select %parallel_loop3A_487, %parallel_loop3A_489, %parallel_loop3A_468 : i32
        %parallel_loop3A_491 = arith.constant 4 : i32
        %parallel_loop3A_492 = arith.muli %parallel_loop3A_490, %parallel_loop3A_491 : i32
        %parallel_loop3A_493 = arith.subi %parallel_loop3A_466, %parallel_loop3A_492 : i32
        %parallel_loop3A_494 = arith.constant 32 : i32
        %parallel_loop3A_495 = arith.muli %parallel_loop3A_493, %parallel_loop3A_494 : i32
        %parallel_loop3A_496 = tpu.assume_multiple %parallel_loop3A_495, 32 : i32
        %parallel_loop3A_497 = arith.constant 0 : i32
        %parallel_loop3A_498 = arith.addi %parallel_loop3A_496, %parallel_loop3A_497 : i32
        %parallel_loop3A_499 = arith.constant 0 : i32
        %parallel_loop3A_500 = arith.index_cast %parallel_loop3A_499 : i32 to index
        %parallel_loop3A_501 = arith.index_cast %parallel_loop3A_490 : i32 to index
        %parallel_loop3A_502 = arith.index_cast %parallel_loop3A_498 : i32 to index
        %parallel_loop3A_503 = tpu.vector_load %arg8[%parallel_loop3A_500, %parallel_loop3A_501, %parallel_loop3A_502] {strides = array<i32>} : memref<3x8x128xf32, #tpu.memory_space<vmem>>, vector<16xf32>,
        %parallel_loop3A_504 = arith.constant 1 : i32
        %parallel_loop3A_505 = arith.index_cast %parallel_loop3A_504 : i32 to index
        %parallel_loop3A_506 = arith.index_cast %parallel_loop3A_490 : i32 to index
        %parallel_loop3A_507 = arith.index_cast %parallel_loop3A_498 : i32 to index
        %parallel_loop3A_508 = tpu.vector_load %arg8[%parallel_loop3A_505, %parallel_loop3A_506, %parallel_loop3A_507] {strides = array<i32>} : memref<3x8x128xf32, #tpu.memory_space<vmem>>, vector<16xf32>,
        %parallel_loop3A_509 = arith.constant 2 : i32
        %parallel_loop3A_510 = arith.index_cast %parallel_loop3A_509 : i32 to index
        %parallel_loop3A_511 = arith.index_cast %parallel_loop3A_490 : i32 to index
        %parallel_loop3A_512 = arith.index_cast %parallel_loop3A_498 : i32 to index
        %parallel_loop3A_513 = tpu.vector_load %arg8[%parallel_loop3A_510, %parallel_loop3A_511, %parallel_loop3A_512] {strides = array<i32>} : memref<3x8x128xf32, #tpu.memory_space<vmem>>, vector<16xf32>,
        %parallel_loop3A_514 = arith.constant 3.200000e+01 : f32
        %parallel_loop3A_515 = vector.broadcast %parallel_loop3A_514 : f32 to vector<16xf32>
        %parallel_loop3A_516 = arith.mulf %parallel_loop3A_503, %parallel_loop3A_515 : vector<16xf32>
        %parallel_loop3A_517 = arith.constant 3.200000e+01 : f32
        %parallel_loop3A_518 = vector.broadcast %parallel_loop3A_517 : f32 to vector<16xf32>
        %parallel_loop3A_519 = arith.mulf %parallel_loop3A_508, %parallel_loop3A_518 : vector<16xf32>
        %parallel_loop3A_520 = arith.constant 3.200000e+01 : f32
        %parallel_loop3A_521 = vector.broadcast %parallel_loop3A_520 : f32 to vector<16xf32>
        %parallel_loop3A_522 = arith.mulf %parallel_loop3A_513, %parallel_loop3A_521 : vector<16xf32>
        %parallel_loop3A_523 = arith.fptosi %parallel_loop3A_516 : vector<16xf32> to vector<16xi32>
        %parallel_loop3A_524 = arith.fptosi %parallel_loop3A_519 : vector<16xf32> to vector<16xi32>
        %parallel_loop3A_525 = arith.fptosi %parallel_loop3A_522 : vector<16xf32> to vector<16xi32>
        %parallel_loop3A_526 = arith.sitofp %parallel_loop3A_523 : vector<16xi32> to vector<16xf32>
        %parallel_loop3A_527 = arith.subf %parallel_loop3A_516, %parallel_loop3A_526 : vector<16xf32>
        %parallel_loop3A_528 = arith.sitofp %parallel_loop3A_524 : vector<16xi32> to vector<16xf32>
        %parallel_loop3A_529 = arith.subf %parallel_loop3A_519, %parallel_loop3A_528 : vector<16xf32>
        %parallel_loop3A_530 = arith.sitofp %parallel_loop3A_525 : vector<16xi32> to vector<16xf32>
        %parallel_loop3A_531 = arith.subf %parallel_loop3A_522, %parallel_loop3A_530 : vector<16xf32>
        %parallel_loop3A_532 = arith.constant 1.000000e+00 : f32
        %parallel_loop3A_533 = vector.broadcast %parallel_loop3A_532 : f32 to vector<16xf32>
        %parallel_loop3A_534 = arith.subf %parallel_loop3A_533, %parallel_loop3A_529 : vector<16xf32>
        %parallel_loop3A_535 = arith.constant 1.000000e+00 : f32
        %parallel_loop3A_536 = vector.broadcast %parallel_loop3A_535 : f32 to vector<16xf32>
        %parallel_loop3A_537 = arith.subf %parallel_loop3A_536, %parallel_loop3A_531 : vector<16xf32>
        %parallel_loop3A_538 = arith.mulf %parallel_loop3A_534, %parallel_loop3A_537 : vector<16xf32>
        %parallel_loop3A_539 = arith.mulf %parallel_loop3A_529, %parallel_loop3A_537 : vector<16xf32>
        %parallel_loop3A_540 = arith.mulf %parallel_loop3A_534, %parallel_loop3A_531 : vector<16xf32>
        %parallel_loop3A_541 = arith.mulf %parallel_loop3A_529, %parallel_loop3A_531 : vector<16xf32>
        %parallel_loop3A_542 = arith.constant 33 : i32
        %parallel_loop3A_543 = vector.broadcast %parallel_loop3A_542 : i32 to vector<16xi32>
        %parallel_loop3A_544 = arith.muli %parallel_loop3A_524, %parallel_loop3A_543 : vector<16xi32>
        %parallel_loop3A_545 = arith.addi %parallel_loop3A_523, %parallel_loop3A_544 : vector<16xi32>
        %parallel_loop3A_546 = arith.constant 1089 : i32
        %parallel_loop3A_547 = vector.broadcast %parallel_loop3A_546 : i32 to vector<16xi32>
        %parallel_loop3A_548 = arith.muli %parallel_loop3A_525, %parallel_loop3A_547 : vector<16xi32>
        %parallel_loop3A_549 = arith.addi %parallel_loop3A_545, %parallel_loop3A_548 : vector<16xi32>
        %parallel_loop3A_550 = arith.constant 33 : i32
        %parallel_loop3A_551 = vector.broadcast %parallel_loop3A_550 : i32 to vector<16xi32>
        %parallel_loop3A_552 = arith.addi %parallel_loop3A_549, %parallel_loop3A_551 : vector<16xi32>
        %parallel_loop3A_553 = arith.constant 1089 : i32
        %parallel_loop3A_554 = vector.broadcast %parallel_loop3A_553 : i32 to vector<16xi32>
        %parallel_loop3A_555 = arith.addi %parallel_loop3A_549, %parallel_loop3A_554 : vector<16xi32>
        %parallel_loop3A_556 = arith.constant 1122 : i32
        %parallel_loop3A_557 = vector.broadcast %parallel_loop3A_556 : i32 to vector<16xi32>
        %parallel_loop3A_558 = arith.addi %parallel_loop3A_549, %parallel_loop3A_557 : vector<16xi32>
        %parallel_loop3A_559 = tpu.vector_load_idx %arg5[%parallel_loop3A_549] : memref<35968xi32, #tpu.memory_space<vmem>>[vector<16xi32>], vector<16xi32>,
        %parallel_loop3A_560 = vector.bitcast %parallel_loop3A_559 : vector<16xi32> to vector<32xbf16>
        %parallel_loop3A_561 = tpu.unpack_subelements %parallel_loop3A_560, 0 {pack_format = #tpu.pack_format<interleaved>} : vector<32xbf16> -> vector<16xf32>
        %parallel_loop3A_562 = tpu.unpack_subelements %parallel_loop3A_560, 1 {pack_format = #tpu.pack_format<interleaved>} : vector<32xbf16> -> vector<16xf32>
        %parallel_loop3A_563 = arith.mulf %parallel_loop3A_527, %parallel_loop3A_562 : vector<16xf32>
        %parallel_loop3A_564 = arith.addf %parallel_loop3A_561, %parallel_loop3A_563 : vector<16xf32>
        %parallel_loop3A_565 = tpu.vector_load_idx %arg5[%parallel_loop3A_552] : memref<35968xi32, #tpu.memory_space<vmem>>[vector<16xi32>], vector<16xi32>,
        %parallel_loop3A_566 = vector.bitcast %parallel_loop3A_565 : vector<16xi32> to vector<32xbf16>
        %parallel_loop3A_567 = tpu.unpack_subelements %parallel_loop3A_566, 0 {pack_format = #tpu.pack_format<interleaved>} : vector<32xbf16> -> vector<16xf32>
        %parallel_loop3A_568 = tpu.unpack_subelements %parallel_loop3A_566, 1 {pack_format = #tpu.pack_format<interleaved>} : vector<32xbf16> -> vector<16xf32>
        %parallel_loop3A_569 = arith.mulf %parallel_loop3A_527, %parallel_loop3A_568 : vector<16xf32>
        %parallel_loop3A_570 = arith.addf %parallel_loop3A_567, %parallel_loop3A_569 : vector<16xf32>
        %parallel_loop3A_571 = tpu.vector_load_idx %arg5[%parallel_loop3A_555] : memref<35968xi32, #tpu.memory_space<vmem>>[vector<16xi32>], vector<16xi32>,
        %parallel_loop3A_572 = vector.bitcast %parallel_loop3A_571 : vector<16xi32> to vector<32xbf16>
        %parallel_loop3A_573 = tpu.unpack_subelements %parallel_loop3A_572, 0 {pack_format = #tpu.pack_format<interleaved>} : vector<32xbf16> -> vector<16xf32>
        %parallel_loop3A_574 = tpu.unpack_subelements %parallel_loop3A_572, 1 {pack_format = #tpu.pack_format<interleaved>} : vector<32xbf16> -> vector<16xf32>
        %parallel_loop3A_575 = arith.mulf %parallel_loop3A_527, %parallel_loop3A_574 : vector<16xf32>
        %parallel_loop3A_576 = arith.addf %parallel_loop3A_573, %parallel_loop3A_575 : vector<16xf32>
        %parallel_loop3A_577 = tpu.vector_load_idx %arg5[%parallel_loop3A_558] : memref<35968xi32, #tpu.memory_space<vmem>>[vector<16xi32>], vector<16xi32>,
        %parallel_loop3A_578 = vector.bitcast %parallel_loop3A_577 : vector<16xi32> to vector<32xbf16>
        %parallel_loop3A_579 = tpu.unpack_subelements %parallel_loop3A_578, 0 {pack_format = #tpu.pack_format<interleaved>} : vector<32xbf16> -> vector<16xf32>
        %parallel_loop3A_580 = tpu.unpack_subelements %parallel_loop3A_578, 1 {pack_format = #tpu.pack_format<interleaved>} : vector<32xbf16> -> vector<16xf32>
        %parallel_loop3A_581 = arith.mulf %parallel_loop3A_527, %parallel_loop3A_580 : vector<16xf32>
        %parallel_loop3A_582 = arith.addf %parallel_loop3A_579, %parallel_loop3A_581 : vector<16xf32>
        %parallel_loop3A_583 = arith.mulf %parallel_loop3A_538, %parallel_loop3A_564 : vector<16xf32>
        %parallel_loop3A_584 = arith.mulf %parallel_loop3A_539, %parallel_loop3A_570 : vector<16xf32>
        %parallel_loop3A_585 = arith.addf %parallel_loop3A_583, %parallel_loop3A_584 : vector<16xf32>
        %parallel_loop3A_586 = arith.mulf %parallel_loop3A_540, %parallel_loop3A_576 : vector<16xf32>
        %parallel_loop3A_587 = arith.addf %parallel_loop3A_585, %parallel_loop3A_586 : vector<16xf32>
        %parallel_loop3A_588 = arith.mulf %parallel_loop3A_541, %parallel_loop3A_582 : vector<16xf32>
        %parallel_loop3A_589 = arith.addf %parallel_loop3A_587, %parallel_loop3A_588 : vector<16xf32>
        %parallel_loop3A_590 = arith.constant 0 : i32
        %parallel_loop3A_591 = arith.index_cast %parallel_loop3A_590 : i32 to index
        %parallel_loop3A_592 = arith.index_cast %parallel_loop3A_490 : i32 to index
        %parallel_loop3A_593 = arith.index_cast %parallel_loop3A_498 : i32 to index
        %parallel_loop3A_594 = tpu.vector_load %arg10[%parallel_loop3A_591, %parallel_loop3A_592, %parallel_loop3A_593] {strides = array<i32>} : memref<3x8x128xf32, #tpu.memory_space<vmem>>, vector<16xf32>,
        tpu.vector_store %arg10[%parallel_loop3A_591, %parallel_loop3A_592, %parallel_loop3A_593], %parallel_loop3A_589 {strides = array<i32>} : memref<3x8x128xf32, #tpu.memory_space<vmem>>, vector<16xf32>,
        %parallel_loop3A_595 = tpu.vector_load_idx %arg6[%parallel_loop3A_549] : memref<35968xi32, #tpu.memory_space<vmem>>[vector<16xi32>], vector<16xi32>,
        %parallel_loop3A_596 = vector.bitcast %parallel_loop3A_595 : vector<16xi32> to vector<32xbf16>
        %parallel_loop3A_597 = tpu.unpack_subelements %parallel_loop3A_596, 0 {pack_format = #tpu.pack_format<interleaved>} : vector<32xbf16> -> vector<16xf32>
        %parallel_loop3A_598 = tpu.unpack_subelements %parallel_loop3A_596, 1 {pack_format = #tpu.pack_format<interleaved>} : vector<32xbf16> -> vector<16xf32>
        %parallel_loop3A_599 = arith.mulf %parallel_loop3A_527, %parallel_loop3A_598 : vector<16xf32>
        %parallel_loop3A_600 = arith.addf %parallel_loop3A_597, %parallel_loop3A_599 : vector<16xf32>
        %parallel_loop3A_601 = tpu.vector_load_idx %arg6[%parallel_loop3A_552] : memref<35968xi32, #tpu.memory_space<vmem>>[vector<16xi32>], vector<16xi32>,
        %parallel_loop3A_602 = vector.bitcast %parallel_loop3A_601 : vector<16xi32> to vector<32xbf16>
        %parallel_loop3A_603 = tpu.unpack_subelements %parallel_loop3A_602, 0 {pack_format = #tpu.pack_format<interleaved>} : vector<32xbf16> -> vector<16xf32>
        %parallel_loop3A_604 = tpu.unpack_subelements %parallel_loop3A_602, 1 {pack_format = #tpu.pack_format<interleaved>} : vector<32xbf16> -> vector<16xf32>
        %parallel_loop3A_605 = arith.mulf %parallel_loop3A_527, %parallel_loop3A_604 : vector<16xf32>
        %parallel_loop3A_606 = arith.addf %parallel_loop3A_603, %parallel_loop3A_605 : vector<16xf32>
        %parallel_loop3A_607 = tpu.vector_load_idx %arg6[%parallel_loop3A_555] : memref<35968xi32, #tpu.memory_space<vmem>>[vector<16xi32>], vector<16xi32>,
        %parallel_loop3A_608 = vector.bitcast %parallel_loop3A_607 : vector<16xi32> to vector<32xbf16>
        %parallel_loop3A_609 = tpu.unpack_subelements %parallel_loop3A_608, 0 {pack_format = #tpu.pack_format<interleaved>} : vector<32xbf16> -> vector<16xf32>
        %parallel_loop3A_610 = tpu.unpack_subelements %parallel_loop3A_608, 1 {pack_format = #tpu.pack_format<interleaved>} : vector<32xbf16> -> vector<16xf32>
        %parallel_loop3A_611 = arith.mulf %parallel_loop3A_527, %parallel_loop3A_610 : vector<16xf32>
        %parallel_loop3A_612 = arith.addf %parallel_loop3A_609, %parallel_loop3A_611 : vector<16xf32>
        %parallel_loop3A_613 = tpu.vector_load_idx %arg6[%parallel_loop3A_558] : memref<35968xi32, #tpu.memory_space<vmem>>[vector<16xi32>], vector<16xi32>,
        %parallel_loop3A_614 = vector.bitcast %parallel_loop3A_613 : vector<16xi32> to vector<32xbf16>
        %parallel_loop3A_615 = tpu.unpack_subelements %parallel_loop3A_614, 0 {pack_format = #tpu.pack_format<interleaved>} : vector<32xbf16> -> vector<16xf32>
        %parallel_loop3A_616 = tpu.unpack_subelements %parallel_loop3A_614, 1 {pack_format = #tpu.pack_format<interleaved>} : vector<32xbf16> -> vector<16xf32>
        %parallel_loop3A_617 = arith.mulf %parallel_loop3A_527, %parallel_loop3A_616 : vector<16xf32>
        %parallel_loop3A_618 = arith.addf %parallel_loop3A_615, %parallel_loop3A_617 : vector<16xf32>
        %parallel_loop3A_619 = arith.mulf %parallel_loop3A_538, %parallel_loop3A_600 : vector<16xf32>
        %parallel_loop3A_620 = arith.mulf %parallel_loop3A_539, %parallel_loop3A_606 : vector<16xf32>
        %parallel_loop3A_621 = arith.addf %parallel_loop3A_619, %parallel_loop3A_620 : vector<16xf32>
        %parallel_loop3A_622 = arith.mulf %parallel_loop3A_540, %parallel_loop3A_612 : vector<16xf32>
        %parallel_loop3A_623 = arith.addf %parallel_loop3A_621, %parallel_loop3A_622 : vector<16xf32>
        %parallel_loop3A_624 = arith.mulf %parallel_loop3A_541, %parallel_loop3A_618 : vector<16xf32>
        %parallel_loop3A_625 = arith.addf %parallel_loop3A_623, %parallel_loop3A_624 : vector<16xf32>
        %parallel_loop3A_626 = arith.constant 1 : i32
        %parallel_loop3A_627 = arith.index_cast %parallel_loop3A_626 : i32 to index
        %parallel_loop3A_628 = arith.index_cast %parallel_loop3A_490 : i32 to index
        %parallel_loop3A_629 = arith.index_cast %parallel_loop3A_498 : i32 to index
        %parallel_loop3A_630 = tpu.vector_load %arg10[%parallel_loop3A_627, %parallel_loop3A_628, %parallel_loop3A_629] {strides = array<i32>} : memref<3x8x128xf32, #tpu.memory_space<vmem>>, vector<16xf32>,
        tpu.vector_store %arg10[%parallel_loop3A_627, %parallel_loop3A_628, %parallel_loop3A_629], %parallel_loop3A_625 {strides = array<i32>} : memref<3x8x128xf32, #tpu.memory_space<vmem>>, vector<16xf32>,
        %parallel_loop3A_631 = tpu.vector_load_idx %arg7[%parallel_loop3A_549] : memref<35968xi32, #tpu.memory_space<vmem>>[vector<16xi32>], vector<16xi32>,
        %parallel_loop3A_632 = vector.bitcast %parallel_loop3A_631 : vector<16xi32> to vector<32xbf16>
        %parallel_loop3A_633 = tpu.unpack_subelements %parallel_loop3A_632, 0 {pack_format = #tpu.pack_format<interleaved>} : vector<32xbf16> -> vector<16xf32>
        %parallel_loop3A_634 = tpu.unpack_subelements %parallel_loop3A_632, 1 {pack_format = #tpu.pack_format<interleaved>} : vector<32xbf16> -> vector<16xf32>
        %parallel_loop3A_635 = arith.mulf %parallel_loop3A_527, %parallel_loop3A_634 : vector<16xf32>
        %parallel_loop3A_636 = arith.addf %parallel_loop3A_633, %parallel_loop3A_635 : vector<16xf32>
        %parallel_loop3A_637 = tpu.vector_load_idx %arg7[%parallel_loop3A_552] : memref<35968xi32, #tpu.memory_space<vmem>>[vector<16xi32>], vector<16xi32>,
        %parallel_loop3A_638 = vector.bitcast %parallel_loop3A_637 : vector<16xi32> to vector<32xbf16>
        %parallel_loop3A_639 = tpu.unpack_subelements %parallel_loop3A_638, 0 {pack_format = #tpu.pack_format<interleaved>} : vector<32xbf16> -> vector<16xf32>
        %parallel_loop3A_640 = tpu.unpack_subelements %parallel_loop3A_638, 1 {pack_format = #tpu.pack_format<interleaved>} : vector<32xbf16> -> vector<16xf32>
        %parallel_loop3A_641 = arith.mulf %parallel_loop3A_527, %parallel_loop3A_640 : vector<16xf32>
        %parallel_loop3A_642 = arith.addf %parallel_loop3A_639, %parallel_loop3A_641 : vector<16xf32>
        %parallel_loop3A_643 = tpu.vector_load_idx %arg7[%parallel_loop3A_555] : memref<35968xi32, #tpu.memory_space<vmem>>[vector<16xi32>], vector<16xi32>,
        %parallel_loop3A_644 = vector.bitcast %parallel_loop3A_643 : vector<16xi32> to vector<32xbf16>
        %parallel_loop3A_645 = tpu.unpack_subelements %parallel_loop3A_644, 0 {pack_format = #tpu.pack_format<interleaved>} : vector<32xbf16> -> vector<16xf32>
        %parallel_loop3A_646 = tpu.unpack_subelements %parallel_loop3A_644, 1 {pack_format = #tpu.pack_format<interleaved>} : vector<32xbf16> -> vector<16xf32>
        %parallel_loop3A_647 = arith.mulf %parallel_loop3A_527, %parallel_loop3A_646 : vector<16xf32>
        %parallel_loop3A_648 = arith.addf %parallel_loop3A_645, %parallel_loop3A_647 : vector<16xf32>
        %parallel_loop3A_649 = tpu.vector_load_idx %arg7[%parallel_loop3A_558] : memref<35968xi32, #tpu.memory_space<vmem>>[vector<16xi32>], vector<16xi32>,
        %parallel_loop3A_650 = vector.bitcast %parallel_loop3A_649 : vector<16xi32> to vector<32xbf16>
        %parallel_loop3A_651 = tpu.unpack_subelements %parallel_loop3A_650, 0 {pack_format = #tpu.pack_format<interleaved>} : vector<32xbf16> -> vector<16xf32>
        %parallel_loop3A_652 = tpu.unpack_subelements %parallel_loop3A_650, 1 {pack_format = #tpu.pack_format<interleaved>} : vector<32xbf16> -> vector<16xf32>
        %parallel_loop3A_653 = arith.mulf %parallel_loop3A_527, %parallel_loop3A_652 : vector<16xf32>
        %parallel_loop3A_654 = arith.addf %parallel_loop3A_651, %parallel_loop3A_653 : vector<16xf32>
        %parallel_loop3A_655 = arith.mulf %parallel_loop3A_538, %parallel_loop3A_636 : vector<16xf32>
        %parallel_loop3A_656 = arith.mulf %parallel_loop3A_539, %parallel_loop3A_642 : vector<16xf32>
        %parallel_loop3A_657 = arith.addf %parallel_loop3A_655, %parallel_loop3A_656 : vector<16xf32>
        %parallel_loop3A_658 = arith.mulf %parallel_loop3A_540, %parallel_loop3A_648 : vector<16xf32>
        %parallel_loop3A_659 = arith.addf %parallel_loop3A_657, %parallel_loop3A_658 : vector<16xf32>
        %parallel_loop3A_660 = arith.mulf %parallel_loop3A_541, %parallel_loop3A_654 : vector<16xf32>
        %parallel_loop3A_661 = arith.addf %parallel_loop3A_659, %parallel_loop3A_660 : vector<16xf32>
        %parallel_loop3A_662 = arith.constant 2 : i32
        %parallel_loop3A_663 = arith.index_cast %parallel_loop3A_662 : i32 to index
        %parallel_loop3A_664 = arith.index_cast %parallel_loop3A_490 : i32 to index
        %parallel_loop3A_665 = arith.index_cast %parallel_loop3A_498 : i32 to index
        %parallel_loop3A_666 = tpu.vector_load %arg10[%parallel_loop3A_663, %parallel_loop3A_664, %parallel_loop3A_665] {strides = array<i32>} : memref<3x8x128xf32, #tpu.memory_space<vmem>>, vector<16xf32>,
        tpu.vector_store %arg10[%parallel_loop3A_663, %parallel_loop3A_664, %parallel_loop3A_665], %parallel_loop3A_661 {strides = array<i32>} : memref<3x8x128xf32, #tpu.memory_space<vmem>>, vector<16xf32>,
        %parallel_loop3A_667 = arith.constant 16 : i32
        %parallel_loop3A_668 = arith.addi %parallel_loop3A_496, %parallel_loop3A_667 : i32
        %parallel_loop3A_669 = arith.constant 0 : i32
        %parallel_loop3A_670 = arith.index_cast %parallel_loop3A_669 : i32 to index
        %parallel_loop3A_671 = arith.index_cast %parallel_loop3A_490 : i32 to index
        %parallel_loop3A_672 = arith.index_cast %parallel_loop3A_668 : i32 to index
        %parallel_loop3A_673 = tpu.vector_load %arg8[%parallel_loop3A_670, %parallel_loop3A_671, %parallel_loop3A_672] {strides = array<i32>} : memref<3x8x128xf32, #tpu.memory_space<vmem>>, vector<16xf32>,
        %parallel_loop3A_674 = arith.constant 1 : i32
        %parallel_loop3A_675 = arith.index_cast %parallel_loop3A_674 : i32 to index
        %parallel_loop3A_676 = arith.index_cast %parallel_loop3A_490 : i32 to index
        %parallel_loop3A_677 = arith.index_cast %parallel_loop3A_668 : i32 to index
        %parallel_loop3A_678 = tpu.vector_load %arg8[%parallel_loop3A_675, %parallel_loop3A_676, %parallel_loop3A_677] {strides = array<i32>} : memref<3x8x128xf32, #tpu.memory_space<vmem>>, vector<16xf32>,
        %parallel_loop3A_679 = arith.constant 2 : i32
        %parallel_loop3A_680 = arith.index_cast %parallel_loop3A_679 : i32 to index
        %parallel_loop3A_681 = arith.index_cast %parallel_loop3A_490 : i32 to index
        %parallel_loop3A_682 = arith.index_cast %parallel_loop3A_668 : i32 to index
        %parallel_loop3A_683 = tpu.vector_load %arg8[%parallel_loop3A_680, %parallel_loop3A_681, %parallel_loop3A_682] {strides = array<i32>} : memref<3x8x128xf32, #tpu.memory_space<vmem>>, vector<16xf32>,
        %parallel_loop3A_684 = arith.constant 3.200000e+01 : f32
        %parallel_loop3A_685 = vector.broadcast %parallel_loop3A_684 : f32 to vector<16xf32>
        %parallel_loop3A_686 = arith.mulf %parallel_loop3A_673, %parallel_loop3A_685 : vector<16xf32>
        %parallel_loop3A_687 = arith.constant 3.200000e+01 : f32
        %parallel_loop3A_688 = vector.broadcast %parallel_loop3A_687 : f32 to vector<16xf32>
        %parallel_loop3A_689 = arith.mulf %parallel_loop3A_678, %parallel_loop3A_688 : vector<16xf32>
        %parallel_loop3A_690 = arith.constant 3.200000e+01 : f32
        %parallel_loop3A_691 = vector.broadcast %parallel_loop3A_690 : f32 to vector<16xf32>
        %parallel_loop3A_692 = arith.mulf %parallel_loop3A_683, %parallel_loop3A_691 : vector<16xf32>
        %parallel_loop3A_693 = arith.fptosi %parallel_loop3A_686 : vector<16xf32> to vector<16xi32>
        %parallel_loop3A_694 = arith.fptosi %parallel_loop3A_689 : vector<16xf32> to vector<16xi32>
        %parallel_loop3A_695 = arith.fptosi %parallel_loop3A_692 : vector<16xf32> to vector<16xi32>
        %parallel_loop3A_696 = arith.sitofp %parallel_loop3A_693 : vector<16xi32> to vector<16xf32>
        %parallel_loop3A_697 = arith.subf %parallel_loop3A_686, %parallel_loop3A_696 : vector<16xf32>
        %parallel_loop3A_698 = arith.sitofp %parallel_loop3A_694 : vector<16xi32> to vector<16xf32>
        %parallel_loop3A_699 = arith.subf %parallel_loop3A_689, %parallel_loop3A_698 : vector<16xf32>
        %parallel_loop3A_700 = arith.sitofp %parallel_loop3A_695 : vector<16xi32> to vector<16xf32>
        %parallel_loop3A_701 = arith.subf %parallel_loop3A_692, %parallel_loop3A_700 : vector<16xf32>
        %parallel_loop3A_702 = arith.constant 1.000000e+00 : f32
        %parallel_loop3A_703 = vector.broadcast %parallel_loop3A_702 : f32 to vector<16xf32>
        %parallel_loop3A_704 = arith.subf %parallel_loop3A_703, %parallel_loop3A_699 : vector<16xf32>
        %parallel_loop3A_705 = arith.constant 1.000000e+00 : f32
        %parallel_loop3A_706 = vector.broadcast %parallel_loop3A_705 : f32 to vector<16xf32>
        %parallel_loop3A_707 = arith.subf %parallel_loop3A_706, %parallel_loop3A_701 : vector<16xf32>
        %parallel_loop3A_708 = arith.mulf %parallel_loop3A_704, %parallel_loop3A_707 : vector<16xf32>
        %parallel_loop3A_709 = arith.mulf %parallel_loop3A_699, %parallel_loop3A_707 : vector<16xf32>
        %parallel_loop3A_710 = arith.mulf %parallel_loop3A_704, %parallel_loop3A_701 : vector<16xf32>
        %parallel_loop3A_711 = arith.mulf %parallel_loop3A_699, %parallel_loop3A_701 : vector<16xf32>
        %parallel_loop3A_712 = arith.constant 33 : i32
        %parallel_loop3A_713 = vector.broadcast %parallel_loop3A_712 : i32 to vector<16xi32>
        %parallel_loop3A_714 = arith.muli %parallel_loop3A_694, %parallel_loop3A_713 : vector<16xi32>
        %parallel_loop3A_715 = arith.addi %parallel_loop3A_693, %parallel_loop3A_714 : vector<16xi32>
        %parallel_loop3A_716 = arith.constant 1089 : i32
        %parallel_loop3A_717 = vector.broadcast %parallel_loop3A_716 : i32 to vector<16xi32>
        %parallel_loop3A_718 = arith.muli %parallel_loop3A_695, %parallel_loop3A_717 : vector<16xi32>
        %parallel_loop3A_719 = arith.addi %parallel_loop3A_715, %parallel_loop3A_718 : vector<16xi32>
        %parallel_loop3A_720 = arith.constant 33 : i32
        %parallel_loop3A_721 = vector.broadcast %parallel_loop3A_720 : i32 to vector<16xi32>
        %parallel_loop3A_722 = arith.addi %parallel_loop3A_719, %parallel_loop3A_721 : vector<16xi32>
        %parallel_loop3A_723 = arith.constant 1089 : i32
        %parallel_loop3A_724 = vector.broadcast %parallel_loop3A_723 : i32 to vector<16xi32>
        %parallel_loop3A_725 = arith.addi %parallel_loop3A_719, %parallel_loop3A_724 : vector<16xi32>
        %parallel_loop3A_726 = arith.constant 1122 : i32
        %parallel_loop3A_727 = vector.broadcast %parallel_loop3A_726 : i32 to vector<16xi32>
        %parallel_loop3A_728 = arith.addi %parallel_loop3A_719, %parallel_loop3A_727 : vector<16xi32>
        %parallel_loop3A_729 = tpu.vector_load_idx %arg5[%parallel_loop3A_719] : memref<35968xi32, #tpu.memory_space<vmem>>[vector<16xi32>], vector<16xi32>,
        %parallel_loop3A_730 = vector.bitcast %parallel_loop3A_729 : vector<16xi32> to vector<32xbf16>
        %parallel_loop3A_731 = tpu.unpack_subelements %parallel_loop3A_730, 0 {pack_format = #tpu.pack_format<interleaved>} : vector<32xbf16> -> vector<16xf32>
        %parallel_loop3A_732 = tpu.unpack_subelements %parallel_loop3A_730, 1 {pack_format = #tpu.pack_format<interleaved>} : vector<32xbf16> -> vector<16xf32>
        %parallel_loop3A_733 = arith.mulf %parallel_loop3A_697, %parallel_loop3A_732 : vector<16xf32>
        %parallel_loop3A_734 = arith.addf %parallel_loop3A_731, %parallel_loop3A_733 : vector<16xf32>
        %parallel_loop3A_735 = tpu.vector_load_idx %arg5[%parallel_loop3A_722] : memref<35968xi32, #tpu.memory_space<vmem>>[vector<16xi32>], vector<16xi32>,
        %parallel_loop3A_736 = vector.bitcast %parallel_loop3A_735 : vector<16xi32> to vector<32xbf16>
        %parallel_loop3A_737 = tpu.unpack_subelements %parallel_loop3A_736, 0 {pack_format = #tpu.pack_format<interleaved>} : vector<32xbf16> -> vector<16xf32>
        %parallel_loop3A_738 = tpu.unpack_subelements %parallel_loop3A_736, 1 {pack_format = #tpu.pack_format<interleaved>} : vector<32xbf16> -> vector<16xf32>
        %parallel_loop3A_739 = arith.mulf %parallel_loop3A_697, %parallel_loop3A_738 : vector<16xf32>
        %parallel_loop3A_740 = arith.addf %parallel_loop3A_737, %parallel_loop3A_739 : vector<16xf32>
        %parallel_loop3A_741 = tpu.vector_load_idx %arg5[%parallel_loop3A_725] : memref<35968xi32, #tpu.memory_space<vmem>>[vector<16xi32>], vector<16xi32>,
        %parallel_loop3A_742 = vector.bitcast %parallel_loop3A_741 : vector<16xi32> to vector<32xbf16>
        %parallel_loop3A_743 = tpu.unpack_subelements %parallel_loop3A_742, 0 {pack_format = #tpu.pack_format<interleaved>} : vector<32xbf16> -> vector<16xf32>
        %parallel_loop3A_744 = tpu.unpack_subelements %parallel_loop3A_742, 1 {pack_format = #tpu.pack_format<interleaved>} : vector<32xbf16> -> vector<16xf32>
        %parallel_loop3A_745 = arith.mulf %parallel_loop3A_697, %parallel_loop3A_744 : vector<16xf32>
        %parallel_loop3A_746 = arith.addf %parallel_loop3A_743, %parallel_loop3A_745 : vector<16xf32>
        %parallel_loop3A_747 = tpu.vector_load_idx %arg5[%parallel_loop3A_728] : memref<35968xi32, #tpu.memory_space<vmem>>[vector<16xi32>], vector<16xi32>,
        %parallel_loop3A_748 = vector.bitcast %parallel_loop3A_747 : vector<16xi32> to vector<32xbf16>
        %parallel_loop3A_749 = tpu.unpack_subelements %parallel_loop3A_748, 0 {pack_format = #tpu.pack_format<interleaved>} : vector<32xbf16> -> vector<16xf32>
        %parallel_loop3A_750 = tpu.unpack_subelements %parallel_loop3A_748, 1 {pack_format = #tpu.pack_format<interleaved>} : vector<32xbf16> -> vector<16xf32>
        %parallel_loop3A_751 = arith.mulf %parallel_loop3A_697, %parallel_loop3A_750 : vector<16xf32>
        %parallel_loop3A_752 = arith.addf %parallel_loop3A_749, %parallel_loop3A_751 : vector<16xf32>
        %parallel_loop3A_753 = arith.mulf %parallel_loop3A_708, %parallel_loop3A_734 : vector<16xf32>
        %parallel_loop3A_754 = arith.mulf %parallel_loop3A_709, %parallel_loop3A_740 : vector<16xf32>
        %parallel_loop3A_755 = arith.addf %parallel_loop3A_753, %parallel_loop3A_754 : vector<16xf32>
        %parallel_loop3A_756 = arith.mulf %parallel_loop3A_710, %parallel_loop3A_746 : vector<16xf32>
        %parallel_loop3A_757 = arith.addf %parallel_loop3A_755, %parallel_loop3A_756 : vector<16xf32>
        %parallel_loop3A_758 = arith.mulf %parallel_loop3A_711, %parallel_loop3A_752 : vector<16xf32>
        %parallel_loop3A_759 = arith.addf %parallel_loop3A_757, %parallel_loop3A_758 : vector<16xf32>
        %parallel_loop3A_760 = arith.constant 0 : i32
        %parallel_loop3A_761 = arith.index_cast %parallel_loop3A_760 : i32 to index
        %parallel_loop3A_762 = arith.index_cast %parallel_loop3A_490 : i32 to index
        %parallel_loop3A_763 = arith.index_cast %parallel_loop3A_668 : i32 to index
        %parallel_loop3A_764 = tpu.vector_load %arg10[%parallel_loop3A_761, %parallel_loop3A_762, %parallel_loop3A_763] {strides = array<i32>} : memref<3x8x128xf32, #tpu.memory_space<vmem>>, vector<16xf32>,
        tpu.vector_store %arg10[%parallel_loop3A_761, %parallel_loop3A_762, %parallel_loop3A_763], %parallel_loop3A_759 {strides = array<i32>} : memref<3x8x128xf32, #tpu.memory_space<vmem>>, vector<16xf32>,
        %parallel_loop3A_765 = tpu.vector_load_idx %arg6[%parallel_loop3A_719] : memref<35968xi32, #tpu.memory_space<vmem>>[vector<16xi32>], vector<16xi32>,
        %parallel_loop3A_766 = vector.bitcast %parallel_loop3A_765 : vector<16xi32> to vector<32xbf16>
        %parallel_loop3A_767 = tpu.unpack_subelements %parallel_loop3A_766, 0 {pack_format = #tpu.pack_format<interleaved>} : vector<32xbf16> -> vector<16xf32>
        %parallel_loop3A_768 = tpu.unpack_subelements %parallel_loop3A_766, 1 {pack_format = #tpu.pack_format<interleaved>} : vector<32xbf16> -> vector<16xf32>
        %parallel_loop3A_769 = arith.mulf %parallel_loop3A_697, %parallel_loop3A_768 : vector<16xf32>
        %parallel_loop3A_770 = arith.addf %parallel_loop3A_767, %parallel_loop3A_769 : vector<16xf32>
        %parallel_loop3A_771 = tpu.vector_load_idx %arg6[%parallel_loop3A_722] : memref<35968xi32, #tpu.memory_space<vmem>>[vector<16xi32>], vector<16xi32>,
        %parallel_loop3A_772 = vector.bitcast %parallel_loop3A_771 : vector<16xi32> to vector<32xbf16>
        %parallel_loop3A_773 = tpu.unpack_subelements %parallel_loop3A_772, 0 {pack_format = #tpu.pack_format<interleaved>} : vector<32xbf16> -> vector<16xf32>
        %parallel_loop3A_774 = tpu.unpack_subelements %parallel_loop3A_772, 1 {pack_format = #tpu.pack_format<interleaved>} : vector<32xbf16> -> vector<16xf32>
        %parallel_loop3A_775 = arith.mulf %parallel_loop3A_697, %parallel_loop3A_774 : vector<16xf32>
        %parallel_loop3A_776 = arith.addf %parallel_loop3A_773, %parallel_loop3A_775 : vector<16xf32>
        %parallel_loop3A_777 = tpu.vector_load_idx %arg6[%parallel_loop3A_725] : memref<35968xi32, #tpu.memory_space<vmem>>[vector<16xi32>], vector<16xi32>,
        %parallel_loop3A_778 = vector.bitcast %parallel_loop3A_777 : vector<16xi32> to vector<32xbf16>
        %parallel_loop3A_779 = tpu.unpack_subelements %parallel_loop3A_778, 0 {pack_format = #tpu.pack_format<interleaved>} : vector<32xbf16> -> vector<16xf32>
        %parallel_loop3A_780 = tpu.unpack_subelements %parallel_loop3A_778, 1 {pack_format = #tpu.pack_format<interleaved>} : vector<32xbf16> -> vector<16xf32>
        %parallel_loop3A_781 = arith.mulf %parallel_loop3A_697, %parallel_loop3A_780 : vector<16xf32>
        %parallel_loop3A_782 = arith.addf %parallel_loop3A_779, %parallel_loop3A_781 : vector<16xf32>
        %parallel_loop3A_783 = tpu.vector_load_idx %arg6[%parallel_loop3A_728] : memref<35968xi32, #tpu.memory_space<vmem>>[vector<16xi32>], vector<16xi32>,
        %parallel_loop3A_784 = vector.bitcast %parallel_loop3A_783 : vector<16xi32> to vector<32xbf16>
        %parallel_loop3A_785 = tpu.unpack_subelements %parallel_loop3A_784, 0 {pack_format = #tpu.pack_format<interleaved>} : vector<32xbf16> -> vector<16xf32>
        %parallel_loop3A_786 = tpu.unpack_subelements %parallel_loop3A_784, 1 {pack_format = #tpu.pack_format<interleaved>} : vector<32xbf16> -> vector<16xf32>
        %parallel_loop3A_787 = arith.mulf %parallel_loop3A_697, %parallel_loop3A_786 : vector<16xf32>
        %parallel_loop3A_788 = arith.addf %parallel_loop3A_785, %parallel_loop3A_787 : vector<16xf32>
        %parallel_loop3A_789 = arith.mulf %parallel_loop3A_708, %parallel_loop3A_770 : vector<16xf32>
        %parallel_loop3A_790 = arith.mulf %parallel_loop3A_709, %parallel_loop3A_776 : vector<16xf32>
        %parallel_loop3A_791 = arith.addf %parallel_loop3A_789, %parallel_loop3A_790 : vector<16xf32>
        %parallel_loop3A_792 = arith.mulf %parallel_loop3A_710, %parallel_loop3A_782 : vector<16xf32>
        %parallel_loop3A_793 = arith.addf %parallel_loop3A_791, %parallel_loop3A_792 : vector<16xf32>
        %parallel_loop3A_794 = arith.mulf %parallel_loop3A_711, %parallel_loop3A_788 : vector<16xf32>
        %parallel_loop3A_795 = arith.addf %parallel_loop3A_793, %parallel_loop3A_794 : vector<16xf32>
        %parallel_loop3A_796 = arith.constant 1 : i32
        %parallel_loop3A_797 = arith.index_cast %parallel_loop3A_796 : i32 to index
        %parallel_loop3A_798 = arith.index_cast %parallel_loop3A_490 : i32 to index
        %parallel_loop3A_799 = arith.index_cast %parallel_loop3A_668 : i32 to index
        %parallel_loop3A_800 = tpu.vector_load %arg10[%parallel_loop3A_797, %parallel_loop3A_798, %parallel_loop3A_799] {strides = array<i32>} : memref<3x8x128xf32, #tpu.memory_space<vmem>>, vector<16xf32>,
        tpu.vector_store %arg10[%parallel_loop3A_797, %parallel_loop3A_798, %parallel_loop3A_799], %parallel_loop3A_795 {strides = array<i32>} : memref<3x8x128xf32, #tpu.memory_space<vmem>>, vector<16xf32>,
        %parallel_loop3A_801 = tpu.vector_load_idx %arg7[%parallel_loop3A_719] : memref<35968xi32, #tpu.memory_space<vmem>>[vector<16xi32>], vector<16xi32>,
        %parallel_loop3A_802 = vector.bitcast %parallel_loop3A_801 : vector<16xi32> to vector<32xbf16>
        %parallel_loop3A_803 = tpu.unpack_subelements %parallel_loop3A_802, 0 {pack_format = #tpu.pack_format<interleaved>} : vector<32xbf16> -> vector<16xf32>
        %parallel_loop3A_804 = tpu.unpack_subelements %parallel_loop3A_802, 1 {pack_format = #tpu.pack_format<interleaved>} : vector<32xbf16> -> vector<16xf32>
        %parallel_loop3A_805 = arith.mulf %parallel_loop3A_697, %parallel_loop3A_804 : vector<16xf32>
        %parallel_loop3A_806 = arith.addf %parallel_loop3A_803, %parallel_loop3A_805 : vector<16xf32>
        %parallel_loop3A_807 = tpu.vector_load_idx %arg7[%parallel_loop3A_722] : memref<35968xi32, #tpu.memory_space<vmem>>[vector<16xi32>], vector<16xi32>,
        %parallel_loop3A_808 = vector.bitcast %parallel_loop3A_807 : vector<16xi32> to vector<32xbf16>
        %parallel_loop3A_809 = tpu.unpack_subelements %parallel_loop3A_808, 0 {pack_format = #tpu.pack_format<interleaved>} : vector<32xbf16> -> vector<16xf32>
        %parallel_loop3A_810 = tpu.unpack_subelements %parallel_loop3A_808, 1 {pack_format = #tpu.pack_format<interleaved>} : vector<32xbf16> -> vector<16xf32>
        %parallel_loop3A_811 = arith.mulf %parallel_loop3A_697, %parallel_loop3A_810 : vector<16xf32>
        %parallel_loop3A_812 = arith.addf %parallel_loop3A_809, %parallel_loop3A_811 : vector<16xf32>
        %parallel_loop3A_813 = tpu.vector_load_idx %arg7[%parallel_loop3A_725] : memref<35968xi32, #tpu.memory_space<vmem>>[vector<16xi32>], vector<16xi32>,
        %parallel_loop3A_814 = vector.bitcast %parallel_loop3A_813 : vector<16xi32> to vector<32xbf16>
        %parallel_loop3A_815 = tpu.unpack_subelements %parallel_loop3A_814, 0 {pack_format = #tpu.pack_format<interleaved>} : vector<32xbf16> -> vector<16xf32>
        %parallel_loop3A_816 = tpu.unpack_subelements %parallel_loop3A_814, 1 {pack_format = #tpu.pack_format<interleaved>} : vector<32xbf16> -> vector<16xf32>
        %parallel_loop3A_817 = arith.mulf %parallel_loop3A_697, %parallel_loop3A_816 : vector<16xf32>
        %parallel_loop3A_818 = arith.addf %parallel_loop3A_815, %parallel_loop3A_817 : vector<16xf32>
        %parallel_loop3A_819 = tpu.vector_load_idx %arg7[%parallel_loop3A_728] : memref<35968xi32, #tpu.memory_space<vmem>>[vector<16xi32>], vector<16xi32>,
        %parallel_loop3A_820 = vector.bitcast %parallel_loop3A_819 : vector<16xi32> to vector<32xbf16>
        %parallel_loop3A_821 = tpu.unpack_subelements %parallel_loop3A_820, 0 {pack_format = #tpu.pack_format<interleaved>} : vector<32xbf16> -> vector<16xf32>
        %parallel_loop3A_822 = tpu.unpack_subelements %parallel_loop3A_820, 1 {pack_format = #tpu.pack_format<interleaved>} : vector<32xbf16> -> vector<16xf32>
        %parallel_loop3A_823 = arith.mulf %parallel_loop3A_697, %parallel_loop3A_822 : vector<16xf32>
        %parallel_loop3A_824 = arith.addf %parallel_loop3A_821, %parallel_loop3A_823 : vector<16xf32>
        %parallel_loop3A_825 = arith.mulf %parallel_loop3A_708, %parallel_loop3A_806 : vector<16xf32>
        %parallel_loop3A_826 = arith.mulf %parallel_loop3A_709, %parallel_loop3A_812 : vector<16xf32>
        %parallel_loop3A_827 = arith.addf %parallel_loop3A_825, %parallel_loop3A_826 : vector<16xf32>
        %parallel_loop3A_828 = arith.mulf %parallel_loop3A_710, %parallel_loop3A_818 : vector<16xf32>
        %parallel_loop3A_829 = arith.addf %parallel_loop3A_827, %parallel_loop3A_828 : vector<16xf32>
        %parallel_loop3A_830 = arith.mulf %parallel_loop3A_711, %parallel_loop3A_824 : vector<16xf32>
        %parallel_loop3A_831 = arith.addf %parallel_loop3A_829, %parallel_loop3A_830 : vector<16xf32>
        %parallel_loop3A_832 = arith.constant 2 : i32
        %parallel_loop3A_833 = arith.index_cast %parallel_loop3A_832 : i32 to index
        %parallel_loop3A_834 = arith.index_cast %parallel_loop3A_490 : i32 to index
        %parallel_loop3A_835 = arith.index_cast %parallel_loop3A_668 : i32 to index
        %parallel_loop3A_836 = tpu.vector_load %arg10[%parallel_loop3A_833, %parallel_loop3A_834, %parallel_loop3A_835] {strides = array<i32>} : memref<3x8x128xf32, #tpu.memory_space<vmem>>, vector<16xf32>,
        tpu.vector_store %arg10[%parallel_loop3A_833, %parallel_loop3A_834, %parallel_loop3A_835], %parallel_loop3A_831 {strides = array<i32>} : memref<3x8x128xf32, #tpu.memory_space<vmem>>, vector<16xf32>,
      } {sc.loop_unroll_factor = 2 : i64, sc.parallel_access}
      %lt3A = arith.constant 15 : i32
      %lt3A_250 = arith.cmpi slt, %scan3A_176, %lt3A : i32
      %convert_element_type3A_251 = arith.extui %lt3A_250 : i1 to i32
      %cond3A_252 = arith.constant 0 : i32
      %cond3A_253 = arith.cmpi ne, %convert_element_type3A_251, %cond3A_252 : i32
      scf.if %cond3A_253 {
        %add3A_466 = arith.constant 2 : i32
        %add3A_467 = arith.addi %add3A_180, %add3A_466 : i32
        %jit3A_468 = arith.constant 8 : i32
        %div3A_469 = arith.divsi %add3A_467, %jit3A_468 : i32
        %sign3A_470 = arith.constant 0 : i32
        %sign3A_471 = arith.cmpi sgt, %add3A_467, %sign3A_470 : i32
        %sign3A_472 = arith.extui %sign3A_471 : i1 to i32
        %sign3A_473 = arith.constant 0 : i32
        %sign3A_474 = arith.cmpi slt, %add3A_467, %sign3A_473 : i32
        %sign3A_475 = arith.extui %sign3A_474 : i1 to i32
        %sign3A_476 = arith.subi %sign3A_472, %sign3A_475 : i32
        %sign3A_477 = arith.constant 0 : i32
        %sign3A_478 = arith.cmpi sgt, %jit3A_468, %sign3A_477 : i32
        %sign3A_479 = arith.extui %sign3A_478 : i1 to i32
        %sign3A_480 = arith.constant 0 : i32
        %sign3A_481 = arith.cmpi slt, %jit3A_468, %sign3A_480 : i32
        %sign3A_482 = arith.extui %sign3A_481 : i1 to i32
        %sign3A_483 = arith.subi %sign3A_479, %sign3A_482 : i32
        %ne3A_484 = arith.cmpi ne, %sign3A_476, %sign3A_483 : i32
        %rem3A_485 = arith.remsi %add3A_467, %jit3A_468 : i32
        %ne3A_486 = arith.constant 0 : i32
        %ne3A_487 = arith.cmpi ne, %rem3A_485, %ne3A_486 : i32
        %and3A_488 = arith.andi %ne3A_484, %ne3A_487 : i1
        %sub3A_489 = arith.constant 1 : i32
        %sub3A_490 = arith.subi %div3A_469, %sub3A_489 : i32
        %select_n3A_491 = arith.select %and3A_488, %sub3A_490, %div3A_469 : i32
        %mul3A_492 = arith.constant 8 : i32
        %mul3A_493 = arith.muli %add3A, %mul3A_492 : i32
        %mul3A_494 = arith.constant 8 : i32
        %mul3A_495 = arith.muli %select_n3A_491, %mul3A_494 : i32
        %sub3A_496 = arith.subi %add3A_467, %mul3A_495 : i32
        %add3A_497 = arith.addi %mul3A_493, %sub3A_496 : i32
        %jit3A_498 = arith.constant 4 : i32
        %div3A_499 = arith.divsi %add3A_497, %jit3A_498 : i32
        %sign3A_500 = arith.constant 0 : i32
        %sign3A_501 = arith.cmpi sgt, %add3A_497, %sign3A_500 : i32
        %sign3A_502 = arith.extui %sign3A_501 : i1 to i32
        %sign3A_503 = arith.constant 0 : i32
        %sign3A_504 = arith.cmpi slt, %add3A_497, %sign3A_503 : i32
        %sign3A_505 = arith.extui %sign3A_504 : i1 to i32
        %sign3A_506 = arith.subi %sign3A_502, %sign3A_505 : i32
        %sign3A_507 = arith.constant 0 : i32
        %sign3A_508 = arith.cmpi sgt, %jit3A_498, %sign3A_507 : i32
        %sign3A_509 = arith.extui %sign3A_508 : i1 to i32
        %sign3A_510 = arith.constant 0 : i32
        %sign3A_511 = arith.cmpi slt, %jit3A_498, %sign3A_510 : i32
        %sign3A_512 = arith.extui %sign3A_511 : i1 to i32
        %sign3A_513 = arith.subi %sign3A_509, %sign3A_512 : i32
        %ne3A_514 = arith.cmpi ne, %sign3A_506, %sign3A_513 : i32
        %rem3A_515 = arith.remsi %add3A_497, %jit3A_498 : i32
        %ne3A_516 = arith.constant 0 : i32
        %ne3A_517 = arith.cmpi ne, %rem3A_515, %ne3A_516 : i32
        %and3A_518 = arith.andi %ne3A_514, %ne3A_517 : i1
        %sub3A_519 = arith.constant 1 : i32
        %sub3A_520 = arith.subi %div3A_499, %sub3A_519 : i32
        %select_n3A_521 = arith.select %and3A_518, %sub3A_520, %div3A_499 : i32
        %mul3A_522 = arith.constant 4 : i32
        %mul3A_523 = arith.muli %select_n3A_521, %mul3A_522 : i32
        %sub3A_524 = arith.subi %add3A_497, %mul3A_523 : i32
        %mul3A_525 = arith.constant 3 : i32
        %mul3A_526 = arith.muli %select_n3A_491, %mul3A_525 : i32
        %mul3A_527 = arith.constant 8 : i32
        %mul3A_528 = arith.muli %select_n3A_521, %mul3A_527 : i32
        %mul3A_529 = arith.constant 128 : i32
        %mul3A_530 = arith.muli %sub3A_524, %mul3A_529 : i32
        %dma_start3A_531 = tpu.memref_slice %arg3[%mul3A_526, %mul3A_528, %mul3A_530] : memref<12x512x512xf32, #tpu.memory_space<hbm>> -> memref<3x8x128xf32, #tpu.memory_space<hbm>>
        %dma_start3A_532 = tpu.memref_slice %arg3[%mul3A_526, %mul3A_528, %mul3A_530] : memref<12x512x512xf32, #tpu.memory_space<hbm>> -> memref<3x8x128xf32, #tpu.memory_space<hbm>>
        tpu.enqueue_dma source(%dma_start3A_532 : memref<3x8x128xf32, #tpu.memory_space<hbm>>) target(%arg8 : memref<3x8x128xf32, #tpu.memory_space<vmem>>) target_semaphore(%arg12 : memref<!tpu.dma_semaphore, #tpu.memory_space<semaphore_mem>>)
      } else {
      }
      %jit3A_254 = arith.constant 8 : i32
      %div3A_255 = arith.divsi %add3A_180, %jit3A_254 : i32
      %sign3A_256 = arith.constant 0 : i32
      %sign3A_257 = arith.cmpi sgt, %add3A_180, %sign3A_256 : i32
      %sign3A_258 = arith.extui %sign3A_257 : i1 to i32
      %sign3A_259 = arith.constant 0 : i32
      %sign3A_260 = arith.cmpi slt, %add3A_180, %sign3A_259 : i32
      %sign3A_261 = arith.extui %sign3A_260 : i1 to i32
      %sign3A_262 = arith.subi %sign3A_258, %sign3A_261 : i32
      %sign3A_263 = arith.constant 0 : i32
      %sign3A_264 = arith.cmpi sgt, %jit3A_254, %sign3A_263 : i32
      %sign3A_265 = arith.extui %sign3A_264 : i1 to i32
      %sign3A_266 = arith.constant 0 : i32
      %sign3A_267 = arith.cmpi slt, %jit3A_254, %sign3A_266 : i32
      %sign3A_268 = arith.extui %sign3A_267 : i1 to i32
      %sign3A_269 = arith.subi %sign3A_265, %sign3A_268 : i32
      %ne3A_270 = arith.cmpi ne, %sign3A_262, %sign3A_269 : i32
      %rem3A_271 = arith.remsi %add3A_180, %jit3A_254 : i32
      %ne3A_272 = arith.constant 0 : i32
      %ne3A_273 = arith.cmpi ne, %rem3A_271, %ne3A_272 : i32
      %and3A_274 = arith.andi %ne3A_270, %ne3A_273 : i1
      %sub3A_275 = arith.constant 1 : i32
      %sub3A_276 = arith.subi %div3A_255, %sub3A_275 : i32
      %select_n3A_277 = arith.select %and3A_274, %sub3A_276, %div3A_255 : i32
      %mul3A_278 = arith.constant 8 : i32
      %mul3A_279 = arith.muli %add3A, %mul3A_278 : i32
      %mul3A_280 = arith.constant 8 : i32
      %mul3A_281 = arith.muli %select_n3A_277, %mul3A_280 : i32
      %sub3A_282 = arith.subi %add3A_180, %mul3A_281 : i32
      %add3A_283 = arith.addi %mul3A_279, %sub3A_282 : i32
      %jit3A_284 = arith.constant 4 : i32
      %div3A_285 = arith.divsi %add3A_283, %jit3A_284 : i32
      %sign3A_286 = arith.constant 0 : i32
      %sign3A_287 = arith.cmpi sgt, %add3A_283, %sign3A_286 : i32
      %sign3A_288 = arith.extui %sign3A_287 : i1 to i32
      %sign3A_289 = arith.constant 0 : i32
      %sign3A_290 = arith.cmpi slt, %add3A_283, %sign3A_289 : i32
      %sign3A_291 = arith.extui %sign3A_290 : i1 to i32
      %sign3A_292 = arith.subi %sign3A_288, %sign3A_291 : i32
      %sign3A_293 = arith.constant 0 : i32
      %sign3A_294 = arith.cmpi sgt, %jit3A_284, %sign3A_293 : i32
      %sign3A_295 = arith.extui %sign3A_294 : i1 to i32
      %sign3A_296 = arith.constant 0 : i32
      %sign3A_297 = arith.cmpi slt, %jit3A_284, %sign3A_296 : i32
      %sign3A_298 = arith.extui %sign3A_297 : i1 to i32
      %sign3A_299 = arith.subi %sign3A_295, %sign3A_298 : i32
      %ne3A_300 = arith.cmpi ne, %sign3A_292, %sign3A_299 : i32
      %rem3A_301 = arith.remsi %add3A_283, %jit3A_284 : i32
      %ne3A_302 = arith.constant 0 : i32
      %ne3A_303 = arith.cmpi ne, %rem3A_301, %ne3A_302 : i32
      %and3A_304 = arith.andi %ne3A_300, %ne3A_303 : i1
      %sub3A_305 = arith.constant 1 : i32
      %sub3A_306 = arith.subi %div3A_285, %sub3A_305 : i32
      %select_n3A_307 = arith.select %and3A_304, %sub3A_306, %div3A_285 : i32
      %mul3A_308 = arith.constant 4 : i32
      %mul3A_309 = arith.muli %select_n3A_307, %mul3A_308 : i32
      %sub3A_310 = arith.subi %add3A_283, %mul3A_309 : i32
      %mul3A_311 = arith.constant 3 : i32
      %mul3A_312 = arith.muli %select_n3A_277, %mul3A_311 : i32
      %mul3A_313 = arith.constant 8 : i32
      %mul3A_314 = arith.muli %select_n3A_307, %mul3A_313 : i32
      %mul3A_315 = arith.constant 128 : i32
      %mul3A_316 = arith.muli %sub3A_310, %mul3A_315 : i32
      %dma_start3A_317 = tpu.memref_slice %arg4[%mul3A_312, %mul3A_314, %mul3A_316] : memref<12x512x512xf32, #tpu.memory_space<hbm>> -> memref<3x8x128xf32, #tpu.memory_space<hbm>>
      %dma_start3A_318 = tpu.memref_slice %arg4[%mul3A_312, %mul3A_314, %mul3A_316] : memref<12x512x512xf32, #tpu.memory_space<hbm>> -> memref<3x8x128xf32, #tpu.memory_space<hbm>>
      tpu.enqueue_dma source(%arg10 : memref<3x8x128xf32, #tpu.memory_space<vmem>>) target(%dma_start3A_318 : memref<3x8x128xf32, #tpu.memory_space<hbm>>) target_semaphore(%arg14 : memref<!tpu.dma_semaphore, #tpu.memory_space<semaphore_mem>>)
      %mul3A_319 = arith.constant 2 : i32
      %mul3A_320 = arith.muli %mul3A_319, %scan3A_176 : i32
      %add3A_321 = arith.constant 1 : i32
      %add3A_322 = arith.addi %mul3A_320, %add3A_321 : i32
      %jit3A_323 = arith.constant 8 : i32
      %div3A_324 = arith.divsi %add3A_322, %jit3A_323 : i32
      %sign3A_325 = arith.constant 0 : i32
      %sign3A_326 = arith.cmpi sgt, %add3A_322, %sign3A_325 : i32
      %sign3A_327 = arith.extui %sign3A_326 : i1 to i32
      %sign3A_328 = arith.constant 0 : i32
      %sign3A_329 = arith.cmpi slt, %add3A_322, %sign3A_328 : i32
      %sign3A_330 = arith.extui %sign3A_329 : i1 to i32
      %sign3A_331 = arith.subi %sign3A_327, %sign3A_330 : i32
      %sign3A_332 = arith.constant 0 : i32
      %sign3A_333 = arith.cmpi sgt, %jit3A_323, %sign3A_332 : i32
      %sign3A_334 = arith.extui %sign3A_333 : i1 to i32
      %sign3A_335 = arith.constant 0 : i32
      %sign3A_336 = arith.cmpi slt, %jit3A_323, %sign3A_335 : i32
      %sign3A_337 = arith.extui %sign3A_336 : i1 to i32
      %sign3A_338 = arith.subi %sign3A_334, %sign3A_337 : i32
      %ne3A_339 = arith.cmpi ne, %sign3A_331, %sign3A_338 : i32
      %rem3A_340 = arith.remsi %add3A_322, %jit3A_323 : i32
      %ne3A_341 = arith.constant 0 : i32
      %ne3A_342 = arith.cmpi ne, %rem3A_340, %ne3A_341 : i32
      %and3A_343 = arith.andi %ne3A_339, %ne3A_342 : i1
      %sub3A_344 = arith.constant 1 : i32
      %sub3A_345 = arith.subi %div3A_324, %sub3A_344 : i32
      %select_n3A_346 = arith.select %and3A_343, %sub3A_345, %div3A_324 : i32
      %mul3A_347 = arith.constant 8 : i32
      %mul3A_348 = arith.muli %add3A, %mul3A_347 : i32
      %mul3A_349 = arith.constant 8 : i32
      %mul3A_350 = arith.muli %select_n3A_346, %mul3A_349 : i32
      %sub3A_351 = arith.subi %add3A_322, %mul3A_350 : i32
      %add3A_352 = arith.addi %mul3A_348, %sub3A_351 : i32
      %jit3A_353 = arith.constant 4 : i32
      %div3A_354 = arith.divsi %add3A_352, %jit3A_353 : i32
      %sign3A_355 = arith.constant 0 : i32
      %sign3A_356 = arith.cmpi sgt, %add3A_352, %sign3A_355 : i32
      %sign3A_357 = arith.extui %sign3A_356 : i1 to i32
      %sign3A_358 = arith.constant 0 : i32
      %sign3A_359 = arith.cmpi slt, %add3A_352, %sign3A_358 : i32
      %sign3A_360 = arith.extui %sign3A_359 : i1 to i32
      %sign3A_361 = arith.subi %sign3A_357, %sign3A_360 : i32
      %sign3A_362 = arith.constant 0 : i32
      %sign3A_363 = arith.cmpi sgt, %jit3A_353, %sign3A_362 : i32
      %sign3A_364 = arith.extui %sign3A_363 : i1 to i32
      %sign3A_365 = arith.constant 0 : i32
      %sign3A_366 = arith.cmpi slt, %jit3A_353, %sign3A_365 : i32
      %sign3A_367 = arith.extui %sign3A_366 : i1 to i32
      %sign3A_368 = arith.subi %sign3A_364, %sign3A_367 : i32
      %ne3A_369 = arith.cmpi ne, %sign3A_361, %sign3A_368 : i32
      %rem3A_370 = arith.remsi %add3A_352, %jit3A_353 : i32
      %ne3A_371 = arith.constant 0 : i32
      %ne3A_372 = arith.cmpi ne, %rem3A_370, %ne3A_371 : i32
      %and3A_373 = arith.andi %ne3A_369, %ne3A_372 : i1
      %sub3A_374 = arith.constant 1 : i32
      %sub3A_375 = arith.subi %div3A_354, %sub3A_374 : i32
      %select_n3A_376 = arith.select %and3A_373, %sub3A_375, %div3A_354 : i32
      %mul3A_377 = arith.constant 4 : i32
      %mul3A_378 = arith.muli %select_n3A_376, %mul3A_377 : i32
      %sub3A_379 = arith.subi %add3A_352, %mul3A_378 : i32
      %mul3A_380 = arith.constant 3 : i32
      %mul3A_381 = arith.muli %select_n3A_346, %mul3A_380 : i32
      %mul3A_382 = arith.constant 8 : i32
      %mul3A_383 = arith.muli %select_n3A_376, %mul3A_382 : i32
      %mul3A_384 = arith.constant 128 : i32
      %mul3A_385 = arith.muli %sub3A_379, %mul3A_384 : i32
      %dma_wait3A_386 = tpu.memref_slice %arg3[%mul3A_381, %mul3A_383, %mul3A_385] : memref<12x512x512xf32, #tpu.memory_space<hbm>> -> memref<3x8x128xf32, #tpu.memory_space<hbm>>
      %dma_wait3A_387 = tpu.memref_slice %arg3[%mul3A_381, %mul3A_383, %mul3A_385] : memref<12x512x512xf32, #tpu.memory_space<hbm>> -> memref<3x8x128xf32, #tpu.memory_space<hbm>>
      tpu.wait_dma2 semaphore(%arg13 : memref<!tpu.dma_semaphore, #tpu.memory_space<semaphore_mem>>) src(%dma_wait3A_387 : memref<3x8x128xf32, #tpu.memory_space<hbm>>) dst(%arg9 : memref<3x8x128xf32, #tpu.memory_space<vmem>>)
      %gt3A_388 = arith.constant 0 : i32
      %gt3A_389 = arith.cmpi sgt, %scan3A_176, %gt3A_388 : i32
      %convert_element_type3A_390 = arith.extui %gt3A_389 : i1 to i32
      %cond3A_391 = arith.constant 0 : i32
      %cond3A_392 = arith.cmpi ne, %convert_element_type3A_390, %cond3A_391 : i32
      scf.if %cond3A_392 {
        %sub3A_466 = arith.constant 2 : i32
        %sub3A_467 = arith.subi %add3A_322, %sub3A_466 : i32
        %jit3A_468 = arith.constant 8 : i32
        %div3A_469 = arith.divsi %sub3A_467, %jit3A_468 : i32
        %sign3A_470 = arith.constant 0 : i32
        %sign3A_471 = arith.cmpi sgt, %sub3A_467, %sign3A_470 : i32
        %sign3A_472 = arith.extui %sign3A_471 : i1 to i32
        %sign3A_473 = arith.constant 0 : i32
        %sign3A_474 = arith.cmpi slt, %sub3A_467, %sign3A_473 : i32
        %sign3A_475 = arith.extui %sign3A_474 : i1 to i32
        %sign3A_476 = arith.subi %sign3A_472, %sign3A_475 : i32
        %sign3A_477 = arith.constant 0 : i32
        %sign3A_478 = arith.cmpi sgt, %jit3A_468, %sign3A_477 : i32
        %sign3A_479 = arith.extui %sign3A_478 : i1 to i32
        %sign3A_480 = arith.constant 0 : i32
        %sign3A_481 = arith.cmpi slt, %jit3A_468, %sign3A_480 : i32
        %sign3A_482 = arith.extui %sign3A_481 : i1 to i32
        %sign3A_483 = arith.subi %sign3A_479, %sign3A_482 : i32
        %ne3A_484 = arith.cmpi ne, %sign3A_476, %sign3A_483 : i32
        %rem3A_485 = arith.remsi %sub3A_467, %jit3A_468 : i32
        %ne3A_486 = arith.constant 0 : i32
        %ne3A_487 = arith.cmpi ne, %rem3A_485, %ne3A_486 : i32
        %and3A_488 = arith.andi %ne3A_484, %ne3A_487 : i1
        %sub3A_489 = arith.constant 1 : i32
        %sub3A_490 = arith.subi %div3A_469, %sub3A_489 : i32
        %select_n3A_491 = arith.select %and3A_488, %sub3A_490, %div3A_469 : i32
        %mul3A_492 = arith.constant 8 : i32
        %mul3A_493 = arith.muli %add3A, %mul3A_492 : i32
        %mul3A_494 = arith.constant 8 : i32
        %mul3A_495 = arith.muli %select_n3A_491, %mul3A_494 : i32
        %sub3A_496 = arith.subi %sub3A_467, %mul3A_495 : i32
        %add3A_497 = arith.addi %mul3A_493, %sub3A_496 : i32
        %jit3A_498 = arith.constant 4 : i32
        %div3A_499 = arith.divsi %add3A_497, %jit3A_498 : i32
        %sign3A_500 = arith.constant 0 : i32
        %sign3A_501 = arith.cmpi sgt, %add3A_497, %sign3A_500 : i32
        %sign3A_502 = arith.extui %sign3A_501 : i1 to i32
        %sign3A_503 = arith.constant 0 : i32
        %sign3A_504 = arith.cmpi slt, %add3A_497, %sign3A_503 : i32
        %sign3A_505 = arith.extui %sign3A_504 : i1 to i32
        %sign3A_506 = arith.subi %sign3A_502, %sign3A_505 : i32
        %sign3A_507 = arith.constant 0 : i32
        %sign3A_508 = arith.cmpi sgt, %jit3A_498, %sign3A_507 : i32
        %sign3A_509 = arith.extui %sign3A_508 : i1 to i32
        %sign3A_510 = arith.constant 0 : i32
        %sign3A_511 = arith.cmpi slt, %jit3A_498, %sign3A_510 : i32
        %sign3A_512 = arith.extui %sign3A_511 : i1 to i32
        %sign3A_513 = arith.subi %sign3A_509, %sign3A_512 : i32
        %ne3A_514 = arith.cmpi ne, %sign3A_506, %sign3A_513 : i32
        %rem3A_515 = arith.remsi %add3A_497, %jit3A_498 : i32
        %ne3A_516 = arith.constant 0 : i32
        %ne3A_517 = arith.cmpi ne, %rem3A_515, %ne3A_516 : i32
        %and3A_518 = arith.andi %ne3A_514, %ne3A_517 : i1
        %sub3A_519 = arith.constant 1 : i32
        %sub3A_520 = arith.subi %div3A_499, %sub3A_519 : i32
        %select_n3A_521 = arith.select %and3A_518, %sub3A_520, %div3A_499 : i32
        %mul3A_522 = arith.constant 4 : i32
        %mul3A_523 = arith.muli %select_n3A_521, %mul3A_522 : i32
        %sub3A_524 = arith.subi %add3A_497, %mul3A_523 : i32
        %mul3A_525 = arith.constant 3 : i32
        %mul3A_526 = arith.muli %select_n3A_491, %mul3A_525 : i32
        %mul3A_527 = arith.constant 8 : i32
        %mul3A_528 = arith.muli %select_n3A_521, %mul3A_527 : i32
        %mul3A_529 = arith.constant 128 : i32
        %mul3A_530 = arith.muli %sub3A_524, %mul3A_529 : i32
        %dma_wait3A_531 = tpu.memref_slice %arg4[%mul3A_526, %mul3A_528, %mul3A_530] : memref<12x512x512xf32, #tpu.memory_space<hbm>> -> memref<3x8x128xf32, #tpu.memory_space<hbm>>
        %dma_wait3A_532 = tpu.memref_slice %arg4[%mul3A_526, %mul3A_528, %mul3A_530] : memref<12x512x512xf32, #tpu.memory_space<hbm>> -> memref<3x8x128xf32, #tpu.memory_space<hbm>>
        tpu.wait_dma2 semaphore(%arg15 : memref<!tpu.dma_semaphore, #tpu.memory_space<semaphore_mem>>) src(%arg11 : memref<3x8x128xf32, #tpu.memory_space<vmem>>) dst(%dma_wait3A_532 : memref<3x8x128xf32, #tpu.memory_space<hbm>>)
      } else {
      }
      %parallel_loop3A_393 = arith.constant 0 : i32
      %parallel_loop3A_394 = arith.constant 32 : i32
      %parallel_loop3A_395 = arith.constant 1 : i32
      scf.for %parallel_loop3A_466 = %parallel_loop3A_393 to %parallel_loop3A_394 step %parallel_loop3A_395  : i32 {
        %parallel_loop3A_467 = arith.constant 4 : i32
        %parallel_loop3A_468 = arith.divsi %parallel_loop3A_466, %parallel_loop3A_467 : i32
        %parallel_loop3A_469 = arith.constant 0 : i32
        %parallel_loop3A_470 = arith.cmpi sgt, %parallel_loop3A_466, %parallel_loop3A_469 : i32
        %parallel_loop3A_471 = arith.extui %parallel_loop3A_470 : i1 to i32
        %parallel_loop3A_472 = arith.constant 0 : i32
        %parallel_loop3A_473 = arith.cmpi slt, %parallel_loop3A_466, %parallel_loop3A_472 : i32
        %parallel_loop3A_474 = arith.extui %parallel_loop3A_473 : i1 to i32
        %parallel_loop3A_475 = arith.subi %parallel_loop3A_471, %parallel_loop3A_474 : i32
        %parallel_loop3A_476 = arith.constant 0 : i32
        %parallel_loop3A_477 = arith.cmpi sgt, %parallel_loop3A_467, %parallel_loop3A_476 : i32
        %parallel_loop3A_478 = arith.extui %parallel_loop3A_477 : i1 to i32
        %parallel_loop3A_479 = arith.constant 0 : i32
        %parallel_loop3A_480 = arith.cmpi slt, %parallel_loop3A_467, %parallel_loop3A_479 : i32
        %parallel_loop3A_481 = arith.extui %parallel_loop3A_480 : i1 to i32
        %parallel_loop3A_482 = arith.subi %parallel_loop3A_478, %parallel_loop3A_481 : i32
        %parallel_loop3A_483 = arith.cmpi ne, %parallel_loop3A_475, %parallel_loop3A_482 : i32
        %parallel_loop3A_484 = arith.remsi %parallel_loop3A_466, %parallel_loop3A_467 : i32
        %parallel_loop3A_485 = arith.constant 0 : i32
        %parallel_loop3A_486 = arith.cmpi ne, %parallel_loop3A_484, %parallel_loop3A_485 : i32
        %parallel_loop3A_487 = arith.andi %parallel_loop3A_483, %parallel_loop3A_486 : i1
        %parallel_loop3A_488 = arith.constant 1 : i32
        %parallel_loop3A_489 = arith.subi %parallel_loop3A_468, %parallel_loop3A_488 : i32
        %parallel_loop3A_490 = arith.select %parallel_loop3A_487, %parallel_loop3A_489, %parallel_loop3A_468 : i32
        %parallel_loop3A_491 = arith.constant 4 : i32
        %parallel_loop3A_492 = arith.muli %parallel_loop3A_490, %parallel_loop3A_491 : i32
        %parallel_loop3A_493 = arith.subi %parallel_loop3A_466, %parallel_loop3A_492 : i32
        %parallel_loop3A_494 = arith.constant 32 : i32
        %parallel_loop3A_495 = arith.muli %parallel_loop3A_493, %parallel_loop3A_494 : i32
        %parallel_loop3A_496 = tpu.assume_multiple %parallel_loop3A_495, 32 : i32
        %parallel_loop3A_497 = arith.constant 0 : i32
        %parallel_loop3A_498 = arith.addi %parallel_loop3A_496, %parallel_loop3A_497 : i32
        %parallel_loop3A_499 = arith.constant 0 : i32
        %parallel_loop3A_500 = arith.index_cast %parallel_loop3A_499 : i32 to index
        %parallel_loop3A_501 = arith.index_cast %parallel_loop3A_490 : i32 to index
        %parallel_loop3A_502 = arith.index_cast %parallel_loop3A_498 : i32 to index
        %parallel_loop3A_503 = tpu.vector_load %arg9[%parallel_loop3A_500, %parallel_loop3A_501, %parallel_loop3A_502] {strides = array<i32>} : memref<3x8x128xf32, #tpu.memory_space<vmem>>, vector<16xf32>,
        %parallel_loop3A_504 = arith.constant 1 : i32
        %parallel_loop3A_505 = arith.index_cast %parallel_loop3A_504 : i32 to index
        %parallel_loop3A_506 = arith.index_cast %parallel_loop3A_490 : i32 to index
        %parallel_loop3A_507 = arith.index_cast %parallel_loop3A_498 : i32 to index
        %parallel_loop3A_508 = tpu.vector_load %arg9[%parallel_loop3A_505, %parallel_loop3A_506, %parallel_loop3A_507] {strides = array<i32>} : memref<3x8x128xf32, #tpu.memory_space<vmem>>, vector<16xf32>,
        %parallel_loop3A_509 = arith.constant 2 : i32
        %parallel_loop3A_510 = arith.index_cast %parallel_loop3A_509 : i32 to index
        %parallel_loop3A_511 = arith.index_cast %parallel_loop3A_490 : i32 to index
        %parallel_loop3A_512 = arith.index_cast %parallel_loop3A_498 : i32 to index
        %parallel_loop3A_513 = tpu.vector_load %arg9[%parallel_loop3A_510, %parallel_loop3A_511, %parallel_loop3A_512] {strides = array<i32>} : memref<3x8x128xf32, #tpu.memory_space<vmem>>, vector<16xf32>,
        %parallel_loop3A_514 = arith.constant 3.200000e+01 : f32
        %parallel_loop3A_515 = vector.broadcast %parallel_loop3A_514 : f32 to vector<16xf32>
        %parallel_loop3A_516 = arith.mulf %parallel_loop3A_503, %parallel_loop3A_515 : vector<16xf32>
        %parallel_loop3A_517 = arith.constant 3.200000e+01 : f32
        %parallel_loop3A_518 = vector.broadcast %parallel_loop3A_517 : f32 to vector<16xf32>
        %parallel_loop3A_519 = arith.mulf %parallel_loop3A_508, %parallel_loop3A_518 : vector<16xf32>
        %parallel_loop3A_520 = arith.constant 3.200000e+01 : f32
        %parallel_loop3A_521 = vector.broadcast %parallel_loop3A_520 : f32 to vector<16xf32>
        %parallel_loop3A_522 = arith.mulf %parallel_loop3A_513, %parallel_loop3A_521 : vector<16xf32>
        %parallel_loop3A_523 = arith.fptosi %parallel_loop3A_516 : vector<16xf32> to vector<16xi32>
        %parallel_loop3A_524 = arith.fptosi %parallel_loop3A_519 : vector<16xf32> to vector<16xi32>
        %parallel_loop3A_525 = arith.fptosi %parallel_loop3A_522 : vector<16xf32> to vector<16xi32>
        %parallel_loop3A_526 = arith.sitofp %parallel_loop3A_523 : vector<16xi32> to vector<16xf32>
        %parallel_loop3A_527 = arith.subf %parallel_loop3A_516, %parallel_loop3A_526 : vector<16xf32>
        %parallel_loop3A_528 = arith.sitofp %parallel_loop3A_524 : vector<16xi32> to vector<16xf32>
        %parallel_loop3A_529 = arith.subf %parallel_loop3A_519, %parallel_loop3A_528 : vector<16xf32>
        %parallel_loop3A_530 = arith.sitofp %parallel_loop3A_525 : vector<16xi32> to vector<16xf32>
        %parallel_loop3A_531 = arith.subf %parallel_loop3A_522, %parallel_loop3A_530 : vector<16xf32>
        %parallel_loop3A_532 = arith.constant 1.000000e+00 : f32
        %parallel_loop3A_533 = vector.broadcast %parallel_loop3A_532 : f32 to vector<16xf32>
        %parallel_loop3A_534 = arith.subf %parallel_loop3A_533, %parallel_loop3A_529 : vector<16xf32>
        %parallel_loop3A_535 = arith.constant 1.000000e+00 : f32
        %parallel_loop3A_536 = vector.broadcast %parallel_loop3A_535 : f32 to vector<16xf32>
        %parallel_loop3A_537 = arith.subf %parallel_loop3A_536, %parallel_loop3A_531 : vector<16xf32>
        %parallel_loop3A_538 = arith.mulf %parallel_loop3A_534, %parallel_loop3A_537 : vector<16xf32>
        %parallel_loop3A_539 = arith.mulf %parallel_loop3A_529, %parallel_loop3A_537 : vector<16xf32>
        %parallel_loop3A_540 = arith.mulf %parallel_loop3A_534, %parallel_loop3A_531 : vector<16xf32>
        %parallel_loop3A_541 = arith.mulf %parallel_loop3A_529, %parallel_loop3A_531 : vector<16xf32>
        %parallel_loop3A_542 = arith.constant 33 : i32
        %parallel_loop3A_543 = vector.broadcast %parallel_loop3A_542 : i32 to vector<16xi32>
        %parallel_loop3A_544 = arith.muli %parallel_loop3A_524, %parallel_loop3A_543 : vector<16xi32>
        %parallel_loop3A_545 = arith.addi %parallel_loop3A_523, %parallel_loop3A_544 : vector<16xi32>
        %parallel_loop3A_546 = arith.constant 1089 : i32
        %parallel_loop3A_547 = vector.broadcast %parallel_loop3A_546 : i32 to vector<16xi32>
        %parallel_loop3A_548 = arith.muli %parallel_loop3A_525, %parallel_loop3A_547 : vector<16xi32>
        %parallel_loop3A_549 = arith.addi %parallel_loop3A_545, %parallel_loop3A_548 : vector<16xi32>
        %parallel_loop3A_550 = arith.constant 33 : i32
        %parallel_loop3A_551 = vector.broadcast %parallel_loop3A_550 : i32 to vector<16xi32>
        %parallel_loop3A_552 = arith.addi %parallel_loop3A_549, %parallel_loop3A_551 : vector<16xi32>
        %parallel_loop3A_553 = arith.constant 1089 : i32
        %parallel_loop3A_554 = vector.broadcast %parallel_loop3A_553 : i32 to vector<16xi32>
        %parallel_loop3A_555 = arith.addi %parallel_loop3A_549, %parallel_loop3A_554 : vector<16xi32>
        %parallel_loop3A_556 = arith.constant 1122 : i32
        %parallel_loop3A_557 = vector.broadcast %parallel_loop3A_556 : i32 to vector<16xi32>
        %parallel_loop3A_558 = arith.addi %parallel_loop3A_549, %parallel_loop3A_557 : vector<16xi32>
        %parallel_loop3A_559 = tpu.vector_load_idx %arg5[%parallel_loop3A_549] : memref<35968xi32, #tpu.memory_space<vmem>>[vector<16xi32>], vector<16xi32>,
        %parallel_loop3A_560 = vector.bitcast %parallel_loop3A_559 : vector<16xi32> to vector<32xbf16>
        %parallel_loop3A_561 = tpu.unpack_subelements %parallel_loop3A_560, 0 {pack_format = #tpu.pack_format<interleaved>} : vector<32xbf16> -> vector<16xf32>
        %parallel_loop3A_562 = tpu.unpack_subelements %parallel_loop3A_560, 1 {pack_format = #tpu.pack_format<interleaved>} : vector<32xbf16> -> vector<16xf32>
        %parallel_loop3A_563 = arith.mulf %parallel_loop3A_527, %parallel_loop3A_562 : vector<16xf32>
        %parallel_loop3A_564 = arith.addf %parallel_loop3A_561, %parallel_loop3A_563 : vector<16xf32>
        %parallel_loop3A_565 = tpu.vector_load_idx %arg5[%parallel_loop3A_552] : memref<35968xi32, #tpu.memory_space<vmem>>[vector<16xi32>], vector<16xi32>,
        %parallel_loop3A_566 = vector.bitcast %parallel_loop3A_565 : vector<16xi32> to vector<32xbf16>
        %parallel_loop3A_567 = tpu.unpack_subelements %parallel_loop3A_566, 0 {pack_format = #tpu.pack_format<interleaved>} : vector<32xbf16> -> vector<16xf32>
        %parallel_loop3A_568 = tpu.unpack_subelements %parallel_loop3A_566, 1 {pack_format = #tpu.pack_format<interleaved>} : vector<32xbf16> -> vector<16xf32>
        %parallel_loop3A_569 = arith.mulf %parallel_loop3A_527, %parallel_loop3A_568 : vector<16xf32>
        %parallel_loop3A_570 = arith.addf %parallel_loop3A_567, %parallel_loop3A_569 : vector<16xf32>
        %parallel_loop3A_571 = tpu.vector_load_idx %arg5[%parallel_loop3A_555] : memref<35968xi32, #tpu.memory_space<vmem>>[vector<16xi32>], vector<16xi32>,
        %parallel_loop3A_572 = vector.bitcast %parallel_loop3A_571 : vector<16xi32> to vector<32xbf16>
        %parallel_loop3A_573 = tpu.unpack_subelements %parallel_loop3A_572, 0 {pack_format = #tpu.pack_format<interleaved>} : vector<32xbf16> -> vector<16xf32>
        %parallel_loop3A_574 = tpu.unpack_subelements %parallel_loop3A_572, 1 {pack_format = #tpu.pack_format<interleaved>} : vector<32xbf16> -> vector<16xf32>
        %parallel_loop3A_575 = arith.mulf %parallel_loop3A_527, %parallel_loop3A_574 : vector<16xf32>
        %parallel_loop3A_576 = arith.addf %parallel_loop3A_573, %parallel_loop3A_575 : vector<16xf32>
        %parallel_loop3A_577 = tpu.vector_load_idx %arg5[%parallel_loop3A_558] : memref<35968xi32, #tpu.memory_space<vmem>>[vector<16xi32>], vector<16xi32>,
        %parallel_loop3A_578 = vector.bitcast %parallel_loop3A_577 : vector<16xi32> to vector<32xbf16>
        %parallel_loop3A_579 = tpu.unpack_subelements %parallel_loop3A_578, 0 {pack_format = #tpu.pack_format<interleaved>} : vector<32xbf16> -> vector<16xf32>
        %parallel_loop3A_580 = tpu.unpack_subelements %parallel_loop3A_578, 1 {pack_format = #tpu.pack_format<interleaved>} : vector<32xbf16> -> vector<16xf32>
        %parallel_loop3A_581 = arith.mulf %parallel_loop3A_527, %parallel_loop3A_580 : vector<16xf32>
        %parallel_loop3A_582 = arith.addf %parallel_loop3A_579, %parallel_loop3A_581 : vector<16xf32>
        %parallel_loop3A_583 = arith.mulf %parallel_loop3A_538, %parallel_loop3A_564 : vector<16xf32>
        %parallel_loop3A_584 = arith.mulf %parallel_loop3A_539, %parallel_loop3A_570 : vector<16xf32>
        %parallel_loop3A_585 = arith.addf %parallel_loop3A_583, %parallel_loop3A_584 : vector<16xf32>
        %parallel_loop3A_586 = arith.mulf %parallel_loop3A_540, %parallel_loop3A_576 : vector<16xf32>
        %parallel_loop3A_587 = arith.addf %parallel_loop3A_585, %parallel_loop3A_586 : vector<16xf32>
        %parallel_loop3A_588 = arith.mulf %parallel_loop3A_541, %parallel_loop3A_582 : vector<16xf32>
        %parallel_loop3A_589 = arith.addf %parallel_loop3A_587, %parallel_loop3A_588 : vector<16xf32>
        %parallel_loop3A_590 = arith.constant 0 : i32
        %parallel_loop3A_591 = arith.index_cast %parallel_loop3A_590 : i32 to index
        %parallel_loop3A_592 = arith.index_cast %parallel_loop3A_490 : i32 to index
        %parallel_loop3A_593 = arith.index_cast %parallel_loop3A_498 : i32 to index
        %parallel_loop3A_594 = tpu.vector_load %arg11[%parallel_loop3A_591, %parallel_loop3A_592, %parallel_loop3A_593] {strides = array<i32>} : memref<3x8x128xf32, #tpu.memory_space<vmem>>, vector<16xf32>,
        tpu.vector_store %arg11[%parallel_loop3A_591, %parallel_loop3A_592, %parallel_loop3A_593], %parallel_loop3A_589 {strides = array<i32>} : memref<3x8x128xf32, #tpu.memory_space<vmem>>, vector<16xf32>,
        %parallel_loop3A_595 = tpu.vector_load_idx %arg6[%parallel_loop3A_549] : memref<35968xi32, #tpu.memory_space<vmem>>[vector<16xi32>], vector<16xi32>,
        %parallel_loop3A_596 = vector.bitcast %parallel_loop3A_595 : vector<16xi32> to vector<32xbf16>
        %parallel_loop3A_597 = tpu.unpack_subelements %parallel_loop3A_596, 0 {pack_format = #tpu.pack_format<interleaved>} : vector<32xbf16> -> vector<16xf32>
        %parallel_loop3A_598 = tpu.unpack_subelements %parallel_loop3A_596, 1 {pack_format = #tpu.pack_format<interleaved>} : vector<32xbf16> -> vector<16xf32>
        %parallel_loop3A_599 = arith.mulf %parallel_loop3A_527, %parallel_loop3A_598 : vector<16xf32>
        %parallel_loop3A_600 = arith.addf %parallel_loop3A_597, %parallel_loop3A_599 : vector<16xf32>
        %parallel_loop3A_601 = tpu.vector_load_idx %arg6[%parallel_loop3A_552] : memref<35968xi32, #tpu.memory_space<vmem>>[vector<16xi32>], vector<16xi32>,
        %parallel_loop3A_602 = vector.bitcast %parallel_loop3A_601 : vector<16xi32> to vector<32xbf16>
        %parallel_loop3A_603 = tpu.unpack_subelements %parallel_loop3A_602, 0 {pack_format = #tpu.pack_format<interleaved>} : vector<32xbf16> -> vector<16xf32>
        %parallel_loop3A_604 = tpu.unpack_subelements %parallel_loop3A_602, 1 {pack_format = #tpu.pack_format<interleaved>} : vector<32xbf16> -> vector<16xf32>
        %parallel_loop3A_605 = arith.mulf %parallel_loop3A_527, %parallel_loop3A_604 : vector<16xf32>
        %parallel_loop3A_606 = arith.addf %parallel_loop3A_603, %parallel_loop3A_605 : vector<16xf32>
        %parallel_loop3A_607 = tpu.vector_load_idx %arg6[%parallel_loop3A_555] : memref<35968xi32, #tpu.memory_space<vmem>>[vector<16xi32>], vector<16xi32>,
        %parallel_loop3A_608 = vector.bitcast %parallel_loop3A_607 : vector<16xi32> to vector<32xbf16>
        %parallel_loop3A_609 = tpu.unpack_subelements %parallel_loop3A_608, 0 {pack_format = #tpu.pack_format<interleaved>} : vector<32xbf16> -> vector<16xf32>
        %parallel_loop3A_610 = tpu.unpack_subelements %parallel_loop3A_608, 1 {pack_format = #tpu.pack_format<interleaved>} : vector<32xbf16> -> vector<16xf32>
        %parallel_loop3A_611 = arith.mulf %parallel_loop3A_527, %parallel_loop3A_610 : vector<16xf32>
        %parallel_loop3A_612 = arith.addf %parallel_loop3A_609, %parallel_loop3A_611 : vector<16xf32>
        %parallel_loop3A_613 = tpu.vector_load_idx %arg6[%parallel_loop3A_558] : memref<35968xi32, #tpu.memory_space<vmem>>[vector<16xi32>], vector<16xi32>,
        %parallel_loop3A_614 = vector.bitcast %parallel_loop3A_613 : vector<16xi32> to vector<32xbf16>
        %parallel_loop3A_615 = tpu.unpack_subelements %parallel_loop3A_614, 0 {pack_format = #tpu.pack_format<interleaved>} : vector<32xbf16> -> vector<16xf32>
        %parallel_loop3A_616 = tpu.unpack_subelements %parallel_loop3A_614, 1 {pack_format = #tpu.pack_format<interleaved>} : vector<32xbf16> -> vector<16xf32>
        %parallel_loop3A_617 = arith.mulf %parallel_loop3A_527, %parallel_loop3A_616 : vector<16xf32>
        %parallel_loop3A_618 = arith.addf %parallel_loop3A_615, %parallel_loop3A_617 : vector<16xf32>
        %parallel_loop3A_619 = arith.mulf %parallel_loop3A_538, %parallel_loop3A_600 : vector<16xf32>
        %parallel_loop3A_620 = arith.mulf %parallel_loop3A_539, %parallel_loop3A_606 : vector<16xf32>
        %parallel_loop3A_621 = arith.addf %parallel_loop3A_619, %parallel_loop3A_620 : vector<16xf32>
        %parallel_loop3A_622 = arith.mulf %parallel_loop3A_540, %parallel_loop3A_612 : vector<16xf32>
        %parallel_loop3A_623 = arith.addf %parallel_loop3A_621, %parallel_loop3A_622 : vector<16xf32>
        %parallel_loop3A_624 = arith.mulf %parallel_loop3A_541, %parallel_loop3A_618 : vector<16xf32>
        %parallel_loop3A_625 = arith.addf %parallel_loop3A_623, %parallel_loop3A_624 : vector<16xf32>
        %parallel_loop3A_626 = arith.constant 1 : i32
        %parallel_loop3A_627 = arith.index_cast %parallel_loop3A_626 : i32 to index
        %parallel_loop3A_628 = arith.index_cast %parallel_loop3A_490 : i32 to index
        %parallel_loop3A_629 = arith.index_cast %parallel_loop3A_498 : i32 to index
        %parallel_loop3A_630 = tpu.vector_load %arg11[%parallel_loop3A_627, %parallel_loop3A_628, %parallel_loop3A_629] {strides = array<i32>} : memref<3x8x128xf32, #tpu.memory_space<vmem>>, vector<16xf32>,
        tpu.vector_store %arg11[%parallel_loop3A_627, %parallel_loop3A_628, %parallel_loop3A_629], %parallel_loop3A_625 {strides = array<i32>} : memref<3x8x128xf32, #tpu.memory_space<vmem>>, vector<16xf32>,
        %parallel_loop3A_631 = tpu.vector_load_idx %arg7[%parallel_loop3A_549] : memref<35968xi32, #tpu.memory_space<vmem>>[vector<16xi32>], vector<16xi32>,
        %parallel_loop3A_632 = vector.bitcast %parallel_loop3A_631 : vector<16xi32> to vector<32xbf16>
        %parallel_loop3A_633 = tpu.unpack_subelements %parallel_loop3A_632, 0 {pack_format = #tpu.pack_format<interleaved>} : vector<32xbf16> -> vector<16xf32>
        %parallel_loop3A_634 = tpu.unpack_subelements %parallel_loop3A_632, 1 {pack_format = #tpu.pack_format<interleaved>} : vector<32xbf16> -> vector<16xf32>
        %parallel_loop3A_635 = arith.mulf %parallel_loop3A_527, %parallel_loop3A_634 : vector<16xf32>
        %parallel_loop3A_636 = arith.addf %parallel_loop3A_633, %parallel_loop3A_635 : vector<16xf32>
        %parallel_loop3A_637 = tpu.vector_load_idx %arg7[%parallel_loop3A_552] : memref<35968xi32, #tpu.memory_space<vmem>>[vector<16xi32>], vector<16xi32>,
        %parallel_loop3A_638 = vector.bitcast %parallel_loop3A_637 : vector<16xi32> to vector<32xbf16>
        %parallel_loop3A_639 = tpu.unpack_subelements %parallel_loop3A_638, 0 {pack_format = #tpu.pack_format<interleaved>} : vector<32xbf16> -> vector<16xf32>
        %parallel_loop3A_640 = tpu.unpack_subelements %parallel_loop3A_638, 1 {pack_format = #tpu.pack_format<interleaved>} : vector<32xbf16> -> vector<16xf32>
        %parallel_loop3A_641 = arith.mulf %parallel_loop3A_527, %parallel_loop3A_640 : vector<16xf32>
        %parallel_loop3A_642 = arith.addf %parallel_loop3A_639, %parallel_loop3A_641 : vector<16xf32>
        %parallel_loop3A_643 = tpu.vector_load_idx %arg7[%parallel_loop3A_555] : memref<35968xi32, #tpu.memory_space<vmem>>[vector<16xi32>], vector<16xi32>,
        %parallel_loop3A_644 = vector.bitcast %parallel_loop3A_643 : vector<16xi32> to vector<32xbf16>
        %parallel_loop3A_645 = tpu.unpack_subelements %parallel_loop3A_644, 0 {pack_format = #tpu.pack_format<interleaved>} : vector<32xbf16> -> vector<16xf32>
        %parallel_loop3A_646 = tpu.unpack_subelements %parallel_loop3A_644, 1 {pack_format = #tpu.pack_format<interleaved>} : vector<32xbf16> -> vector<16xf32>
        %parallel_loop3A_647 = arith.mulf %parallel_loop3A_527, %parallel_loop3A_646 : vector<16xf32>
        %parallel_loop3A_648 = arith.addf %parallel_loop3A_645, %parallel_loop3A_647 : vector<16xf32>
        %parallel_loop3A_649 = tpu.vector_load_idx %arg7[%parallel_loop3A_558] : memref<35968xi32, #tpu.memory_space<vmem>>[vector<16xi32>], vector<16xi32>,
        %parallel_loop3A_650 = vector.bitcast %parallel_loop3A_649 : vector<16xi32> to vector<32xbf16>
        %parallel_loop3A_651 = tpu.unpack_subelements %parallel_loop3A_650, 0 {pack_format = #tpu.pack_format<interleaved>} : vector<32xbf16> -> vector<16xf32>
        %parallel_loop3A_652 = tpu.unpack_subelements %parallel_loop3A_650, 1 {pack_format = #tpu.pack_format<interleaved>} : vector<32xbf16> -> vector<16xf32>
        %parallel_loop3A_653 = arith.mulf %parallel_loop3A_527, %parallel_loop3A_652 : vector<16xf32>
        %parallel_loop3A_654 = arith.addf %parallel_loop3A_651, %parallel_loop3A_653 : vector<16xf32>
        %parallel_loop3A_655 = arith.mulf %parallel_loop3A_538, %parallel_loop3A_636 : vector<16xf32>
        %parallel_loop3A_656 = arith.mulf %parallel_loop3A_539, %parallel_loop3A_642 : vector<16xf32>
        %parallel_loop3A_657 = arith.addf %parallel_loop3A_655, %parallel_loop3A_656 : vector<16xf32>
        %parallel_loop3A_658 = arith.mulf %parallel_loop3A_540, %parallel_loop3A_648 : vector<16xf32>
        %parallel_loop3A_659 = arith.addf %parallel_loop3A_657, %parallel_loop3A_658 : vector<16xf32>
        %parallel_loop3A_660 = arith.mulf %parallel_loop3A_541, %parallel_loop3A_654 : vector<16xf32>
        %parallel_loop3A_661 = arith.addf %parallel_loop3A_659, %parallel_loop3A_660 : vector<16xf32>
        %parallel_loop3A_662 = arith.constant 2 : i32
        %parallel_loop3A_663 = arith.index_cast %parallel_loop3A_662 : i32 to index
        %parallel_loop3A_664 = arith.index_cast %parallel_loop3A_490 : i32 to index
        %parallel_loop3A_665 = arith.index_cast %parallel_loop3A_498 : i32 to index
        %parallel_loop3A_666 = tpu.vector_load %arg11[%parallel_loop3A_663, %parallel_loop3A_664, %parallel_loop3A_665] {strides = array<i32>} : memref<3x8x128xf32, #tpu.memory_space<vmem>>, vector<16xf32>,
        tpu.vector_store %arg11[%parallel_loop3A_663, %parallel_loop3A_664, %parallel_loop3A_665], %parallel_loop3A_661 {strides = array<i32>} : memref<3x8x128xf32, #tpu.memory_space<vmem>>, vector<16xf32>,
        %parallel_loop3A_667 = arith.constant 16 : i32
        %parallel_loop3A_668 = arith.addi %parallel_loop3A_496, %parallel_loop3A_667 : i32
        %parallel_loop3A_669 = arith.constant 0 : i32
        %parallel_loop3A_670 = arith.index_cast %parallel_loop3A_669 : i32 to index
        %parallel_loop3A_671 = arith.index_cast %parallel_loop3A_490 : i32 to index
        %parallel_loop3A_672 = arith.index_cast %parallel_loop3A_668 : i32 to index
        %parallel_loop3A_673 = tpu.vector_load %arg9[%parallel_loop3A_670, %parallel_loop3A_671, %parallel_loop3A_672] {strides = array<i32>} : memref<3x8x128xf32, #tpu.memory_space<vmem>>, vector<16xf32>,
        %parallel_loop3A_674 = arith.constant 1 : i32
        %parallel_loop3A_675 = arith.index_cast %parallel_loop3A_674 : i32 to index
        %parallel_loop3A_676 = arith.index_cast %parallel_loop3A_490 : i32 to index
        %parallel_loop3A_677 = arith.index_cast %parallel_loop3A_668 : i32 to index
        %parallel_loop3A_678 = tpu.vector_load %arg9[%parallel_loop3A_675, %parallel_loop3A_676, %parallel_loop3A_677] {strides = array<i32>} : memref<3x8x128xf32, #tpu.memory_space<vmem>>, vector<16xf32>,
        %parallel_loop3A_679 = arith.constant 2 : i32
        %parallel_loop3A_680 = arith.index_cast %parallel_loop3A_679 : i32 to index
        %parallel_loop3A_681 = arith.index_cast %parallel_loop3A_490 : i32 to index
        %parallel_loop3A_682 = arith.index_cast %parallel_loop3A_668 : i32 to index
        %parallel_loop3A_683 = tpu.vector_load %arg9[%parallel_loop3A_680, %parallel_loop3A_681, %parallel_loop3A_682] {strides = array<i32>} : memref<3x8x128xf32, #tpu.memory_space<vmem>>, vector<16xf32>,
        %parallel_loop3A_684 = arith.constant 3.200000e+01 : f32
        %parallel_loop3A_685 = vector.broadcast %parallel_loop3A_684 : f32 to vector<16xf32>
        %parallel_loop3A_686 = arith.mulf %parallel_loop3A_673, %parallel_loop3A_685 : vector<16xf32>
        %parallel_loop3A_687 = arith.constant 3.200000e+01 : f32
        %parallel_loop3A_688 = vector.broadcast %parallel_loop3A_687 : f32 to vector<16xf32>
        %parallel_loop3A_689 = arith.mulf %parallel_loop3A_678, %parallel_loop3A_688 : vector<16xf32>
        %parallel_loop3A_690 = arith.constant 3.200000e+01 : f32
        %parallel_loop3A_691 = vector.broadcast %parallel_loop3A_690 : f32 to vector<16xf32>
        %parallel_loop3A_692 = arith.mulf %parallel_loop3A_683, %parallel_loop3A_691 : vector<16xf32>
        %parallel_loop3A_693 = arith.fptosi %parallel_loop3A_686 : vector<16xf32> to vector<16xi32>
        %parallel_loop3A_694 = arith.fptosi %parallel_loop3A_689 : vector<16xf32> to vector<16xi32>
        %parallel_loop3A_695 = arith.fptosi %parallel_loop3A_692 : vector<16xf32> to vector<16xi32>
        %parallel_loop3A_696 = arith.sitofp %parallel_loop3A_693 : vector<16xi32> to vector<16xf32>
        %parallel_loop3A_697 = arith.subf %parallel_loop3A_686, %parallel_loop3A_696 : vector<16xf32>
        %parallel_loop3A_698 = arith.sitofp %parallel_loop3A_694 : vector<16xi32> to vector<16xf32>
        %parallel_loop3A_699 = arith.subf %parallel_loop3A_689, %parallel_loop3A_698 : vector<16xf32>
        %parallel_loop3A_700 = arith.sitofp %parallel_loop3A_695 : vector<16xi32> to vector<16xf32>
        %parallel_loop3A_701 = arith.subf %parallel_loop3A_692, %parallel_loop3A_700 : vector<16xf32>
        %parallel_loop3A_702 = arith.constant 1.000000e+00 : f32
        %parallel_loop3A_703 = vector.broadcast %parallel_loop3A_702 : f32 to vector<16xf32>
        %parallel_loop3A_704 = arith.subf %parallel_loop3A_703, %parallel_loop3A_699 : vector<16xf32>
        %parallel_loop3A_705 = arith.constant 1.000000e+00 : f32
        %parallel_loop3A_706 = vector.broadcast %parallel_loop3A_705 : f32 to vector<16xf32>
        %parallel_loop3A_707 = arith.subf %parallel_loop3A_706, %parallel_loop3A_701 : vector<16xf32>
        %parallel_loop3A_708 = arith.mulf %parallel_loop3A_704, %parallel_loop3A_707 : vector<16xf32>
        %parallel_loop3A_709 = arith.mulf %parallel_loop3A_699, %parallel_loop3A_707 : vector<16xf32>
        %parallel_loop3A_710 = arith.mulf %parallel_loop3A_704, %parallel_loop3A_701 : vector<16xf32>
        %parallel_loop3A_711 = arith.mulf %parallel_loop3A_699, %parallel_loop3A_701 : vector<16xf32>
        %parallel_loop3A_712 = arith.constant 33 : i32
        %parallel_loop3A_713 = vector.broadcast %parallel_loop3A_712 : i32 to vector<16xi32>
        %parallel_loop3A_714 = arith.muli %parallel_loop3A_694, %parallel_loop3A_713 : vector<16xi32>
        %parallel_loop3A_715 = arith.addi %parallel_loop3A_693, %parallel_loop3A_714 : vector<16xi32>
        %parallel_loop3A_716 = arith.constant 1089 : i32
        %parallel_loop3A_717 = vector.broadcast %parallel_loop3A_716 : i32 to vector<16xi32>
        %parallel_loop3A_718 = arith.muli %parallel_loop3A_695, %parallel_loop3A_717 : vector<16xi32>
        %parallel_loop3A_719 = arith.addi %parallel_loop3A_715, %parallel_loop3A_718 : vector<16xi32>
        %parallel_loop3A_720 = arith.constant 33 : i32
        %parallel_loop3A_721 = vector.broadcast %parallel_loop3A_720 : i32 to vector<16xi32>
        %parallel_loop3A_722 = arith.addi %parallel_loop3A_719, %parallel_loop3A_721 : vector<16xi32>
        %parallel_loop3A_723 = arith.constant 1089 : i32
        %parallel_loop3A_724 = vector.broadcast %parallel_loop3A_723 : i32 to vector<16xi32>
        %parallel_loop3A_725 = arith.addi %parallel_loop3A_719, %parallel_loop3A_724 : vector<16xi32>
        %parallel_loop3A_726 = arith.constant 1122 : i32
        %parallel_loop3A_727 = vector.broadcast %parallel_loop3A_726 : i32 to vector<16xi32>
        %parallel_loop3A_728 = arith.addi %parallel_loop3A_719, %parallel_loop3A_727 : vector<16xi32>
        %parallel_loop3A_729 = tpu.vector_load_idx %arg5[%parallel_loop3A_719] : memref<35968xi32, #tpu.memory_space<vmem>>[vector<16xi32>], vector<16xi32>,
        %parallel_loop3A_730 = vector.bitcast %parallel_loop3A_729 : vector<16xi32> to vector<32xbf16>
        %parallel_loop3A_731 = tpu.unpack_subelements %parallel_loop3A_730, 0 {pack_format = #tpu.pack_format<interleaved>} : vector<32xbf16> -> vector<16xf32>
        %parallel_loop3A_732 = tpu.unpack_subelements %parallel_loop3A_730, 1 {pack_format = #tpu.pack_format<interleaved>} : vector<32xbf16> -> vector<16xf32>
        %parallel_loop3A_733 = arith.mulf %parallel_loop3A_697, %parallel_loop3A_732 : vector<16xf32>
        %parallel_loop3A_734 = arith.addf %parallel_loop3A_731, %parallel_loop3A_733 : vector<16xf32>
        %parallel_loop3A_735 = tpu.vector_load_idx %arg5[%parallel_loop3A_722] : memref<35968xi32, #tpu.memory_space<vmem>>[vector<16xi32>], vector<16xi32>,
        %parallel_loop3A_736 = vector.bitcast %parallel_loop3A_735 : vector<16xi32> to vector<32xbf16>
        %parallel_loop3A_737 = tpu.unpack_subelements %parallel_loop3A_736, 0 {pack_format = #tpu.pack_format<interleaved>} : vector<32xbf16> -> vector<16xf32>
        %parallel_loop3A_738 = tpu.unpack_subelements %parallel_loop3A_736, 1 {pack_format = #tpu.pack_format<interleaved>} : vector<32xbf16> -> vector<16xf32>
        %parallel_loop3A_739 = arith.mulf %parallel_loop3A_697, %parallel_loop3A_738 : vector<16xf32>
        %parallel_loop3A_740 = arith.addf %parallel_loop3A_737, %parallel_loop3A_739 : vector<16xf32>
        %parallel_loop3A_741 = tpu.vector_load_idx %arg5[%parallel_loop3A_725] : memref<35968xi32, #tpu.memory_space<vmem>>[vector<16xi32>], vector<16xi32>,
        %parallel_loop3A_742 = vector.bitcast %parallel_loop3A_741 : vector<16xi32> to vector<32xbf16>
        %parallel_loop3A_743 = tpu.unpack_subelements %parallel_loop3A_742, 0 {pack_format = #tpu.pack_format<interleaved>} : vector<32xbf16> -> vector<16xf32>
        %parallel_loop3A_744 = tpu.unpack_subelements %parallel_loop3A_742, 1 {pack_format = #tpu.pack_format<interleaved>} : vector<32xbf16> -> vector<16xf32>
        %parallel_loop3A_745 = arith.mulf %parallel_loop3A_697, %parallel_loop3A_744 : vector<16xf32>
        %parallel_loop3A_746 = arith.addf %parallel_loop3A_743, %parallel_loop3A_745 : vector<16xf32>
        %parallel_loop3A_747 = tpu.vector_load_idx %arg5[%parallel_loop3A_728] : memref<35968xi32, #tpu.memory_space<vmem>>[vector<16xi32>], vector<16xi32>,
        %parallel_loop3A_748 = vector.bitcast %parallel_loop3A_747 : vector<16xi32> to vector<32xbf16>
        %parallel_loop3A_749 = tpu.unpack_subelements %parallel_loop3A_748, 0 {pack_format = #tpu.pack_format<interleaved>} : vector<32xbf16> -> vector<16xf32>
        %parallel_loop3A_750 = tpu.unpack_subelements %parallel_loop3A_748, 1 {pack_format = #tpu.pack_format<interleaved>} : vector<32xbf16> -> vector<16xf32>
        %parallel_loop3A_751 = arith.mulf %parallel_loop3A_697, %parallel_loop3A_750 : vector<16xf32>
        %parallel_loop3A_752 = arith.addf %parallel_loop3A_749, %parallel_loop3A_751 : vector<16xf32>
        %parallel_loop3A_753 = arith.mulf %parallel_loop3A_708, %parallel_loop3A_734 : vector<16xf32>
        %parallel_loop3A_754 = arith.mulf %parallel_loop3A_709, %parallel_loop3A_740 : vector<16xf32>
        %parallel_loop3A_755 = arith.addf %parallel_loop3A_753, %parallel_loop3A_754 : vector<16xf32>
        %parallel_loop3A_756 = arith.mulf %parallel_loop3A_710, %parallel_loop3A_746 : vector<16xf32>
        %parallel_loop3A_757 = arith.addf %parallel_loop3A_755, %parallel_loop3A_756 : vector<16xf32>
        %parallel_loop3A_758 = arith.mulf %parallel_loop3A_711, %parallel_loop3A_752 : vector<16xf32>
        %parallel_loop3A_759 = arith.addf %parallel_loop3A_757, %parallel_loop3A_758 : vector<16xf32>
        %parallel_loop3A_760 = arith.constant 0 : i32
        %parallel_loop3A_761 = arith.index_cast %parallel_loop3A_760 : i32 to index
        %parallel_loop3A_762 = arith.index_cast %parallel_loop3A_490 : i32 to index
        %parallel_loop3A_763 = arith.index_cast %parallel_loop3A_668 : i32 to index
        %parallel_loop3A_764 = tpu.vector_load %arg11[%parallel_loop3A_761, %parallel_loop3A_762, %parallel_loop3A_763] {strides = array<i32>} : memref<3x8x128xf32, #tpu.memory_space<vmem>>, vector<16xf32>,
        tpu.vector_store %arg11[%parallel_loop3A_761, %parallel_loop3A_762, %parallel_loop3A_763], %parallel_loop3A_759 {strides = array<i32>} : memref<3x8x128xf32, #tpu.memory_space<vmem>>, vector<16xf32>,
        %parallel_loop3A_765 = tpu.vector_load_idx %arg6[%parallel_loop3A_719] : memref<35968xi32, #tpu.memory_space<vmem>>[vector<16xi32>], vector<16xi32>,
        %parallel_loop3A_766 = vector.bitcast %parallel_loop3A_765 : vector<16xi32> to vector<32xbf16>
        %parallel_loop3A_767 = tpu.unpack_subelements %parallel_loop3A_766, 0 {pack_format = #tpu.pack_format<interleaved>} : vector<32xbf16> -> vector<16xf32>
        %parallel_loop3A_768 = tpu.unpack_subelements %parallel_loop3A_766, 1 {pack_format = #tpu.pack_format<interleaved>} : vector<32xbf16> -> vector<16xf32>
        %parallel_loop3A_769 = arith.mulf %parallel_loop3A_697, %parallel_loop3A_768 : vector<16xf32>
        %parallel_loop3A_770 = arith.addf %parallel_loop3A_767, %parallel_loop3A_769 : vector<16xf32>
        %parallel_loop3A_771 = tpu.vector_load_idx %arg6[%parallel_loop3A_722] : memref<35968xi32, #tpu.memory_space<vmem>>[vector<16xi32>], vector<16xi32>,
        %parallel_loop3A_772 = vector.bitcast %parallel_loop3A_771 : vector<16xi32> to vector<32xbf16>
        %parallel_loop3A_773 = tpu.unpack_subelements %parallel_loop3A_772, 0 {pack_format = #tpu.pack_format<interleaved>} : vector<32xbf16> -> vector<16xf32>
        %parallel_loop3A_774 = tpu.unpack_subelements %parallel_loop3A_772, 1 {pack_format = #tpu.pack_format<interleaved>} : vector<32xbf16> -> vector<16xf32>
        %parallel_loop3A_775 = arith.mulf %parallel_loop3A_697, %parallel_loop3A_774 : vector<16xf32>
        %parallel_loop3A_776 = arith.addf %parallel_loop3A_773, %parallel_loop3A_775 : vector<16xf32>
        %parallel_loop3A_777 = tpu.vector_load_idx %arg6[%parallel_loop3A_725] : memref<35968xi32, #tpu.memory_space<vmem>>[vector<16xi32>], vector<16xi32>,
        %parallel_loop3A_778 = vector.bitcast %parallel_loop3A_777 : vector<16xi32> to vector<32xbf16>
        %parallel_loop3A_779 = tpu.unpack_subelements %parallel_loop3A_778, 0 {pack_format = #tpu.pack_format<interleaved>} : vector<32xbf16> -> vector<16xf32>
        %parallel_loop3A_780 = tpu.unpack_subelements %parallel_loop3A_778, 1 {pack_format = #tpu.pack_format<interleaved>} : vector<32xbf16> -> vector<16xf32>
        %parallel_loop3A_781 = arith.mulf %parallel_loop3A_697, %parallel_loop3A_780 : vector<16xf32>
        %parallel_loop3A_782 = arith.addf %parallel_loop3A_779, %parallel_loop3A_781 : vector<16xf32>
        %parallel_loop3A_783 = tpu.vector_load_idx %arg6[%parallel_loop3A_728] : memref<35968xi32, #tpu.memory_space<vmem>>[vector<16xi32>], vector<16xi32>,
        %parallel_loop3A_784 = vector.bitcast %parallel_loop3A_783 : vector<16xi32> to vector<32xbf16>
        %parallel_loop3A_785 = tpu.unpack_subelements %parallel_loop3A_784, 0 {pack_format = #tpu.pack_format<interleaved>} : vector<32xbf16> -> vector<16xf32>
        %parallel_loop3A_786 = tpu.unpack_subelements %parallel_loop3A_784, 1 {pack_format = #tpu.pack_format<interleaved>} : vector<32xbf16> -> vector<16xf32>
        %parallel_loop3A_787 = arith.mulf %parallel_loop3A_697, %parallel_loop3A_786 : vector<16xf32>
        %parallel_loop3A_788 = arith.addf %parallel_loop3A_785, %parallel_loop3A_787 : vector<16xf32>
        %parallel_loop3A_789 = arith.mulf %parallel_loop3A_708, %parallel_loop3A_770 : vector<16xf32>
        %parallel_loop3A_790 = arith.mulf %parallel_loop3A_709, %parallel_loop3A_776 : vector<16xf32>
        %parallel_loop3A_791 = arith.addf %parallel_loop3A_789, %parallel_loop3A_790 : vector<16xf32>
        %parallel_loop3A_792 = arith.mulf %parallel_loop3A_710, %parallel_loop3A_782 : vector<16xf32>
        %parallel_loop3A_793 = arith.addf %parallel_loop3A_791, %parallel_loop3A_792 : vector<16xf32>
        %parallel_loop3A_794 = arith.mulf %parallel_loop3A_711, %parallel_loop3A_788 : vector<16xf32>
        %parallel_loop3A_795 = arith.addf %parallel_loop3A_793, %parallel_loop3A_794 : vector<16xf32>
        %parallel_loop3A_796 = arith.constant 1 : i32
        %parallel_loop3A_797 = arith.index_cast %parallel_loop3A_796 : i32 to index
        %parallel_loop3A_798 = arith.index_cast %parallel_loop3A_490 : i32 to index
        %parallel_loop3A_799 = arith.index_cast %parallel_loop3A_668 : i32 to index
        %parallel_loop3A_800 = tpu.vector_load %arg11[%parallel_loop3A_797, %parallel_loop3A_798, %parallel_loop3A_799] {strides = array<i32>} : memref<3x8x128xf32, #tpu.memory_space<vmem>>, vector<16xf32>,
        tpu.vector_store %arg11[%parallel_loop3A_797, %parallel_loop3A_798, %parallel_loop3A_799], %parallel_loop3A_795 {strides = array<i32>} : memref<3x8x128xf32, #tpu.memory_space<vmem>>, vector<16xf32>,
        %parallel_loop3A_801 = tpu.vector_load_idx %arg7[%parallel_loop3A_719] : memref<35968xi32, #tpu.memory_space<vmem>>[vector<16xi32>], vector<16xi32>,
        %parallel_loop3A_802 = vector.bitcast %parallel_loop3A_801 : vector<16xi32> to vector<32xbf16>
        %parallel_loop3A_803 = tpu.unpack_subelements %parallel_loop3A_802, 0 {pack_format = #tpu.pack_format<interleaved>} : vector<32xbf16> -> vector<16xf32>
        %parallel_loop3A_804 = tpu.unpack_subelements %parallel_loop3A_802, 1 {pack_format = #tpu.pack_format<interleaved>} : vector<32xbf16> -> vector<16xf32>
        %parallel_loop3A_805 = arith.mulf %parallel_loop3A_697, %parallel_loop3A_804 : vector<16xf32>
        %parallel_loop3A_806 = arith.addf %parallel_loop3A_803, %parallel_loop3A_805 : vector<16xf32>
        %parallel_loop3A_807 = tpu.vector_load_idx %arg7[%parallel_loop3A_722] : memref<35968xi32, #tpu.memory_space<vmem>>[vector<16xi32>], vector<16xi32>,
        %parallel_loop3A_808 = vector.bitcast %parallel_loop3A_807 : vector<16xi32> to vector<32xbf16>
        %parallel_loop3A_809 = tpu.unpack_subelements %parallel_loop3A_808, 0 {pack_format = #tpu.pack_format<interleaved>} : vector<32xbf16> -> vector<16xf32>
        %parallel_loop3A_810 = tpu.unpack_subelements %parallel_loop3A_808, 1 {pack_format = #tpu.pack_format<interleaved>} : vector<32xbf16> -> vector<16xf32>
        %parallel_loop3A_811 = arith.mulf %parallel_loop3A_697, %parallel_loop3A_810 : vector<16xf32>
        %parallel_loop3A_812 = arith.addf %parallel_loop3A_809, %parallel_loop3A_811 : vector<16xf32>
        %parallel_loop3A_813 = tpu.vector_load_idx %arg7[%parallel_loop3A_725] : memref<35968xi32, #tpu.memory_space<vmem>>[vector<16xi32>], vector<16xi32>,
        %parallel_loop3A_814 = vector.bitcast %parallel_loop3A_813 : vector<16xi32> to vector<32xbf16>
        %parallel_loop3A_815 = tpu.unpack_subelements %parallel_loop3A_814, 0 {pack_format = #tpu.pack_format<interleaved>} : vector<32xbf16> -> vector<16xf32>
        %parallel_loop3A_816 = tpu.unpack_subelements %parallel_loop3A_814, 1 {pack_format = #tpu.pack_format<interleaved>} : vector<32xbf16> -> vector<16xf32>
        %parallel_loop3A_817 = arith.mulf %parallel_loop3A_697, %parallel_loop3A_816 : vector<16xf32>
        %parallel_loop3A_818 = arith.addf %parallel_loop3A_815, %parallel_loop3A_817 : vector<16xf32>
        %parallel_loop3A_819 = tpu.vector_load_idx %arg7[%parallel_loop3A_728] : memref<35968xi32, #tpu.memory_space<vmem>>[vector<16xi32>], vector<16xi32>,
        %parallel_loop3A_820 = vector.bitcast %parallel_loop3A_819 : vector<16xi32> to vector<32xbf16>
        %parallel_loop3A_821 = tpu.unpack_subelements %parallel_loop3A_820, 0 {pack_format = #tpu.pack_format<interleaved>} : vector<32xbf16> -> vector<16xf32>
        %parallel_loop3A_822 = tpu.unpack_subelements %parallel_loop3A_820, 1 {pack_format = #tpu.pack_format<interleaved>} : vector<32xbf16> -> vector<16xf32>
        %parallel_loop3A_823 = arith.mulf %parallel_loop3A_697, %parallel_loop3A_822 : vector<16xf32>
        %parallel_loop3A_824 = arith.addf %parallel_loop3A_821, %parallel_loop3A_823 : vector<16xf32>
        %parallel_loop3A_825 = arith.mulf %parallel_loop3A_708, %parallel_loop3A_806 : vector<16xf32>
        %parallel_loop3A_826 = arith.mulf %parallel_loop3A_709, %parallel_loop3A_812 : vector<16xf32>
        %parallel_loop3A_827 = arith.addf %parallel_loop3A_825, %parallel_loop3A_826 : vector<16xf32>
        %parallel_loop3A_828 = arith.mulf %parallel_loop3A_710, %parallel_loop3A_818 : vector<16xf32>
        %parallel_loop3A_829 = arith.addf %parallel_loop3A_827, %parallel_loop3A_828 : vector<16xf32>
        %parallel_loop3A_830 = arith.mulf %parallel_loop3A_711, %parallel_loop3A_824 : vector<16xf32>
        %parallel_loop3A_831 = arith.addf %parallel_loop3A_829, %parallel_loop3A_830 : vector<16xf32>
        %parallel_loop3A_832 = arith.constant 2 : i32
        %parallel_loop3A_833 = arith.index_cast %parallel_loop3A_832 : i32 to index
        %parallel_loop3A_834 = arith.index_cast %parallel_loop3A_490 : i32 to index
        %parallel_loop3A_835 = arith.index_cast %parallel_loop3A_668 : i32 to index
        %parallel_loop3A_836 = tpu.vector_load %arg11[%parallel_loop3A_833, %parallel_loop3A_834, %parallel_loop3A_835] {strides = array<i32>} : memref<3x8x128xf32, #tpu.memory_space<vmem>>, vector<16xf32>,
        tpu.vector_store %arg11[%parallel_loop3A_833, %parallel_loop3A_834, %parallel_loop3A_835], %parallel_loop3A_831 {strides = array<i32>} : memref<3x8x128xf32, #tpu.memory_space<vmem>>, vector<16xf32>,
      } {sc.loop_unroll_factor = 2 : i64, sc.parallel_access}
      %lt3A_396 = arith.constant 15 : i32
      %lt3A_397 = arith.cmpi slt, %scan3A_176, %lt3A_396 : i32
      %convert_element_type3A_398 = arith.extui %lt3A_397 : i1 to i32
      %cond3A_399 = arith.constant 0 : i32
      %cond3A_400 = arith.cmpi ne, %convert_element_type3A_398, %cond3A_399 : i32
      scf.if %cond3A_400 {
        %add3A_466 = arith.constant 2 : i32
        %add3A_467 = arith.addi %add3A_322, %add3A_466 : i32
        %jit3A_468 = arith.constant 8 : i32
        %div3A_469 = arith.divsi %add3A_467, %jit3A_468 : i32
        %sign3A_470 = arith.constant 0 : i32
        %sign3A_471 = arith.cmpi sgt, %add3A_467, %sign3A_470 : i32
        %sign3A_472 = arith.extui %sign3A_471 : i1 to i32
        %sign3A_473 = arith.constant 0 : i32
        %sign3A_474 = arith.cmpi slt, %add3A_467, %sign3A_473 : i32
        %sign3A_475 = arith.extui %sign3A_474 : i1 to i32
        %sign3A_476 = arith.subi %sign3A_472, %sign3A_475 : i32
        %sign3A_477 = arith.constant 0 : i32
        %sign3A_478 = arith.cmpi sgt, %jit3A_468, %sign3A_477 : i32
        %sign3A_479 = arith.extui %sign3A_478 : i1 to i32
        %sign3A_480 = arith.constant 0 : i32
        %sign3A_481 = arith.cmpi slt, %jit3A_468, %sign3A_480 : i32
        %sign3A_482 = arith.extui %sign3A_481 : i1 to i32
        %sign3A_483 = arith.subi %sign3A_479, %sign3A_482 : i32
        %ne3A_484 = arith.cmpi ne, %sign3A_476, %sign3A_483 : i32
        %rem3A_485 = arith.remsi %add3A_467, %jit3A_468 : i32
        %ne3A_486 = arith.constant 0 : i32
        %ne3A_487 = arith.cmpi ne, %rem3A_485, %ne3A_486 : i32
        %and3A_488 = arith.andi %ne3A_484, %ne3A_487 : i1
        %sub3A_489 = arith.constant 1 : i32
        %sub3A_490 = arith.subi %div3A_469, %sub3A_489 : i32
        %select_n3A_491 = arith.select %and3A_488, %sub3A_490, %div3A_469 : i32
        %mul3A_492 = arith.constant 8 : i32
        %mul3A_493 = arith.muli %add3A, %mul3A_492 : i32
        %mul3A_494 = arith.constant 8 : i32
        %mul3A_495 = arith.muli %select_n3A_491, %mul3A_494 : i32
        %sub3A_496 = arith.subi %add3A_467, %mul3A_495 : i32
        %add3A_497 = arith.addi %mul3A_493, %sub3A_496 : i32
        %jit3A_498 = arith.constant 4 : i32
        %div3A_499 = arith.divsi %add3A_497, %jit3A_498 : i32
        %sign3A_500 = arith.constant 0 : i32
        %sign3A_501 = arith.cmpi sgt, %add3A_497, %sign3A_500 : i32
        %sign3A_502 = arith.extui %sign3A_501 : i1 to i32
        %sign3A_503 = arith.constant 0 : i32
        %sign3A_504 = arith.cmpi slt, %add3A_497, %sign3A_503 : i32
        %sign3A_505 = arith.extui %sign3A_504 : i1 to i32
        %sign3A_506 = arith.subi %sign3A_502, %sign3A_505 : i32
        %sign3A_507 = arith.constant 0 : i32
        %sign3A_508 = arith.cmpi sgt, %jit3A_498, %sign3A_507 : i32
        %sign3A_509 = arith.extui %sign3A_508 : i1 to i32
        %sign3A_510 = arith.constant 0 : i32
        %sign3A_511 = arith.cmpi slt, %jit3A_498, %sign3A_510 : i32
        %sign3A_512 = arith.extui %sign3A_511 : i1 to i32
        %sign3A_513 = arith.subi %sign3A_509, %sign3A_512 : i32
        %ne3A_514 = arith.cmpi ne, %sign3A_506, %sign3A_513 : i32
        %rem3A_515 = arith.remsi %add3A_497, %jit3A_498 : i32
        %ne3A_516 = arith.constant 0 : i32
        %ne3A_517 = arith.cmpi ne, %rem3A_515, %ne3A_516 : i32
        %and3A_518 = arith.andi %ne3A_514, %ne3A_517 : i1
        %sub3A_519 = arith.constant 1 : i32
        %sub3A_520 = arith.subi %div3A_499, %sub3A_519 : i32
        %select_n3A_521 = arith.select %and3A_518, %sub3A_520, %div3A_499 : i32
        %mul3A_522 = arith.constant 4 : i32
        %mul3A_523 = arith.muli %select_n3A_521, %mul3A_522 : i32
        %sub3A_524 = arith.subi %add3A_497, %mul3A_523 : i32
        %mul3A_525 = arith.constant 3 : i32
        %mul3A_526 = arith.muli %select_n3A_491, %mul3A_525 : i32
        %mul3A_527 = arith.constant 8 : i32
        %mul3A_528 = arith.muli %select_n3A_521, %mul3A_527 : i32
        %mul3A_529 = arith.constant 128 : i32
        %mul3A_530 = arith.muli %sub3A_524, %mul3A_529 : i32
        %dma_start3A_531 = tpu.memref_slice %arg3[%mul3A_526, %mul3A_528, %mul3A_530] : memref<12x512x512xf32, #tpu.memory_space<hbm>> -> memref<3x8x128xf32, #tpu.memory_space<hbm>>
        %dma_start3A_532 = tpu.memref_slice %arg3[%mul3A_526, %mul3A_528, %mul3A_530] : memref<12x512x512xf32, #tpu.memory_space<hbm>> -> memref<3x8x128xf32, #tpu.memory_space<hbm>>
        tpu.enqueue_dma source(%dma_start3A_532 : memref<3x8x128xf32, #tpu.memory_space<hbm>>) target(%arg9 : memref<3x8x128xf32, #tpu.memory_space<vmem>>) target_semaphore(%arg13 : memref<!tpu.dma_semaphore, #tpu.memory_space<semaphore_mem>>)
      } else {
      }
      %jit3A_401 = arith.constant 8 : i32
      %div3A_402 = arith.divsi %add3A_322, %jit3A_401 : i32
      %sign3A_403 = arith.constant 0 : i32
      %sign3A_404 = arith.cmpi sgt, %add3A_322, %sign3A_403 : i32
      %sign3A_405 = arith.extui %sign3A_404 : i1 to i32
      %sign3A_406 = arith.constant 0 : i32
      %sign3A_407 = arith.cmpi slt, %add3A_322, %sign3A_406 : i32
      %sign3A_408 = arith.extui %sign3A_407 : i1 to i32
      %sign3A_409 = arith.subi %sign3A_405, %sign3A_408 : i32
      %sign3A_410 = arith.constant 0 : i32
      %sign3A_411 = arith.cmpi sgt, %jit3A_401, %sign3A_410 : i32
      %sign3A_412 = arith.extui %sign3A_411 : i1 to i32
      %sign3A_413 = arith.constant 0 : i32
      %sign3A_414 = arith.cmpi slt, %jit3A_401, %sign3A_413 : i32
      %sign3A_415 = arith.extui %sign3A_414 : i1 to i32
      %sign3A_416 = arith.subi %sign3A_412, %sign3A_415 : i32
      %ne3A_417 = arith.cmpi ne, %sign3A_409, %sign3A_416 : i32
      %rem3A_418 = arith.remsi %add3A_322, %jit3A_401 : i32
      %ne3A_419 = arith.constant 0 : i32
      %ne3A_420 = arith.cmpi ne, %rem3A_418, %ne3A_419 : i32
      %and3A_421 = arith.andi %ne3A_417, %ne3A_420 : i1
      %sub3A_422 = arith.constant 1 : i32
      %sub3A_423 = arith.subi %div3A_402, %sub3A_422 : i32
      %select_n3A_424 = arith.select %and3A_421, %sub3A_423, %div3A_402 : i32
      %mul3A_425 = arith.constant 8 : i32
      %mul3A_426 = arith.muli %add3A, %mul3A_425 : i32
      %mul3A_427 = arith.constant 8 : i32
      %mul3A_428 = arith.muli %select_n3A_424, %mul3A_427 : i32
      %sub3A_429 = arith.subi %add3A_322, %mul3A_428 : i32
      %add3A_430 = arith.addi %mul3A_426, %sub3A_429 : i32
      %jit3A_431 = arith.constant 4 : i32
      %div3A_432 = arith.divsi %add3A_430, %jit3A_431 : i32
      %sign3A_433 = arith.constant 0 : i32
      %sign3A_434 = arith.cmpi sgt, %add3A_430, %sign3A_433 : i32
      %sign3A_435 = arith.extui %sign3A_434 : i1 to i32
      %sign3A_436 = arith.constant 0 : i32
      %sign3A_437 = arith.cmpi slt, %add3A_430, %sign3A_436 : i32
      %sign3A_438 = arith.extui %sign3A_437 : i1 to i32
      %sign3A_439 = arith.subi %sign3A_435, %sign3A_438 : i32
      %sign3A_440 = arith.constant 0 : i32
      %sign3A_441 = arith.cmpi sgt, %jit3A_431, %sign3A_440 : i32
      %sign3A_442 = arith.extui %sign3A_441 : i1 to i32
      %sign3A_443 = arith.constant 0 : i32
      %sign3A_444 = arith.cmpi slt, %jit3A_431, %sign3A_443 : i32
      %sign3A_445 = arith.extui %sign3A_444 : i1 to i32
      %sign3A_446 = arith.subi %sign3A_442, %sign3A_445 : i32
      %ne3A_447 = arith.cmpi ne, %sign3A_439, %sign3A_446 : i32
      %rem3A_448 = arith.remsi %add3A_430, %jit3A_431 : i32
      %ne3A_449 = arith.constant 0 : i32
      %ne3A_450 = arith.cmpi ne, %rem3A_448, %ne3A_449 : i32
      %and3A_451 = arith.andi %ne3A_447, %ne3A_450 : i1
      %sub3A_452 = arith.constant 1 : i32
      %sub3A_453 = arith.subi %div3A_432, %sub3A_452 : i32
      %select_n3A_454 = arith.select %and3A_451, %sub3A_453, %div3A_432 : i32
      %mul3A_455 = arith.constant 4 : i32
      %mul3A_456 = arith.muli %select_n3A_454, %mul3A_455 : i32
      %sub3A_457 = arith.subi %add3A_430, %mul3A_456 : i32
      %mul3A_458 = arith.constant 3 : i32
      %mul3A_459 = arith.muli %select_n3A_424, %mul3A_458 : i32
      %mul3A_460 = arith.constant 8 : i32
      %mul3A_461 = arith.muli %select_n3A_454, %mul3A_460 : i32
      %mul3A_462 = arith.constant 128 : i32
      %mul3A_463 = arith.muli %sub3A_457, %mul3A_462 : i32
      %dma_start3A_464 = tpu.memref_slice %arg4[%mul3A_459, %mul3A_461, %mul3A_463] : memref<12x512x512xf32, #tpu.memory_space<hbm>> -> memref<3x8x128xf32, #tpu.memory_space<hbm>>
      %dma_start3A_465 = tpu.memref_slice %arg4[%mul3A_459, %mul3A_461, %mul3A_463] : memref<12x512x512xf32, #tpu.memory_space<hbm>> -> memref<3x8x128xf32, #tpu.memory_space<hbm>>
      tpu.enqueue_dma source(%arg11 : memref<3x8x128xf32, #tpu.memory_space<vmem>>) target(%dma_start3A_465 : memref<3x8x128xf32, #tpu.memory_space<hbm>>) target_semaphore(%arg15 : memref<!tpu.dma_semaphore, #tpu.memory_space<semaphore_mem>>)
    }
    %scan3A_97 = arith.constant 16 : i32
    %mul3A_98 = arith.constant 8 : i32
    %mul3A_99 = arith.muli %add3A, %mul3A_98 : i32
    %add3A_100 = arith.constant 6 : i32
    %add3A_101 = arith.addi %mul3A_99, %add3A_100 : i32
    %jit3A_102 = arith.constant 4 : i32
    %div3A_103 = arith.divsi %add3A_101, %jit3A_102 : i32
    %sign3A_104 = arith.constant 0 : i32
    %sign3A_105 = arith.cmpi sgt, %add3A_101, %sign3A_104 : i32
    %sign3A_106 = arith.extui %sign3A_105 : i1 to i32
    %sign3A_107 = arith.constant 0 : i32
    %sign3A_108 = arith.cmpi slt, %add3A_101, %sign3A_107 : i32
    %sign3A_109 = arith.extui %sign3A_108 : i1 to i32
    %sign3A_110 = arith.subi %sign3A_106, %sign3A_109 : i32
    %sign3A_111 = arith.constant 0 : i32
    %sign3A_112 = arith.cmpi sgt, %jit3A_102, %sign3A_111 : i32
    %sign3A_113 = arith.extui %sign3A_112 : i1 to i32
    %sign3A_114 = arith.constant 0 : i32
    %sign3A_115 = arith.cmpi slt, %jit3A_102, %sign3A_114 : i32
    %sign3A_116 = arith.extui %sign3A_115 : i1 to i32
    %sign3A_117 = arith.subi %sign3A_113, %sign3A_116 : i32
    %ne3A_118 = arith.cmpi ne, %sign3A_110, %sign3A_117 : i32
    %rem3A_119 = arith.remsi %add3A_101, %jit3A_102 : i32
    %ne3A_120 = arith.constant 0 : i32
    %ne3A_121 = arith.cmpi ne, %rem3A_119, %ne3A_120 : i32
    %and3A_122 = arith.andi %ne3A_118, %ne3A_121 : i1
    %sub3A_123 = arith.constant 1 : i32
    %sub3A_124 = arith.subi %div3A_103, %sub3A_123 : i32
    %select_n3A_125 = arith.select %and3A_122, %sub3A_124, %div3A_103 : i32
    %mul3A_126 = arith.constant 4 : i32
    %mul3A_127 = arith.muli %select_n3A_125, %mul3A_126 : i32
    %sub3A_128 = arith.subi %add3A_101, %mul3A_127 : i32
    %mul3A_129 = arith.constant 8 : i32
    %mul3A_130 = arith.muli %select_n3A_125, %mul3A_129 : i32
    %mul3A_131 = arith.constant 128 : i32
    %mul3A_132 = arith.muli %sub3A_128, %mul3A_131 : i32
    %dma_wait3A_133 = arith.constant 9 : i32
    %dma_wait3A_134 = tpu.memref_slice %arg4[%dma_wait3A_133, %mul3A_130, %mul3A_132] : memref<12x512x512xf32, #tpu.memory_space<hbm>> -> memref<3x8x128xf32, #tpu.memory_space<hbm>>
    %dma_wait3A_135 = arith.constant 9 : i32
    %dma_wait3A_136 = tpu.memref_slice %arg4[%dma_wait3A_135, %mul3A_130, %mul3A_132] : memref<12x512x512xf32, #tpu.memory_space<hbm>> -> memref<3x8x128xf32, #tpu.memory_space<hbm>>
    tpu.wait_dma2 semaphore(%arg14 : memref<!tpu.dma_semaphore, #tpu.memory_space<semaphore_mem>>) src(%arg10 : memref<3x8x128xf32, #tpu.memory_space<vmem>>) dst(%dma_wait3A_136 : memref<3x8x128xf32, #tpu.memory_space<hbm>>)
    %mul3A_137 = arith.constant 8 : i32
    %mul3A_138 = arith.muli %add3A, %mul3A_137 : i32
    %add3A_139 = arith.constant 7 : i32
    %add3A_140 = arith.addi %mul3A_138, %add3A_139 : i32
    %jit3A_141 = arith.constant 4 : i32
    %div3A_142 = arith.divsi %add3A_140, %jit3A_141 : i32
    %sign3A_143 = arith.constant 0 : i32
    %sign3A_144 = arith.cmpi sgt, %add3A_140, %sign3A_143 : i32
    %sign3A_145 = arith.extui %sign3A_144 : i1 to i32
    %sign3A_146 = arith.constant 0 : i32
    %sign3A_147 = arith.cmpi slt, %add3A_140, %sign3A_146 : i32
    %sign3A_148 = arith.extui %sign3A_147 : i1 to i32
    %sign3A_149 = arith.subi %sign3A_145, %sign3A_148 : i32
    %sign3A_150 = arith.constant 0 : i32
    %sign3A_151 = arith.cmpi sgt, %jit3A_141, %sign3A_150 : i32
    %sign3A_152 = arith.extui %sign3A_151 : i1 to i32
    %sign3A_153 = arith.constant 0 : i32
    %sign3A_154 = arith.cmpi slt, %jit3A_141, %sign3A_153 : i32
    %sign3A_155 = arith.extui %sign3A_154 : i1 to i32
    %sign3A_156 = arith.subi %sign3A_152, %sign3A_155 : i32
    %ne3A_157 = arith.cmpi ne, %sign3A_149, %sign3A_156 : i32
    %rem3A_158 = arith.remsi %add3A_140, %jit3A_141 : i32
    %ne3A_159 = arith.constant 0 : i32
    %ne3A_160 = arith.cmpi ne, %rem3A_158, %ne3A_159 : i32
    %and3A_161 = arith.andi %ne3A_157, %ne3A_160 : i1
    %sub3A_162 = arith.constant 1 : i32
    %sub3A_163 = arith.subi %div3A_142, %sub3A_162 : i32
    %select_n3A_164 = arith.select %and3A_161, %sub3A_163, %div3A_142 : i32
    %mul3A_165 = arith.constant 4 : i32
    %mul3A_166 = arith.muli %select_n3A_164, %mul3A_165 : i32
    %sub3A_167 = arith.subi %add3A_140, %mul3A_166 : i32
    %mul3A_168 = arith.constant 8 : i32
    %mul3A_169 = arith.muli %select_n3A_164, %mul3A_168 : i32
    %mul3A_170 = arith.constant 128 : i32
    %mul3A_171 = arith.muli %sub3A_167, %mul3A_170 : i32
    %dma_wait3A_172 = arith.constant 9 : i32
    %dma_wait3A_173 = tpu.memref_slice %arg4[%dma_wait3A_172, %mul3A_169, %mul3A_171] : memref<12x512x512xf32, #tpu.memory_space<hbm>> -> memref<3x8x128xf32, #tpu.memory_space<hbm>>
    %dma_wait3A_174 = arith.constant 9 : i32
    %dma_wait3A_175 = tpu.memref_slice %arg4[%dma_wait3A_174, %mul3A_169, %mul3A_171] : memref<12x512x512xf32, #tpu.memory_space<hbm>> -> memref<3x8x128xf32, #tpu.memory_space<hbm>>
    tpu.wait_dma2 semaphore(%arg15 : memref<!tpu.dma_semaphore, #tpu.memory_space<semaphore_mem>>) src(%arg11 : memref<3x8x128xf32, #tpu.memory_space<vmem>>) dst(%dma_wait3A_175 : memref<3x8x128xf32, #tpu.memory_space<hbm>>)
    return
  }
}

</mosaic_0001>

<sc_bundles>
// kernel: kernel.3.cloned.1.call-start
scs
__scs_entry_jumppad:
0x0: {  	(pc) =	sbr.rel $0x88, $3  }
0x1: {  	(tag) =	ssettag $0x0;
	lr =	simm.s32 $0x1  }
0x2: {  	[smem:$0x3F9F] =	sst lr;
	_ =	strace $0xD0000000  }
0x3: {  	_ = 	snop  }
0x4: {  	_ = 	snop  }
0x5: {  	_ = 	snop  }
0x6: {  	_ = 	snop  }
0x7: {  	_ = 	snop  }
__scs_overlays_trampoline_lowered:
0x8: {  	[smem:$0x3FAE] =	sst s0  }
0x9: {  	[smem:$0x3FAF] =	sst s1  }
0xa: {  	[smem:$0x3FB0] =	sst s2  }
0xb: {  	[smem:$0x3FB1] =	sst s3  }
0xc: {  	[smem:$0x3FB2] =	sst s4  }
0xd: {  	[smem:$0x3FB3] =	sst s5  }
0xe: {  	[smem:$0x3FB4] =	sst s6  }
0xf: {  	[smem:$0x3FB5] =	sst s7  }
0x10: {  	[smem:$0x3FB6] =	sst s8  }
0x11: {  	[smem:$0x3FB7] =	sst s9;
	s0 =	simm.s32 @!p0 $0x0  }
0x12: {  	s1 =	sld [smem:$0x3F9D];
	s0 =	simm.s32 @p0 $0x1  }
0x13: {  	[smem:$0x3FB8] =	sst s0;
	s0 =	simm.s32 @!p1 $0x0  }
0x14: {  	s2 =	sld [smem:$0x3F9C];
	s0 =	simm.s32 @p1 $0x1  }
0x15: {  	[smem:$0x3FB9] =	sst s0;
	s0 =	simm.s32 @!p2 $0x0  }
0x16: {  	s3 =	sld [smem:$0x3FDB];
	s0 =	simm.s32 @p2 $0x1  }
0x17: {  	s4 =	simm.s32 $0x1BF5;
	[smem:$0x3FBB] =	sst s0  }
0x18: {  	s0 =	sld [smem:$0x3F9E];
	_ =	swait.ge [sflag:s4], $0x0  }
0x19: {  	s7 =	sld [smem:$0x3F9F]  }
0x1a: {  	s8 =	sadd.s32 $0xFFFFE003, lr  }
0x1b: {  	s9 =	sadd.s32 $0xFFFFFEF7, lr;
	s5 =	simm.s32 $0xFFFFFFFF;
	p2 =	slt.u32 s8, $0xFFFFF086  }
0x1c: {  	p1 =	slt.u32 s9, $0xF7A;
	s5 =	simm.s32 @!p2 $0x0  }
0x1d: {  	s5 =	simm.s32 @p1 $0x1;
	p0 =	seq.s32 s7, s2  }
0x1e: {  	s7 =	smul.u32 @!p0 $0xF7A, s2;
	p2 =	seq.s32 @!p0 s5, $0x0  }
0x1f: {  	s9 =	smul.u32 $0xF7A, s1;
	s8 =	simm.s32 @!p0 $0x1BF5;
	p2 =	por !p2, p0  }
0x20: {  	[sflag:s8] =	ssyncset.s32 @!p0 $0xFFFFF086;
	s6 =	sadd.s32 @!p0 s3, s7;
	s7 =	simm.s32 @!p0 $0x108  }
0x21: {  	s3 =	sadd.s32 s3, s9;
	s6 =	sadd.s32 @!p0 $0x88, s6;
	s7 =	simm.s32 @p2 $0x1082  }
0x22: {  	[simem:s7], [sflag:s8] =	dma.local @!p0 [hbm:s6], $0xF7A  }
0x23: {  	s9 =	sor.u32 $0xD0000000, s2;
	s6 =	simm.s32 $0x108;
	_ =	swait.ge @!p0 [sflag:s8], $0x0  }
0x24: {  	s3 =	sadd.s32 $0x88, s3;
	s6 =	simm.s32 @!p1 $0x1082;
	[sflag:s4] =	ssyncset.s32 $0xFFFFF086  }
0x25: {  	[simem:s6], [sflag:s4] =	dma.local [hbm:s3], $0xF7A  }
0x26: {  	[smem:$0x3F9F] =	sst s1;
	(tag) =	ssettag s2;
	_ =	strace s9  }
0x27: {  	s1 =	sld [smem:$0x3FAF]  }
0x28: {  	s2 =	sld [smem:$0x3FB0]  }
0x29: {  	s4 =	sld [smem:$0x3FB2]  }
0x2a: {  	p0 =	seq.s32 s5, $0x0;
	s5 =	sld [smem:$0x3FB3]  }
0x2b: {  	s6 =	sld [smem:$0x3FB4]  }
0x2c: {  	s7 =	sld [smem:$0x3FB5]  }
0x2d: {  	s3 =	simm.s32 $0x108;
	s8 =	sld [smem:$0x3FB6]  }
0x2e: {  	s3 =	simm.s32 @!p0 $0x1082;
	s9 =	sld [smem:$0x3FB7]  }
0x2f: {  	lr =	sadd.s32 s0, s3;
	s0 =	sld [smem:$0x3FAE]  }
0x30: {  	s3 =	sld [smem:$0x3FB1]  }
0x31: {  	[smem:$0x3FBA] =	sst s10  }
0x32: {  	s10 =	sld [smem:$0x3FB8];
	_ =	sdelay $0x3  }
0x33: {  	p0 =	seq.s32 s10, $0x1;
	s10 =	sld [smem:$0x3FBA];
	_ =	sdelay $0x3  }
0x34: {  	[smem:$0x3FBA] =	sst s10  }
0x35: {  	s10 =	sld [smem:$0x3FB9];
	_ =	sdelay $0x3  }
0x36: {  	p1 =	seq.s32 s10, $0x1;
	s10 =	sld [smem:$0x3FBA];
	_ =	sdelay $0x3  }
0x37: {  	[smem:$0x3FBA] =	sst s10  }
0x38: {  	s10 =	sld [smem:$0x3FBB]  }
0x39: {  	_ = 	snop;
	(pc) =	sbr.ind lr, $3  }
0x3a: {  	_ = 	snop  }
0x3b: {  	_ = 	snop  }
0x3c: {  	p2 =	seq.s32 s10, $0x1;
	s10 =	sld [smem:$0x3FBA]  }
0x3d: {  	_ =	shalt  }
0x3e: {  	_ =	shalt  }
0x3f: {  	_ =	shalt  }
0x40: {  	_ =	shalt  }
0x41: {  	_ =	shalt  }
0x42: {  	_ =	shalt  }
0x43: {  	_ =	shalt  }
0x44: {  	_ =	shalt  }
0x45: {  	_ =	shalt  }
0x46: {  	_ =	shalt  }
0x47: {  	_ =	shalt  }
0x48: {  	_ =	shalt  }
0x49: {  	_ =	shalt  }
0x4a: {  	_ =	shalt  }
0x4b: {  	_ =	shalt  }
0x4c: {  	_ =	shalt  }
0x4d: {  	_ =	shalt  }
0x4e: {  	_ =	shalt  }
0x4f: {  	_ =	shalt  }
0x50: {  	_ =	shalt  }
0x51: {  	_ =	shalt  }
0x52: {  	_ =	shalt  }
0x53: {  	_ =	shalt  }
0x54: {  	_ =	shalt  }
0x55: {  	_ =	shalt  }
0x56: {  	_ =	shalt  }
0x57: {  	_ =	shalt  }
0x58: {  	_ =	shalt  }
0x59: {  	_ =	shalt  }
0x5a: {  	_ =	shalt  }
0x5b: {  	_ =	shalt  }
0x5c: {  	_ =	shalt  }
0x5d: {  	_ =	shalt  }
0x5e: {  	_ =	shalt  }
0x5f: {  	_ =	shalt  }
0x60: {  	_ =	shalt  }
0x61: {  	_ =	shalt  }
0x62: {  	_ =	shalt  }
0x63: {  	_ =	shalt  }
0x64: {  	_ =	shalt  }
0x65: {  	_ =	shalt  }
0x66: {  	_ =	shalt  }
0x67: {  	_ =	shalt  }
0x68: {  	_ =	shalt  }
0x69: {  	_ =	shalt  }
0x6a: {  	_ =	shalt  }
0x6b: {  	_ =	shalt  }
0x6c: {  	_ =	shalt  }
0x6d: {  	_ =	shalt  }
0x6e: {  	_ =	shalt  }
0x6f: {  	_ =	shalt  }
0x70: {  	_ =	shalt  }
0x71: {  	_ =	shalt  }
0x72: {  	_ =	shalt  }
0x73: {  	_ =	shalt  }
0x74: {  	_ =	shalt  }
0x75: {  	_ =	shalt  }
0x76: {  	_ =	shalt  }
0x77: {  	_ =	shalt  }
0x78: {  	_ =	shalt  }
0x79: {  	_ =	shalt  }
0x7a: {  	_ =	shalt  }
0x7b: {  	_ =	shalt  }
0x7c: {  	_ =	shalt  }
0x7d: {  	_ =	shalt  }
0x7e: {  	_ =	shalt  }
0x7f: {  	_ =	shalt  }
0x80: {  	_ =	shalt  }
0x81: {  	_ =	shalt  }
0x82: {  	_ =	shalt  }
0x83: {  	_ =	shalt  }
0x84: {  	_ =	shalt  }
0x85: {  	_ =	shalt  }
0x86: {  	_ =	shalt  }
0x87: {  	_ =	shalt  }
.Lfunc_end0:
.L_simem_size_0:
called_computation_lowered:
.L_overlay_start_0:
0x88: {  	s2 =	sld [smem:$0x3FD9]  }
0x89: {  	s3 =	sld [smem:$0x3FFE];
	_ =	sdelay $0x1  }
0x8a: {  	s1 =	srdreg.scid  }
0x8b: {  	s0 =	sand.u32 $0x1, s1  }
0x8c: {  	s17 =	sshll.u32 s0, $0xA;
	s2 =	sadd.s32 s3, s2  }
0x8d: {  	s2 =	sadd.s32 s2, s17  }
0x8e: {  	[smem:$0x3FC6] =	sst s2  }
0x8f: {  	_ = 	snop  }
0x90: {  	s2 =	sld [smem:$0x3FC8]  }
0x91: {  	s18 =	sld [smem:$0x3FD0];
	(tm) =	ssettm $0x1  }
0x92: {  	s4 =	sld [smem:$0x3FFB];
	_ =	sdelay $0x3  }
0x93: {  	_ =	strace s4  }
0x94: {  	s4 =	sld [smem:$0x3FFC];
	_ =	sdelay $0x3  }
0x95: {  	_ =	strace s4  }
0x96: {  	s4 =	sld [smem:$0x3FFD];
	_ =	sdelay $0x3  }
0x97: {  	_ =	strace s4  }
0x98: {  	_ =	strace $0x8FFFFFFF  }
0x99: {  	s19 =	sld [smem:$0x3FDB];
	_ =	sdelay $0x1  }
0x9a: {  	s5 =	simm.s32 $_scs_section_size  }
0x9b: {  	s6 =	simm.s32 $_size__tile_overlayer_lowered;
	s7 =	simm.s32 $_tile_overlayer_lowered  }
0x9c: {  	s22 =	simm.s32 $0x1BFF;
	s21 =	sshll.u32 s7, $0x1;
	s4 =	sadd.s32 s5, s19  }
0x9d: {  	s8 =	simm.s32 $0x0;
	s20 =	sshll.u32 s6, $0x1;
	s6 =	sadd.s32 s21, s4  }
0x9e: {  	[timem:s8], [sflag:s22] =	dma.local [hbm:s6], s20  }
0x9f: {  	_ =	swait.ge [sflag:s22], s20  }
0xa0: {  	s5 =	ssub.s32 $0x0, s20;
	[sflag:s22] =	ssyncset.done $0x0  }
0xa1: {  	[sflag:s22] =	ssyncadd.s32 s5;
	_ =	sdelay $0x1  }
0xa2: {  	s23 =	simm.s32 $0x1B8B  }
0xa3: {  	_ =	swait.ge [sflag:s23], $0x1  }
0xa4: {  	[sflag:s23] =	ssyncset.done $0x0  }
0xa5: {  	s25 =	simm.s32 $0x1B8E;
	s24 =	sld [smem:$0x3FFE];
	[sflag:s23] =	ssyncadd.s32 $0xFFFFFFFF  }
0xa6: {  	s26 =	simm.s32 $execute0_lowered;
	[smem:$0x3FD2] =	sst s25  }
0xa7: {  	s6 =	sshll.u32 s26, $0x1;
	_ =	strace $0x80000046;
	[dreg:$0x1] =	wrdreg $0xFFFFFFFF  }
0xa8: {  	s28 =	simm.s32 $_size_execute0_lowered;
	s4 =	sadd.s32 s4, s6;
	[dreg:$0x0] =	wrdreg $0x0  }
0xa9: {  	s6 =	sshll.u32 s28, $0x1;
	[dreg:$0x2] =	wrdreg s4  }
0xaa: {  	[dreg:$0x3] =	wrdreg s6  }
0xab: {  	[dreg:$0x4] =	wrdreg $0xC0  }
0xac: {  	_ =	task [dreg:s8], $0x5FFFF  }
0xad: {  	[dreg:$0x1] =	wrdreg $0xFFFFFFFF  }
0xae: {  	[dreg:$0x0] =	wrdreg $0x60  }
0xaf: {  	[dreg:$0x2] =	wrdreg s24  }
0xb0: {  	[dreg:$0x3] =	wrdreg s2  }
0xb1: {  	[dreg:$0x4] =	wrdreg s18  }
0xb2: {  	[dreg:$0x5] =	wrdreg $0x9  }
0xb3: {  	_ =	task.clear_ibuf [dreg:s8], $0x6FFFF;
	_ =	strace $0x90000046  }
0xb4: {  	s29 =	simm.s32 $0x9;
	_ =	strace $0x80000048  }
0xb5: {  	_ =	swait.ge [sflag:s29], $0x1  }
0xb6: {  	[sflag:s29] =	ssyncadd.s32 $0xFFFFFFFF  }
0xb7: {  	_ =	strace $0x90000048  }
0xb8: {  	_ =	sfence  }
0xb9: {  	s30 =	sld [smem:$0x0];
	_ =	sdelay $0x2  }
0xba: {  	s31 =	sshll.u32 s1, $0xD;
	s1 =	sshrl.u32 s1, $0x2  }
0xbb: {  	s3 =	sand.u32 $0x4000, s31;
	s1 =	sadd.s32 s1, s30  }
0xbc: {  	s0 =	sor.u32 s3, s0;
	s1 =	sshll.u32 s1, $0x11  }
0xbd: {  	s0 =	sor.u32 s1, s0  }
0xbe: {  	s0 =	sadd.s32 $0x8F2B, s0  }
0xbf: {  	[sflag:s0] =	ssyncadd.remote.s32 $0x1  }
0xc0: {  	_ =	sfence.sel $0xFFFF  }
0xc1: {  	[dreg:$0x0] =	wrdreg $0xFFFFFFFF;
	(pc) =	sbr.abs _section_cstart, $3  }
0xc2: {  	[dreg:$0x1] =	wrdreg $0xFFFFFFFF  }
0xc3: {  	_ =	task.clear_ibuf [dreg:s8], $0x2FFFF;
	_ =	strace $0x9FFFFFFF  }
0xc4: {  	(tm) =	ssettm $0x7FFFFFFF  }
0xc5: {  	_ =	shalt  }
tec
execute0_lowered:
.L_overlay_start_1:
0x0: {  	(tag) =	ssettag $0x1  }
0x1: {  	s0 =	rddreg [dreg:$0x0]  }
0x2: {  	s6 =	rddreg [dreg:$0x1];
	s1 =	srdreg.scid  }
0x3: {  	s2 =	stileid.u32;
	s4 =	simm.s32 $0x0;
	s1 =	sand.u32 $0x1, s1  }
0x4: {  	s2 =	sshll.u32 s2, $0x4;
	[smem:$0x7FF] =	sst s4;
	s7 =	sadd.s32 $0x400, s0  }
0x5: {  	s28 =	sadd.s32 $0x1590, s0;
	_ =	strace $0x80000047;
	[dreg:$0x4] =	wrdreg s7  }
0x6: {  	s0 =	sadd.s32 $0x2720, s0;
	s3 =	sshll.u32 s1, $0x3;
	[dreg:$0x6] =	wrdreg s28  }
0x7: {  	s1 =	ssub.s32 $0x2, s1;
	[dreg:$0x7] =	wrdreg s0;
	s5 =	sor.u32 s3, s2  }
0x8: {  	s25 =	sshrl.u32 s1, $0x1;
	s3 =	sshll.u32 s5, $0x7;
	s30 =	sor.u32 $0x1, s5  }
0x9: {  	s1 =	ssub.s32 s1, s25;
	s26 =	sadd.s32 s6, s3;
	[dreg:$0x9] =	wrdreg s30  }
0xa: {  	s13 =	simm.s32 $0x8C80;
	s31 =	smax.u32 s1, $0x1;
	[dreg:$0x5] =	wrdreg s26  }
0xb: {  	s14 =	simm.s32 $0x11900;
	s29 =	sadd.s32 $0x80, s26;
	[dreg:$0xa] =	wrdreg s31  }
0xc: {  	s2 =	simm.s32 $0x0;
	s6 =	simm.s32 $0x3;
	[dreg:$0x8] =	wrdreg s29  }
.LBB2_1:
0xd: {  	[dreg:$0xb] =	wrdreg s2  }
0xe: {  	s0 =	rddreg [dreg:$0x4]  }
0xf: {  	s25 =	rddreg [dreg:$0x6]  }
0x10: {  	[tilespmem:s4], [sflag:$0x3] =	stream.linear.gather [hbm4b:s0+s4], $0x8C80, $0x38;
	[tilespmem:$0x1D580] =	vst v63  }
0x11: {  	s26 =	rddreg [dreg:$0x7]  }
0x12: {  	[tilespmem:s13], [sflag:$0x3] =	stream.linear.gather [hbm4b:s25+s4], $0x8C80, $0x38;
	[tilespmem:$0x1D580] =	vst v63  }
0x13: {  	s28 =	rddreg [dreg:$0x5]  }
0x14: {  	[tilespmem:s14], [sflag:$0x3] =	stream.linear.gather [hbm4b:s26+s4], $0x8C80, $0x38;
	[tilespmem:$0x1D580] =	vst v63  }
0x15: {  	s1 =	simm.s32 $0x400;
	s29 =	simm.s32 $0x40000;
	s3 =	simm.s32 $0x1A580  }
0x16: {  	[tilespmem:s3], [sflag:$0x1] =	stream.strided.gather [hbm4b:s28+s1], $0xC00, s29, s1, $0x38;
	[tilespmem:$0x1D580] =	vst v63  }
0x17: {  	s30 =	rddreg [dreg:$0x8];
	s31 =	simm.s32 $0x1B180  }
0x18: {  	[tilespmem:s31], [sflag:$0x2] =	stream.strided.gather [hbm4b:s30+s1], $0xC00, s29, s1, $0x38;
	[tilespmem:$0x1D580] =	vst v63  }
0x19: {  	_ =	swait.ge [sflag:s6], $0x8C80  }
0x1a: {  	[sflag:s6] =	ssyncset.done $0x0  }
0x1b: {  	[sflag:s6] =	ssyncadd.s32 $0xFFFF7380  }
0x1c: {  	_ =	swait.ge [sflag:s6], $0x8C80  }
0x1d: {  	[sflag:s6] =	ssyncset.done $0x0  }
0x1e: {  	[sflag:s6] =	ssyncadd.s32 $0xFFFF7380  }
0x1f: {  	_ =	swait.ge [sflag:s6], $0x8C80  }
0x20: {  	[sflag:s6] =	ssyncset.done $0x0  }
0x21: {  	s26 =	simm.s32 $0x0;
	[sflag:s6] =	ssyncadd.s32 $0xFFFF7380  }
.LBB2_2:
0x22: {  	s0 =	simm.s32 $0x1  }
0x23: {  	_ =	swait.ge [sflag:s0], $0xC00  }
0x24: {  	p1 =	seq.s32 s26, $0x0;
	[sflag:s0] =	ssyncset.done $0x0  }
0x25: {  	s2 =	simm.s32 $0x0;
	[sflag:s0] =	ssyncadd.s32 $0xFFFFF400;
	s0 =	simm.s32 @!p1 $0x3  }
0x26: {  	s1 =	sand.u32 $0x40, s2;
	s2 =	sand.u32 $0x7FFFFF80, s2;
	_ =	swait.ge @!p1 [sflag:s0], $0xC00  }
0x27: {  	s3 =	sadd.s32 $0x400, s2;
	s6 =	sor.u32 $0x20, s1;
	[sflag:s0] =	ssyncset.done @!p1 $0x0  }
0x28: {  	s19 =	sadd.s32 $0x800, s2;
	s9 =	sor.u32 s6, s3;
	[sflag:s0] =	ssyncadd.s32 @!p1 $0xFFFFF400  }
0x29: {  	s8 =	sor.u32 s6, s19;
	v0 =	vld [tilespmem:s9+$0x1A580]  }
0x2a: {  	s10 =	sor.u32 s6, s2;
	v1 =	vld [tilespmem:s8+$0x1A580]  }
0x2b: {  	v2 =	vld [tilespmem:s10+$0x1A580];
	_ =	sdelay $0x2  }
0x2c: {  	v0 =	vmul.f32 $3.200000000e+01, v0  }
0x2d: {  	v1 =	vmul.f32 $3.200000000e+01, v1  }
0x2e: {  	v2 =	vmul.f32 $3.200000000e+01, v2;
	v3 =	vtrunc.f32 v0  }
0x2f: {  	v4 =	vtrunc.f32 v1;
	v3 =	vcvt.f32.s32 v3  }
0x30: {  	v5 =	vtrunc.f32 v2;
	v4 =	vcvt.f32.s32 v4  }
0x31: {  	v5 =	vcvt.f32.s32 v5;
	v6 =	vmul.u32 $0x21, v3  }
0x32: {  	v7 =	vmul.u32 $0x441, v4  }
0x33: {  	v6 =	vadd.s32 v5, v6  }
0x34: {  	v15 =	vadd.s32 v7, v6  }
0x35: {  	v12 =	vadd.s32 $0x21, v15  }
0x36: {  	v13 =	vadd.s32 $0x462, v15  }
0x37: {  	s20 =	sor.u32 s1, s3;
	v3 =	vcvt.s32.f32 v3;
	v4 =	vcvt.s32.f32 v4;
	v14 =	vadd.s32 $0x441, v15  }
0x38: {  	v6 =	vld [tilespmem:s20+$0x1A580]  }
0x39: {  	v0 =	vsub.f32 v0, v3;
	v1 =	vsub.f32 v1, v4;
	v11 =	vld.idx.msk [tilespmem:v15+s4+$0x0], $0xffff  }
0x3a: {  	v3 =	vld.idx.msk [tilespmem:v12+s4+$0x0], $0xffff  }
0x3b: {  	v5 =	vcvt.s32.f32 v5;
	v16 =	vsub.f32 $1.000000000e+00, v0;
	v9 =	vsub.f32 $1.000000000e+00, v1;
	v4 =	vld.idx.msk [tilespmem:v13+s4+$0x0], $0xffff  }
0x3c: {  	v17 =	vld.idx.msk [tilespmem:v14+s4+$0x0], $0xffff  }
0x3d: {  	v10 =	vsub.f32 v2, v5;
	v8 =	vmul.f32 v9, v16  }
0x3e: {  	v9 =	vmul.f32 v9, v0;
	v16 =	vmul.f32 v1, v16;
	v2 =	vunpack.i.u.bf16.f32 v11  }
0x3f: {  	s7 =	sor.u32 s1, s19;
	v6 =	vmul.f32 $3.200000000e+01, v6;
	v5 =	vunpack.i.u.bf16.f32 v3;
	v2 =	vmul.f32 v2, v10  }
0x40: {  	v7 =	vld [tilespmem:s7+$0x1A580];
	v11 =	vunpack.i.l.bf16.f32 v11;
	v3 =	vunpack.i.l.bf16.f32 v3;
	v5 =	vmul.f32 v5, v10  }
0x41: {  	s11 =	simm.s32 $0x1A580;
	v18 =	vunpack.i.u.bf16.f32 v17;
	v19 =	vunpack.i.u.bf16.f32 v4;
	v2 =	vadd.f32 v2, v11  }
0x42: {  	v20 =	vld [tilespmem:s11+$0x0];
	v11 =	vunpack.i.l.bf16.f32 v17;
	v3 =	vadd.f32 v5, v3;
	v5 =	vmul.f32 v18, v10  }
0x43: {  	v17 =	vmul.f32 v19, v10;
	v18 =	vmul.f32 v1, v0;
	v0 =	vunpack.i.l.bf16.f32 v4  }
0x44: {  	v2 =	vmul.f32 v8, v2;
	v5 =	vadd.f32 v5, v11;
	v3 =	vmul.f32 v3, v9  }
0x45: {  	v7 =	vmul.f32 $3.200000000e+01, v7;
	v0 =	vadd.f32 v17, v0  }
0x46: {  	v11 =	vtrunc.f32 v6;
	v1 =	vadd.f32 v3, v2;
	v2 =	vmul.f32 v5, v16  }
0x47: {  	v4 =	vcvt.f32.s32 v11;
	v3 =	vmul.f32 $3.200000000e+01, v20  }
0x48: {  	v0 =	vmul.f32 v0, v18;
	v5 =	vtrunc.f32 v7;
	v1 =	vadd.f32 v2, v1  }
0x49: {  	v5 =	vcvt.f32.s32 v5;
	v2 =	vtrunc.f32 v3  }
0x4a: {  	v11 =	vmul.u32 $0x21, v4;
	v2 =	vcvt.f32.s32 v2;
	v0 =	vadd.f32 v0, v1  }
0x4b: {  	v1 =	vmul.u32 $0x441, v5  }
0x4c: {  	v4 =	vcvt.s32.f32 v4;
	v5 =	vcvt.s32.f32 v5;
	v11 =	vadd.s32 v2, v11;
	[tilespmem:s10+$0x1BD80] =	vst v0  }
0x4d: {  	v1 =	vadd.s32 v1, v11;
	v11 =	vld.idx.msk [tilespmem:v15+s13+$0x0], $0xffff  }
0x4e: {  	v17 =	vsub.f32 v6, v4;
	v19 =	vsub.f32 v7, v5;
	v5 =	vld.idx.msk [tilespmem:v12+s13+$0x0], $0xffff  }
0x4f: {  	v6 =	vadd.s32 $0x21, v1;
	v20 =	vld.idx.msk [tilespmem:v13+s13+$0x0], $0xffff  }
0x50: {  	v21 =	vsub.f32 $1.000000000e+00, v17;
	v0 =	vcvt.s32.f32 v2;
	v23 =	vld.idx.msk [tilespmem:v14+s13+$0x0], $0xffff;
	v22 =	vsub.f32 $1.000000000e+00, v19  }
0x51: {  	v7 =	vadd.s32 $0x441, v1  }
0x52: {  	v2 =	vadd.s32 $0x462, v1;
	v0 =	vsub.f32 v3, v0;
	v4 =	vmul.f32 v22, v21  }
0x53: {  	v3 =	vmul.f32 v22, v17;
	v26 =	vld.idx.msk [tilespmem:v1+s4+$0x0], $0xffff;
	v24 =	vunpack.i.u.bf16.f32 v11;
	v25 =	vunpack.i.u.bf16.f32 v5  }
0x54: {  	v22 =	vld.idx.msk [tilespmem:v6+s4+$0x0], $0xffff;
	v27 =	vunpack.i.u.bf16.f32 v20;
	v24 =	vmul.f32 v24, v10;
	v25 =	vmul.f32 v25, v10  }
0x55: {  	v11 =	vunpack.i.l.bf16.f32 v11;
	v5 =	vunpack.i.l.bf16.f32 v5;
	v28 =	vunpack.i.u.bf16.f32 v23  }
0x56: {  	v11 =	vadd.f32 v24, v11;
	v24 =	vadd.f32 v25, v5;
	v25 =	vmul.f32 v28, v10  }
0x57: {  	v5 =	vmul.f32 v19, v21;
	v21 =	vunpack.i.l.bf16.f32 v23;
	v23 =	vmul.f32 v27, v10  }
0x58: {  	v27 =	vld.idx.msk [tilespmem:v7+s4+$0x0], $0xffff;
	v21 =	vadd.f32 v25, v21;
	v11 =	vmul.f32 v11, v8;
	v24 =	vmul.f32 v24, v9  }
0x59: {  	v20 =	vunpack.i.l.bf16.f32 v20;
	v28 =	vunpack.i.u.bf16.f32 v26;
	v25 =	vunpack.i.u.bf16.f32 v22  }
0x5a: {  	v29 =	vld.idx.msk [tilespmem:v2+s4+$0x0], $0xffff;
	v20 =	vadd.f32 v23, v20;
	v11 =	vadd.f32 v24, v11;
	v21 =	vmul.f32 v21, v16  }
0x5b: {  	v23 =	vmul.f32 v25, v0;
	v24 =	vmul.f32 v28, v0  }
0x5c: {  	v25 =	vunpack.i.l.bf16.f32 v26;
	v20 =	vmul.f32 v20, v18;
	v11 =	vadd.f32 v21, v11  }
0x5d: {  	v21 =	vunpack.i.l.bf16.f32 v22;
	v22 =	vunpack.i.u.bf16.f32 v27;
	v24 =	vadd.f32 v24, v25  }
0x5e: {  	v21 =	vadd.f32 v23, v21;
	v22 =	vmul.f32 v22, v0;
	v11 =	vadd.f32 v20, v11  }
0x5f: {  	v23 =	vunpack.i.u.bf16.f32 v29;
	v20 =	vunpack.i.l.bf16.f32 v27;
	v24 =	vmul.f32 v4, v24  }
0x60: {  	v20 =	vadd.f32 v22, v20;
	v21 =	vmul.f32 v21, v3;
	v22 =	vmul.f32 v23, v0;
	[tilespmem:s9+$0x1BD80] =	vst v11  }
0x61: {  	v11 =	vmul.f32 v19, v17;
	v17 =	vunpack.i.l.bf16.f32 v29;
	v15 =	vld.idx.msk [tilespmem:v15+s14+$0x0], $0xffff  }
0x62: {  	v19 =	vadd.f32 v21, v24;
	v20 =	vmul.f32 v20, v5;
	v17 =	vadd.f32 v22, v17;
	v12 =	vld.idx.msk [tilespmem:v12+s14+$0x0], $0xffff;
	_ =	sdelay $0x1  }
0x63: {  	v14 =	vld.idx.msk [tilespmem:v14+s14+$0x0], $0xffff;
	v19 =	vadd.f32 v20, v19;
	v17 =	vmul.f32 v17, v11  }
0x64: {  	v13 =	vld.idx.msk [tilespmem:v13+s14+$0x0], $0xffff  }
0x65: {  	v17 =	vadd.f32 v17, v19  }
0x66: {  	s21 =	simm.s32 $0x1BD80;
	v19 =	vunpack.i.u.bf16.f32 v15;
	v20 =	vunpack.i.u.bf16.f32 v12  }
0x67: {  	[tilespmem:s21+$0x0] =	vst v17;
	v17 =	vmul.f32 v19, v10;
	v19 =	vmul.f32 v20, v10  }
0x68: {  	v15 =	vunpack.i.l.bf16.f32 v15;
	v12 =	vunpack.i.l.bf16.f32 v12;
	v22 =	vunpack.i.u.bf16.f32 v14;
	v21 =	vld.idx.msk [tilespmem:v1+s13+$0x0], $0xffff  }
0x69: {  	v20 =	vunpack.i.u.bf16.f32 v13;
	v23 =	vld.idx.msk [tilespmem:v6+s13+$0x0], $0xffff;
	v15 =	vadd.f32 v17, v15;
	v12 =	vadd.f32 v19, v12  }
0x6a: {  	v17 =	vmul.f32 v22, v10;
	v10 =	vmul.f32 v20, v10  }
0x6b: {  	v14 =	vunpack.i.l.bf16.f32 v14;
	v8 =	vmul.f32 v15, v8;
	v9 =	vmul.f32 v12, v9  }
0x6c: {  	v13 =	vunpack.i.l.bf16.f32 v13;
	v14 =	vadd.f32 v17, v14;
	v12 =	vld.idx.msk [tilespmem:v7+s13+$0x0], $0xffff  }
0x6d: {  	v15 =	vld.idx.msk [tilespmem:v2+s13+$0x0], $0xffff;
	v10 =	vadd.f32 v10, v13;
	v8 =	vadd.f32 v9, v8  }
0x6e: {  	v9 =	vmul.f32 v14, v16;
	v13 =	vunpack.i.u.bf16.f32 v21;
	v14 =	vunpack.i.u.bf16.f32 v23  }
0x6f: {  	v16 =	vunpack.i.l.bf16.f32 v23;
	v13 =	vmul.f32 v13, v0;
	v14 =	vmul.f32 v14, v0  }
0x70: {  	v8 =	vadd.f32 v9, v8;
	v9 =	vmul.f32 v10, v18;
	v10 =	vunpack.i.l.bf16.f32 v21  }
0x71: {  	v17 =	vunpack.i.u.bf16.f32 v12;
	v10 =	vadd.f32 v13, v10;
	v13 =	vadd.f32 v14, v16  }
0x72: {  	v14 =	vunpack.i.u.bf16.f32 v15;
	v8 =	vadd.f32 v9, v8;
	v9 =	vmul.f32 v17, v0  }
0x73: {  	s22 =	sor.u32 $0x30, s1;
	v12 =	vunpack.i.l.bf16.f32 v12;
	v14 =	vmul.f32 v14, v0  }
0x74: {  	s12 =	sor.u32 s22, s3;
	[tilespmem:s8+$0x1BD80] =	vst v8;
	v8 =	vadd.f32 v9, v12;
	v9 =	vmul.f32 v10, v4;
	v10 =	vmul.f32 v13, v3  }
0x75: {  	s17 =	sor.u32 s22, s19;
	v13 =	vunpack.i.l.bf16.f32 v15;
	v12 =	vld [tilespmem:s12+$0x1A580]  }
0x76: {  	s23 =	sor.u32 s22, s2;
	v15 =	vld [tilespmem:s17+$0x1A580];
	v13 =	vadd.f32 v14, v13;
	v8 =	vmul.f32 v8, v5;
	v9 =	vadd.f32 v10, v9  }
0x77: {  	v10 =	vld [tilespmem:s23+$0x1A580]  }
0x78: {  	v13 =	vmul.f32 v13, v11;
	v8 =	vadd.f32 v8, v9;
	_ =	sdelay $0x1  }
0x79: {  	v9 =	vmul.f32 $3.200000000e+01, v12;
	v8 =	vadd.f32 v13, v8  }
0x7a: {  	v13 =	vmul.f32 $3.200000000e+01, v15  }
0x7b: {  	v14 =	vmul.f32 $3.200000000e+01, v10;
	v10 =	vtrunc.f32 v9;
	[tilespmem:s20+$0x1BD80] =	vst v8  }
0x7c: {  	v8 =	vcvt.f32.s32 v10;
	v10 =	vtrunc.f32 v13;
	v1 =	vld.idx.msk [tilespmem:v1+s14+$0x0], $0xffff  }
0x7d: {  	v12 =	vtrunc.f32 v14;
	v6 =	vld.idx.msk [tilespmem:v6+s14+$0x0], $0xffff;
	v15 =	vcvt.f32.s32 v10  }
0x7e: {  	v7 =	vld.idx.msk [tilespmem:v7+s14+$0x0], $0xffff;
	v16 =	vcvt.f32.s32 v12;
	v10 =	vmul.u32 $0x21, v8;
	v8 =	vcvt.s32.f32 v8  }
0x7f: {  	v19 =	vld.idx.msk [tilespmem:v2+s14+$0x0], $0xffff;
	v12 =	vmul.u32 $0x441, v15;
	v15 =	vcvt.s32.f32 v15  }
0x80: {  	v10 =	vadd.s32 v16, v10;
	v22 =	vsub.f32 v9, v8;
	v9 =	vcvt.s32.f32 v16  }
0x81: {  	v12 =	vadd.s32 v12, v10;
	v17 =	vunpack.i.u.bf16.f32 v1;
	v18 =	vunpack.i.l.bf16.f32 v1  }
0x82: {  	v20 =	vunpack.i.u.bf16.f32 v6;
	v6 =	vunpack.i.l.bf16.f32 v6;
	v10 =	vadd.s32 $0x21, v12  }
0x83: {  	v2 =	vadd.s32 $0x462, v12;
	v17 =	vmul.f32 v17, v0;
	v20 =	vmul.f32 v20, v0  }
0x84: {  	v21 =	vunpack.i.u.bf16.f32 v7;
	v8 =	vunpack.i.u.bf16.f32 v19;
	v1 =	vadd.s32 $0x441, v12  }
0x85: {  	v17 =	vadd.f32 v17, v18;
	v6 =	vadd.f32 v20, v6;
	v20 =	vmul.f32 v21, v0  }
0x86: {  	v7 =	vunpack.i.l.bf16.f32 v7;
	v13 =	vsub.f32 v13, v15;
	v0 =	vmul.f32 v8, v0;
	v18 =	vld.idx.msk [tilespmem:v12+s4+$0x0], $0xffff  }
0x87: {  	v7 =	vadd.f32 v20, v7;
	v4 =	vmul.f32 v17, v4;
	v3 =	vmul.f32 v6, v3;
	v21 =	vld.idx.msk [tilespmem:v10+s4+$0x0], $0xffff  }
0x88: {  	v19 =	vunpack.i.l.bf16.f32 v19;
	v16 =	vsub.f32 $1.000000000e+00, v22;
	v20 =	vsub.f32 $1.000000000e+00, v13;
	v15 =	vld.idx.msk [tilespmem:v2+s4+$0x0], $0xffff  }
0x89: {  	v0 =	vadd.f32 v0, v19;
	v17 =	vld.idx.msk [tilespmem:v1+s4+$0x0], $0xffff;
	v23 =	vmul.f32 v7, v5;
	v3 =	vadd.f32 v3, v4  }
0x8a: {  	v9 =	vsub.f32 v14, v9;
	v8 =	vmul.f32 v20, v16  }
0x8b: {  	v7 =	vmul.f32 v20, v22;
	v0 =	vmul.f32 v0, v11;
	v3 =	vadd.f32 v23, v3  }
0x8c: {  	v5 =	vunpack.i.u.bf16.f32 v18;
	v14 =	vunpack.i.l.bf16.f32 v18;
	v6 =	vunpack.i.u.bf16.f32 v21  }
0x8d: {  	v5 =	vmul.f32 v5, v9;
	v18 =	vunpack.i.l.bf16.f32 v21;
	v6 =	vmul.f32 v6, v9  }
0x8e: {  	v20 =	vunpack.i.u.bf16.f32 v17;
	v21 =	vunpack.i.u.bf16.f32 v15;
	v15 =	vunpack.i.l.bf16.f32 v15  }
0x8f: {  	v5 =	vadd.f32 v5, v14;
	v14 =	vadd.f32 v6, v18;
	v18 =	vmul.f32 v20, v9  }
0x90: {  	v4 =	vmul.f32 v21, v9;
	v6 =	vmul.f32 v13, v16;
	v16 =	vunpack.i.l.bf16.f32 v17  }
0x91: {  	v17 =	vmul.f32 v8, v5;
	v14 =	vmul.f32 v14, v7;
	v16 =	vadd.f32 v18, v16  }
0x92: {  	v0 =	vadd.f32 v0, v3;
	v4 =	vadd.f32 v4, v15  }
0x93: {  	v5 =	vmul.f32 v13, v22;
	v13 =	vadd.f32 v14, v17;
	v14 =	vmul.f32 v16, v6  }
0x94: {  	s24 =	simm.s32 $0x1A5C0;
	[tilespmem:s7+$0x1BD80] =	vst v0;
	s7 =	simm.s32 $0x40  }
0x95: {  	s25 =	sor.u32 $0x10, s1;
	v11 =	vld [tilespmem:s24+$0x0];
	s8 =	sand.u32 $0x40, s7;
	s1 =	sand.u32 $0x7FFFFF80, s7;
	v4 =	vmul.f32 v4, v5;
	v13 =	vadd.f32 v14, v13  }
0x96: {  	s6 =	sor.u32 s25, s3;
	s7 =	sadd.s32 $0x400, s1;
	s16 =	sor.u32 $0x20, s8  }
0x97: {  	v0 =	vld [tilespmem:s6+$0x1A580];
	s18 =	sadd.s32 $0x800, s1;
	s21 =	sor.u32 s16, s7;
	v3 =	vadd.f32 v4, v13  }
0x98: {  	s22 =	sor.u32 s16, s18;
	v21 =	vld [tilespmem:s21+$0x1A580]  }
0x99: {  	v24 =	vld [tilespmem:s22+$0x1A580];
	[tilespmem:s23+$0x1BD80] =	vst v3  }
0x9a: {  	v3 =	vmul.f32 $3.200000000e+01, v11;
	v4 =	vld.idx.msk [tilespmem:v12+s13+$0x0], $0xffff  }
0x9b: {  	v11 =	vld.idx.msk [tilespmem:v10+s13+$0x0], $0xffff  }
0x9c: {  	v14 =	vld.idx.msk [tilespmem:v2+s13+$0x0], $0xffff;
	v13 =	vtrunc.f32 v3  }
0x9d: {  	v18 =	vmul.f32 $3.200000000e+01, v0;
	v17 =	vcvt.f32.s32 v13;
	v13 =	vld.idx.msk [tilespmem:v1+s13+$0x0], $0xffff  }
0x9e: {  	s29 =	sor.u32 s25, s19  }
0x9f: {  	v15 =	vld [tilespmem:s29+$0x1A580];
	v16 =	vtrunc.f32 v18;
	v21 =	vmul.f32 $3.200000000e+01, v21  }
0xa0: {  	v24 =	vmul.f32 $3.200000000e+01, v24;
	v0 =	vcvt.s32.f32 v17;
	v19 =	vunpack.i.u.bf16.f32 v4  }
0xa1: {  	v20 =	vunpack.i.u.bf16.f32 v11;
	v22 =	vunpack.i.u.bf16.f32 v14;
	v19 =	vmul.f32 v19, v9  }
0xa2: {  	s15 =	sor.u32 s16, s1;
	v4 =	vunpack.i.l.bf16.f32 v4;
	v20 =	vmul.f32 v20, v9;
	v23 =	vunpack.i.u.bf16.f32 v13  }
0xa3: {  	v11 =	vunpack.i.l.bf16.f32 v11;
	v4 =	vadd.f32 v19, v4;
	v19 =	vmul.f32 v23, v9;
	v23 =	vld [tilespmem:s15+$0x1A580]  }
0xa4: {  	v13 =	vunpack.i.l.bf16.f32 v13;
	v11 =	vadd.f32 v20, v11;
	v20 =	vmul.f32 $3.200000000e+01, v15  }
0xa5: {  	v15 =	vmul.f32 v22, v9;
	v13 =	vadd.f32 v19, v13;
	v4 =	vmul.f32 v4, v8  }
0xa6: {  	s23 =	sor.u32 s25, s2;
	v22 =	vmul.f32 v11, v7;
	v11 =	vsub.f32 v3, v0;
	v3 =	vunpack.i.l.bf16.f32 v14  }
0xa7: {  	v19 =	vld [tilespmem:s23+$0x1A580];
	v3 =	vadd.f32 v15, v3;
	v0 =	vmul.f32 v13, v6;
	v13 =	vtrunc.f32 v21  }
0xa8: {  	v23 =	vmul.f32 $3.200000000e+01, v23;
	v14 =	vcvt.f32.s32 v13  }
0xa9: {  	v4 =	vadd.f32 v22, v4;
	v13 =	vtrunc.f32 v24;
	v3 =	vmul.f32 v3, v5  }
0xaa: {  	v22 =	vcvt.f32.s32 v13;
	v15 =	vtrunc.f32 v23  }
0xab: {  	s24 =	sor.u32 s8, s7;
	v0 =	vadd.f32 v0, v4;
	v13 =	vmul.u32 $0x21, v14;
	v25 =	vcvt.f32.s32 v15  }
0xac: {  	v27 =	vld [tilespmem:s24+$0x1A580];
	v16 =	vcvt.f32.s32 v16;
	v19 =	vmul.f32 $3.200000000e+01, v19;
	v4 =	vmul.u32 $0x441, v22  }
0xad: {  	v15 =	vtrunc.f32 v20;
	v0 =	vadd.f32 v3, v0;
	v13 =	vadd.s32 v25, v13  }
0xae: {  	v26 =	vtrunc.f32 v19;
	v15 =	vcvt.f32.s32 v15;
	v3 =	vadd.s32 v4, v13  }
0xaf: {  	s25 =	sor.u32 s8, s18;
	v26 =	vcvt.f32.s32 v26;
	v13 =	vmul.u32 $0x21, v16;
	v4 =	vadd.s32 $0x21, v3  }
0xb0: {  	v37 =	vcvt.s32.f32 v16;
	v28 =	vld [tilespmem:s25+$0x1A580];
	[tilespmem:s12+$0x1BD80] =	vst v0;
	v16 =	vmul.u32 $0x441, v15;
	v32 =	vadd.s32 $0x462, v3  }
0xb1: {  	v39 =	vmul.f32 $3.200000000e+01, v27;
	v12 =	vld.idx.msk [tilespmem:v12+s14+$0x0], $0xffff;
	v33 =	vadd.s32 $0x441, v3;
	v0 =	vadd.s32 v26, v13  }
0xb2: {  	v29 =	vld.idx.msk [tilespmem:v10+s14+$0x0], $0xffff;
	v13 =	vadd.s32 v16, v0;
	v0 =	vcvt.s32.f32 v14;
	v16 =	vcvt.s32.f32 v22  }
0xb3: {  	v37 =	vsub.f32 v18, v37;
	v22 =	vcvt.s32.f32 v26;
	v26 =	vld.idx.msk [tilespmem:v3+s4+$0x0], $0xffff  }
0xb4: {  	v41 =	vtrunc.f32 v39;
	v21 =	vsub.f32 v21, v0;
	v24 =	vsub.f32 v24, v16;
	v16 =	vld.idx.msk [tilespmem:v4+s4+$0x0], $0xffff  }
0xb5: {  	v40 =	vmul.f32 $3.200000000e+01, v28;
	v38 =	vcvt.s32.f32 v15;
	v0 =	vsub.f32 v19, v22;
	v27 =	vld.idx.msk [tilespmem:v32+s4+$0x0], $0xffff  }
0xb6: {  	v19 =	vcvt.s32.f32 v25;
	v28 =	vld.idx.msk [tilespmem:v33+s4+$0x0], $0xffff;
	v22 =	vsub.f32 $1.000000000e+00, v21;
	v25 =	vsub.f32 $1.000000000e+00, v24  }
0xb7: {  	v14 =	vadd.s32 $0x21, v13;
	v30 =	vunpack.i.u.bf16.f32 v12;
	v36 =	vunpack.i.u.bf16.f32 v29  }
0xb8: {  	v42 =	vmul.f32 v30, v9;
	v34 =	vsub.f32 v23, v19;
	v30 =	vmul.f32 v25, v22  }
0xb9: {  	v31 =	vmul.f32 v25, v21;
	v19 =	vunpack.i.u.bf16.f32 v26;
	v23 =	vunpack.i.u.bf16.f32 v16  }
0xba: {  	v25 =	vunpack.i.l.bf16.f32 v26;
	v19 =	vmul.f32 v19, v34;
	v23 =	vmul.f32 v23, v34  }
0xbb: {  	v26 =	vunpack.i.l.bf16.f32 v16;
	v35 =	vunpack.i.u.bf16.f32 v28;
	v43 =	vunpack.i.u.bf16.f32 v27  }
0xbc: {  	v16 =	vld.idx.msk [tilespmem:v2+s14+$0x0], $0xffff;
	v2 =	vadd.f32 v19, v25;
	v25 =	vmul.f32 v35, v34;
	v23 =	vadd.f32 v23, v26  }
0xbd: {  	v35 =	vmul.f32 v24, v22;
	v22 =	vunpack.i.l.bf16.f32 v28;
	v26 =	vmul.f32 v43, v34  }
0xbe: {  	v19 =	vld.idx.msk [tilespmem:v1+s14+$0x0], $0xffff;
	v1 =	vadd.f32 v25, v22;
	v2 =	vmul.f32 v30, v2;
	v23 =	vmul.f32 v23, v31  }
0xbf: {  	v22 =	vmul.f32 v36, v9;
	v36 =	vmul.f32 v24, v21;
	v21 =	vunpack.i.l.bf16.f32 v27  }
0xc0: {  	v21 =	vadd.f32 v26, v21;
	v1 =	vmul.f32 v1, v35;
	v2 =	vadd.f32 v23, v2  }
0xc1: {  	v38 =	vsub.f32 v20, v38;
	v15 =	vadd.s32 $0x441, v13;
	v25 =	vtrunc.f32 v40  }
0xc2: {  	v61 =	vld.idx.msk [tilespmem:v14+s4+$0x0], $0xffff;
	v23 =	vcvt.f32.s32 v41;
	v1 =	vadd.f32 v1, v2;
	v2 =	vmul.f32 v21, v36  }
0xc3: {  	v10 =	vadd.s32 $0x462, v13;
	v12 =	vunpack.i.l.bf16.f32 v12;
	v21 =	vcvt.f32.s32 v25  }
0xc4: {  	v27 =	vunpack.i.l.bf16.f32 v29;
	v25 =	vcvt.s32.f32 v23;
	v1 =	vadd.f32 v2, v1  }
0xc5: {  	v29 =	vadd.f32 v42, v12;
	v23 =	vmul.u32 $0x21, v23;
	v12 =	vcvt.s32.f32 v21  }
0xc6: {  	v43 =	vsub.f32 $1.000000000e+00, v38;
	v2 =	vld.idx.msk [tilespmem:v13+s4+$0x0], $0xffff;
	v21 =	vmul.u32 $0x441, v21;
	v18 =	vsub.f32 v39, v25;
	[tilespmem:s15+$0x1BD80] =	vst v1  }
0xc7: {  	v41 =	vunpack.i.l.bf16.f32 v61;
	v17 =	vadd.s32 v17, v23;
	v62 =	vsub.f32 v40, v12;
	v63 =	vld.idx.msk [tilespmem:v3+s13+$0x0], $0xffff  }
0xc8: {  	v1 =	vunpack.i.u.bf16.f32 v61;
	v26 =	vadd.s32 v21, v17;
	v17 =	vsub.f32 $1.000000000e+00, v18;
	v54 =	vld.idx.msk [tilespmem:v4+s13+$0x0], $0xffff  }
0xc9: {  	v25 =	vadd.s32 $0x21, v26;
	v23 =	vadd.s32 $0x441, v26;
	v44 =	vld.idx.msk [tilespmem:v32+s13+$0x0], $0xffff;
	v55 =	vsub.f32 $1.000000000e+00, v62  }
0xca: {  	v21 =	vadd.s32 $0x462, v26;
	v1 =	vmul.f32 v1, v0;
	v46 =	vld.idx.msk [tilespmem:v33+s13+$0x0], $0xffff;
	v12 =	vmul.f32 v62, v18  }
0xcb: {  	v47 =	vunpack.i.u.bf16.f32 v2;
	v2 =	vunpack.i.l.bf16.f32 v2;
	v20 =	vmul.f32 v55, v17  }
0xcc: {  	v41 =	vadd.f32 v1, v41;
	v18 =	vmul.f32 v55, v18;
	v17 =	vmul.f32 v62, v17  }
0xcd: {  	v39 =	vmul.f32 v47, v0;
	v48 =	vunpack.i.u.bf16.f32 v63;
	v49 =	vunpack.i.u.bf16.f32 v54  }
0xce: {  	v50 =	vld.idx.msk [tilespmem:v26+s4+$0x0], $0xffff;
	v51 =	vunpack.i.u.bf16.f32 v44;
	v48 =	vmul.f32 v48, v34;
	v49 =	vmul.f32 v49, v34  }
0xcf: {  	v56 =	vld.idx.msk [tilespmem:v25+s4+$0x0], $0xffff;
	v40 =	vunpack.i.l.bf16.f32 v63;
	v42 =	vunpack.i.l.bf16.f32 v54;
	v52 =	vunpack.i.u.bf16.f32 v46  }
0xd0: {  	v57 =	vmul.f32 v52, v34;
	v40 =	vadd.f32 v48, v40;
	v42 =	vadd.f32 v49, v42  }
0xd1: {  	v46 =	vunpack.i.l.bf16.f32 v46;
	v59 =	vld.idx.msk [tilespmem:v23+s4+$0x0], $0xffff;
	v44 =	vunpack.i.l.bf16.f32 v44;
	v58 =	vmul.f32 v51, v34  }
0xd2: {  	v53 =	vld.idx.msk [tilespmem:v21+s4+$0x0], $0xffff;
	v46 =	vadd.f32 v57, v46;
	v40 =	vmul.f32 v40, v30;
	v42 =	vmul.f32 v42, v31  }
0xd3: {  	v44 =	vadd.f32 v58, v44;
	v61 =	vunpack.i.u.bf16.f32 v50;
	v52 =	vunpack.i.l.bf16.f32 v50  }
0xd4: {  	v60 =	vunpack.i.u.bf16.f32 v56;
	v62 =	vmul.f32 v46, v35;
	v40 =	vadd.f32 v42, v40  }
0xd5: {  	v63 =	vmul.f32 v61, v11;
	v54 =	vmul.f32 v44, v36;
	v55 =	vunpack.i.l.bf16.f32 v56  }
0xd6: {  	v56 =	vunpack.i.u.bf16.f32 v59;
	v1 =	vmul.f32 v60, v11;
	v40 =	vadd.f32 v62, v40  }
0xd7: {  	v58 =	vunpack.i.l.bf16.f32 v59;
	v59 =	vunpack.i.u.bf16.f32 v53;
	v46 =	vadd.f32 v63, v52  }
0xd8: {  	v48 =	vld.idx.msk [tilespmem:v15+s4+$0x0], $0xffff;
	v57 =	vmul.f32 v56, v11;
	v1 =	vadd.f32 v1, v55;
	v40 =	vadd.f32 v54, v40  }
0xd9: {  	v39 =	vadd.f32 v39, v2;
	v2 =	vmul.f32 v43, v37;
	v49 =	vmul.f32 v59, v11;
	v42 =	vld.idx.msk [tilespmem:v10+s4+$0x0], $0xffff  }
0xda: {  	v44 =	vadd.f32 v57, v58;
	v46 =	vmul.f32 v20, v46;
	v60 =	vmul.f32 v1, v18;
	[tilespmem:s21+$0x1BD80] =	vst v40  }
0xdb: {  	v45 =	vsub.f32 $1.000000000e+00, v37;
	v41 =	vmul.f32 v41, v2;
	v62 =	vunpack.i.l.bf16.f32 v53;
	v63 =	vld.idx.msk [tilespmem:v3+s14+$0x0], $0xffff  }
0xdc: {  	v44 =	vmul.f32 v44, v17;
	v49 =	vadd.f32 v49, v62;
	v3 =	vadd.f32 v60, v46;
	v4 =	vld.idx.msk [tilespmem:v4+s14+$0x0], $0xffff  }
0xdd: {  	v61 =	vunpack.i.u.bf16.f32 v48;
	v50 =	vunpack.i.l.bf16.f32 v48;
	v1 =	vmul.f32 v43, v45  }
0xde: {  	v40 =	vmul.f32 v61, v0;
	v32 =	vld.idx.msk [tilespmem:v32+s14+$0x0], $0xffff;
	v46 =	vmul.f32 v49, v12;
	v44 =	vadd.f32 v44, v3  }
0xdf: {  	v52 =	vunpack.i.u.bf16.f32 v42;
	v39 =	vmul.f32 v1, v39;
	v42 =	vunpack.i.l.bf16.f32 v42;
	v33 =	vld.idx.msk [tilespmem:v33+s14+$0x0], $0xffff  }
0xe0: {  	v54 =	vmul.f32 v52, v0;
	v40 =	vadd.f32 v40, v50;
	v53 =	vadd.f32 v46, v44  }
0xe1: {  	s12 =	simm.s32 $0x1BDC0;
	v3 =	vmul.f32 v38, v45;
	v55 =	vunpack.i.u.bf16.f32 v63;
	v56 =	vunpack.i.u.bf16.f32 v4  }
0xe2: {  	v51 =	vadd.f32 v54, v42;
	[tilespmem:s12+$0x0] =	vst v53;
	v57 =	vmul.f32 v55, v34;
	v58 =	vmul.f32 v56, v34  }
0xe3: {  	v59 =	vunpack.i.u.bf16.f32 v32;
	v61 =	vunpack.i.l.bf16.f32 v63;
	v4 =	vunpack.i.l.bf16.f32 v4;
	v60 =	vld.idx.msk [tilespmem:v26+s13+$0x0], $0xffff  }
0xe4: {  	v62 =	vunpack.i.u.bf16.f32 v33;
	v63 =	vld.idx.msk [tilespmem:v25+s13+$0x0], $0xffff;
	v43 =	vadd.f32 v57, v61;
	v4 =	vadd.f32 v58, v4  }
0xe5: {  	v33 =	vunpack.i.l.bf16.f32 v33;
	v49 =	vmul.f32 v62, v34;
	v34 =	vmul.f32 v59, v34;
	v52 =	vld.idx.msk [tilespmem:v23+s13+$0x0], $0xffff  }
0xe6: {  	v32 =	vunpack.i.l.bf16.f32 v32;
	v30 =	vmul.f32 v43, v30;
	v4 =	vmul.f32 v4, v31  }
0xe7: {  	v28 =	vunpack.i.u.bf16.f32 v19;
	v53 =	vld.idx.msk [tilespmem:v21+s13+$0x0], $0xffff;
	v33 =	vadd.f32 v49, v33;
	v32 =	vadd.f32 v34, v32  }
0xe8: {  	v54 =	vmul.f32 v40, v3;
	v31 =	vadd.f32 v41, v39;
	v4 =	vadd.f32 v4, v30  }
0xe9: {  	v30 =	vmul.f32 v33, v35;
	v55 =	vunpack.i.u.bf16.f32 v60;
	v56 =	vunpack.i.u.bf16.f32 v63  }
0xea: {  	v57 =	vunpack.i.l.bf16.f32 v60;
	v58 =	vunpack.i.l.bf16.f32 v63;
	v59 =	vunpack.i.u.bf16.f32 v52  }
0xeb: {  	v34 =	vmul.f32 v55, v11;
	v4 =	vadd.f32 v30, v4;
	v30 =	vmul.f32 v32, v36  }
0xec: {  	v61 =	vunpack.i.u.bf16.f32 v53;
	v31 =	vadd.f32 v54, v31;
	v35 =	vmul.f32 v56, v11  }
0xed: {  	v62 =	vunpack.i.l.bf16.f32 v52;
	v32 =	vadd.f32 v34, v57;
	v30 =	vadd.f32 v30, v4  }
0xee: {  	s15 =	sor.u32 $0x30, s8;
	v60 =	vmul.f32 v59, v11;
	v35 =	vadd.f32 v35, v58;
	v4 =	vmul.f32 v38, v37  }
0xef: {  	s16 =	sor.u32 s15, s7;
	v42 =	vunpack.i.l.bf16.f32 v53;
	v36 =	vmul.f32 v61, v11;
	v32 =	vmul.f32 v32, v20;
	[tilespmem:s22+$0x1BD80] =	vst v30  }
0xf0: {  	s11 =	sor.u32 s15, s1;
	v63 =	vmul.f32 v35, v18;
	v30 =	vadd.f32 v60, v62;
	v41 =	vmul.f32 v51, v4;
	v40 =	vld [tilespmem:s16+$0x1A580]  }
0xf1: {  	v22 =	vadd.f32 v22, v27;
	v27 =	vmul.f32 v28, v9;
	s19 =	sor.u32 s15, s18;
	v36 =	vadd.f32 v36, v42;
	v44 =	vld [tilespmem:s11+$0x1A580]  }
0xf2: {  	v43 =	vld [tilespmem:s19+$0x1A580];
	v32 =	vadd.f32 v63, v32;
	v30 =	vmul.f32 v30, v17;
	v28 =	vadd.f32 v41, v31  }
0xf3: {  	v24 =	vunpack.i.u.bf16.f32 v16  }
0xf4: {  	v9 =	vmul.f32 v24, v9;
	v24 =	vmul.f32 v36, v12;
	v30 =	vadd.f32 v30, v32;
	[tilespmem:s23+$0x1BD80] =	vst v28  }
0xf5: {  	v8 =	vmul.f32 v29, v8;
	v7 =	vmul.f32 v22, v7;
	v29 =	vld.idx.msk [tilespmem:v13+s13+$0x0], $0xffff  }
0xf6: {  	v31 =	vld.idx.msk [tilespmem:v14+s13+$0x0], $0xffff;
	v28 =	vmul.f32 $3.200000000e+01, v40;
	v22 =	vadd.f32 v24, v30;
	v45 =	vmul.f32 $3.200000000e+01, v44  }
0xf7: {  	v16 =	vunpack.i.l.bf16.f32 v16;
	v19 =	vunpack.i.l.bf16.f32 v19;
	v30 =	vmul.f32 $3.200000000e+01, v43  }
0xf8: {  	v19 =	vadd.f32 v27, v19;
	v24 =	vtrunc.f32 v28;
	[tilespmem:s24+$0x1BD80] =	vst v22;
	v27 =	vtrunc.f32 v45  }
0xf9: {  	v7 =	vadd.f32 v7, v8;
	v22 =	vcvt.f32.s32 v24;
	v24 =	vtrunc.f32 v30;
	v26 =	vld.idx.msk [tilespmem:v26+s14+$0x0], $0xffff  }
0xfa: {  	v47 =	vadd.f32 v9, v16;
	v25 =	vld.idx.msk [tilespmem:v25+s14+$0x0], $0xffff;
	v27 =	vcvt.f32.s32 v27;
	v46 =	vcvt.f32.s32 v24  }
0xfb: {  	v9 =	vunpack.i.u.bf16.f32 v29;
	v16 =	vunpack.i.u.bf16.f32 v31;
	v24 =	vmul.u32 $0x21, v22  }
0xfc: {  	v48 =	vld.idx.msk [tilespmem:v23+s14+$0x0], $0xffff;
	v49 =	vmul.f32 v9, v0;
	v50 =	vmul.f32 v16, v0;
	v8 =	vmul.u32 $0x441, v46  }
0xfd: {  	v22 =	vcvt.s32.f32 v22;
	v33 =	vcvt.s32.f32 v46;
	v23 =	vadd.s32 v27, v24  }
0xfe: {  	v24 =	vadd.s32 v8, v23;
	v8 =	vunpack.i.u.bf16.f32 v26;
	v16 =	vunpack.i.l.bf16.f32 v26  }
0xff: {  	v26 =	vld.idx.msk [tilespmem:v21+s14+$0x0], $0xffff;
	v51 =	vunpack.i.u.bf16.f32 v25;
	v25 =	vunpack.i.l.bf16.f32 v25;
	v9 =	vadd.s32 $0x21, v24  }
0x100: {  	v23 =	vadd.s32 $0x462, v24;
	v8 =	vmul.f32 v8, v11;
	v38 =	vmul.f32 v51, v11  }
0x101: {  	v52 =	vunpack.i.u.bf16.f32 v48;
	v30 =	vsub.f32 v30, v33;
	v21 =	vadd.s32 $0x441, v24  }
0x102: {  	v8 =	vadd.f32 v8, v16;
	v16 =	vadd.f32 v38, v25;
	v25 =	vmul.f32 v52, v11  }
0x103: {  	v5 =	vmul.f32 v47, v5;
	v28 =	vsub.f32 v28, v22;
	v35 =	vunpack.i.l.bf16.f32 v48;
	v53 =	vld.idx.msk [tilespmem:v24+s4+$0x0], $0xffff  }
0x104: {  	v57 =	vsub.f32 $1.000000000e+00, v30;
	v22 =	vunpack.i.u.bf16.f32 v26;
	v25 =	vadd.f32 v25, v35;
	v54 =	vld.idx.msk [tilespmem:v9+s4+$0x0], $0xffff  }
0x105: {  	v8 =	vmul.f32 v8, v20;
	v20 =	vcvt.s32.f32 v27;
	v27 =	vsub.f32 $1.000000000e+00, v28;
	v55 =	vld.idx.msk [tilespmem:v23+s4+$0x0], $0xffff  }
0x106: {  	v18 =	vmul.f32 v16, v18;
	v26 =	vunpack.i.l.bf16.f32 v26;
	v56 =	vld.idx.msk [tilespmem:v21+s4+$0x0], $0xffff;
	v11 =	vmul.f32 v22, v11  }
0x107: {  	v17 =	vmul.f32 v25, v17;
	v22 =	vsub.f32 v45, v20;
	v16 =	vmul.f32 v57, v27  }
0x108: {  	v20 =	vmul.f32 v57, v28;
	v8 =	vadd.f32 v18, v8;
	v26 =	vadd.f32 v11, v26  }
0x109: {  	v11 =	vmul.f32 v30, v28;
	v25 =	vunpack.i.u.bf16.f32 v53;
	v58 =	vunpack.i.u.bf16.f32 v54  }
0x10a: {  	v59 =	vunpack.i.l.bf16.f32 v53;
	v25 =	vmul.f32 v25, v22;
	v32 =	vmul.f32 v58, v22  }
0x10b: {  	v38 =	vunpack.i.l.bf16.f32 v54;
	v60 =	vunpack.i.u.bf16.f32 v56;
	v61 =	vunpack.i.u.bf16.f32 v55  }
0x10c: {  	v63 =	vld.idx.msk [tilespmem:v15+s13+$0x0], $0xffff;
	v62 =	vmul.f32 v60, v22;
	v39 =	vadd.f32 v25, v59;
	v32 =	vadd.f32 v32, v38  }
0x10d: {  	v18 =	vmul.f32 v61, v22;
	v25 =	vmul.f32 v30, v27;
	v27 =	vunpack.i.l.bf16.f32 v56  }
0x10e: {  	v27 =	vadd.f32 v62, v27;
	v43 =	vmul.f32 v16, v39;
	v32 =	vmul.f32 v32, v20  }
0x10f: {  	s21 =	sor.u32 $0x10, s8;
	v44 =	vld.idx.msk [tilespmem:v10+s13+$0x0], $0xffff;
	v8 =	vadd.f32 v17, v8;
	v12 =	vmul.f32 v26, v12;
	v33 =	vunpack.i.l.bf16.f32 v55  }
0x110: {  	s20 =	simm.s32 $0x1A600;
	s3 =	sor.u32 s21, s1;
	s1 =	simm.s32 $0x80;
	v18 =	vadd.f32 v18, v33;
	v27 =	vmul.f32 v27, v25;
	v28 =	vadd.f32 v32, v43  }
0x111: {  	s0 =	sor.u32 s21, s7;
	s7 =	sand.u32 $0x7FFFFF80, s1;
	v17 =	vunpack.i.l.bf16.f32 v29;
	v29 =	vunpack.i.u.bf16.f32 v63;
	v26 =	vunpack.i.l.bf16.f32 v31;
	v30 =	vld [tilespmem:s20+$0x0]  }
0x112: {  	s31 =	sor.u32 s21, s18;
	s21 =	sand.u32 $0x40, s1;
	s24 =	sadd.s32 $0x800, s7;
	v8 =	vadd.f32 v12, v8;
	v18 =	vmul.f32 v18, v11;
	v27 =	vadd.f32 v27, v28  }
0x113: {  	s18 =	sor.u32 s21, s24;
	v12 =	vadd.f32 v49, v17;
	v17 =	vadd.f32 v50, v26;
	v26 =	vmul.f32 v29, v0  }
0x114: {  	s22 =	sor.u32 $0x20, s21;
	v29 =	vunpack.i.u.bf16.f32 v44;
	v49 =	vld [tilespmem:s18+$0x1A580];
	[tilespmem:s25+$0x1BD80] =	vst v8;
	v28 =	vunpack.i.l.bf16.f32 v63;
	v18 =	vadd.f32 v18, v27  }
0x115: {  	v12 =	vmul.f32 v12, v1;
	s25 =	sor.u32 s22, s24;
	v8 =	vadd.f32 v26, v28;
	v26 =	vmul.f32 v29, v0;
	v28 =	vld [tilespmem:s0+$0x1A580]  }
0x116: {  	v17 =	vmul.f32 v17, v2;
	v47 =	vld [tilespmem:s25+$0x1A580];
	v29 =	vunpack.i.l.bf16.f32 v44;
	v27 =	vmul.f32 $3.200000000e+01, v30;
	[tilespmem:s11+$0x1BD80] =	vst v18  }
0x117: {  	v6 =	vmul.f32 v19, v6;
	v18 =	vadd.f32 v26, v29;
	v29 =	vld.idx.msk [tilespmem:v24+s13+$0x0], $0xffff  }
0x118: {  	v17 =	vadd.f32 v17, v12;
	v8 =	vmul.f32 v8, v3;
	v19 =	vtrunc.f32 v27;
	v30 =	vld.idx.msk [tilespmem:v9+s13+$0x0], $0xffff  }
0x119: {  	v6 =	vadd.f32 v6, v7;
	v12 =	vcvt.f32.s32 v19;
	v31 =	vld.idx.msk [tilespmem:v23+s13+$0x0], $0xffff  }
0x11a: {  	v8 =	vadd.f32 v8, v17;
	v45 =	vld.idx.msk [tilespmem:v21+s13+$0x0], $0xffff;
	v7 =	vmul.f32 v18, v4;
	v26 =	vmul.f32 $3.200000000e+01, v28  }
0x11b: {  	v56 =	vmul.f32 $3.200000000e+01, v49;
	v17 =	vadd.f32 v5, v6;
	v5 =	vld [tilespmem:s31+$0x1A580];
	v19 =	vcvt.s32.f32 v12  }
0x11c: {  	v32 =	vmul.f32 $3.200000000e+01, v47;
	v18 =	vadd.f32 v7, v8;
	v6 =	vtrunc.f32 v26  }
0x11d: {  	v19 =	vsub.f32 v27, v19;
	v6 =	vcvt.f32.s32 v6;
	v7 =	vunpack.i.u.bf16.f32 v29  }
0x11e: {  	v8 =	vunpack.i.u.bf16.f32 v30;
	v28 =	vunpack.i.u.bf16.f32 v31;
	v29 =	vunpack.i.l.bf16.f32 v29  }
0x11f: {  	v27 =	vld [tilespmem:s3+$0x1A580];
	v30 =	vunpack.i.l.bf16.f32 v30;
	v7 =	vmul.f32 v7, v22;
	v8 =	vmul.f32 v8, v22  }
0x120: {  	v46 =	vunpack.i.u.bf16.f32 v45;
	v37 =	vmul.f32 $3.200000000e+01, v5;
	v5 =	vunpack.i.l.bf16.f32 v45  }
0x121: {  	s10 =	sadd.s32 $0x400, s7;
	v7 =	vadd.f32 v7, v29;
	v8 =	vadd.f32 v8, v30;
	v29 =	vmul.f32 v46, v22  }
0x122: {  	s23 =	sor.u32 s22, s10;
	v31 =	vunpack.i.l.bf16.f32 v31;
	v28 =	vmul.f32 v28, v22;
	v48 =	vmul.u32 $0x21, v6  }
0x123: {  	s2 =	sor.u32 s22, s7;
	v5 =	vadd.f32 v29, v5;
	v7 =	vmul.f32 v7, v16;
	v8 =	vmul.f32 v8, v20;
	v29 =	vld [tilespmem:s23+$0x1A580]  }
0x124: {  	v38 =	vcvt.s32.f32 v6;
	v28 =	vadd.f32 v28, v31;
	v31 =	vld [tilespmem:s2+$0x1A580];
	v27 =	vmul.f32 $3.200000000e+01, v27  }
0x125: {  	v30 =	vtrunc.f32 v37;
	v7 =	vadd.f32 v8, v7;
	v5 =	vmul.f32 v5, v25  }
0x126: {  	v38 =	vsub.f32 v26, v38;
	v30 =	vcvt.f32.s32 v30;
	v8 =	vtrunc.f32 v27  }
0x127: {  	s15 =	sor.u32 s21, s10;
	v8 =	vcvt.f32.s32 v8;
	v5 =	vadd.f32 v5, v7;
	v7 =	vmul.f32 v28, v11  }
0x128: {  	v39 =	vcvt.s32.f32 v30;
	v6 =	vmul.u32 $0x441, v30;
	v28 =	vld [tilespmem:s15+$0x1A580];
	v29 =	vmul.f32 $3.200000000e+01, v29  }
0x129: {  	v31 =	vmul.f32 $3.200000000e+01, v31;
	v30 =	vadd.s32 v8, v48;
	v5 =	vadd.f32 v7, v5  }
0x12a: {  	v50 =	vcvt.s32.f32 v8;
	v8 =	vadd.s32 v6, v30;
	v6 =	vtrunc.f32 v29  }
0x12b: {  	[tilespmem:s16+$0x1BD80] =	vst v5;
	v30 =	vcvt.f32.s32 v6;
	v5 =	vtrunc.f32 v32  }
0x12c: {  	v42 =	vsub.f32 $1.000000000e+00, v38;
	v51 =	vtrunc.f32 v31;
	v24 =	vld.idx.msk [tilespmem:v24+s14+$0x0], $0xffff;
	v52 =	vcvt.f32.s32 v5  }
0x12d: {  	v53 =	vld.idx.msk [tilespmem:v9+s14+$0x0], $0xffff;
	v54 =	vmul.f32 $3.200000000e+01, v28;
	v28 =	vcvt.f32.s32 v51;
	v55 =	vmul.u32 $0x21, v30  }
0x12e: {  	v7 =	vadd.s32 $0x21, v8;
	v23 =	vld.idx.msk [tilespmem:v23+s14+$0x0], $0xffff;
	v9 =	vsub.f32 v27, v50;
	v57 =	vmul.u32 $0x441, v52  }
0x12f: {  	v21 =	vld.idx.msk [tilespmem:v21+s14+$0x0], $0xffff;
	v27 =	vcvt.s32.f32 v30;
	v58 =	vtrunc.f32 v54;
	v30 =	vadd.s32 v28, v55  }
0x130: {  	v59 =	vcvt.s32.f32 v52;
	v28 =	vcvt.s32.f32 v28;
	v36 =	vadd.s32 v57, v30  }
0x131: {  	v60 =	vsub.f32 v29, v27;
	v35 =	vadd.s32 $0x21, v36;
	v33 =	vadd.s32 $0x462, v36  }
0x132: {  	v30 =	vadd.s32 $0x441, v36;
	v27 =	vunpack.i.u.bf16.f32 v24;
	v29 =	vunpack.i.u.bf16.f32 v53  }
0x133: {  	v61 =	vunpack.i.u.bf16.f32 v23;
	v27 =	vmul.f32 v27, v22;
	v29 =	vmul.f32 v29, v22  }
0x134: {  	v24 =	vunpack.i.l.bf16.f32 v24;
	v40 =	vunpack.i.l.bf16.f32 v53;
	v62 =	vunpack.i.u.bf16.f32 v21  }
0x135: {  	v24 =	vadd.f32 v27, v24;
	v27 =	vadd.f32 v29, v40;
	v29 =	vmul.f32 v62, v22  }
0x136: {  	v32 =	vsub.f32 v32, v59;
	v21 =	vunpack.i.l.bf16.f32 v21;
	v22 =	vmul.f32 v61, v22;
	v63 =	vld.idx.msk [tilespmem:v36+s4+$0x0], $0xffff  }
0x137: {  	v48 =	vld.idx.msk [tilespmem:v35+s4+$0x0], $0xffff;
	v21 =	vadd.f32 v29, v21;
	v16 =	vmul.f32 v24, v16;
	v20 =	vmul.f32 v27, v20  }
0x138: {  	v23 =	vunpack.i.l.bf16.f32 v23;
	v49 =	vld.idx.msk [tilespmem:v33+s4+$0x0], $0xffff;
	v24 =	vsub.f32 $1.000000000e+00, v60;
	v29 =	vsub.f32 $1.000000000e+00, v32  }
0x139: {  	v50 =	vld.idx.msk [tilespmem:v30+s4+$0x0], $0xffff;
	v22 =	vadd.f32 v22, v23;
	v16 =	vadd.f32 v20, v16;
	v20 =	vmul.f32 v21, v25  }
0x13a: {  	v6 =	vadd.s32 $0x441, v8;
	v27 =	vmul.f32 v29, v24;
	v29 =	vmul.f32 v29, v60  }
0x13b: {  	v31 =	vsub.f32 v31, v28;
	v34 =	vmul.f32 v32, v24;
	v11 =	vmul.f32 v22, v11  }
0x13c: {  	v16 =	vadd.f32 v20, v16;
	v20 =	vunpack.i.u.bf16.f32 v63;
	v21 =	vunpack.i.u.bf16.f32 v48  }
0x13d: {  	v23 =	vunpack.i.l.bf16.f32 v63;
	v20 =	vmul.f32 v20, v31;
	v21 =	vmul.f32 v21, v31  }
0x13e: {  	v25 =	vunpack.i.l.bf16.f32 v48;
	v28 =	vunpack.i.u.bf16.f32 v50;
	v51 =	vunpack.i.u.bf16.f32 v49  }
0x13f: {  	v20 =	vadd.f32 v20, v23;
	v23 =	vmul.f32 v28, v31;
	v21 =	vadd.f32 v21, v25  }
0x140: {  	v32 =	vmul.f32 v32, v60;
	v24 =	vunpack.i.l.bf16.f32 v50;
	v25 =	vmul.f32 v51, v31  }
0x141: {  	v23 =	vadd.f32 v23, v24;
	v20 =	vmul.f32 v27, v20;
	v21 =	vmul.f32 v21, v29  }
0x142: {  	v44 =	vld.idx.msk [tilespmem:v6+s4+$0x0], $0xffff;
	v22 =	vunpack.i.l.bf16.f32 v49;
	v28 =	vadd.f32 v11, v16;
	v11 =	vtrunc.f32 v56  }
0x143: {  	v52 =	vld.idx.msk [tilespmem:v7+s4+$0x0], $0xffff;
	v22 =	vadd.f32 v25, v22;
	v20 =	vadd.f32 v21, v20;
	v21 =	vmul.f32 v23, v34  }
0x144: {  	v37 =	vsub.f32 v37, v39;
	v53 =	vld.idx.msk [tilespmem:v8+s4+$0x0], $0xffff;
	v11 =	vcvt.f32.s32 v11;
	v23 =	vcvt.f32.s32 v58  }
0x145: {  	v5 =	vadd.s32 $0x462, v8;
	v16 =	vadd.f32 v21, v20;
	v20 =	vmul.f32 v22, v32  }
0x146: {  	v21 =	vcvt.s32.f32 v23;
	v22 =	vmul.u32 $0x21, v23;
	v23 =	vcvt.s32.f32 v11  }
0x147: {  	v47 =	vsub.f32 $1.000000000e+00, v37;
	v59 =	vunpack.i.u.bf16.f32 v44;
	v16 =	vadd.f32 v20, v16  }
0x148: {  	v11 =	vmul.u32 $0x441, v11;
	v21 =	vsub.f32 v54, v21;
	v54 =	vsub.f32 v56, v23  }
0x149: {  	v12 =	vadd.s32 v12, v22;
	v22 =	vunpack.i.u.bf16.f32 v52;
	v56 =	vunpack.i.u.bf16.f32 v53  }
0x14a: {  	v48 =	vld.idx.msk [tilespmem:v5+s4+$0x0], $0xffff;
	v26 =	vadd.s32 v11, v12;
	[tilespmem:s2+$0x1BD80] =	vst v16;
	v11 =	vsub.f32 $1.000000000e+00, v21;
	v24 =	vsub.f32 $1.000000000e+00, v54  }
0x14b: {  	v58 =	vunpack.i.l.bf16.f32 v53;
	v57 =	vmul.f32 v22, v9;
	v45 =	vmul.f32 v56, v9;
	v12 =	vld.idx.msk [tilespmem:v36+s13+$0x0], $0xffff  }
0x14c: {  	v25 =	vadd.s32 $0x21, v26;
	v16 =	vmul.f32 v54, v21;
	v55 =	vld.idx.msk [tilespmem:v35+s13+$0x0], $0xffff;
	v22 =	vmul.f32 v24, v11  }
0x14d: {  	v41 =	vld.idx.msk [tilespmem:v30+s13+$0x0], $0xffff;
	v24 =	vmul.f32 v24, v21;
	v21 =	vmul.f32 v54, v11;
	v11 =	vunpack.i.l.bf16.f32 v52  }
0x14e: {  	v51 =	vld.idx.msk [tilespmem:v33+s13+$0x0], $0xffff;
	v40 =	vadd.f32 v45, v58;
	v43 =	vadd.f32 v57, v11;
	v11 =	vmul.f32 v47, v42  }
0x14f: {  	v44 =	vunpack.i.l.bf16.f32 v44;
	v46 =	vmul.f32 v59, v9;
	v23 =	vadd.s32 $0x441, v26  }
0x150: {  	v53 =	vunpack.i.u.bf16.f32 v48;
	v20 =	vadd.s32 $0x462, v26;
	v40 =	vmul.f32 v11, v40  }
0x151: {  	v60 =	vunpack.i.u.bf16.f32 v12;
	v61 =	vunpack.i.u.bf16.f32 v55;
	v12 =	vunpack.i.l.bf16.f32 v12  }
0x152: {  	v57 =	vld.idx.msk [tilespmem:v26+s4+$0x0], $0xffff;
	v39 =	vunpack.i.l.bf16.f32 v55;
	v62 =	vmul.f32 v60, v31;
	v63 =	vmul.f32 v61, v31  }
0x153: {  	v50 =	vld.idx.msk [tilespmem:v25+s4+$0x0], $0xffff;
	v56 =	vunpack.i.u.bf16.f32 v41;
	v41 =	vunpack.i.l.bf16.f32 v41;
	v54 =	vunpack.i.u.bf16.f32 v51  }
0x154: {  	v59 =	vld.idx.msk [tilespmem:v23+s4+$0x0], $0xffff;
	v58 =	vmul.f32 v56, v31;
	v45 =	vadd.f32 v62, v12;
	v39 =	vadd.f32 v63, v39  }
0x155: {  	v51 =	vunpack.i.l.bf16.f32 v51;
	v60 =	vmul.f32 v54, v31;
	v12 =	vmul.f32 v47, v38  }
0x156: {  	v41 =	vadd.f32 v58, v41;
	v45 =	vmul.f32 v45, v27;
	v39 =	vmul.f32 v39, v29  }
0x157: {  	v47 =	vadd.f32 v60, v51;
	v63 =	vunpack.i.u.bf16.f32 v57;
	v49 =	vunpack.i.l.bf16.f32 v57  }
0x158: {  	v61 =	vld.idx.msk [tilespmem:v20+s4+$0x0], $0xffff;
	v62 =	vunpack.i.u.bf16.f32 v50;
	v41 =	vmul.f32 v41, v34;
	v39 =	vadd.f32 v39, v45  }
0x159: {  	[tilespmem:s6+$0x1BD80] =	vst v18;
	v51 =	vmul.f32 v63, v19;
	v50 =	vunpack.i.l.bf16.f32 v50;
	v56 =	vunpack.i.u.bf16.f32 v59  }
0x15a: {  	v58 =	vld.idx.msk [tilespmem:v13+s14+$0x0], $0xffff;
	v18 =	vunpack.i.l.bf16.f32 v59;
	v47 =	vmul.f32 v47, v32;
	v39 =	vadd.f32 v41, v39  }
0x15b: {  	v60 =	vld.idx.msk [tilespmem:v14+s14+$0x0], $0xffff;
	v63 =	vadd.f32 v46, v44;
	v46 =	vmul.f32 v53, v9;
	v54 =	vmul.f32 v62, v19  }
0x15c: {  	v43 =	vmul.f32 v43, v12;
	v49 =	vadd.f32 v51, v49;
	v39 =	vadd.f32 v47, v39  }
0x15d: {  	v57 =	vunpack.i.u.bf16.f32 v61;
	v50 =	vadd.f32 v54, v50;
	v41 =	vmul.f32 v56, v19  }
0x15e: {  	v14 =	vunpack.i.l.bf16.f32 v61;
	v61 =	vmul.f32 v57, v19;
	v40 =	vadd.f32 v43, v40;
	[tilespmem:s23+$0x1BD80] =	vst v39  }
0x15f: {  	v59 =	vmul.f32 v50, v24;
	v13 =	vadd.f32 v41, v18;
	v18 =	vmul.f32 v22, v49;
	v36 =	vld.idx.msk [tilespmem:v36+s14+$0x0], $0xffff  }
0x160: {  	v52 =	vunpack.i.u.bf16.f32 v58;
	v53 =	vunpack.i.u.bf16.f32 v60;
	v14 =	vadd.f32 v61, v14;
	v35 =	vld.idx.msk [tilespmem:v35+s14+$0x0], $0xffff  }
0x161: {  	v18 =	vadd.f32 v59, v18;
	v62 =	vmul.f32 v13, v21;
	v13 =	vmul.f32 v37, v42;
	v33 =	vld.idx.msk [tilespmem:v33+s14+$0x0], $0xffff  }
0x162: {  	v50 =	vunpack.i.l.bf16.f32 v48;
	v51 =	vmul.f32 v14, v16;
	v14 =	vmul.f32 v37, v38  }
0x163: {  	v39 =	vadd.f32 v46, v50;
	v30 =	vld.idx.msk [tilespmem:v30+s14+$0x0], $0xffff;
	v18 =	vadd.f32 v62, v18;
	v41 =	vmul.f32 v63, v13  }
0x164: {  	v54 =	vunpack.i.l.bf16.f32 v58;
	v44 =	vunpack.i.l.bf16.f32 v60;
	v37 =	vmul.f32 v52, v0  }
0x165: {  	v39 =	vmul.f32 v39, v14;
	v18 =	vadd.f32 v51, v18;
	v40 =	vadd.f32 v41, v40  }
0x166: {  	s9 =	simm.s32 $0x1BE00;
	v55 =	vunpack.i.u.bf16.f32 v36;
	v56 =	vunpack.i.u.bf16.f32 v35;
	v58 =	vunpack.i.u.bf16.f32 v33  }
0x167: {  	v15 =	vld.idx.msk [tilespmem:v15+s14+$0x0], $0xffff;
	[tilespmem:s9+$0x0] =	vst v18;
	v36 =	vunpack.i.l.bf16.f32 v36;
	v18 =	vmul.f32 v55, v31;
	v57 =	vmul.f32 v56, v31  }
0x168: {  	v35 =	vunpack.i.l.bf16.f32 v35;
	v60 =	vunpack.i.u.bf16.f32 v30;
	v30 =	vunpack.i.l.bf16.f32 v30;
	v59 =	vld.idx.msk [tilespmem:v26+s13+$0x0], $0xffff  }
0x169: {  	v61 =	vld.idx.msk [tilespmem:v25+s13+$0x0], $0xffff;
	v62 =	vmul.f32 v60, v31;
	v18 =	vadd.f32 v18, v36;
	v35 =	vadd.f32 v57, v35  }
0x16a: {  	v39 =	vadd.f32 v39, v40;
	v33 =	vunpack.i.l.bf16.f32 v33;
	v31 =	vmul.f32 v58, v31;
	v63 =	vld.idx.msk [tilespmem:v23+s13+$0x0], $0xffff  }
0x16b: {  	v46 =	vld.idx.msk [tilespmem:v20+s13+$0x0], $0xffff;
	v30 =	vadd.f32 v62, v30;
	v27 =	vmul.f32 v18, v27;
	v29 =	vmul.f32 v35, v29  }
0x16c: {  	v38 =	vmul.f32 v53, v0;
	v31 =	vadd.f32 v31, v33;
	v18 =	vadd.f32 v37, v54  }
0x16d: {  	[tilespmem:s3+$0x1BD80] =	vst v39;
	v35 =	vunpack.i.u.bf16.f32 v15;
	v27 =	vadd.f32 v29, v27;
	v29 =	vmul.f32 v30, v34  }
0x16e: {  	v50 =	vld.idx.msk [tilespmem:v8+s13+$0x0], $0xffff;
	v48 =	vunpack.i.l.bf16.f32 v59;
	v49 =	vunpack.i.u.bf16.f32 v61;
	v51 =	vunpack.i.l.bf16.f32 v61  }
0x16f: {  	v52 =	vunpack.i.u.bf16.f32 v63;
	v27 =	vadd.f32 v29, v27;
	v29 =	vmul.f32 v31, v32  }
0x170: {  	v56 =	vunpack.i.u.bf16.f32 v46;
	v30 =	vunpack.i.u.bf16.f32 v59;
	v34 =	vmul.f32 v49, v19  }
0x171: {  	v53 =	vld.idx.msk [tilespmem:v6+s13+$0x0], $0xffff;
	v54 =	vmul.f32 v52, v19;
	v30 =	vmul.f32 v30, v19;
	v27 =	vadd.f32 v29, v27  }
0x172: {  	s16 =	sor.u32 $0x30, s21;
	v55 =	vunpack.i.l.bf16.f32 v63;
	v57 =	vmul.f32 v56, v19;
	v31 =	vld.idx.msk [tilespmem:v7+s13+$0x0], $0xffff;
	v32 =	vadd.f32 v34, v51  }
0x173: {  	v59 =	vunpack.i.u.bf16.f32 v50;
	v33 =	vadd.f32 v54, v55;
	v30 =	vadd.f32 v30, v48;
	v29 =	vld.idx.msk [tilespmem:v5+s13+$0x0], $0xffff;
	[tilespmem:s25+$0x1BD80] =	vst v27;
	s25 =	sor.u32 s16, s10  }
0x174: {  	s12 =	sor.u32 s16, s24;
	v37 =	vunpack.i.l.bf16.f32 v50;
	v39 =	vmul.f32 v59, v9;
	v32 =	vmul.f32 v32, v24;
	v58 =	vld [tilespmem:s25+$0x1A580]  }
0x175: {  	s3 =	sor.u32 s16, s7;
	v33 =	vmul.f32 v33, v21;
	v30 =	vmul.f32 v30, v22;
	v27 =	vunpack.i.l.bf16.f32 v46;
	v60 =	vld [tilespmem:s12+$0x1A580]  }
0x176: {  	v63 =	vadd.f32 v39, v37;
	v46 =	vunpack.i.u.bf16.f32 v53;
	v27 =	vadd.f32 v57, v27;
	v62 =	vld [tilespmem:s3+$0x1A580]  }
0x177: {  	v61 =	vunpack.i.u.bf16.f32 v31;
	v30 =	vadd.f32 v32, v30;
	v37 =	vmul.f32 v46, v9  }
0x178: {  	v31 =	vunpack.i.l.bf16.f32 v31;
	v40 =	vmul.f32 v61, v9;
	v27 =	vmul.f32 v27, v16  }
0x179: {  	v30 =	vadd.f32 v33, v30;
	v48 =	vunpack.i.u.bf16.f32 v29;
	v52 =	vunpack.i.l.bf16.f32 v29  }
0x17a: {  	v31 =	vadd.f32 v40, v31;
	v34 =	vmul.f32 v48, v9;
	v36 =	vmul.f32 $3.200000000e+01, v58  }
0x17b: {  	v29 =	vadd.f32 v38, v44;
	v39 =	vmul.f32 $3.200000000e+01, v60;
	v40 =	vmul.f32 $3.200000000e+01, v62  }
0x17c: {  	v27 =	vadd.f32 v27, v30;
	v31 =	vmul.f32 v31, v12;
	v47 =	vtrunc.f32 v36  }
0x17d: {  	v30 =	vunpack.i.l.bf16.f32 v53;
	v50 =	vtrunc.f32 v39;
	v49 =	vcvt.f32.s32 v47  }
0x17e: {  	v30 =	vadd.f32 v37, v30;
	[tilespmem:s15+$0x1BD80] =	vst v27;
	v27 =	vtrunc.f32 v40;
	v51 =	vcvt.f32.s32 v50  }
0x17f: {  	v53 =	vld.idx.msk [tilespmem:v26+s14+$0x0], $0xffff;
	v54 =	vcvt.f32.s32 v27;
	v27 =	vmul.f32 v63, v11;
	v26 =	vmul.u32 $0x21, v49  }
0x180: {  	v33 =	vadd.f32 v34, v52;
	v25 =	vld.idx.msk [tilespmem:v25+s14+$0x0], $0xffff;
	v32 =	vmul.f32 v30, v13;
	v55 =	vmul.u32 $0x441, v51  }
0x181: {  	v56 =	vld.idx.msk [tilespmem:v23+s14+$0x0], $0xffff;
	v30 =	vunpack.i.l.bf16.f32 v15;
	v34 =	vadd.f32 v31, v27;
	v23 =	vadd.s32 v54, v26  }
0x182: {  	v31 =	vmul.f32 v35, v0;
	v61 =	vcvt.s32.f32 v49;
	v26 =	vadd.s32 v55, v23  }
0x183: {  	v37 =	vcvt.s32.f32 v51;
	v52 =	vcvt.s32.f32 v54;
	v27 =	vadd.s32 $0x21, v26  }
0x184: {  	v15 =	vld.idx.msk [tilespmem:v20+s14+$0x0], $0xffff;
	v57 =	vunpack.i.l.bf16.f32 v53;
	v23 =	vunpack.i.u.bf16.f32 v53;
	v20 =	vadd.s32 $0x462, v26  }
0x185: {  	v59 =	vunpack.i.u.bf16.f32 v25;
	v58 =	vmul.f32 v23, v19;
	v23 =	vadd.s32 $0x441, v26  }
0x186: {  	v25 =	vunpack.i.l.bf16.f32 v25;
	v60 =	vunpack.i.u.bf16.f32 v56;
	v42 =	vmul.f32 v59, v19  }
0x187: {  	v63 =	vunpack.i.l.bf16.f32 v56;
	v38 =	vsub.f32 v36, v61;
	v37 =	vsub.f32 v39, v37;
	v62 =	vld.idx.msk [tilespmem:v26+s4+$0x0], $0xffff  }
0x188: {  	v43 =	vmul.f32 v60, v19;
	v25 =	vadd.f32 v42, v25;
	v35 =	vadd.f32 v58, v57;
	v48 =	vld.idx.msk [tilespmem:v27+s4+$0x0], $0xffff  }
0x189: {  	v49 =	vunpack.i.u.bf16.f32 v15;
	v53 =	vsub.f32 $1.000000000e+00, v38;
	v54 =	vsub.f32 $1.000000000e+00, v37;
	v50 =	vld.idx.msk [tilespmem:v20+s4+$0x0], $0xffff  }
0x18a: {  	v51 =	vadd.f32 v43, v63;
	v24 =	vmul.f32 v25, v24;
	v22 =	vmul.f32 v35, v22;
	v25 =	vld.idx.msk [tilespmem:v23+s4+$0x0], $0xffff  }
0x18b: {  	v55 =	vunpack.i.l.bf16.f32 v15;
	v46 =	vmul.f32 v49, v19;
	v19 =	vsub.f32 v40, v52  }
0x18c: {  	v35 =	vmul.f32 v51, v21;
	v21 =	vmul.f32 v54, v53;
	v15 =	vadd.f32 v24, v22  }
0x18d: {  	v22 =	vmul.f32 v54, v38;
	v24 =	vunpack.i.u.bf16.f32 v62;
	v56 =	vunpack.i.u.bf16.f32 v48  }
0x18e: {  	v57 =	vunpack.i.l.bf16.f32 v62;
	v24 =	vmul.f32 v24, v19;
	v36 =	vmul.f32 v56, v19  }
0x18f: {  	v58 =	vunpack.i.l.bf16.f32 v48;
	v59 =	vunpack.i.u.bf16.f32 v25;
	v60 =	vunpack.i.u.bf16.f32 v50  }
0x190: {  	s28 =	sshll.u32 s26, $0x1;
	s6 =	sshrl.u32 s26, $0x2;
	v61 =	vmul.f32 v59, v19;
	v40 =	vadd.f32 v24, v57;
	v36 =	vadd.f32 v36, v58  }
0x191: {  	s22 =	sadd.s32 s5, s28;
	[tilespmem:s17+$0x1BD80] =	vst v17;
	s20 =	sshll.u32 s6, $0x3;
	v25 =	vunpack.i.l.bf16.f32 v25;
	v62 =	vmul.f32 v60, v19;
	v24 =	vmul.f32 v37, v53  }
0x192: {  	v10 =	vld.idx.msk [tilespmem:v10+s14+$0x0], $0xffff;
	s8 =	ssub.s32 s22, s20;
	s23 =	sor.u32 $0x10, s21;
	v41 =	vadd.f32 v61, v25;
	v40 =	vmul.f32 v21, v40;
	v63 =	vmul.f32 v36, v22  }
0x193: {  	s30 =	ssub.s32 $0x0, s20;
	[tilespmem:s19+$0x1BD80] =	vst v28;
	s19 =	simm.s32 $0x1A640;
	s17 =	sor.u32 s23, s24;
	v17 =	vunpack.i.l.bf16.f32 v50;
	v25 =	vmul.f32 v37, v38;
	v36 =	vadd.f32 v46, v55  }
0x194: {  	s24 =	simm.s32 $0x4;
	s7 =	sor.u32 s23, s7;
	s10 =	sor.u32 s23, s10;
	v17 =	vadd.f32 v62, v17;
	v37 =	vmul.f32 v41, v24;
	v28 =	vadd.f32 v63, v40  }
.LBB2_3:
0x195: {  	v38 =	vld [tilespmem:s19+$0x0];
	v15 =	vadd.f32 v35, v15;
	v16 =	vmul.f32 v36, v16;
	v32 =	vadd.f32 v32, v34  }
0x196: {  	v33 =	vmul.f32 v33, v14;
	v28 =	vadd.f32 v37, v28;
	v17 =	vmul.f32 v17, v25  }
0x197: {  	v18 =	vmul.f32 v18, v1;
	v1 =	vmovc v11;
	v15 =	vadd.f32 v16, v15;
	v16 =	vunpack.i.u.bf16.f32 v10  }
0x198: {  	v11 =	vadd.f32 v17, v28;
	v17 =	vadd.f32 v33, v32;
	v28 =	vmul.f32 v29, v2;
	v2 =	vmovc v12  }
0x199: {  	v10 =	vunpack.i.l.bf16.f32 v10;
	v12 =	vadd.f32 v31, v30;
	[tilespmem:s18+$0x1BD80] =	vst v15;
	v15 =	vmul.f32 v16, v0;
	v0 =	vmovc v9  }
0x19a: {  	v9 =	vmul.f32 $3.200000000e+01, v38;
	v16 =	vld [tilespmem:s10+$0x1A580];
	[tilespmem:s3+$0x1BD80] =	vst v11;
	v18 =	vadd.f32 v28, v18  }
0x19b: {  	v12 =	vmul.f32 v12, v3;
	v3 =	vmov v13;
	v29 =	vld.idx.msk [tilespmem:v26+s13+$0x0], $0xffff;
	[tilespmem:s0+$0x1BD80] =	vst v17;
	v10 =	vadd.f32 v15, v10;
	s0 =	smov.u32 s10  }
0x19c: {  	v11 =	vtrunc.f32 v9;
	v13 =	vld.idx.msk [tilespmem:v27+s13+$0x0], $0xffff  }
0x19d: {  	v15 =	vadd.f32 v12, v18;
	v11 =	vcvt.f32.s32 v11;
	v30 =	vld.idx.msk [tilespmem:v20+s13+$0x0], $0xffff;
	v10 =	vmul.f32 v10, v4;
	v4 =	vmovc v14  }
0x19e: {  	v14 =	vld.idx.msk [tilespmem:v23+s13+$0x0], $0xffff  }
0x19f: {  	v17 =	vcvt.s32.f32 v11;
	v31 =	vld [tilespmem:s17+$0x1A580];
	v12 =	vmul.f32 $3.200000000e+01, v16;
	v10 =	vadd.f32 v10, v15  }
0x1a0: {  	v32 =	vld [tilespmem:s7+$0x1A580]  }
0x1a1: {  	v15 =	vsub.f32 v9, v17;
	v9 =	vtrunc.f32 v12;
	v18 =	vld.idx.msk [tilespmem:v8+s14+$0x0], $0xffff;
	[tilespmem:s29+$0x1BD80] =	vst v10;
	s29 =	smov.u32 s31;
	s31 =	smov.u32 s17  }
0x1a2: {  	v10 =	vunpack.i.u.bf16.f32 v13;
	v8 =	vcvt.f32.s32 v9;
	v9 =	vunpack.i.u.bf16.f32 v29;
	v28 =	vld.idx.msk [tilespmem:v7+s14+$0x0], $0xffff  }
0x1a3: {  	v33 =	vunpack.i.u.bf16.f32 v30;
	v7 =	vmul.f32 v9, v19;
	v9 =	vmul.f32 v10, v19;
	v17 =	vld.idx.msk [tilespmem:v6+s14+$0x0], $0xffff  }
0x1a4: {  	s1 =	sadd.s32 $0x40, s1;
	v13 =	vunpack.i.l.bf16.f32 v13;
	v6 =	vunpack.i.l.bf16.f32 v29;
	v16 =	vunpack.i.u.bf16.f32 v14;
	v10 =	vld.idx.msk [tilespmem:v5+s14+$0x0], $0xffff  }
0x1a5: {  	s23 =	sand.u32 $0x7FFFFF80, s1;
	s3 =	sand.u32 $0x40, s1;
	v5 =	vadd.f32 v7, v6;
	v6 =	vadd.f32 v9, v13;
	v7 =	vmul.f32 v16, v19  }
0x1a6: {  	s2 =	sadd.s32 $0x400, s23;
	s16 =	sor.u32 $0x10, s3;
	s22 =	sor.u32 $0x20, s3;
	v16 =	vmul.f32 $3.200000000e+01, v31;
	v9 =	vunpack.i.l.bf16.f32 v14;
	v13 =	vmul.f32 v33, v19  }
0x1a7: {  	s11 =	sadd.s32 $0x800, s23;
	s21 =	sor.u32 s3, s2;
	s20 =	sor.u32 s22, s2;
	v7 =	vadd.f32 v7, v9;
	v5 =	vmul.f32 v5, v21;
	v6 =	vmul.f32 v6, v22  }
0x1a8: {  	s18 =	sor.u32 s3, s11;
	s10 =	sor.u32 s16, s2;
	s15 =	sor.u32 s22, s11;
	v30 =	vunpack.i.l.bf16.f32 v30;
	v14 =	vmul.f32 $3.200000000e+01, v32;
	v29 =	vtrunc.f32 v16;
	v9 =	vld [tilespmem:s20+$0x1A580]  }
0x1a9: {  	s24 =	sadd.s32 $0x2, s24;
	s22 =	sor.u32 s22, s23;
	s17 =	sor.u32 s16, s11;
	v13 =	vadd.f32 v13, v30;
	v31 =	vld [tilespmem:s15+$0x1A580];
	v5 =	vadd.f32 v6, v5;
	v6 =	vmul.f32 v7, v24  }
0x1aa: {  	p0 =	slt.u32 s24, $0x1E;
	s16 =	sor.u32 s16, s23;
	v32 =	vmul.u32 $0x21, v8;
	v30 =	vtrunc.f32 v14;
	v29 =	vcvt.f32.s32 v29;
	v7 =	vld [tilespmem:s22+$0x1A580]  }
0x1ab: {  	v30 =	vcvt.f32.s32 v30;
	v33 =	vld [tilespmem:s21+$0x1A580];
	v5 =	vadd.f32 v6, v5;
	v6 =	vmul.f32 v13, v25  }
0x1ac: {  	v37 =	vcvt.s32.f32 v8;
	v35 =	vcvt.s32.f32 v29;
	v8 =	vmul.u32 $0x441, v29;
	v13 =	vld [tilespmem:s18+$0x1A580]  }
0x1ad: {  	v29 =	vmul.f32 $3.200000000e+01, v9;
	v9 =	vadd.s32 v30, v32;
	v5 =	vadd.f32 v6, v5  }
0x1ae: {  	v30 =	vcvt.s32.f32 v30;
	v34 =	vmul.f32 $3.200000000e+01, v31;
	v8 =	vadd.s32 v8, v9  }
0x1af: {  	v40 =	vmul.f32 $3.200000000e+01, v7;
	v6 =	vtrunc.f32 v29;
	v7 =	vadd.s32 $0x21, v8;
	[tilespmem:s25+$0x1BD80] =	vst v5  }
0x1b0: {  	v31 =	vcvt.f32.s32 v6;
	v5 =	vtrunc.f32 v34;
	v6 =	vadd.s32 $0x441, v8;
	v26 =	vld.idx.msk [tilespmem:v26+s14+$0x0], $0xffff  }
0x1b1: {  	v9 =	vtrunc.f32 v40;
	v32 =	vcvt.f32.s32 v5;
	v5 =	vadd.s32 $0x462, v8;
	v27 =	vld.idx.msk [tilespmem:v27+s14+$0x0], $0xffff  }
0x1b2: {  	v41 =	vmul.f32 $3.200000000e+01, v33;
	v33 =	vcvt.f32.s32 v9;
	v36 =	vmul.u32 $0x21, v31;
	v20 =	vld.idx.msk [tilespmem:v20+s14+$0x0], $0xffff  }
0x1b3: {  	v42 =	vmul.f32 $3.200000000e+01, v13;
	v9 =	vsub.f32 v14, v30;
	v13 =	vmul.u32 $0x441, v32;
	v23 =	vld.idx.msk [tilespmem:v23+s14+$0x0], $0xffff  }
0x1b4: {  	v43 =	vtrunc.f32 v41;
	v14 =	vcvt.s32.f32 v31;
	v30 =	vadd.s32 v33, v36;
	v38 =	vld.idx.msk [tilespmem:v7+s4+$0x0], $0xffff  }
0x1b5: {  	v44 =	vcvt.s32.f32 v32;
	v33 =	vcvt.s32.f32 v33;
	v13 =	vadd.s32 v13, v30;
	v39 =	vld.idx.msk [tilespmem:v8+s4+$0x0], $0xffff  }
0x1b6: {  	v45 =	vsub.f32 v29, v14;
	v32 =	vadd.s32 $0x21, v13;
	v30 =	vadd.s32 $0x462, v13;
	v36 =	vld.idx.msk [tilespmem:v6+s4+$0x0], $0xffff  }
0x1b7: {  	v29 =	vunpack.i.u.bf16.f32 v26;
	v14 =	vadd.s32 $0x441, v13;
	v46 =	vunpack.i.u.bf16.f32 v27;
	v31 =	vld.idx.msk [tilespmem:v5+s4+$0x0], $0xffff  }
0x1b8: {  	v29 =	vmul.f32 v29, v19;
	v46 =	vmul.f32 v46, v19;
	v47 =	vunpack.i.u.bf16.f32 v20  }
0x1b9: {  	v26 =	vunpack.i.l.bf16.f32 v26;
	v27 =	vunpack.i.l.bf16.f32 v27;
	v48 =	vunpack.i.u.bf16.f32 v23  }
0x1ba: {  	v26 =	vadd.f32 v29, v26;
	v27 =	vadd.f32 v46, v27;
	v29 =	vmul.f32 v48, v19;
	v49 =	vld.idx.msk [tilespmem:v13+s4+$0x0], $0xffff  }
0x1bb: {  	v44 =	vsub.f32 v34, v44;
	v23 =	vunpack.i.l.bf16.f32 v23;
	v19 =	vmul.f32 v47, v19;
	v34 =	vld.idx.msk [tilespmem:v32+s4+$0x0], $0xffff  }
0x1bc: {  	v21 =	vmul.f32 v26, v21;
	v23 =	vadd.f32 v29, v23;
	v22 =	vmul.f32 v27, v22;
	v46 =	vld.idx.msk [tilespmem:v30+s4+$0x0], $0xffff  }
0x1bd: {  	v20 =	vunpack.i.l.bf16.f32 v20;
	v47 =	vsub.f32 $1.000000000e+00, v45;
	v27 =	vsub.f32 $1.000000000e+00, v44;
	v48 =	vld.idx.msk [tilespmem:v14+s4+$0x0], $0xffff  }
0x1be: {  	v19 =	vadd.f32 v19, v20;
	v20 =	vadd.f32 v22, v21;
	v21 =	vmul.f32 v23, v24  }
0x1bf: {  	v29 =	vsub.f32 v40, v33;
	v22 =	vcvt.f32.s32 v43;
	v26 =	vmul.f32 v27, v47  }
0x1c0: {  	v27 =	vmul.f32 v27, v45;
	v19 =	vmul.f32 v19, v25;
	v20 =	vadd.f32 v21, v20  }
0x1c1: {  	v21 =	vunpack.i.u.bf16.f32 v49;
	v23 =	vunpack.i.l.bf16.f32 v49;
	v24 =	vunpack.i.u.bf16.f32 v34  }
0x1c2: {  	v21 =	vmul.f32 v21, v29;
	v24 =	vmul.f32 v24, v29;
	v19 =	vadd.f32 v19, v20  }
0x1c3: {  	v20 =	vunpack.i.l.bf16.f32 v34;
	v33 =	vunpack.i.u.bf16.f32 v46;
	v25 =	vunpack.i.u.bf16.f32 v48  }
0x1c4: {  	v21 =	vadd.f32 v21, v23;
	v20 =	vadd.f32 v24, v20;
	v23 =	vmul.f32 v25, v29;
	[tilespmem:s12+$0x1BD80] =	vst v19  }
0x1c5: {  	v34 =	vmul.f32 v44, v47;
	v24 =	vmul.f32 v33, v29;
	v19 =	vunpack.i.l.bf16.f32 v48  }
0x1c6: {  	v21 =	vmul.f32 v26, v21;
	v19 =	vadd.f32 v23, v19;
	v20 =	vmul.f32 v20, v27  }
0x1c7: {  	v33 =	vmul.f32 v44, v45;
	v25 =	vunpack.i.l.bf16.f32 v46;
	v23 =	vtrunc.f32 v42  }
0x1c8: {  	v24 =	vadd.f32 v24, v25;
	v20 =	vadd.f32 v20, v21;
	v19 =	vmul.f32 v19, v34  }
0x1c9: {  	v21 =	vcvt.f32.s32 v23;
	v23 =	vcvt.s32.f32 v22;
	v22 =	vmul.u32 $0x21, v22  }
0x1ca: {  	v37 =	vsub.f32 v12, v37;
	v19 =	vadd.f32 v19, v20;
	v20 =	vmul.f32 v24, v33  }
0x1cb: {  	v12 =	vcvt.s32.f32 v21;
	v11 =	vadd.s32 v11, v22;
	v21 =	vmul.u32 $0x441, v21  }
0x1cc: {  	v40 =	vunpack.i.u.bf16.f32 v38;
	v22 =	vsub.f32 v41, v23;
	v19 =	vadd.f32 v20, v19  }
0x1cd: {  	v35 =	vsub.f32 v16, v35;
	v12 =	vsub.f32 v42, v12;
	v25 =	vadd.s32 v21, v11  }
0x1ce: {  	v24 =	vadd.s32 $0x21, v25;
	v23 =	vadd.s32 $0x441, v25;
	v20 =	vadd.s32 $0x462, v25;
	[tilespmem:s22+$0x1BD80] =	vst v19  }
0x1cf: {  	v11 =	vsub.f32 $1.000000000e+00, v22;
	v16 =	vmul.f32 v12, v22;
	v19 =	vsub.f32 $1.000000000e+00, v12;
	v41 =	vld.idx.msk [tilespmem:v13+s13+$0x0], $0xffff  }
0x1d0: {  	v40 =	vmul.f32 v40, v9;
	v43 =	vsub.f32 $1.000000000e+00, v37;
	v44 =	vunpack.i.u.bf16.f32 v39;
	v42 =	vld.idx.msk [tilespmem:v32+s13+$0x0], $0xffff  }
0x1d1: {  	v46 =	vsub.f32 $1.000000000e+00, v35;
	v21 =	vmul.f32 v19, v11;
	v22 =	vmul.f32 v19, v22;
	v45 =	vld.idx.msk [tilespmem:v30+s13+$0x0], $0xffff  }
0x1d2: {  	v19 =	vmul.f32 v12, v11;
	v12 =	vmul.f32 v44, v9;
	v11 =	vunpack.i.l.bf16.f32 v38;
	v47 =	vld.idx.msk [tilespmem:v14+s13+$0x0], $0xffff  }
0x1d3: {  	v39 =	vunpack.i.l.bf16.f32 v39;
	v44 =	vunpack.i.u.bf16.f32 v36;
	v40 =	vadd.f32 v40, v11;
	v38 =	vld.idx.msk [tilespmem:v24+s4+$0x0], $0xffff  }
0x1d4: {  	v11 =	vmul.f32 v46, v43;
	v44 =	vmul.f32 v44, v9;
	v39 =	vadd.f32 v12, v39;
	v48 =	vld.idx.msk [tilespmem:v25+s4+$0x0], $0xffff  }
0x1d5: {  	v36 =	vunpack.i.l.bf16.f32 v36;
	v12 =	vmul.f32 v46, v37;
	v46 =	vunpack.i.u.bf16.f32 v31;
	v49 =	vld.idx.msk [tilespmem:v23+s4+$0x0], $0xffff  }
0x1d6: {  	v51 =	vunpack.i.u.bf16.f32 v41;
	v39 =	vmul.f32 v11, v39;
	v52 =	vunpack.i.u.bf16.f32 v42;
	v50 =	vld.idx.msk [tilespmem:v20+s4+$0x0], $0xffff  }
0x1d7: {  	v51 =	vmul.f32 v51, v29;
	v52 =	vmul.f32 v52, v29;
	v53 =	vunpack.i.u.bf16.f32 v45  }
0x1d8: {  	v41 =	vunpack.i.l.bf16.f32 v41;
	v42 =	vunpack.i.l.bf16.f32 v42;
	v54 =	vunpack.i.u.bf16.f32 v47  }
0x1d9: {  	v41 =	vadd.f32 v51, v41;
	v42 =	vadd.f32 v52, v42;
	v51 =	vmul.f32 v54, v29  }
0x1da: {  	v47 =	vunpack.i.l.bf16.f32 v47;
	v53 =	vmul.f32 v53, v29;
	v52 =	vunpack.i.u.bf16.f32 v38  }
0x1db: {  	v41 =	vmul.f32 v41, v26;
	v47 =	vadd.f32 v51, v47;
	v42 =	vmul.f32 v42, v27  }
0x1dc: {  	v45 =	vunpack.i.l.bf16.f32 v45;
	v52 =	vmul.f32 v52, v15;
	v51 =	vunpack.i.u.bf16.f32 v48  }
0x1dd: {  	v45 =	vadd.f32 v53, v45;
	v41 =	vadd.f32 v42, v41;
	v42 =	vmul.f32 v47, v34  }
0x1de: {  	v38 =	vunpack.i.l.bf16.f32 v38;
	v47 =	vmul.f32 v51, v15;
	v51 =	vunpack.i.u.bf16.f32 v49  }
0x1df: {  	v48 =	vunpack.i.l.bf16.f32 v48;
	v41 =	vadd.f32 v42, v41;
	v42 =	vmul.f32 v45, v33  }
0x1e0: {  	v38 =	vadd.f32 v52, v38;
	v45 =	vadd.f32 v47, v48;
	v47 =	vmul.f32 v51, v15  }
0x1e1: {  	v48 =	vunpack.i.l.bf16.f32 v49;
	v49 =	vunpack.i.u.bf16.f32 v50;
	v41 =	vadd.f32 v42, v41  }
0x1e2: {  	v38 =	vmul.f32 v38, v22;
	v42 =	vadd.f32 v47, v48;
	v45 =	vmul.f32 v21, v45  }
0x1e3: {  	v40 =	vmul.f32 v40, v12;
	v47 =	vunpack.i.l.bf16.f32 v50;
	v48 =	vmul.f32 v49, v15;
	[tilespmem:s20+$0x1BD80] =	vst v41  }
0x1e4: {  	v36 =	vadd.f32 v44, v36;
	v38 =	vadd.f32 v38, v45;
	v41 =	vmul.f32 v42, v19;
	v42 =	vld.idx.msk [tilespmem:v13+s14+$0x0], $0xffff  }
0x1e5: {  	v44 =	vadd.f32 v48, v47;
	v13 =	vmul.f32 v35, v43;
	v43 =	vmul.f32 v46, v9;
	v32 =	vld.idx.msk [tilespmem:v32+s14+$0x0], $0xffff  }
0x1e6: {  	v38 =	vadd.f32 v41, v38;
	v41 =	vld.idx.msk [tilespmem:v30+s14+$0x0], $0xffff;
	v30 =	vunpack.i.l.bf16.f32 v31;
	v31 =	vadd.f32 v40, v39  }
0x1e7: {  	v39 =	vmul.f32 v44, v16;
	v36 =	vmul.f32 v36, v13;
	v40 =	vld.idx.msk [tilespmem:v14+s14+$0x0], $0xffff;
	v30 =	vadd.f32 v43, v30  }
0x1e8: {  	v14 =	vmul.f32 v35, v37;
	v35 =	vunpack.i.u.bf16.f32 v18;
	v37 =	vunpack.i.u.bf16.f32 v28  }
0x1e9: {  	v38 =	vadd.f32 v39, v38;
	v31 =	vadd.f32 v36, v31;
	v35 =	vmul.f32 v35, v0  }
0x1ea: {  	s9 =	sadd.s32 $0x40, s9;
	v18 =	vunpack.i.l.bf16.f32 v18;
	v36 =	vmul.f32 v30, v14;
	v30 =	vmul.f32 v37, v0  }
0x1eb: {  	v28 =	vunpack.i.l.bf16.f32 v28;
	v37 =	vunpack.i.u.bf16.f32 v42;
	[tilespmem:s9+$0x0] =	vst v38;
	v38 =	vunpack.i.u.bf16.f32 v32  }
0x1ec: {  	v37 =	vmul.f32 v37, v29;
	v43 =	vunpack.i.u.bf16.f32 v41;
	v39 =	vld.idx.msk [tilespmem:v25+s13+$0x0], $0xffff;
	v38 =	vmul.f32 v38, v29  }
0x1ed: {  	v42 =	vunpack.i.l.bf16.f32 v42;
	v32 =	vunpack.i.l.bf16.f32 v32;
	v45 =	vunpack.i.u.bf16.f32 v40;
	v44 =	vld.idx.msk [tilespmem:v24+s13+$0x0], $0xffff  }
0x1ee: {  	v37 =	vadd.f32 v37, v42;
	v46 =	vld.idx.msk [tilespmem:v23+s13+$0x0], $0xffff;
	v32 =	vadd.f32 v38, v32;
	v38 =	vmul.f32 v45, v29  }
0x1ef: {  	v31 =	vadd.f32 v36, v31;
	v40 =	vunpack.i.l.bf16.f32 v40;
	v29 =	vmul.f32 v43, v29;
	v42 =	vld.idx.msk [tilespmem:v20+s13+$0x0], $0xffff  }
0x1f0: {  	v26 =	vmul.f32 v37, v26;
	v36 =	vadd.f32 v38, v40;
	v27 =	vmul.f32 v32, v27  }
0x1f1: {  	v18 =	vadd.f32 v35, v18;
	v32 =	vunpack.i.l.bf16.f32 v41;
	[tilespmem:s7+$0x1BD80] =	vst v31;
	v31 =	vunpack.i.u.bf16.f32 v17;
	s7 =	smov.u32 s16  }
0x1f2: {  	v29 =	vadd.f32 v29, v32;
	v26 =	vadd.f32 v27, v26;
	v27 =	vmul.f32 v36, v34;
	v32 =	vld.idx.msk [tilespmem:v8+s13+$0x0], $0xffff  }
0x1f3: {  	v35 =	vunpack.i.l.bf16.f32 v39;
	v34 =	vunpack.i.u.bf16.f32 v39;
	v36 =	vunpack.i.u.bf16.f32 v44;
	v37 =	vld.idx.msk [tilespmem:v7+s13+$0x0], $0xffff  }
0x1f4: {  	v34 =	vmul.f32 v34, v15;
	v26 =	vadd.f32 v27, v26;
	v27 =	vmul.f32 v29, v33;
	v29 =	vld.idx.msk [tilespmem:v6+s13+$0x0], $0xffff  }
0x1f5: {  	v36 =	vmul.f32 v36, v15;
	v38 =	vunpack.i.u.bf16.f32 v46;
	v33 =	vunpack.i.l.bf16.f32 v44;
	v39 =	vld.idx.msk [tilespmem:v5+s13+$0x0], $0xffff  }
0x1f6: {  	v34 =	vadd.f32 v34, v35;
	v35 =	vmul.f32 v38, v15;
	v26 =	vadd.f32 v27, v26  }
0x1f7: {  	s3 =	sor.u32 $0x30, s3;
	v27 =	vadd.f32 v36, v33;
	v33 =	vunpack.i.l.bf16.f32 v46;
	v36 =	vunpack.i.u.bf16.f32 v42  }
0x1f8: {  	s25 =	sor.u32 s3, s2;
	v33 =	vadd.f32 v35, v33;
	v35 =	vmul.f32 v36, v15;
	v34 =	vmul.f32 v34, v21;
	[tilespmem:s15+$0x1BD80] =	vst v26  }
0x1f9: {  	s12 =	sor.u32 s3, s11;
	v38 =	vunpack.i.u.bf16.f32 v32;
	v26 =	vunpack.i.l.bf16.f32 v42;
	v27 =	vmul.f32 v27, v22;
	v36 =	vld [tilespmem:s25+$0x1A580]  }
0x1fa: {  	s3 =	sor.u32 s3, s23;
	v40 =	vunpack.i.u.bf16.f32 v37;
	v26 =	vadd.f32 v35, v26;
	v33 =	vmul.f32 v33, v19;
	v35 =	vld [tilespmem:s12+$0x1A580]  }
0x1fb: {  	v38 =	vmul.f32 v38, v9;
	v40 =	vmul.f32 v40, v9;
	v27 =	vadd.f32 v27, v34;
	v34 =	vld [tilespmem:s3+$0x1A580]  }
0x1fc: {  	v32 =	vunpack.i.l.bf16.f32 v32;
	v37 =	vunpack.i.l.bf16.f32 v37;
	v26 =	vmul.f32 v26, v16  }
0x1fd: {  	v32 =	vadd.f32 v38, v32;
	v27 =	vadd.f32 v33, v27;
	v33 =	vunpack.i.u.bf16.f32 v29  }
0x1fe: {  	v37 =	vadd.f32 v40, v37;
	v33 =	vmul.f32 v33, v9;
	v36 =	vmul.f32 $3.200000000e+01, v36  }
0x1ff: {  	v26 =	vadd.f32 v26, v27;
	v27 =	vunpack.i.l.bf16.f32 v29;
	v35 =	vmul.f32 $3.200000000e+01, v35  }
0x200: {  	v38 =	vmul.f32 $3.200000000e+01, v34;
	v29 =	vtrunc.f32 v36;
	v34 =	vunpack.i.u.bf16.f32 v39  }
0x201: {  	v27 =	vadd.f32 v33, v27;
	[tilespmem:s21+$0x1BD80] =	vst v26;
	v40 =	vcvt.f32.s32 v29;
	v26 =	vtrunc.f32 v35  }
0x202: {  	v33 =	vunpack.i.l.bf16.f32 v39;
	v25 =	vld.idx.msk [tilespmem:v25+s14+$0x0], $0xffff;
	v29 =	vtrunc.f32 v38;
	v41 =	vcvt.f32.s32 v26  }
0x203: {  	v42 =	vmul.f32 v32, v11;
	v24 =	vld.idx.msk [tilespmem:v24+s14+$0x0], $0xffff;
	v39 =	vcvt.f32.s32 v29;
	v26 =	vmul.u32 $0x21, v40  }
0x204: {  	v37 =	vmul.f32 v37, v12;
	v34 =	vmul.f32 v34, v9;
	v43 =	vld.idx.msk [tilespmem:v23+s14+$0x0], $0xffff;
	v23 =	vmul.u32 $0x441, v41  }
0x205: {  	v32 =	vmul.f32 v27, v13;
	v29 =	vadd.f32 v30, v28;
	v44 =	vld.idx.msk [tilespmem:v20+s14+$0x0], $0xffff;
	v20 =	vadd.s32 v39, v26  }
0x206: {  	v33 =	vadd.f32 v34, v33;
	v34 =	vadd.f32 v37, v42;
	v26 =	vadd.s32 v23, v20  }
0x207: {  	v31 =	vmul.f32 v31, v0;
	v30 =	vunpack.i.l.bf16.f32 v17;
	v27 =	vadd.s32 $0x21, v26  }
0x208: {  	v17 =	vunpack.i.u.bf16.f32 v25;
	v25 =	vunpack.i.l.bf16.f32 v25;
	v20 =	vadd.s32 $0x462, v26  }
0x209: {  	v23 =	vadd.s32 $0x441, v26;
	v17 =	vmul.f32 v17, v15;
	v28 =	vunpack.i.u.bf16.f32 v24  }
0x20a: {  	v24 =	vunpack.i.l.bf16.f32 v24;
	v28 =	vmul.f32 v28, v15;
	v37 =	vunpack.i.u.bf16.f32 v43  }
0x20b: {  	v17 =	vadd.f32 v17, v25;
	v25 =	vcvt.s32.f32 v40;
	v40 =	vcvt.s32.f32 v41;
	v41 =	vld.idx.msk [tilespmem:v26+s4+$0x0], $0xffff  }
0x20c: {  	v37 =	vmul.f32 v37, v15;
	v24 =	vadd.f32 v28, v24;
	v28 =	vunpack.i.l.bf16.f32 v43;
	v42 =	vld.idx.msk [tilespmem:v27+s4+$0x0], $0xffff  }
0x20d: {  	v43 =	vunpack.i.u.bf16.f32 v44;
	v25 =	vsub.f32 v36, v25;
	v40 =	vsub.f32 v35, v40;
	v45 =	vld.idx.msk [tilespmem:v20+s4+$0x0], $0xffff  }
0x20e: {  	v28 =	vadd.f32 v37, v28;
	v17 =	vmul.f32 v17, v21;
	v21 =	vmul.f32 v24, v22;
	v36 =	vld.idx.msk [tilespmem:v23+s4+$0x0], $0xffff  }
0x20f: {  	v22 =	vcvt.s32.f32 v39;
	v24 =	vsub.f32 $1.000000000e+00, v25;
	v37 =	vsub.f32 $1.000000000e+00, v40  }
0x210: {  	v43 =	vmul.f32 v43, v15;
	v39 =	vunpack.i.l.bf16.f32 v44;
	v15 =	vadd.f32 v21, v17  }
0x211: {  	v35 =	vmul.f32 v28, v19;
	v19 =	vsub.f32 v38, v22;
	v21 =	vmul.f32 v37, v24  }
0x212: {  	v22 =	vmul.f32 v37, v25;
	v17 =	vunpack.i.u.bf16.f32 v41;
	v28 =	vunpack.i.u.bf16.f32 v42  }
0x213: {  	v37 =	vunpack.i.l.bf16.f32 v41;
	v17 =	vmul.f32 v17, v19;
	v28 =	vmul.f32 v28, v19  }
0x214: {  	v38 =	vunpack.i.l.bf16.f32 v42;
	v42 =	vunpack.i.u.bf16.f32 v45;
	v41 =	vunpack.i.u.bf16.f32 v36  }
.Ltmp0:
0x215: {  	v17 =	vadd.f32 v17, v37;
	v28 =	vadd.f32 v28, v38;
	v37 =	vmul.f32 v41, v19;
	(pc) =	sbr.rel @p0 .LBB2_3-.Ltmp0, $4  }
0x216: {  	v24 =	vmul.f32 v40, v24;
	v36 =	vunpack.i.l.bf16.f32 v36;
	v38 =	vmul.f32 v42, v19  }
0x217: {  	v41 =	vmul.f32 v21, v17;
	v37 =	vadd.f32 v37, v36;
	v28 =	vmul.f32 v28, v22  }
0x218: {  	v25 =	vmul.f32 v40, v25;
	v17 =	vunpack.i.l.bf16.f32 v45;
	v36 =	vadd.f32 v43, v39  }
0x219: {  	s19 =	sadd.s32 $0x40, s19;
	v17 =	vadd.f32 v38, v17;
	v28 =	vadd.f32 v28, v41;
	v37 =	vmul.f32 v37, v24  }
0x21a: {  	v15 =	vadd.f32 v35, v15;
	v16 =	vmul.f32 v36, v16;
	_ =	sdelay $0x1  }
0x21b: {  	v15 =	vadd.f32 v16, v15;
	_ =	sdelay $0x1  }
0x21c: {  	[tilespmem:s18+$0x1BD80] =	vst v15  }
0x21d: {  	v28 =	vadd.f32 v37, v28;
	v17 =	vmul.f32 v17, v25;
	v15 =	vld [tilespmem:s10+$0x1A580]  }
0x21e: {  	v16 =	vld [tilespmem:s17+$0x1A580]  }
0x21f: {  	v17 =	vadd.f32 v17, v28;
	v55 =	vld [tilespmem:s7+$0x1A580];
	_ =	sdelay $0x1  }
0x220: {  	[tilespmem:s3+$0x1BD80] =	vst v17  }
0x221: {  	v28 =	vld.idx.msk [tilespmem:v26+s13+$0x0], $0xffff;
	v56 =	vmul.f32 $3.200000000e+01, v15  }
0x222: {  	v58 =	vld.idx.msk [tilespmem:v27+s13+$0x0], $0xffff;
	v57 =	vmul.f32 $3.200000000e+01, v16  }
0x223: {  	v38 =	vmul.f32 $3.200000000e+01, v55;
	v15 =	vtrunc.f32 v56  }
0x224: {  	v42 =	vld.idx.msk [tilespmem:v23+s13+$0x0], $0xffff;
	v16 =	vtrunc.f32 v57;
	v15 =	vcvt.f32.s32 v15  }
0x225: {  	v17 =	vtrunc.f32 v38;
	v39 =	vcvt.f32.s32 v16  }
0x226: {  	v41 =	vcvt.f32.s32 v17;
	v16 =	vmul.u32 $0x21, v15  }
0x227: {  	v43 =	vunpack.i.u.bf16.f32 v28;
	v44 =	vunpack.i.u.bf16.f32 v58;
	v17 =	vmul.u32 $0x441, v39  }
0x228: {  	v46 =	vunpack.i.l.bf16.f32 v28;
	v44 =	vmul.f32 v44, v19;
	v16 =	vadd.s32 v41, v16  }
0x229: {  	v40 =	vld.idx.msk [tilespmem:v20+s13+$0x0], $0xffff;
	v28 =	vunpack.i.u.bf16.f32 v42;
	v35 =	vunpack.i.l.bf16.f32 v58;
	v17 =	vadd.s32 v17, v16  }
0x22a: {  	v43 =	vmul.f32 v43, v19;
	v35 =	vadd.f32 v44, v35;
	v16 =	vadd.s32 $0x21, v17  }
0x22b: {  	v47 =	vmul.f32 v28, v19;
	v28 =	vadd.s32 $0x441, v17  }
0x22c: {  	v43 =	vadd.f32 v43, v46;
	v61 =	vmul.f32 v35, v22;
	v35 =	vadd.s32 $0x462, v17  }
0x22d: {  	v42 =	vunpack.i.l.bf16.f32 v42;
	v48 =	vcvt.s32.f32 v15;
	v39 =	vcvt.s32.f32 v39  }
0x22e: {  	v45 =	vunpack.i.u.bf16.f32 v40;
	v42 =	vadd.f32 v47, v42;
	v43 =	vmul.f32 v43, v21;
	v62 =	vld.idx.msk [tilespmem:v17+s4+$0x0], $0xffff  }
0x22f: {  	v40 =	vunpack.i.l.bf16.f32 v40;
	v36 =	vsub.f32 v56, v48;
	v54 =	vsub.f32 v57, v39;
	v60 =	vld.idx.msk [tilespmem:v16+s4+$0x0], $0xffff  }
0x230: {  	v59 =	vmul.f32 v45, v19;
	v15 =	vcvt.s32.f32 v41;
	v63 =	vadd.f32 v61, v43;
	v52 =	vld.idx.msk [tilespmem:v28+s4+$0x0], $0xffff  }
0x231: {  	v42 =	vmul.f32 v42, v24;
	v56 =	vsub.f32 $1.000000000e+00, v36;
	v58 =	vsub.f32 $1.000000000e+00, v54;
	v55 =	vld.idx.msk [tilespmem:v35+s4+$0x0], $0xffff  }
0x232: {  	v40 =	vadd.f32 v59, v40  }
0x233: {  	v15 =	vsub.f32 v38, v15;
	v41 =	vadd.f32 v42, v63;
	v59 =	vmul.f32 v58, v56  }
0x234: {  	v57 =	vunpack.i.u.bf16.f32 v62;
	v47 =	vunpack.i.l.bf16.f32 v62;
	v53 =	vunpack.i.u.bf16.f32 v60  }
0x235: {  	v39 =	vmul.f32 v57, v15;
	v45 =	vunpack.i.l.bf16.f32 v60;
	v38 =	vmul.f32 v53, v15  }
0x236: {  	v49 =	vunpack.i.u.bf16.f32 v52;
	v60 =	vmul.f32 v58, v36;
	v62 =	vunpack.i.u.bf16.f32 v55  }
0x237: {  	v61 =	vmul.f32 v49, v15;
	v47 =	vadd.f32 v39, v47;
	v45 =	vadd.f32 v38, v45  }
0x238: {  	v37 =	vmul.f32 v54, v56;
	v43 =	vunpack.i.l.bf16.f32 v52;
	v63 =	vmul.f32 v62, v15  }
0x239: {  	v42 =	vadd.f32 v61, v43;
	v47 =	vmul.f32 v59, v47;
	v45 =	vmul.f32 v45, v60  }
0x23a: {  	v40 =	vmul.f32 v40, v25;
	v46 =	vunpack.i.l.bf16.f32 v55;
	v36 =	vmul.f32 v54, v36  }
0x23b: {  	v43 =	vadd.f32 v63, v46;
	v42 =	vmul.f32 v42, v37;
	v45 =	vadd.f32 v45, v47  }
0x23c: {  	v40 =	vadd.f32 v40, v41  }
0x23d: {  	v46 =	vmul.f32 v43, v36;
	v45 =	vadd.f32 v42, v45  }
0x23e: {  	[tilespmem:s25+$0x1BD80] =	vst v40  }
0x23f: {  	v26 =	vld.idx.msk [tilespmem:v26+s14+$0x0], $0xffff;
	v47 =	vadd.f32 v46, v45  }
0x240: {  	v1 =	vmul.f32 v18, v1;
	v2 =	vmul.f32 v29, v2;
	v29 =	vadd.f32 v31, v30;
	v23 =	vld.idx.msk [tilespmem:v23+s14+$0x0], $0xffff  }
0x241: {  	v32 =	vadd.f32 v32, v34;
	v20 =	vld.idx.msk [tilespmem:v20+s14+$0x0], $0xffff;
	[tilespmem:s7+$0x1BD80] =	vst v47  }
0x242: {  	v33 =	vmul.f32 v33, v14;
	v1 =	vadd.f32 v2, v1;
	v2 =	vmul.f32 v29, v3;
	v48 =	vld.idx.msk [tilespmem:v17+s13+$0x0], $0xffff  }
0x243: {  	v18 =	vld.idx.msk [tilespmem:v16+s13+$0x0], $0xffff  }
0x244: {  	v30 =	vadd.f32 v33, v32;
	v1 =	vadd.f32 v2, v1;
	v31 =	vld.idx.msk [tilespmem:v28+s13+$0x0], $0xffff  }
0x245: {  	v49 =	vunpack.i.u.bf16.f32 v10;
	v10 =	vunpack.i.l.bf16.f32 v10;
	v3 =	vunpack.i.u.bf16.f32 v26;
	v29 =	vld.idx.msk [tilespmem:v35+s13+$0x0], $0xffff  }
0x246: {  	v26 =	vunpack.i.l.bf16.f32 v26;
	v56 =	vunpack.i.u.bf16.f32 v23;
	v0 =	vmul.f32 v49, v0  }
0x247: {  	v27 =	vld.idx.msk [tilespmem:v27+s14+$0x0], $0xffff;
	v23 =	vunpack.i.l.bf16.f32 v23;
	v2 =	vunpack.i.u.bf16.f32 v20;
	v3 =	vmul.f32 v3, v19  }
0x248: {  	v0 =	vadd.f32 v0, v10;
	v50 =	vunpack.i.u.bf16.f32 v48;
	v51 =	vunpack.i.u.bf16.f32 v18  }
0x249: {  	v34 =	vunpack.i.l.bf16.f32 v48;
	v32 =	vmul.f32 v50, v15;
	v33 =	vmul.f32 v51, v15  }
0x24a: {  	v18 =	vunpack.i.l.bf16.f32 v18;
	v52 =	vunpack.i.u.bf16.f32 v31;
	v54 =	vunpack.i.u.bf16.f32 v29  }
0x24b: {  	v53 =	vmul.f32 v52, v15;
	v32 =	vadd.f32 v32, v34;
	v18 =	vadd.f32 v33, v18  }
0x24c: {  	v10 =	vunpack.i.u.bf16.f32 v27;
	v31 =	vunpack.i.l.bf16.f32 v31;
	v55 =	vmul.f32 v54, v15  }
0x24d: {  	v31 =	vadd.f32 v53, v31;
	v32 =	vmul.f32 v32, v59;
	v18 =	vmul.f32 v18, v60  }
0x24e: {  	v2 =	vmul.f32 v2, v19;
	v10 =	vmul.f32 v10, v19;
	v29 =	vunpack.i.l.bf16.f32 v29  }
0x24f: {  	[tilespmem:s0+$0x1BD80] =	vst v30;
	v29 =	vadd.f32 v55, v29;
	v30 =	vmul.f32 v31, v37;
	v18 =	vadd.f32 v18, v32  }
0x250: {  	v7 =	vld.idx.msk [tilespmem:v7+s14+$0x0], $0xffff;
	v27 =	vunpack.i.l.bf16.f32 v27;
	v3 =	vadd.f32 v3, v26;
	v26 =	vmul.f32 v56, v19  }
0x251: {  	v8 =	vld.idx.msk [tilespmem:v8+s14+$0x0], $0xffff;
	v10 =	vadd.f32 v10, v27;
	v27 =	vmul.f32 v29, v36;
	v18 =	vadd.f32 v30, v18  }
0x252: {  	v23 =	vadd.f32 v26, v23;
	v3 =	vmul.f32 v3, v21;
	v0 =	vmul.f32 v0, v4  }
0x253: {  	v6 =	vld.idx.msk [tilespmem:v6+s14+$0x0], $0xffff;
	v4 =	vunpack.i.l.bf16.f32 v20;
	v10 =	vmul.f32 v10, v22;
	v18 =	vadd.f32 v27, v18  }
0x254: {  	v2 =	vadd.f32 v2, v4  }
0x255: {  	v5 =	vld.idx.msk [tilespmem:v5+s14+$0x0], $0xffff;
	v4 =	vunpack.i.u.bf16.f32 v7;
	v3 =	vadd.f32 v10, v3;
	v10 =	vmul.f32 v23, v24;
	[tilespmem:s10+$0x1BD80] =	vst v18  }
0x256: {  	v19 =	vunpack.i.u.bf16.f32 v8;
	v4 =	vmul.f32 v4, v9;
	v17 =	vld.idx.msk [tilespmem:v17+s14+$0x0], $0xffff  }
0x257: {  	v7 =	vunpack.i.l.bf16.f32 v7;
	v3 =	vadd.f32 v10, v3;
	v18 =	vmul.f32 v19, v9;
	v10 =	vld.idx.msk [tilespmem:v16+s14+$0x0], $0xffff  }
0x258: {  	v8 =	vunpack.i.l.bf16.f32 v8;
	v4 =	vadd.f32 v4, v7;
	v16 =	vunpack.i.u.bf16.f32 v6  }
0x259: {  	v2 =	vmul.f32 v2, v25;
	v8 =	vadd.f32 v18, v8;
	v7 =	vmul.f32 v16, v9;
	v16 =	vld.idx.msk [tilespmem:v28+s14+$0x0], $0xffff  }
0x25a: {  	v4 =	vmul.f32 v4, v12;
	v6 =	vunpack.i.l.bf16.f32 v6;
	v18 =	vunpack.i.u.bf16.f32 v5  }
0x25b: {  	v8 =	vmul.f32 v8, v11;
	v6 =	vadd.f32 v7, v6;
	v7 =	vld.idx.msk [tilespmem:v35+s14+$0x0], $0xffff;
	v11 =	vunpack.i.u.bf16.f32 v17  }
0x25c: {  	v5 =	vunpack.i.l.bf16.f32 v5;
	v12 =	vunpack.i.u.bf16.f32 v10;
	v11 =	vmul.f32 v11, v15  }
0x25d: {  	v9 =	vmul.f32 v18, v9;
	v17 =	vunpack.i.l.bf16.f32 v17;
	v12 =	vmul.f32 v12, v15  }
0x25e: {  	v10 =	vunpack.i.l.bf16.f32 v10;
	v11 =	vadd.f32 v11, v17;
	v17 =	vunpack.i.u.bf16.f32 v16  }
0x25f: {  	v4 =	vadd.f32 v4, v8;
	v8 =	vadd.f32 v12, v10;
	v10 =	vmul.f32 v17, v15  }
0x260: {  	v12 =	vunpack.i.l.bf16.f32 v16;
	v16 =	vunpack.i.u.bf16.f32 v7;
	v11 =	vmul.f32 v11, v59  }
0x261: {  	p0 =	seq.s32 s26, $0xF;
	v8 =	vmul.f32 v8, v60;
	v10 =	vadd.f32 v10, v12;
	v12 =	vmul.f32 v16, v15  }
0x262: {  	s0 =	sadd.s32 @!p0 $0x2, s28;
	v5 =	vadd.f32 v9, v5;
	v6 =	vmul.f32 v6, v13;
	v7 =	vunpack.i.l.bf16.f32 v7  }
0x263: {  	s1 =	sshrl.u32 @!p0 s0, $0x3;
	s0 =	sand.u32 @!p0 $0x6, s0;
	v8 =	vadd.f32 v8, v11;
	v7 =	vadd.f32 v12, v7;
	v9 =	vmul.f32 v10, v37  }
0x264: {  	s1 =	smul.u32 @!p0 $0xC0000, s1;
	s0 =	sor.u32 @!p0 s5, s0;
	v0 =	vadd.f32 v0, v1;
	v1 =	vadd.f32 v6, v4;
	v4 =	vmul.f32 v5, v14  }
0x265: {  	s0 =	sshll.u32 @!p0 s0, $0xA;
	v2 =	vadd.f32 v2, v3;
	v3 =	vadd.f32 v9, v8;
	v5 =	vmul.f32 v7, v36  }
0x266: {  	s0 =	sor.u32 @!p0 s1, s0;
	[tilespmem:s29+$0x1BD80] =	vst v0;
	v0 =	vadd.f32 v4, v1  }
0x267: {  	s1 =	rddreg [dreg:$0x1];
	s0 =	sshrl.u32 @!p0 s0, $0x3;
	[tilespmem:s12+$0x1BD80] =	vst v2;
	v1 =	vadd.f32 v5, v3  }
0x268: {  	s2 =	simm.s32 @!p0 $0x40000;
	s3 =	simm.s32 @!p0 $0x1A580;
	s0 =	sadd.s32 @!p0 s1, s0;
	[tilespmem:s31+$0x1BD80] =	vst v0  }
0x269: {  	s1 =	simm.s32 @!p0 $0x400;
	s29 =	smul.u32 $0xC0000, s6;
	s12 =	sshll.u32 s8, $0xA;
	[tilespmem:s17+$0x1BD80] =	vst v1  }
0x26a: {  	[tilespmem:s3], [sflag:$0x1] =	stream.strided.gather @!p0 [hbm4b:s0+s1], $0xC00, s2, s1, $0x38;
	[tilespmem:$0x1D580] =	vst v63  }
0x26b: {  	s15 =	rddreg [dreg:$0x2];
	s0 =	sadd.s32 s29, s12  }
0x26c: {  	s16 =	simm.s32 $0x400;
	s19 =	simm.s32 $0x2;
	s0 =	sshrl.u32 s0, $0x3  }
0x26d: {  	s18 =	simm.s32 $0x1BD80;
	s17 =	simm.s32 $0x40000;
	s0 =	sadd.s32 s15, s0  }
0x26e: {  	[hbm4b:s0+s16] =	stream.strided.scatter [tilespmem:s18], [sflag:$0x3], $0xC00, s17, s16, $0x38;
	[tilespmem:$0x1D580] =	vst v63  }
0x26f: {  	_ =	swait.ge [sflag:s19], $0xC00  }
0x270: {  	[sflag:s19] =	ssyncset.done $0x0  }
0x271: {  	s20 =	simm.s32 $0x0;
	s0 =	simm.s32 @!p1 $0x4;
	[sflag:s19] =	ssyncadd.s32 $0xFFFFF400  }
0x272: {  	s21 =	sand.u32 $0x40, s20;
	s2 =	sand.u32 $0x7FFFFF80, s20;
	_ =	swait.ge @!p1 [sflag:s0], $0xC00  }
0x273: {  	s23 =	sor.u32 $0x20, s21;
	s22 =	sadd.s32 $0x400, s2;
	[sflag:s0] =	ssyncset.done @!p1 $0x0  }
0x274: {  	s24 =	sadd.s32 $0x800, s2;
	s9 =	sor.u32 s23, s22;
	[sflag:s0] =	ssyncadd.s32 @!p1 $0xFFFFF400  }
0x275: {  	s12 =	sor.u32 s23, s24;
	v0 =	vld [tilespmem:s9+$0x1B180]  }
0x276: {  	s15 =	sor.u32 s23, s2;
	v1 =	vld [tilespmem:s12+$0x1B180]  }
0x277: {  	v2 =	vld [tilespmem:s15+$0x1B180];
	_ =	sdelay $0x2  }
0x278: {  	v0 =	vmul.f32 $3.200000000e+01, v0  }
0x279: {  	v1 =	vmul.f32 $3.200000000e+01, v1  }
0x27a: {  	v2 =	vmul.f32 $3.200000000e+01, v2;
	v3 =	vtrunc.f32 v0  }
0x27b: {  	v4 =	vtrunc.f32 v1;
	v3 =	vcvt.f32.s32 v3  }
0x27c: {  	v5 =	vtrunc.f32 v2;
	v4 =	vcvt.f32.s32 v4  }
0x27d: {  	v5 =	vcvt.f32.s32 v5;
	v6 =	vmul.u32 $0x21, v3  }
0x27e: {  	v7 =	vmul.u32 $0x441, v4  }
0x27f: {  	v6 =	vadd.s32 v5, v6  }
0x280: {  	v8 =	vadd.s32 v7, v6  }
0x281: {  	v14 =	vadd.s32 $0x21, v8  }
0x282: {  	v11 =	vadd.s32 $0x462, v8  }
0x283: {  	v13 =	vadd.s32 $0x441, v8  }
0x284: {  	v3 =	vcvt.s32.f32 v3;
	v4 =	vcvt.s32.f32 v4  }
0x285: {  	v7 =	vld.idx.msk [tilespmem:v8+s4+$0x0], $0xffff  }
0x286: {  	v0 =	vsub.f32 v0, v3;
	v1 =	vsub.f32 v1, v4;
	v3 =	vld.idx.msk [tilespmem:v14+s4+$0x0], $0xffff  }
0x287: {  	v4 =	vld.idx.msk [tilespmem:v11+s4+$0x0], $0xffff  }
0x288: {  	v5 =	vcvt.s32.f32 v5;
	v10 =	vsub.f32 $1.000000000e+00, v0;
	v6 =	vsub.f32 $1.000000000e+00, v1;
	v12 =	vld.idx.msk [tilespmem:v13+s4+$0x0], $0xffff;
	_ =	sdelay $0x1  }
0x289: {  	v9 =	vsub.f32 v2, v5;
	v5 =	vmul.f32 v6, v10  }
0x28a: {  	v6 =	vmul.f32 v6, v0;
	v2 =	vunpack.i.u.bf16.f32 v7;
	v15 =	vunpack.i.u.bf16.f32 v3  }
0x28b: {  	v7 =	vunpack.i.l.bf16.f32 v7;
	v2 =	vmul.f32 v2, v9;
	v15 =	vmul.f32 v15, v9  }
0x28c: {  	v3 =	vunpack.i.l.bf16.f32 v3;
	v16 =	vunpack.i.u.bf16.f32 v12;
	v17 =	vunpack.i.u.bf16.f32 v4  }
0x28d: {  	s16 =	sor.u32 s21, s22;
	v2 =	vadd.f32 v2, v7;
	v7 =	vmul.f32 v16, v9;
	v3 =	vadd.f32 v15, v3  }
0x28e: {  	s17 =	sor.u32 s21, s24;
	v18 =	vld [tilespmem:s16+$0x1B180];
	v16 =	vmul.f32 v1, v10;
	v10 =	vunpack.i.l.bf16.f32 v12;
	v12 =	vmul.f32 v17, v9  }
0x28f: {  	s11 =	simm.s32 $0x1B180;
	v15 =	vld [tilespmem:s17+$0x1B180];
	v7 =	vadd.f32 v7, v10;
	v2 =	vmul.f32 v5, v2;
	v3 =	vmul.f32 v3, v6  }
0x290: {  	v19 =	vmul.f32 v1, v0;
	v0 =	vunpack.i.l.bf16.f32 v4;
	v17 =	vld [tilespmem:s11+$0x0]  }
0x291: {  	v0 =	vadd.f32 v12, v0;
	v1 =	vadd.f32 v3, v2;
	v2 =	vmul.f32 v7, v16;
	_ =	sdelay $0x1  }
0x292: {  	v0 =	vmul.f32 v0, v19;
	v3 =	vmul.f32 $3.200000000e+01, v18;
	v1 =	vadd.f32 v2, v1  }
0x293: {  	v4 =	vmul.f32 $3.200000000e+01, v15  }
0x294: {  	v10 =	vmul.f32 $3.200000000e+01, v17;
	v2 =	vtrunc.f32 v3;
	v0 =	vadd.f32 v0, v1  }
0x295: {  	v2 =	vcvt.f32.s32 v2;
	v7 =	vtrunc.f32 v4  }
0x296: {  	v1 =	vtrunc.f32 v10;
	v7 =	vcvt.f32.s32 v7;
	[tilespmem:s15+$0x1C980] =	vst v0  }
0x297: {  	v1 =	vcvt.f32.s32 v1;
	v12 =	vmul.u32 $0x21, v2;
	v15 =	vld.idx.msk [tilespmem:v8+s13+$0x0], $0xffff  }
0x298: {  	v18 =	vcvt.s32.f32 v2;
	v0 =	vmul.u32 $0x441, v7;
	v17 =	vld.idx.msk [tilespmem:v14+s13+$0x0], $0xffff  }
0x299: {  	v7 =	vcvt.s32.f32 v7;
	v12 =	vadd.s32 v1, v12;
	v20 =	vld.idx.msk [tilespmem:v13+s13+$0x0], $0xffff  }
0x29a: {  	v1 =	vcvt.s32.f32 v1;
	v18 =	vsub.f32 v3, v18;
	v0 =	vadd.s32 v0, v12;
	v12 =	vld.idx.msk [tilespmem:v11+s13+$0x0], $0xffff  }
0x29b: {  	v21 =	vsub.f32 v4, v7;
	v2 =	vadd.s32 $0x21, v0;
	v7 =	vadd.s32 $0x441, v0  }
0x29c: {  	v4 =	vadd.s32 $0x462, v0;
	v22 =	vsub.f32 $1.000000000e+00, v18;
	v1 =	vsub.f32 v10, v1  }
0x29d: {  	v3 =	vunpack.i.u.bf16.f32 v15;
	v23 =	vunpack.i.u.bf16.f32 v17;
	v15 =	vunpack.i.l.bf16.f32 v15  }
0x29e: {  	v17 =	vunpack.i.l.bf16.f32 v17;
	v3 =	vmul.f32 v3, v9;
	v23 =	vmul.f32 v23, v9  }
0x29f: {  	v26 =	vunpack.i.u.bf16.f32 v20;
	v20 =	vunpack.i.l.bf16.f32 v20;
	v24 =	vunpack.i.u.bf16.f32 v12  }
0x2a0: {  	v27 =	vld.idx.msk [tilespmem:v0+s4+$0x0], $0xffff;
	v3 =	vadd.f32 v3, v15;
	v15 =	vadd.f32 v23, v17;
	v17 =	vmul.f32 v26, v9  }
0x2a1: {  	v10 =	vunpack.i.l.bf16.f32 v12;
	v25 =	vld.idx.msk [tilespmem:v2+s4+$0x0], $0xffff;
	v24 =	vmul.f32 v24, v9;
	v23 =	vsub.f32 $1.000000000e+00, v21  }
0x2a2: {  	v17 =	vadd.f32 v17, v20;
	v20 =	vmul.f32 v3, v5;
	v15 =	vmul.f32 v15, v6  }
0x2a3: {  	v26 =	vld.idx.msk [tilespmem:v7+s4+$0x0], $0xffff;
	v12 =	vadd.f32 v24, v10  }
0x2a4: {  	v3 =	vmul.f32 v23, v22;
	v15 =	vadd.f32 v15, v20;
	v17 =	vmul.f32 v17, v16  }
0x2a5: {  	v10 =	vmul.f32 v23, v18;
	v24 =	vunpack.i.u.bf16.f32 v27;
	v12 =	vmul.f32 v12, v19;
	v20 =	vld.idx.msk [tilespmem:v4+s4+$0x0], $0xffff  }
0x2a6: {  	v23 =	vunpack.i.u.bf16.f32 v25;
	v24 =	vmul.f32 v24, v1;
	v15 =	vadd.f32 v17, v15  }
0x2a7: {  	v17 =	vmul.f32 v23, v1;
	v23 =	vunpack.i.l.bf16.f32 v25;
	v25 =	vunpack.i.l.bf16.f32 v27  }
0x2a8: {  	v27 =	vunpack.i.u.bf16.f32 v26;
	v24 =	vadd.f32 v24, v25;
	v15 =	vadd.f32 v12, v15  }
0x2a9: {  	v12 =	vmul.f32 v21, v22;
	v17 =	vadd.f32 v17, v23;
	v22 =	vmul.f32 v27, v1  }
0x2aa: {  	v23 =	vunpack.i.l.bf16.f32 v26;
	v25 =	vunpack.i.u.bf16.f32 v20;
	v24 =	vmul.f32 v3, v24;
	[tilespmem:s9+$0x1C980] =	vst v15  }
0x2ab: {  	v15 =	vadd.f32 v22, v23;
	v17 =	vmul.f32 v17, v10;
	v22 =	vmul.f32 v25, v1;
	v23 =	vld.idx.msk [tilespmem:v8+s14+$0x0], $0xffff  }
0x2ac: {  	v8 =	vmul.f32 v21, v18;
	v18 =	vunpack.i.l.bf16.f32 v20;
	v14 =	vld.idx.msk [tilespmem:v14+s14+$0x0], $0xffff  }
0x2ad: {  	v11 =	vld.idx.msk [tilespmem:v11+s14+$0x0], $0xffff;
	v17 =	vadd.f32 v17, v24;
	v15 =	vmul.f32 v15, v12;
	v18 =	vadd.f32 v22, v18  }
0x2ae: {  	v13 =	vld.idx.msk [tilespmem:v13+s14+$0x0], $0xffff  }
0x2af: {  	v15 =	vadd.f32 v15, v17;
	v17 =	vmul.f32 v18, v8;
	_ =	sdelay $0x1  }
0x2b0: {  	v15 =	vadd.f32 v17, v15;
	v17 =	vunpack.i.u.bf16.f32 v23;
	v18 =	vunpack.i.u.bf16.f32 v14  }
0x2b1: {  	v20 =	vunpack.i.u.bf16.f32 v11;
	v17 =	vmul.f32 v17, v9;
	v18 =	vmul.f32 v18, v9  }
0x2b2: {  	s18 =	simm.s32 $0x1C980;
	v21 =	vunpack.i.l.bf16.f32 v23;
	v14 =	vunpack.i.l.bf16.f32 v14;
	v22 =	vunpack.i.u.bf16.f32 v13  }
0x2b3: {  	[tilespmem:s18+$0x0] =	vst v15;
	v15 =	vadd.f32 v17, v21;
	v14 =	vadd.f32 v18, v14;
	v17 =	vmul.f32 v22, v9  }
0x2b4: {  	v13 =	vunpack.i.l.bf16.f32 v13;
	v18 =	vld.idx.msk [tilespmem:v0+s13+$0x0], $0xffff;
	v9 =	vmul.f32 v20, v9  }
0x2b5: {  	v20 =	vld.idx.msk [tilespmem:v2+s13+$0x0], $0xffff;
	v13 =	vadd.f32 v17, v13;
	v5 =	vmul.f32 v15, v5;
	v6 =	vmul.f32 v14, v6  }
0x2b6: {  	v14 =	vld.idx.msk [tilespmem:v7+s13+$0x0], $0xffff  }
0x2b7: {  	v11 =	vunpack.i.l.bf16.f32 v11;
	v5 =	vadd.f32 v6, v5;
	v6 =	vmul.f32 v13, v16  }
0x2b8: {  	v9 =	vadd.f32 v9, v11;
	v11 =	vld.idx.msk [tilespmem:v4+s13+$0x0], $0xffff  }
0x2b9: {  	v13 =	vunpack.i.u.bf16.f32 v18;
	v5 =	vadd.f32 v6, v5  }
0x2ba: {  	v6 =	vmul.f32 v9, v19;
	v9 =	vunpack.i.u.bf16.f32 v20;
	v13 =	vmul.f32 v13, v1  }
0x2bb: {  	v15 =	vunpack.i.l.bf16.f32 v18;
	v9 =	vmul.f32 v9, v1;
	v16 =	vunpack.i.u.bf16.f32 v14  }
0x2bc: {  	v5 =	vadd.f32 v6, v5;
	v6 =	vunpack.i.l.bf16.f32 v20;
	v13 =	vadd.f32 v13, v15  }
0x2bd: {  	s19 =	sor.u32 $0x30, s21;
	v15 =	vmul.f32 v16, v1;
	v6 =	vadd.f32 v9, v6;
	v9 =	vunpack.i.u.bf16.f32 v11  }
0x2be: {  	s20 =	sor.u32 s19, s22;
	[tilespmem:s12+$0x1C980] =	vst v5;
	v5 =	vunpack.i.l.bf16.f32 v14;
	v9 =	vmul.f32 v9, v1  }
0x2bf: {  	s18 =	sor.u32 s19, s24;
	v13 =	vmul.f32 v13, v3;
	v14 =	vld [tilespmem:s20+$0x1B180];
	v5 =	vadd.f32 v15, v5;
	v6 =	vmul.f32 v6, v10  }
0x2c0: {  	s9 =	sor.u32 s19, s2;
	v11 =	vunpack.i.l.bf16.f32 v11;
	v15 =	vld [tilespmem:s18+$0x1B180]  }
0x2c1: {  	v16 =	vld [tilespmem:s9+$0x1B180];
	v9 =	vadd.f32 v9, v11;
	v5 =	vmul.f32 v5, v12;
	v6 =	vadd.f32 v6, v13;
	_ =	sdelay $0x1  }
0x2c2: {  	v9 =	vmul.f32 v9, v8;
	v5 =	vadd.f32 v5, v6  }
0x2c3: {  	v6 =	vmul.f32 $3.200000000e+01, v14  }
0x2c4: {  	v13 =	vmul.f32 $3.200000000e+01, v15;
	v5 =	vadd.f32 v9, v5  }
0x2c5: {  	v9 =	vmul.f32 $3.200000000e+01, v16;
	v11 =	vtrunc.f32 v6  }
0x2c6: {  	v14 =	vcvt.f32.s32 v11;
	v11 =	vtrunc.f32 v13;
	[tilespmem:s16+$0x1C980] =	vst v5  }
0x2c7: {  	v5 =	vtrunc.f32 v9;
	v15 =	vcvt.f32.s32 v11;
	v16 =	vld.idx.msk [tilespmem:v0+s14+$0x0], $0xffff  }
0x2c8: {  	v5 =	vcvt.f32.s32 v5;
	v17 =	vld.idx.msk [tilespmem:v2+s14+$0x0], $0xffff;
	v0 =	vmul.u32 $0x21, v14  }
0x2c9: {  	v14 =	vcvt.s32.f32 v14;
	v2 =	vmul.u32 $0x441, v15  }
0x2ca: {  	v7 =	vld.idx.msk [tilespmem:v7+s14+$0x0], $0xffff;
	v15 =	vcvt.s32.f32 v15;
	v0 =	vadd.s32 v5, v0  }
0x2cb: {  	v14 =	vsub.f32 v6, v14;
	v11 =	vadd.s32 v2, v0  }
0x2cc: {  	v18 =	vld.idx.msk [tilespmem:v4+s14+$0x0], $0xffff;
	v5 =	vcvt.s32.f32 v5;
	v13 =	vsub.f32 v13, v15;
	v0 =	vadd.s32 $0x21, v11  }
0x2cd: {  	v2 =	vunpack.i.u.bf16.f32 v16;
	v4 =	vadd.s32 $0x462, v11;
	v20 =	vunpack.i.u.bf16.f32 v17  }
0x2ce: {  	v19 =	vmul.f32 v2, v1;
	v2 =	vadd.s32 $0x441, v11;
	v20 =	vmul.f32 v20, v1  }
0x2cf: {  	v16 =	vunpack.i.l.bf16.f32 v16;
	v17 =	vunpack.i.l.bf16.f32 v17;
	v21 =	vunpack.i.u.bf16.f32 v7  }
0x2d0: {  	v16 =	vadd.f32 v19, v16;
	v17 =	vadd.f32 v20, v17;
	v20 =	vmul.f32 v21, v1;
	v19 =	vld.idx.msk [tilespmem:v11+s4+$0x0], $0xffff  }
0x2d1: {  	v7 =	vunpack.i.l.bf16.f32 v7;
	v22 =	vunpack.i.u.bf16.f32 v18;
	v18 =	vunpack.i.l.bf16.f32 v18;
	v21 =	vld.idx.msk [tilespmem:v0+s4+$0x0], $0xffff  }
0x2d2: {  	v15 =	vld.idx.msk [tilespmem:v4+s4+$0x0], $0xffff;
	v6 =	vadd.f32 v20, v7;
	v3 =	vmul.f32 v16, v3;
	v7 =	vmul.f32 v17, v10  }
0x2d3: {  	v16 =	vsub.f32 $1.000000000e+00, v14;
	v17 =	vsub.f32 $1.000000000e+00, v13;
	v20 =	vmul.f32 v22, v1;
	v10 =	vld.idx.msk [tilespmem:v2+s4+$0x0], $0xffff  }
0x2d4: {  	v22 =	vadd.f32 v7, v3;
	v12 =	vmul.f32 v6, v12;
	v3 =	vsub.f32 v9, v5  }
0x2d5: {  	v1 =	vmul.f32 v17, v16;
	v5 =	vmul.f32 v17, v14;
	v18 =	vadd.f32 v20, v18  }
0x2d6: {  	v6 =	vunpack.i.u.bf16.f32 v19;
	v9 =	vunpack.i.l.bf16.f32 v19;
	v7 =	vunpack.i.u.bf16.f32 v21  }
0x2d7: {  	v12 =	vadd.f32 v12, v22;
	v6 =	vmul.f32 v6, v3;
	v7 =	vmul.f32 v7, v3  }
0x2d8: {  	v17 =	vunpack.i.l.bf16.f32 v21;
	v21 =	vunpack.i.u.bf16.f32 v15;
	v19 =	vunpack.i.u.bf16.f32 v10  }
0x2d9: {  	v9 =	vadd.f32 v6, v9;
	v7 =	vadd.f32 v7, v17;
	v17 =	vmul.f32 v19, v3  }
0x2da: {  	v10 =	vunpack.i.l.bf16.f32 v10;
	v6 =	vmul.f32 v13, v16;
	v16 =	vmul.f32 v21, v3  }
0x2db: {  	v9 =	vmul.f32 v1, v9;
	v10 =	vadd.f32 v17, v10;
	v17 =	vmul.f32 v7, v5  }
0x2dc: {  	v8 =	vmul.f32 v18, v8;
	v7 =	vmul.f32 v13, v14;
	v13 =	vunpack.i.l.bf16.f32 v15  }
0x2dd: {  	s25 =	simm.s32 $0x1B1C0;
	v13 =	vadd.f32 v16, v13;
	v9 =	vadd.f32 v17, v9;
	v10 =	vmul.f32 v10, v6  }
0x2de: {  	s6 =	simm.s32 $0x40;
	v8 =	vadd.f32 v8, v12;
	v14 =	vld [tilespmem:s25+$0x0]  }
0x2df: {  	s8 =	sand.u32 $0x40, s6;
	s6 =	sand.u32 $0x7FFFFF80, s6;
	v9 =	vadd.f32 v10, v9;
	v10 =	vmul.f32 v13, v7  }
0x2e0: {  	s1 =	sor.u32 $0x10, s21;
	s16 =	sor.u32 $0x20, s8;
	[tilespmem:s17+$0x1C980] =	vst v8;
	s17 =	sadd.s32 $0x800, s6  }
0x2e1: {  	s7 =	sor.u32 s1, s22;
	s22 =	sor.u32 s16, s17;
	v9 =	vadd.f32 v10, v9  }
0x2e2: {  	v17 =	vld [tilespmem:s22+$0x1B180]  }
0x2e3: {  	v8 =	vmul.f32 $3.200000000e+01, v14;
	v10 =	vld [tilespmem:s7+$0x1B180];
	[tilespmem:s9+$0x1C980] =	vst v9  }
0x2e4: {  	v9 =	vld.idx.msk [tilespmem:v11+s13+$0x0], $0xffff  }
0x2e5: {  	v12 =	vtrunc.f32 v8;
	v13 =	vld.idx.msk [tilespmem:v0+s13+$0x0], $0xffff  }
0x2e6: {  	v18 =	vcvt.f32.s32 v12;
	v12 =	vld.idx.msk [tilespmem:v4+s13+$0x0], $0xffff  }
0x2e7: {  	s31 =	sor.u32 s1, s24;
	s0 =	sadd.s32 $0x400, s6;
	v14 =	vld.idx.msk [tilespmem:v2+s13+$0x0], $0xffff  }
0x2e8: {  	s21 =	sor.u32 s16, s0;
	v16 =	vld [tilespmem:s31+$0x1B180];
	v15 =	vcvt.s32.f32 v18;
	v19 =	vmul.f32 $3.200000000e+01, v10  }
0x2e9: {  	v10 =	vld [tilespmem:s21+$0x1B180]  }
0x2ea: {  	s15 =	sor.u32 s16, s6;
	v17 =	vmul.f32 $3.200000000e+01, v17;
	v8 =	vsub.f32 v8, v15;
	v15 =	vtrunc.f32 v19  }
0x2eb: {  	v22 =	vld [tilespmem:s15+$0x1B180];
	v15 =	vcvt.f32.s32 v15;
	v20 =	vunpack.i.u.bf16.f32 v9;
	v21 =	vunpack.i.u.bf16.f32 v13  }
0x2ec: {  	v23 =	vunpack.i.u.bf16.f32 v14;
	v24 =	vunpack.i.u.bf16.f32 v12;
	v25 =	vunpack.i.l.bf16.f32 v9  }
0x2ed: {  	v13 =	vunpack.i.l.bf16.f32 v13;
	v9 =	vmul.f32 $3.200000000e+01, v16;
	v20 =	vmul.f32 v20, v3  }
0x2ee: {  	v14 =	vunpack.i.l.bf16.f32 v14;
	v21 =	vmul.f32 v21, v3;
	v10 =	vmul.f32 $3.200000000e+01, v10  }
0x2ef: {  	s2 =	sor.u32 s1, s2;
	v12 =	vunpack.i.l.bf16.f32 v12;
	v23 =	vmul.f32 v23, v3;
	v24 =	vmul.f32 v24, v3  }
0x2f0: {  	v16 =	vld [tilespmem:s2+$0x1B180];
	v13 =	vadd.f32 v21, v13;
	v21 =	vmul.f32 $3.200000000e+01, v22;
	v22 =	vtrunc.f32 v10  }
0x2f1: {  	v20 =	vadd.f32 v20, v25;
	v25 =	vtrunc.f32 v17;
	v22 =	vcvt.f32.s32 v22  }
0x2f2: {  	v14 =	vadd.f32 v23, v14;
	v25 =	vcvt.f32.s32 v25;
	v23 =	vtrunc.f32 v21  }
0x2f3: {  	v28 =	vtrunc.f32 v9;
	v23 =	vcvt.f32.s32 v23;
	v26 =	vmul.u32 $0x21, v22  }
0x2f4: {  	v20 =	vmul.f32 v20, v1;
	v13 =	vmul.f32 v13, v5;
	v27 =	vmul.u32 $0x441, v25  }
0x2f5: {  	v24 =	vadd.f32 v24, v12;
	v16 =	vmul.f32 $3.200000000e+01, v16;
	v26 =	vadd.s32 v23, v26  }
0x2f6: {  	v14 =	vmul.f32 v14, v6;
	v13 =	vadd.f32 v13, v20;
	v12 =	vadd.s32 v27, v26  }
0x2f7: {  	s24 =	sor.u32 s8, s17;
	v57 =	vcvt.s32.f32 v15;
	v20 =	vtrunc.f32 v16;
	v32 =	vadd.s32 $0x21, v12  }
0x2f8: {  	v63 =	vld [tilespmem:s24+$0x1B180];
	v13 =	vadd.f32 v14, v13;
	v14 =	vcvt.s32.f32 v22;
	v29 =	vadd.s32 $0x462, v12  }
0x2f9: {  	s23 =	sor.u32 s8, s0;
	v22 =	vcvt.s32.f32 v25;
	v26 =	vcvt.f32.s32 v28;
	v30 =	vadd.s32 $0x441, v12  }
0x2fa: {  	v24 =	vmul.f32 v24, v7;
	v20 =	vcvt.f32.s32 v20;
	v27 =	vmul.u32 $0x21, v15;
	v28 =	vld [tilespmem:s23+$0x1B180]  }
0x2fb: {  	v58 =	vsub.f32 v10, v14;
	v17 =	vsub.f32 v17, v22;
	v15 =	vmul.u32 $0x441, v26;
	v25 =	vld.idx.msk [tilespmem:v12+s4+$0x0], $0xffff  }
0x2fc: {  	v24 =	vadd.f32 v24, v13;
	v34 =	vcvt.s32.f32 v26;
	v26 =	vadd.s32 v20, v27;
	v22 =	vld.idx.msk [tilespmem:v32+s4+$0x0], $0xffff  }
0x2fd: {  	v37 =	vmul.f32 $3.200000000e+01, v63;
	v23 =	vcvt.s32.f32 v23;
	v13 =	vadd.s32 v15, v26;
	v26 =	vld.idx.msk [tilespmem:v29+s4+$0x0], $0xffff  }
0x2fe: {  	v20 =	vcvt.s32.f32 v20;
	v59 =	vsub.f32 $1.000000000e+00, v58;
	v60 =	vsub.f32 $1.000000000e+00, v17;
	[tilespmem:s20+$0x1C980] =	vst v24;
	v61 =	vld.idx.msk [tilespmem:v30+s4+$0x0], $0xffff  }
0x2ff: {  	v45 =	vld.idx.msk [tilespmem:v4+s14+$0x0], $0xffff;
	v4 =	vmul.f32 v17, v58;
	v62 =	vmul.f32 $3.200000000e+01, v28  }
0x300: {  	v31 =	vsub.f32 v21, v23;
	v27 =	vmul.f32 v60, v59;
	v28 =	vmul.f32 v60, v58  }
0x301: {  	v33 =	vmul.f32 v17, v59;
	v21 =	vunpack.i.u.bf16.f32 v25;
	v23 =	vunpack.i.u.bf16.f32 v22  }
0x302: {  	v2 =	vld.idx.msk [tilespmem:v2+s14+$0x0], $0xffff;
	v25 =	vunpack.i.l.bf16.f32 v25;
	v21 =	vmul.f32 v21, v31;
	v23 =	vmul.f32 v23, v31  }
0x303: {  	v22 =	vunpack.i.l.bf16.f32 v22;
	v24 =	vunpack.i.u.bf16.f32 v61;
	v44 =	vunpack.i.u.bf16.f32 v26  }
0x304: {  	v11 =	vld.idx.msk [tilespmem:v11+s14+$0x0], $0xffff;
	v21 =	vadd.f32 v21, v25;
	v22 =	vadd.f32 v23, v22;
	v23 =	vmul.f32 v24, v31  }
0x305: {  	v17 =	vunpack.i.l.bf16.f32 v26;
	v25 =	vmul.f32 v44, v31;
	v24 =	vld.idx.msk [tilespmem:v0+s14+$0x0], $0xffff;
	v0 =	vunpack.i.l.bf16.f32 v61  }
0x306: {  	v21 =	vmul.f32 v27, v21;
	v0 =	vadd.f32 v23, v0;
	v22 =	vmul.f32 v22, v28  }
0x307: {  	v9 =	vsub.f32 v9, v34;
	v26 =	vunpack.i.u.bf16.f32 v2;
	v17 =	vadd.f32 v25, v17  }
0x308: {  	v2 =	vunpack.i.l.bf16.f32 v2;
	v21 =	vadd.f32 v22, v21;
	v22 =	vmul.f32 v0, v33  }
0x309: {  	v17 =	vmul.f32 v17, v4;
	v0 =	vsub.f32 v16, v20;
	v16 =	vtrunc.f32 v62  }
0x30a: {  	v20 =	vunpack.i.u.bf16.f32 v11;
	v11 =	vunpack.i.l.bf16.f32 v11;
	v21 =	vadd.f32 v22, v21  }
0x30b: {  	v23 =	vunpack.i.u.bf16.f32 v24;
	v20 =	vmul.f32 v20, v3;
	v25 =	vcvt.f32.s32 v16  }
0x30c: {  	v16 =	vtrunc.f32 v37;
	v22 =	vmul.f32 v23, v3;
	v17 =	vadd.f32 v17, v21  }
0x30d: {  	v23 =	vunpack.i.u.bf16.f32 v45;
	v21 =	vunpack.i.l.bf16.f32 v24;
	v24 =	vcvt.f32.s32 v16  }
0x30e: {  	v20 =	vadd.f32 v20, v11;
	v11 =	vmul.u32 $0x21, v25;
	v16 =	vadd.f32 v22, v21;
	[tilespmem:s15+$0x1C980] =	vst v17  }
0x30f: {  	v21 =	vmul.f32 v26, v3;
	v22 =	vmul.u32 $0x441, v24;
	v17 =	vmul.f32 v23, v3;
	v26 =	vld.idx.msk [tilespmem:v12+s13+$0x0], $0xffff  }
0x310: {  	v3 =	vadd.s32 v18, v11;
	v18 =	vmul.f32 v20, v1;
	v1 =	vcvt.s32.f32 v24;
	v46 =	vld.idx.msk [tilespmem:v32+s13+$0x0], $0xffff  }
0x311: {  	v14 =	vadd.s32 $0x21, v13;
	v11 =	vadd.f32 v21, v2;
	v2 =	vcvt.s32.f32 v25;
	v21 =	vld.idx.msk [tilespmem:v30+s13+$0x0], $0xffff  }
0x312: {  	v15 =	vadd.s32 $0x441, v13;
	v23 =	vadd.s32 v22, v3;
	v22 =	vld.idx.msk [tilespmem:v29+s13+$0x0], $0xffff;
	v1 =	vsub.f32 v37, v1  }
0x313: {  	v3 =	vsub.f32 v19, v57;
	v20 =	vadd.s32 $0x21, v23;
	v2 =	vsub.f32 v62, v2  }
0x314: {  	v24 =	vadd.s32 $0x441, v23;
	v19 =	vadd.s32 $0x462, v23;
	v54 =	vsub.f32 $1.000000000e+00, v1  }
0x315: {  	v35 =	vsub.f32 $1.000000000e+00, v2;
	v47 =	vunpack.i.u.bf16.f32 v26;
	v48 =	vunpack.i.u.bf16.f32 v46  }
0x316: {  	v26 =	vunpack.i.l.bf16.f32 v26;
	v37 =	vmul.f32 v47, v31;
	v38 =	vmul.f32 v48, v31  }
0x317: {  	v36 =	vunpack.i.l.bf16.f32 v46;
	v51 =	vunpack.i.u.bf16.f32 v21;
	v49 =	vunpack.i.u.bf16.f32 v22  }
0x318: {  	v52 =	vld.idx.msk [tilespmem:v23+s4+$0x0], $0xffff;
	v53 =	vmul.f32 v51, v31;
	v26 =	vadd.f32 v37, v26;
	v36 =	vadd.f32 v38, v36  }
0x319: {  	v21 =	vunpack.i.l.bf16.f32 v21;
	v22 =	vunpack.i.l.bf16.f32 v22;
	v50 =	vld.idx.msk [tilespmem:v20+s4+$0x0], $0xffff;
	v40 =	vmul.f32 v49, v31  }
0x31a: {  	v55 =	vld.idx.msk [tilespmem:v24+s4+$0x0], $0xffff;
	v37 =	vadd.f32 v53, v21;
	v26 =	vmul.f32 v26, v27;
	v36 =	vmul.f32 v36, v28  }
0x31b: {  	v10 =	vadd.s32 $0x462, v13;
	v25 =	vunpack.i.l.bf16.f32 v45;
	v57 =	vld.idx.msk [tilespmem:v19+s4+$0x0], $0xffff;
	v40 =	vadd.f32 v40, v22  }
0x31c: {  	v21 =	vmul.f32 v54, v35;
	v56 =	vmul.f32 v37, v33;
	v26 =	vadd.f32 v36, v26  }
0x31d: {  	v22 =	vmul.f32 v54, v2;
	v59 =	vunpack.i.u.bf16.f32 v52;
	v60 =	vmul.f32 v40, v4  }
0x31e: {  	v62 =	vunpack.i.l.bf16.f32 v52;
	v58 =	vunpack.i.u.bf16.f32 v50;
	v26 =	vadd.f32 v56, v26  }
0x31f: {  	v39 =	vld.idx.msk [tilespmem:v14+s4+$0x0], $0xffff;
	v45 =	vmul.f32 v59, v8;
	v61 =	vunpack.i.l.bf16.f32 v50;
	v38 =	vmul.f32 v58, v8  }
0x320: {  	v63 =	vunpack.i.u.bf16.f32 v55;
	v52 =	vunpack.i.u.bf16.f32 v57;
	v36 =	vadd.f32 v60, v26  }
0x321: {  	v48 =	vld.idx.msk [tilespmem:v13+s4+$0x0], $0xffff;
	v50 =	vmul.f32 v63, v8;
	v41 =	vadd.f32 v45, v62;
	v49 =	vadd.f32 v38, v61  }
0x322: {  	v51 =	vunpack.i.l.bf16.f32 v55;
	v54 =	vmul.f32 v52, v8;
	v26 =	vmul.f32 v1, v35;
	[tilespmem:s21+$0x1C980] =	vst v36  }
0x323: {  	v53 =	vadd.f32 v50, v51;
	v41 =	vmul.f32 v21, v41;
	v35 =	vmul.f32 v49, v22;
	v55 =	vld.idx.msk [tilespmem:v12+s14+$0x0], $0xffff  }
0x324: {  	v42 =	vunpack.i.u.bf16.f32 v39;
	v12 =	vmul.f32 v1, v2;
	v1 =	vunpack.i.l.bf16.f32 v57;
	v2 =	vld.idx.msk [tilespmem:v32+s14+$0x0], $0xffff  }
0x325: {  	v56 =	vadd.f32 v35, v41;
	v57 =	vmul.f32 v53, v26;
	v29 =	vld.idx.msk [tilespmem:v29+s14+$0x0], $0xffff;
	v1 =	vadd.f32 v54, v1  }
0x326: {  	v5 =	vmul.f32 v16, v5;
	v59 =	vmul.f32 v42, v0;
	v58 =	vunpack.i.u.bf16.f32 v48;
	v30 =	vld.idx.msk [tilespmem:v30+s14+$0x0], $0xffff  }
0x327: {  	v63 =	vunpack.i.l.bf16.f32 v48;
	v32 =	vadd.f32 v57, v56;
	v1 =	vmul.f32 v1, v12  }
0x328: {  	v62 =	vunpack.i.l.bf16.f32 v39;
	v61 =	vmul.f32 v58, v0;
	v60 =	vsub.f32 $1.000000000e+00, v9  }
0x329: {  	v36 =	vadd.f32 v59, v62;
	v1 =	vadd.f32 v1, v32;
	v46 =	vunpack.i.u.bf16.f32 v55  }
0x32a: {  	v47 =	vunpack.i.u.bf16.f32 v2;
	v49 =	vunpack.i.u.bf16.f32 v29;
	v40 =	vunpack.i.l.bf16.f32 v55  }
0x32b: {  	s25 =	simm.s32 $0x1C9C0;
	v48 =	vld.idx.msk [tilespmem:v15+s4+$0x0], $0xffff;
	v50 =	vunpack.i.u.bf16.f32 v30;
	v32 =	vmul.f32 v46, v31;
	v41 =	vmul.f32 v47, v31  }
0x32c: {  	v2 =	vunpack.i.l.bf16.f32 v2;
	v30 =	vunpack.i.l.bf16.f32 v30;
	v51 =	vmul.f32 v50, v31;
	[tilespmem:s25+$0x0] =	vst v1  }
0x32d: {  	v31 =	vmul.f32 v49, v31;
	v1 =	vadd.f32 v32, v40;
	v2 =	vadd.f32 v41, v2;
	v52 =	vld.idx.msk [tilespmem:v23+s13+$0x0], $0xffff  }
0x32e: {  	v35 =	vsub.f32 $1.000000000e+00, v3;
	v29 =	vunpack.i.l.bf16.f32 v29;
	v53 =	vld.idx.msk [tilespmem:v20+s13+$0x0], $0xffff;
	v30 =	vadd.f32 v51, v30  }
0x32f: {  	v54 =	vld.idx.msk [tilespmem:v24+s13+$0x0], $0xffff;
	v29 =	vadd.f32 v31, v29;
	v27 =	vmul.f32 v1, v27;
	v2 =	vmul.f32 v2, v28  }
0x330: {  	v31 =	vadd.f32 v61, v63;
	v28 =	vunpack.i.u.bf16.f32 v48;
	v1 =	vmul.f32 v60, v35  }
0x331: {  	v55 =	vld.idx.msk [tilespmem:v19+s13+$0x0], $0xffff;
	v30 =	vmul.f32 v30, v33;
	v4 =	vmul.f32 v29, v4;
	v27 =	vadd.f32 v2, v27  }
0x332: {  	v29 =	vunpack.i.l.bf16.f32 v48;
	v28 =	vmul.f32 v28, v0;
	v57 =	vunpack.i.u.bf16.f32 v52  }
0x333: {  	v37 =	vunpack.i.l.bf16.f32 v52;
	v27 =	vadd.f32 v30, v27;
	v30 =	vunpack.i.u.bf16.f32 v53  }
0x334: {  	v56 =	vld.idx.msk [tilespmem:v10+s4+$0x0], $0xffff;
	v58 =	vunpack.i.u.bf16.f32 v54;
	v38 =	vmul.f32 v57, v8;
	v30 =	vmul.f32 v30, v8  }
0x335: {  	v59 =	vmul.f32 v58, v8;
	v4 =	vadd.f32 v4, v27;
	v27 =	vunpack.i.l.bf16.f32 v53  }
0x336: {  	s12 =	sor.u32 $0x30, s8;
	v37 =	vadd.f32 v38, v37;
	v27 =	vadd.f32 v30, v27;
	v30 =	vunpack.i.u.bf16.f32 v55  }
0x337: {  	s15 =	sor.u32 s12, s0;
	v2 =	vmul.f32 v60, v3;
	[tilespmem:s22+$0x1C980] =	vst v4;
	v4 =	vunpack.i.l.bf16.f32 v54;
	v30 =	vmul.f32 v30, v8  }
0x338: {  	s19 =	sor.u32 s12, s17;
	v37 =	vmul.f32 v37, v21;
	v61 =	vld [tilespmem:s15+$0x1B180];
	v4 =	vadd.f32 v59, v4;
	v27 =	vmul.f32 v27, v22  }
0x339: {  	s11 =	sor.u32 s12, s6;
	v60 =	vunpack.i.u.bf16.f32 v56;
	v31 =	vmul.f32 v1, v31;
	v33 =	vunpack.i.l.bf16.f32 v55;
	v62 =	vld [tilespmem:s19+$0x1B180]  }
0x33a: {  	v63 =	vld [tilespmem:s11+$0x1B180];
	v30 =	vadd.f32 v30, v33;
	v41 =	vmul.f32 v4, v26;
	v27 =	vadd.f32 v27, v37  }
0x33b: {  	v3 =	vmul.f32 v9, v3;
	v28 =	vadd.f32 v28, v29;
	v29 =	vmul.f32 v60, v0  }
0x33c: {  	v4 =	vmul.f32 v9, v35;
	v30 =	vmul.f32 v30, v12;
	v27 =	vadd.f32 v41, v27  }
0x33d: {  	v16 =	vadd.f32 v17, v25;
	v36 =	vmul.f32 v36, v2;
	v32 =	vmul.f32 $3.200000000e+01, v61  }
0x33e: {  	v28 =	vmul.f32 v28, v4;
	v43 =	vmul.f32 $3.200000000e+01, v62;
	v27 =	vadd.f32 v30, v27  }
0x33f: {  	v42 =	vunpack.i.l.bf16.f32 v56;
	v30 =	vmul.f32 $3.200000000e+01, v63;
	v44 =	vtrunc.f32 v32  }
0x340: {  	v29 =	vadd.f32 v29, v42;
	v45 =	vtrunc.f32 v43;
	v35 =	vcvt.f32.s32 v44;
	[tilespmem:s23+$0x1C980] =	vst v27  }
0x341: {  	v31 =	vadd.f32 v36, v31;
	v27 =	vtrunc.f32 v30;
	v46 =	vcvt.f32.s32 v45;
	v9 =	vld.idx.msk [tilespmem:v23+s14+$0x0], $0xffff  }
0x342: {  	v18 =	vadd.f32 v5, v18;
	v23 =	vcvt.f32.s32 v27;
	v17 =	vld.idx.msk [tilespmem:v20+s14+$0x0], $0xffff;
	v27 =	vmul.u32 $0x21, v35  }
0x343: {  	v25 =	vadd.f32 v28, v31;
	v28 =	vmul.f32 v29, v3;
	v20 =	vmul.u32 $0x441, v46  }
0x344: {  	v7 =	vmul.f32 v16, v7;
	v24 =	vld.idx.msk [tilespmem:v24+s14+$0x0], $0xffff;
	v31 =	vcvt.s32.f32 v46;
	v27 =	vadd.s32 v23, v27  }
0x345: {  	v29 =	vmul.f32 v11, v6;
	v11 =	vadd.f32 v28, v25;
	v6 =	vadd.s32 v20, v27  }
0x346: {  	v19 =	vld.idx.msk [tilespmem:v19+s14+$0x0], $0xffff;
	v31 =	vsub.f32 v43, v31;
	v5 =	vadd.s32 $0x21, v6;
	v16 =	vunpack.i.u.bf16.f32 v9  }
0x347: {  	v9 =	vunpack.i.l.bf16.f32 v9;
	v27 =	vunpack.i.u.bf16.f32 v17;
	v25 =	vmul.f32 v16, v8  }
0x348: {  	v20 =	vadd.s32 $0x462, v6;
	v17 =	vunpack.i.l.bf16.f32 v17;
	v27 =	vmul.f32 v27, v8  }
0x349: {  	v28 =	vunpack.i.u.bf16.f32 v24;
	v16 =	vadd.s32 $0x441, v6;
	v9 =	vadd.f32 v25, v9  }
0x34a: {  	v25 =	vcvt.s32.f32 v35;
	v17 =	vadd.f32 v27, v17;
	v27 =	vmul.f32 v28, v8  }
0x34b: {  	v24 =	vunpack.i.l.bf16.f32 v24;
	v48 =	vunpack.i.u.bf16.f32 v19;
	v19 =	vunpack.i.l.bf16.f32 v19  }
0x34c: {  	v8 =	vmul.f32 v48, v8;
	v47 =	vld.idx.msk [tilespmem:v6+s4+$0x0], $0xffff;
	v25 =	vsub.f32 v32, v25;
	v24 =	vadd.f32 v27, v24  }
0x34d: {  	v28 =	vld.idx.msk [tilespmem:v5+s4+$0x0], $0xffff;
	v9 =	vmul.f32 v9, v21;
	v17 =	vmul.f32 v17, v22;
	v22 =	vsub.f32 $1.000000000e+00, v31  }
0x34e: {  	v49 =	vld.idx.msk [tilespmem:v20+s4+$0x0], $0xffff;
	v21 =	vcvt.s32.f32 v23;
	v8 =	vadd.f32 v8, v19;
	v50 =	vsub.f32 $1.000000000e+00, v25  }
0x34f: {  	v27 =	vld.idx.msk [tilespmem:v16+s4+$0x0], $0xffff;
	v17 =	vadd.f32 v17, v9;
	v24 =	vmul.f32 v24, v26  }
0x350: {  	v23 =	vsub.f32 v30, v21;
	v8 =	vmul.f32 v8, v12;
	v21 =	vmul.f32 v22, v50  }
0x351: {  	v22 =	vmul.f32 v22, v25;
	v9 =	vunpack.i.u.bf16.f32 v47;
	v17 =	vadd.f32 v24, v17  }
0x352: {  	[tilespmem:s2+$0x1C980] =	vst v11;
	v30 =	vunpack.i.l.bf16.f32 v47;
	v26 =	vunpack.i.u.bf16.f32 v28;
	v9 =	vmul.f32 v9, v23  }
0x353: {  	s21 =	sor.u32 $0x10, s8;
	v52 =	vld.idx.msk [tilespmem:v13+s13+$0x0], $0xffff;
	v11 =	vunpack.i.l.bf16.f32 v28;
	v26 =	vmul.f32 v26, v23;
	v8 =	vadd.f32 v8, v17  }
0x354: {  	s1 =	sor.u32 s21, s0;
	s0 =	sor.u32 s21, s17;
	s17 =	simm.s32 $0x80;
	v53 =	vld.idx.msk [tilespmem:v15+s13+$0x0], $0xffff;
	v51 =	vunpack.i.u.bf16.f32 v49;
	v19 =	vunpack.i.l.bf16.f32 v49;
	v28 =	vunpack.i.u.bf16.f32 v27  }
0x355: {  	s20 =	simm.s32 $0x1B200;
	s8 =	sand.u32 $0x40, s17;
	v9 =	vadd.f32 v9, v30;
	v28 =	vmul.f32 v28, v23;
	v26 =	vadd.f32 v26, v11;
	[tilespmem:s24+$0x1C980] =	vst v8;
	s24 =	sand.u32 $0x7FFFFF80, s17  }
0x356: {  	s22 =	sor.u32 $0x20, s8;
	s2 =	sor.u32 s21, s6;
	v24 =	vld [tilespmem:s20+$0x0];
	v27 =	vunpack.i.l.bf16.f32 v27;
	v33 =	vmul.f32 v51, v23;
	v11 =	vmul.f32 v31, v50;
	s21 =	sadd.s32 $0x800, s24  }
0x357: {  	v30 =	vld.idx.msk [tilespmem:v14+s13+$0x0], $0xffff;
	v27 =	vadd.f32 v28, v27;
	v28 =	vmul.f32 v21, v9;
	s10 =	sadd.s32 $0x400, s24;
	v26 =	vmul.f32 v26, v22;
	s25 =	sor.u32 s22, s21  }
0x358: {  	v19 =	vadd.f32 v33, v19;
	s20 =	sor.u32 s8, s10;
	v60 =	vld [tilespmem:s25+$0x1B180]  }
0x359: {  	v9 =	vmul.f32 v31, v25;
	s6 =	sor.u32 s8, s21;
	v61 =	vld [tilespmem:s20+$0x1B180];
	v25 =	vadd.f32 v26, v28;
	v26 =	vmul.f32 v27, v11  }
0x35a: {  	v62 =	vld [tilespmem:s6+$0x1B180]  }
0x35b: {  	v19 =	vmul.f32 v19, v9;
	v27 =	vld.idx.msk [tilespmem:v10+s13+$0x0], $0xffff;
	v28 =	vunpack.i.u.bf16.f32 v52;
	v25 =	vadd.f32 v26, v25  }
0x35c: {  	v17 =	vunpack.i.l.bf16.f32 v52;
	v12 =	vunpack.i.u.bf16.f32 v30;
	v26 =	vmul.f32 v28, v0  }
0x35d: {  	v12 =	vmul.f32 v12, v0;
	v28 =	vunpack.i.u.bf16.f32 v53;
	v19 =	vadd.f32 v19, v25  }
0x35e: {  	v17 =	vadd.f32 v26, v17;
	v26 =	vmul.f32 v28, v0;
	v33 =	vmul.f32 $3.200000000e+01, v60  }
0x35f: {  	v25 =	vunpack.i.l.bf16.f32 v30;
	v42 =	vmul.f32 $3.200000000e+01, v61;
	v43 =	vmul.f32 $3.200000000e+01, v62  }
0x360: {  	v28 =	vld [tilespmem:s1+$0x1B180];
	v8 =	vadd.f32 v12, v25;
	v12 =	vunpack.i.l.bf16.f32 v53;
	v25 =	vunpack.i.u.bf16.f32 v27;
	[tilespmem:s11+$0x1C980] =	vst v19  }
0x361: {  	v12 =	vadd.f32 v26, v12;
	v17 =	vmul.f32 v17, v1;
	v19 =	vmul.f32 $3.200000000e+01, v24;
	v26 =	vld.idx.msk [tilespmem:v6+s13+$0x0], $0xffff  }
0x362: {  	v18 =	vadd.f32 v29, v18;
	v24 =	vmul.f32 v25, v0;
	v8 =	vmul.f32 v8, v2;
	v25 =	vld.idx.msk [tilespmem:v5+s13+$0x0], $0xffff  }
0x363: {  	v27 =	vunpack.i.l.bf16.f32 v27;
	v30 =	vld.idx.msk [tilespmem:v20+s13+$0x0], $0xffff;
	v29 =	vmul.f32 v12, v4;
	v12 =	vtrunc.f32 v19  }
0x364: {  	v31 =	vld.idx.msk [tilespmem:v16+s13+$0x0], $0xffff;
	v27 =	vadd.f32 v24, v27;
	v8 =	vadd.f32 v8, v17;
	v12 =	vcvt.f32.s32 v12  }
0x365: {  	v62 =	vtrunc.f32 v42;
	v17 =	vadd.f32 v7, v18;
	v24 =	vmul.f32 $3.200000000e+01, v28  }
0x366: {  	v28 =	vld [tilespmem:s0+$0x1B180];
	v7 =	vadd.f32 v29, v8;
	v8 =	vmul.f32 v27, v3;
	v27 =	vcvt.s32.f32 v12  }
0x367: {  	v29 =	vtrunc.f32 v24;
	v54 =	vunpack.i.u.bf16.f32 v26;
	v55 =	vunpack.i.u.bf16.f32 v25  }
0x368: {  	v57 =	vunpack.i.u.bf16.f32 v30;
	v18 =	vadd.f32 v8, v7;
	v7 =	vld [tilespmem:s2+$0x1B180];
	v8 =	vmul.f32 v54, v23  }
0x369: {  	v26 =	vunpack.i.l.bf16.f32 v26;
	v58 =	vunpack.i.u.bf16.f32 v31;
	v56 =	vmul.f32 v55, v23  }
0x36a: {  	v25 =	vunpack.i.l.bf16.f32 v25;
	v34 =	vmul.f32 v58, v23;
	v8 =	vadd.f32 v8, v26  }
0x36b: {  	v25 =	vadd.f32 v56, v25;
	v26 =	vmul.f32 $3.200000000e+01, v28;
	v28 =	vunpack.i.l.bf16.f32 v31  }
0x36c: {  	s23 =	sor.u32 s22, s10;
	v31 =	vmul.f32 v57, v23;
	v28 =	vadd.f32 v34, v28;
	v8 =	vmul.f32 v8, v21  }
0x36d: {  	v59 =	vld [tilespmem:s23+$0x1B180];
	v25 =	vmul.f32 v25, v22;
	v37 =	vmul.f32 $3.200000000e+01, v7;
	v7 =	vunpack.i.l.bf16.f32 v30  }
0x36e: {  	s16 =	sor.u32 s22, s24;
	v29 =	vcvt.f32.s32 v29;
	v30 =	vtrunc.f32 v26;
	v7 =	vadd.f32 v31, v7  }
0x36f: {  	v8 =	vadd.f32 v25, v8;
	v25 =	vmul.f32 v28, v11;
	v28 =	vld [tilespmem:s16+$0x1B180];
	v31 =	vtrunc.f32 v37  }
0x370: {  	v19 =	vsub.f32 v19, v27;
	v27 =	vcvt.f32.s32 v30;
	v30 =	vcvt.f32.s32 v31  }
0x371: {  	v8 =	vadd.f32 v25, v8;
	v7 =	vmul.f32 v7, v9;
	v25 =	vcvt.s32.f32 v29  }
0x372: {  	v29 =	vmul.u32 $0x21, v29;
	v38 =	vcvt.s32.f32 v27;
	v31 =	vmul.f32 $3.200000000e+01, v59  }
0x373: {  	v7 =	vadd.f32 v7, v8;
	v39 =	vcvt.s32.f32 v30;
	v8 =	vmul.u32 $0x441, v27  }
0x374: {  	v38 =	vsub.f32 v26, v38;
	v27 =	vmul.f32 $3.200000000e+01, v28;
	v28 =	vtrunc.f32 v31  }
0x375: {  	[tilespmem:s15+$0x1C980] =	vst v7;
	v7 =	vadd.s32 v30, v29;
	v28 =	vcvt.f32.s32 v28;
	v29 =	vtrunc.f32 v33  }
0x376: {  	v8 =	vadd.s32 v8, v7;
	v30 =	vld.idx.msk [tilespmem:v6+s14+$0x0], $0xffff;
	v6 =	vtrunc.f32 v27;
	v29 =	vcvt.f32.s32 v29  }
0x377: {  	v63 =	vld.idx.msk [tilespmem:v5+s14+$0x0], $0xffff;
	v7 =	vadd.s32 $0x21, v8;
	v48 =	vcvt.f32.s32 v6;
	v49 =	vmul.u32 $0x21, v28  }
0x378: {  	v20 =	vld.idx.msk [tilespmem:v20+s14+$0x0], $0xffff;
	v6 =	vadd.s32 $0x441, v8;
	v28 =	vcvt.s32.f32 v28;
	v50 =	vmul.u32 $0x441, v29  }
0x379: {  	v16 =	vld.idx.msk [tilespmem:v16+s14+$0x0], $0xffff;
	v5 =	vadd.s32 $0x462, v8;
	v29 =	vcvt.s32.f32 v29;
	v51 =	vadd.s32 v48, v49  }
0x37a: {  	v52 =	vcvt.s32.f32 v48;
	v28 =	vsub.f32 v31, v28;
	v36 =	vadd.s32 v50, v51  }
0x37b: {  	v58 =	vsub.f32 v33, v29;
	v35 =	vadd.s32 $0x21, v36;
	v34 =	vadd.s32 $0x462, v36  }
0x37c: {  	v31 =	vunpack.i.u.bf16.f32 v30;
	v53 =	vunpack.i.u.bf16.f32 v63;
	v32 =	vadd.s32 $0x441, v36  }
0x37d: {  	v54 =	vunpack.i.u.bf16.f32 v20;
	v30 =	vunpack.i.l.bf16.f32 v30;
	v40 =	vunpack.i.l.bf16.f32 v63  }
0x37e: {  	v55 =	vunpack.i.u.bf16.f32 v16;
	v31 =	vmul.f32 v31, v23;
	v41 =	vmul.f32 v53, v23  }
0x37f: {  	v16 =	vunpack.i.l.bf16.f32 v16;
	v20 =	vunpack.i.l.bf16.f32 v20;
	v57 =	vmul.f32 v55, v23  }
0x380: {  	v23 =	vmul.f32 v54, v23;
	v30 =	vadd.f32 v31, v30;
	v31 =	vadd.f32 v41, v40;
	v56 =	vld.idx.msk [tilespmem:v36+s4+$0x0], $0xffff  }
0x381: {  	v29 =	vsub.f32 $1.000000000e+00, v58;
	v54 =	vcvt.f32.s32 v62;
	v16 =	vadd.f32 v57, v16;
	v59 =	vld.idx.msk [tilespmem:v35+s4+$0x0], $0xffff  }
0x382: {  	v20 =	vadd.f32 v23, v20;
	v60 =	vld.idx.msk [tilespmem:v34+s4+$0x0], $0xffff;
	v21 =	vmul.f32 v30, v21;
	v22 =	vmul.f32 v31, v22  }
0x383: {  	v31 =	vsub.f32 $1.000000000e+00, v28;
	v61 =	vld.idx.msk [tilespmem:v32+s4+$0x0], $0xffff;
	v30 =	vsub.f32 v27, v52;
	v11 =	vmul.f32 v16, v11  }
0x384: {  	v20 =	vmul.f32 v20, v9;
	v9 =	vsub.f32 v37, v39;
	v21 =	vadd.f32 v22, v21  }
0x385: {  	v27 =	vmul.f32 v29, v31;
	v29 =	vmul.f32 v29, v28;
	v22 =	vunpack.i.u.bf16.f32 v56  }
0x386: {  	v63 =	vunpack.i.l.bf16.f32 v56;
	v11 =	vadd.f32 v11, v21;
	v23 =	vunpack.i.u.bf16.f32 v59  }
0x387: {  	v22 =	vmul.f32 v22, v30;
	v33 =	vunpack.i.l.bf16.f32 v59;
	v23 =	vmul.f32 v23, v30  }
0x388: {  	v49 =	vunpack.i.u.bf16.f32 v61;
	v50 =	vunpack.i.u.bf16.f32 v60;
	v16 =	vunpack.i.l.bf16.f32 v60  }
0x389: {  	v51 =	vmul.f32 v49, v30;
	v22 =	vadd.f32 v22, v63;
	v23 =	vadd.f32 v23, v33  }
0x38a: {  	v52 =	vmul.f32 v50, v30;
	v33 =	vmul.f32 v58, v31;
	v31 =	vunpack.i.l.bf16.f32 v61  }
0x38b: {  	v55 =	vld.idx.msk [tilespmem:v8+s4+$0x0], $0xffff;
	v40 =	vadd.f32 v51, v31;
	v22 =	vmul.f32 v27, v22;
	v23 =	vmul.f32 v23, v29  }
0x38c: {  	v21 =	vtrunc.f32 v43;
	v16 =	vadd.f32 v52, v16;
	v31 =	vmul.f32 v58, v28  }
0x38d: {  	v53 =	vld.idx.msk [tilespmem:v7+s4+$0x0], $0xffff;
	v28 =	vadd.f32 v20, v11;
	v22 =	vadd.f32 v23, v22;
	v23 =	vmul.f32 v40, v33  }
0x38e: {  	v11 =	vcvt.f32.s32 v21;
	v20 =	vcvt.s32.f32 v54;
	v21 =	vmul.u32 $0x21, v54  }
0x38f: {  	v39 =	vsub.f32 v24, v25;
	v16 =	vmul.f32 v16, v31;
	v22 =	vadd.f32 v23, v22  }
0x390: {  	v37 =	vunpack.i.l.bf16.f32 v55;
	v12 =	vadd.s32 v12, v21;
	v21 =	vsub.f32 v42, v20;
	v42 =	vld.idx.msk [tilespmem:v6+s4+$0x0], $0xffff  }
0x391: {  	v58 =	vunpack.i.u.bf16.f32 v55;
	v16 =	vadd.f32 v16, v22;
	v22 =	vcvt.s32.f32 v11  }
0x392: {  	v56 =	vunpack.i.u.bf16.f32 v53;
	v46 =	vmul.f32 v58, v9;
	v11 =	vmul.u32 $0x441, v11  }
0x393: {  	v48 =	vld.idx.msk [tilespmem:v5+s4+$0x0], $0xffff;
	v45 =	vsub.f32 $1.000000000e+00, v39;
	v41 =	vmul.f32 v56, v9;
	[tilespmem:s16+$0x1C980] =	vst v16;
	v43 =	vsub.f32 v43, v22  }
0x394: {  	v59 =	vsub.f32 $1.000000000e+00, v38;
	v37 =	vadd.f32 v46, v37;
	v25 =	vadd.s32 v11, v12;
	v12 =	vld.idx.msk [tilespmem:v36+s13+$0x0], $0xffff  }
0x395: {  	v61 =	vunpack.i.u.bf16.f32 v42;
	v11 =	vsub.f32 $1.000000000e+00, v21;
	v57 =	vld.idx.msk [tilespmem:v35+s13+$0x0], $0xffff;
	v26 =	vsub.f32 $1.000000000e+00, v43  }
0x396: {  	v42 =	vunpack.i.l.bf16.f32 v42;
	v24 =	vadd.s32 $0x21, v25;
	v23 =	vadd.s32 $0x441, v25  }
0x397: {  	v20 =	vadd.s32 $0x462, v25;
	v60 =	vld.idx.msk [tilespmem:v32+s13+$0x0], $0xffff;
	v16 =	vmul.f32 v43, v21;
	v22 =	vmul.f32 v26, v11  }
0x398: {  	v51 =	vld.idx.msk [tilespmem:v34+s13+$0x0], $0xffff;
	v26 =	vmul.f32 v26, v21;
	v21 =	vmul.f32 v43, v11;
	v11 =	vunpack.i.l.bf16.f32 v53  }
0x399: {  	v53 =	vunpack.i.u.bf16.f32 v48;
	v40 =	vadd.f32 v41, v11;
	v11 =	vmul.f32 v59, v45  }
0x39a: {  	v41 =	vmul.f32 v61, v9;
	v62 =	vunpack.i.u.bf16.f32 v12;
	v50 =	vunpack.i.u.bf16.f32 v57  }
0x39b: {  	v12 =	vunpack.i.l.bf16.f32 v12;
	v44 =	vunpack.i.l.bf16.f32 v57;
	v63 =	vmul.f32 v62, v30  }
0x39c: {  	v58 =	vld.idx.msk [tilespmem:v25+s4+$0x0], $0xffff;
	v52 =	vunpack.i.u.bf16.f32 v60;
	v43 =	vunpack.i.l.bf16.f32 v60;
	v56 =	vmul.f32 v50, v30  }
0x39d: {  	v57 =	vld.idx.msk [tilespmem:v24+s4+$0x0], $0xffff;
	v54 =	vunpack.i.u.bf16.f32 v51;
	v51 =	vunpack.i.l.bf16.f32 v51;
	v46 =	vadd.f32 v63, v12  }
0x39e: {  	v44 =	vadd.f32 v56, v44;
	v12 =	vmul.f32 v59, v39;
	v59 =	vmul.f32 v52, v30  }
0x39f: {  	v60 =	vld.idx.msk [tilespmem:v23+s4+$0x0], $0xffff;
	v37 =	vmul.f32 v11, v37;
	v61 =	vmul.f32 v54, v30;
	v41 =	vadd.f32 v41, v42  }
0x3a0: {  	v46 =	vmul.f32 v46, v27;
	v44 =	vmul.f32 v44, v29;
	v43 =	vadd.f32 v59, v43  }
0x3a1: {  	v47 =	vadd.f32 v61, v51;
	v63 =	vunpack.i.u.bf16.f32 v58;
	v49 =	vunpack.i.l.bf16.f32 v58  }
0x3a2: {  	[tilespmem:s7+$0x1C980] =	vst v18;
	v62 =	vunpack.i.u.bf16.f32 v57;
	v44 =	vadd.f32 v44, v46;
	v46 =	vld.idx.msk [tilespmem:v20+s4+$0x0], $0xffff;
	v43 =	vmul.f32 v43, v33  }
0x3a3: {  	v61 =	vld.idx.msk [tilespmem:v14+s14+$0x0], $0xffff;
	v51 =	vmul.f32 v63, v19;
	v50 =	vunpack.i.l.bf16.f32 v57;
	v54 =	vmul.f32 v62, v19  }
0x3a4: {  	v57 =	vunpack.i.u.bf16.f32 v60;
	v47 =	vmul.f32 v47, v31;
	v59 =	vld.idx.msk [tilespmem:v13+s14+$0x0], $0xffff;
	v43 =	vadd.f32 v43, v44  }
0x3a5: {  	v18 =	vunpack.i.l.bf16.f32 v60;
	v40 =	vmul.f32 v40, v12;
	v50 =	vadd.f32 v54, v50  }
0x3a6: {  	v49 =	vadd.f32 v51, v49;
	v44 =	vmul.f32 v57, v19;
	v43 =	vadd.f32 v47, v43  }
0x3a7: {  	v37 =	vadd.f32 v40, v37;
	v60 =	vmul.f32 v50, v26;
	v58 =	vunpack.i.u.bf16.f32 v46  }
0x3a8: {  	v13 =	vadd.f32 v44, v18;
	v18 =	vmul.f32 v22, v49;
	v62 =	vmul.f32 v58, v19;
	[tilespmem:s23+$0x1C980] =	vst v43  }
0x3a9: {  	v51 =	vunpack.i.u.bf16.f32 v61;
	v50 =	vunpack.i.u.bf16.f32 v59;
	v14 =	vunpack.i.l.bf16.f32 v46;
	v36 =	vld.idx.msk [tilespmem:v36+s14+$0x0], $0xffff  }
0x3aa: {  	v18 =	vadd.f32 v60, v18;
	v63 =	vmul.f32 v13, v21;
	v35 =	vld.idx.msk [tilespmem:v35+s14+$0x0], $0xffff;
	v14 =	vadd.f32 v62, v14  }
0x3ab: {  	v44 =	vunpack.i.l.bf16.f32 v61;
	v13 =	vmul.f32 v38, v45;
	v45 =	vmul.f32 v53, v9;
	v34 =	vld.idx.msk [tilespmem:v34+s14+$0x0], $0xffff  }
0x3ac: {  	v46 =	vunpack.i.l.bf16.f32 v48;
	v18 =	vadd.f32 v63, v18;
	v48 =	vmul.f32 v14, v16  }
0x3ad: {  	v32 =	vld.idx.msk [tilespmem:v32+s14+$0x0], $0xffff;
	v42 =	vadd.f32 v45, v46;
	v41 =	vmul.f32 v41, v13;
	v14 =	vmul.f32 v38, v39  }
0x3ae: {  	v53 =	vunpack.i.l.bf16.f32 v59;
	v38 =	vmul.f32 v50, v0;
	v18 =	vadd.f32 v48, v18  }
0x3af: {  	s9 =	simm.s32 $0x1CA00;
	v37 =	vadd.f32 v41, v37;
	v39 =	vmul.f32 v51, v0;
	v52 =	vmul.f32 v42, v14  }
0x3b0: {  	v15 =	vld.idx.msk [tilespmem:v15+s14+$0x0], $0xffff;
	v54 =	vunpack.i.u.bf16.f32 v36;
	v55 =	vunpack.i.u.bf16.f32 v35;
	v57 =	vunpack.i.u.bf16.f32 v34;
	[tilespmem:s9+$0x0] =	vst v18  }
0x3b1: {  	v36 =	vunpack.i.l.bf16.f32 v36;
	v56 =	vmul.f32 v55, v30;
	v18 =	vmul.f32 v54, v30;
	v58 =	vld.idx.msk [tilespmem:v25+s13+$0x0], $0xffff  }
0x3b2: {  	v35 =	vunpack.i.l.bf16.f32 v35;
	v59 =	vunpack.i.u.bf16.f32 v32;
	v32 =	vunpack.i.l.bf16.f32 v32;
	v60 =	vld.idx.msk [tilespmem:v24+s13+$0x0], $0xffff  }
0x3b3: {  	v61 =	vmul.f32 v59, v30;
	v35 =	vadd.f32 v56, v35;
	v62 =	vld.idx.msk [tilespmem:v23+s13+$0x0], $0xffff;
	v18 =	vadd.f32 v18, v36  }
0x3b4: {  	v34 =	vunpack.i.l.bf16.f32 v34;
	v30 =	vmul.f32 v57, v30;
	v37 =	vadd.f32 v52, v37  }
0x3b5: {  	v32 =	vadd.f32 v61, v32;
	v63 =	vld.idx.msk [tilespmem:v20+s13+$0x0], $0xffff;
	v29 =	vmul.f32 v35, v29;
	v27 =	vmul.f32 v18, v27  }
0x3b6: {  	v30 =	vadd.f32 v30, v34;
	v35 =	vunpack.i.u.bf16.f32 v15;
	v18 =	vadd.f32 v38, v53  }
0x3b7: {  	[tilespmem:s2+$0x1C980] =	vst v37;
	v27 =	vadd.f32 v29, v27;
	v29 =	vmul.f32 v32, v33;
	v43 =	vunpack.i.u.bf16.f32 v58  }
0x3b8: {  	v37 =	vld.idx.msk [tilespmem:v8+s13+$0x0], $0xffff;
	v45 =	vunpack.i.l.bf16.f32 v58;
	v46 =	vunpack.i.u.bf16.f32 v60;
	v48 =	vunpack.i.u.bf16.f32 v62  }
0x3b9: {  	v49 =	vld.idx.msk [tilespmem:v6+s13+$0x0], $0xffff;
	v51 =	vunpack.i.l.bf16.f32 v62;
	v27 =	vadd.f32 v29, v27;
	v29 =	vmul.f32 v30, v31  }
0x3ba: {  	v52 =	vunpack.i.u.bf16.f32 v63;
	v32 =	vmul.f32 v43, v19;
	v34 =	vmul.f32 v46, v19  }
0x3bb: {  	v50 =	vmul.f32 v48, v19;
	v30 =	vld.idx.msk [tilespmem:v7+s13+$0x0], $0xffff;
	v31 =	vunpack.i.l.bf16.f32 v60;
	v27 =	vadd.f32 v29, v27  }
0x3bc: {  	s22 =	sor.u32 $0x30, s8;
	v53 =	vmul.f32 v52, v19;
	v32 =	vadd.f32 v32, v45;
	v31 =	vadd.f32 v34, v31  }
0x3bd: {  	v55 =	vunpack.i.u.bf16.f32 v37;
	v37 =	vunpack.i.l.bf16.f32 v37;
	v33 =	vadd.f32 v50, v51;
	v29 =	vld.idx.msk [tilespmem:v5+s13+$0x0], $0xffff;
	[tilespmem:s25+$0x1C980] =	vst v27;
	s25 =	sor.u32 s22, s10  }
0x3be: {  	s12 =	sor.u32 s22, s21;
	v60 =	vunpack.i.u.bf16.f32 v49;
	v32 =	vmul.f32 v32, v22;
	v31 =	vmul.f32 v31, v26;
	v54 =	vld [tilespmem:s25+$0x1B180]  }
0x3bf: {  	s2 =	sor.u32 s22, s24;
	v38 =	vmul.f32 v55, v9;
	v33 =	vmul.f32 v33, v21;
	v27 =	vunpack.i.l.bf16.f32 v63;
	v56 =	vld [tilespmem:s12+$0x1B180]  }
0x3c0: {  	v27 =	vadd.f32 v53, v27;
	v57 =	vunpack.i.u.bf16.f32 v30;
	v31 =	vadd.f32 v31, v32;
	v58 =	vld [tilespmem:s2+$0x1B180]  }
0x3c1: {  	v59 =	vadd.f32 v38, v37;
	v37 =	vmul.f32 v60, v9;
	v40 =	vmul.f32 v57, v9  }
0x3c2: {  	v30 =	vunpack.i.l.bf16.f32 v30;
	v27 =	vmul.f32 v27, v16;
	v31 =	vadd.f32 v33, v31  }
0x3c3: {  	v51 =	vmul.f32 v59, v11;
	v62 =	vunpack.i.u.bf16.f32 v29;
	v30 =	vadd.f32 v40, v30  }
0x3c4: {  	v53 =	vmul.f32 v62, v9;
	v27 =	vadd.f32 v27, v31;
	v36 =	vmul.f32 $3.200000000e+01, v54  }
0x3c5: {  	v31 =	vunpack.i.l.bf16.f32 v49;
	v38 =	vmul.f32 $3.200000000e+01, v56;
	v40 =	vmul.f32 $3.200000000e+01, v58  }
0x3c6: {  	v49 =	vunpack.i.l.bf16.f32 v29;
	v30 =	vmul.f32 v30, v12;
	[tilespmem:s20+$0x1C980] =	vst v27;
	v61 =	vtrunc.f32 v36  }
0x3c7: {  	v29 =	vadd.f32 v39, v44;
	v47 =	vtrunc.f32 v38;
	v50 =	vld.idx.msk [tilespmem:v25+s14+$0x0], $0xffff;
	v63 =	vcvt.f32.s32 v61  }
0x3c8: {  	v31 =	vadd.f32 v37, v31;
	v27 =	vtrunc.f32 v40;
	v52 =	vld.idx.msk [tilespmem:v24+s14+$0x0], $0xffff;
	v48 =	vcvt.f32.s32 v47  }
0x3c9: {  	v33 =	vadd.f32 v53, v49;
	v27 =	vcvt.f32.s32 v27;
	v25 =	vmul.u32 $0x21, v63  }
0x3ca: {  	v54 =	vld.idx.msk [tilespmem:v23+s14+$0x0], $0xffff;
	v32 =	vmul.f32 v31, v13;
	v34 =	vadd.f32 v30, v51;
	v24 =	vmul.u32 $0x441, v48  }
0x3cb: {  	v30 =	vunpack.i.l.bf16.f32 v15;
	v31 =	vmul.f32 v35, v0;
	v15 =	vld.idx.msk [tilespmem:v20+s14+$0x0], $0xffff;
	v23 =	vadd.s32 v27, v25  }
0x3cc: {  	v60 =	vcvt.s32.f32 v63;
	v37 =	vcvt.s32.f32 v48;
	v25 =	vadd.s32 v24, v23  }
0x3cd: {  	v55 =	vunpack.i.l.bf16.f32 v50;
	v57 =	vunpack.i.u.bf16.f32 v52;
	v23 =	vadd.s32 $0x21, v25  }
0x3ce: {  	v58 =	vunpack.i.l.bf16.f32 v52;
	v24 =	vunpack.i.u.bf16.f32 v50;
	v20 =	vadd.s32 $0x462, v25  }
0x3cf: {  	v59 =	vunpack.i.u.bf16.f32 v54;
	v56 =	vmul.f32 v24, v19;
	v24 =	vadd.s32 $0x441, v25  }
0x3d0: {  	v62 =	vunpack.i.l.bf16.f32 v54;
	v48 =	vunpack.i.u.bf16.f32 v15;
	v42 =	vmul.f32 v57, v19  }
0x3d1: {  	v36 =	vsub.f32 v36, v60;
	v38 =	vsub.f32 v38, v37;
	v44 =	vmul.f32 v59, v19;
	v61 =	vld.idx.msk [tilespmem:v25+s4+$0x0], $0xffff  }
0x3d2: {  	v27 =	vcvt.s32.f32 v27;
	v42 =	vadd.f32 v42, v58;
	v35 =	vadd.f32 v56, v55;
	v63 =	vld.idx.msk [tilespmem:v23+s4+$0x0], $0xffff  }
0x3d3: {  	v54 =	vunpack.i.l.bf16.f32 v15;
	v52 =	vsub.f32 $1.000000000e+00, v36;
	v50 =	vadd.f32 v44, v62;
	v49 =	vld.idx.msk [tilespmem:v20+s4+$0x0], $0xffff  }
0x3d4: {  	v53 =	vsub.f32 $1.000000000e+00, v38;
	v26 =	vmul.f32 v42, v26;
	v22 =	vmul.f32 v35, v22;
	v51 =	vld.idx.msk [tilespmem:v24+s4+$0x0], $0xffff  }
0x3d5: {  	v46 =	vmul.f32 v48, v19;
	v19 =	vsub.f32 v40, v27;
	v35 =	vmul.f32 v50, v21  }
0x3d6: {  	v21 =	vmul.f32 v53, v52;
	v15 =	vadd.f32 v26, v22;
	v22 =	vmul.f32 v53, v36  }
0x3d7: {  	v26 =	vunpack.i.u.bf16.f32 v61;
	v55 =	vunpack.i.l.bf16.f32 v61;
	v27 =	vunpack.i.u.bf16.f32 v63  }
0x3d8: {  	v26 =	vmul.f32 v26, v19;
	v56 =	vunpack.i.l.bf16.f32 v63;
	v27 =	vmul.f32 v27, v19  }
0x3d9: {  	v57 =	vunpack.i.u.bf16.f32 v51;
	v58 =	vunpack.i.u.bf16.f32 v49;
	v60 =	vunpack.i.l.bf16.f32 v51  }
0x3da: {  	v59 =	vmul.f32 v57, v19;
	v37 =	vadd.f32 v26, v55;
	v27 =	vadd.f32 v27, v56  }
0x3db: {  	s23 =	sor.u32 $0x10, s8;
	s3 =	rddreg [dreg:$0x9];
	[tilespmem:s18+$0x1C980] =	vst v17;
	v17 =	vunpack.i.l.bf16.f32 v49;
	v61 =	vmul.f32 v58, v19;
	v26 =	vmul.f32 v38, v52  }
0x3dc: {  	v10 =	vld.idx.msk [tilespmem:v10+s14+$0x0], $0xffff;
	s7 =	sor.u32 s23, s24;
	v40 =	vadd.f32 v59, v60;
	v62 =	vmul.f32 v21, v37;
	v63 =	vmul.f32 v27, v22  }
0x3dd: {  	s24 =	simm.s32 $0x4;
	s10 =	sor.u32 s23, s10;
	s3 =	sadd.s32 s28, s3;
	v17 =	vadd.f32 v61, v17;
	v37 =	vadd.f32 v46, v54  }
0x3de: {  	s18 =	sor.u32 s23, s21;
	[tilespmem:s19+$0x1C980] =	vst v28;
	s19 =	simm.s32 $0x1B240;
	s8 =	sadd.s32 s30, s3;
	v27 =	vmul.f32 v38, v36;
	v36 =	vmul.f32 v40, v26;
	v28 =	vadd.f32 v63, v62  }
.LBB2_5:
0x3df: {  	v38 =	vld [tilespmem:s19+$0x0];
	v15 =	vadd.f32 v35, v15;
	v16 =	vmul.f32 v37, v16;
	v32 =	vadd.f32 v32, v34  }
0x3e0: {  	v33 =	vmul.f32 v33, v14;
	v28 =	vadd.f32 v36, v28;
	v17 =	vmul.f32 v17, v27  }
0x3e1: {  	v18 =	vmul.f32 v18, v1;
	v1 =	vmovc v11;
	v15 =	vadd.f32 v16, v15;
	v16 =	vunpack.i.u.bf16.f32 v10  }
0x3e2: {  	v11 =	vadd.f32 v17, v28;
	v17 =	vadd.f32 v33, v32;
	v28 =	vmul.f32 v29, v2;
	v2 =	vmovc v12  }
0x3e3: {  	v10 =	vunpack.i.l.bf16.f32 v10;
	v12 =	vadd.f32 v31, v30;
	[tilespmem:s6+$0x1C980] =	vst v15;
	v15 =	vmul.f32 v16, v0;
	v0 =	vmovc v9  }
0x3e4: {  	v9 =	vmul.f32 $3.200000000e+01, v38;
	v16 =	vld [tilespmem:s10+$0x1B180];
	[tilespmem:s2+$0x1C980] =	vst v11;
	v18 =	vadd.f32 v28, v18  }
0x3e5: {  	v12 =	vmul.f32 v12, v4;
	v4 =	vmov v13;
	v29 =	vld.idx.msk [tilespmem:v25+s13+$0x0], $0xffff;
	[tilespmem:s1+$0x1C980] =	vst v17;
	v10 =	vadd.f32 v15, v10;
	s1 =	smov.u32 s10  }
0x3e6: {  	v11 =	vtrunc.f32 v9;
	v13 =	vld.idx.msk [tilespmem:v23+s13+$0x0], $0xffff  }
0x3e7: {  	v15 =	vadd.f32 v12, v18;
	v11 =	vcvt.f32.s32 v11;
	v30 =	vld.idx.msk [tilespmem:v20+s13+$0x0], $0xffff;
	v10 =	vmul.f32 v10, v3;
	v3 =	vmovc v14  }
0x3e8: {  	v14 =	vld.idx.msk [tilespmem:v24+s13+$0x0], $0xffff  }
0x3e9: {  	v17 =	vcvt.s32.f32 v11;
	v31 =	vld [tilespmem:s18+$0x1B180];
	v12 =	vmul.f32 $3.200000000e+01, v16;
	v10 =	vadd.f32 v10, v15  }
0x3ea: {  	v32 =	vld [tilespmem:s7+$0x1B180]  }
0x3eb: {  	v15 =	vsub.f32 v9, v17;
	v9 =	vtrunc.f32 v12;
	v18 =	vld.idx.msk [tilespmem:v8+s14+$0x0], $0xffff;
	[tilespmem:s31+$0x1C980] =	vst v10;
	s31 =	smov.u32 s0;
	s0 =	smov.u32 s18  }
0x3ec: {  	v10 =	vunpack.i.u.bf16.f32 v13;
	v8 =	vcvt.f32.s32 v9;
	v9 =	vunpack.i.u.bf16.f32 v29;
	v28 =	vld.idx.msk [tilespmem:v7+s14+$0x0], $0xffff  }
0x3ed: {  	v33 =	vunpack.i.u.bf16.f32 v30;
	v7 =	vmul.f32 v9, v19;
	v9 =	vmul.f32 v10, v19;
	v17 =	vld.idx.msk [tilespmem:v6+s14+$0x0], $0xffff  }
0x3ee: {  	s17 =	sadd.s32 $0x40, s17;
	v13 =	vunpack.i.l.bf16.f32 v13;
	v6 =	vunpack.i.l.bf16.f32 v29;
	v16 =	vunpack.i.u.bf16.f32 v14;
	v10 =	vld.idx.msk [tilespmem:v5+s14+$0x0], $0xffff  }
0x3ef: {  	s23 =	sand.u32 $0x7FFFFF80, s17;
	s2 =	sand.u32 $0x40, s17;
	v5 =	vadd.f32 v7, v6;
	v6 =	vadd.f32 v9, v13;
	v7 =	vmul.f32 v16, v19  }
0x3f0: {  	s3 =	sadd.s32 $0x400, s23;
	s16 =	sor.u32 $0x10, s2;
	s22 =	sor.u32 $0x20, s2;
	v16 =	vmul.f32 $3.200000000e+01, v31;
	v9 =	vunpack.i.l.bf16.f32 v14;
	v13 =	vmul.f32 v33, v19  }
0x3f1: {  	s11 =	sadd.s32 $0x800, s23;
	s21 =	sor.u32 s2, s3;
	s20 =	sor.u32 s22, s3;
	v7 =	vadd.f32 v7, v9;
	v5 =	vmul.f32 v5, v21;
	v6 =	vmul.f32 v6, v22  }
0x3f2: {  	s6 =	sor.u32 s2, s11;
	s10 =	sor.u32 s16, s3;
	s15 =	sor.u32 s22, s11;
	v30 =	vunpack.i.l.bf16.f32 v30;
	v14 =	vmul.f32 $3.200000000e+01, v32;
	v29 =	vtrunc.f32 v16;
	v9 =	vld [tilespmem:s20+$0x1B180]  }
0x3f3: {  	s24 =	sadd.s32 $0x2, s24;
	s22 =	sor.u32 s22, s23;
	s18 =	sor.u32 s16, s11;
	v13 =	vadd.f32 v13, v30;
	v31 =	vld [tilespmem:s15+$0x1B180];
	v5 =	vadd.f32 v6, v5;
	v6 =	vmul.f32 v7, v26  }
0x3f4: {  	p1 =	slt.u32 s24, $0x1E;
	s16 =	sor.u32 s16, s23;
	v32 =	vmul.u32 $0x21, v8;
	v30 =	vtrunc.f32 v14;
	v29 =	vcvt.f32.s32 v29;
	v7 =	vld [tilespmem:s22+$0x1B180]  }
0x3f5: {  	v30 =	vcvt.f32.s32 v30;
	v33 =	vld [tilespmem:s21+$0x1B180];
	v5 =	vadd.f32 v6, v5;
	v6 =	vmul.f32 v13, v27  }
0x3f6: {  	v37 =	vcvt.s32.f32 v8;
	v35 =	vcvt.s32.f32 v29;
	v8 =	vmul.u32 $0x441, v29;
	v13 =	vld [tilespmem:s6+$0x1B180]  }
0x3f7: {  	v29 =	vmul.f32 $3.200000000e+01, v9;
	v9 =	vadd.s32 v30, v32;
	v5 =	vadd.f32 v6, v5  }
0x3f8: {  	v30 =	vcvt.s32.f32 v30;
	v34 =	vmul.f32 $3.200000000e+01, v31;
	v8 =	vadd.s32 v8, v9  }
0x3f9: {  	v40 =	vmul.f32 $3.200000000e+01, v7;
	v6 =	vtrunc.f32 v29;
	v7 =	vadd.s32 $0x21, v8;
	[tilespmem:s25+$0x1C980] =	vst v5  }
0x3fa: {  	v31 =	vcvt.f32.s32 v6;
	v5 =	vtrunc.f32 v34;
	v6 =	vadd.s32 $0x441, v8;
	v25 =	vld.idx.msk [tilespmem:v25+s14+$0x0], $0xffff  }
0x3fb: {  	v9 =	vtrunc.f32 v40;
	v32 =	vcvt.f32.s32 v5;
	v5 =	vadd.s32 $0x462, v8;
	v23 =	vld.idx.msk [tilespmem:v23+s14+$0x0], $0xffff  }
0x3fc: {  	v41 =	vmul.f32 $3.200000000e+01, v33;
	v33 =	vcvt.f32.s32 v9;
	v36 =	vmul.u32 $0x21, v31;
	v20 =	vld.idx.msk [tilespmem:v20+s14+$0x0], $0xffff  }
0x3fd: {  	v42 =	vmul.f32 $3.200000000e+01, v13;
	v9 =	vsub.f32 v14, v30;
	v13 =	vmul.u32 $0x441, v32;
	v24 =	vld.idx.msk [tilespmem:v24+s14+$0x0], $0xffff  }
0x3fe: {  	v30 =	vtrunc.f32 v41;
	v14 =	vcvt.s32.f32 v31;
	v31 =	vadd.s32 v33, v36;
	v38 =	vld.idx.msk [tilespmem:v7+s4+$0x0], $0xffff  }
0x3ff: {  	v44 =	vcvt.s32.f32 v32;
	v43 =	vcvt.s32.f32 v33;
	v13 =	vadd.s32 v13, v31;
	v39 =	vld.idx.msk [tilespmem:v8+s4+$0x0], $0xffff  }
0x400: {  	v45 =	vsub.f32 v29, v14;
	v33 =	vadd.s32 $0x21, v13;
	v31 =	vadd.s32 $0x462, v13;
	v36 =	vld.idx.msk [tilespmem:v6+s4+$0x0], $0xffff  }
0x401: {  	v29 =	vunpack.i.u.bf16.f32 v25;
	v14 =	vadd.s32 $0x441, v13;
	v46 =	vunpack.i.u.bf16.f32 v23;
	v32 =	vld.idx.msk [tilespmem:v5+s4+$0x0], $0xffff  }
0x402: {  	v29 =	vmul.f32 v29, v19;
	v46 =	vmul.f32 v46, v19;
	v47 =	vunpack.i.u.bf16.f32 v20  }
0x403: {  	v25 =	vunpack.i.l.bf16.f32 v25;
	v23 =	vunpack.i.l.bf16.f32 v23;
	v48 =	vunpack.i.u.bf16.f32 v24  }
0x404: {  	v25 =	vadd.f32 v29, v25;
	v23 =	vadd.f32 v46, v23;
	v29 =	vmul.f32 v48, v19;
	v49 =	vld.idx.msk [tilespmem:v13+s4+$0x0], $0xffff  }
0x405: {  	v44 =	vsub.f32 v34, v44;
	v24 =	vunpack.i.l.bf16.f32 v24;
	v19 =	vmul.f32 v47, v19;
	v34 =	vld.idx.msk [tilespmem:v33+s4+$0x0], $0xffff  }
0x406: {  	v21 =	vmul.f32 v25, v21;
	v24 =	vadd.f32 v29, v24;
	v22 =	vmul.f32 v23, v22;
	v46 =	vld.idx.msk [tilespmem:v31+s4+$0x0], $0xffff  }
0x407: {  	v20 =	vunpack.i.l.bf16.f32 v20;
	v25 =	vsub.f32 $1.000000000e+00, v44;
	v23 =	vsub.f32 $1.000000000e+00, v45;
	v47 =	vld.idx.msk [tilespmem:v14+s4+$0x0], $0xffff  }
0x408: {  	v19 =	vadd.f32 v19, v20;
	v20 =	vadd.f32 v22, v21;
	v21 =	vmul.f32 v24, v26  }
0x409: {  	v22 =	vcvt.f32.s32 v30;
	v30 =	vsub.f32 v40, v43;
	v26 =	vmul.f32 v25, v23  }
0x40a: {  	v29 =	vmul.f32 v25, v45;
	v19 =	vmul.f32 v19, v27;
	v20 =	vadd.f32 v21, v20  }
0x40b: {  	v21 =	vunpack.i.u.bf16.f32 v49;
	v24 =	vunpack.i.l.bf16.f32 v49;
	v25 =	vunpack.i.u.bf16.f32 v34  }
0x40c: {  	v21 =	vmul.f32 v21, v30;
	v25 =	vmul.f32 v25, v30;
	v19 =	vadd.f32 v19, v20  }
0x40d: {  	v20 =	vunpack.i.l.bf16.f32 v34;
	v40 =	vunpack.i.u.bf16.f32 v46;
	v27 =	vunpack.i.u.bf16.f32 v47  }
0x40e: {  	v21 =	vadd.f32 v21, v24;
	v20 =	vadd.f32 v25, v20;
	v24 =	vmul.f32 v27, v30;
	[tilespmem:s12+$0x1C980] =	vst v19  }
0x40f: {  	v34 =	vmul.f32 v44, v23;
	v23 =	vmul.f32 v40, v30;
	v19 =	vunpack.i.l.bf16.f32 v47  }
0x410: {  	v21 =	vmul.f32 v26, v21;
	v19 =	vadd.f32 v24, v19;
	v20 =	vmul.f32 v20, v29  }
0x411: {  	v27 =	vmul.f32 v44, v45;
	v25 =	vunpack.i.l.bf16.f32 v46;
	v24 =	vtrunc.f32 v42  }
0x412: {  	v23 =	vadd.f32 v23, v25;
	v20 =	vadd.f32 v20, v21;
	v19 =	vmul.f32 v19, v34  }
0x413: {  	v21 =	vcvt.f32.s32 v24;
	v24 =	vcvt.s32.f32 v22;
	v22 =	vmul.u32 $0x21, v22  }
0x414: {  	v37 =	vsub.f32 v12, v37;
	v19 =	vadd.f32 v19, v20;
	v20 =	vmul.f32 v23, v27  }
0x415: {  	v12 =	vcvt.s32.f32 v21;
	v11 =	vadd.s32 v11, v22;
	v21 =	vmul.u32 $0x441, v21  }
0x416: {  	v40 =	vunpack.i.u.bf16.f32 v38;
	v22 =	vsub.f32 v41, v24;
	v19 =	vadd.f32 v20, v19  }
0x417: {  	v35 =	vsub.f32 v16, v35;
	v12 =	vsub.f32 v42, v12;
	v25 =	vadd.s32 v21, v11  }
0x418: {  	v24 =	vadd.s32 $0x21, v25;
	v23 =	vadd.s32 $0x441, v25;
	v20 =	vadd.s32 $0x462, v25;
	[tilespmem:s22+$0x1C980] =	vst v19  }
0x419: {  	v11 =	vsub.f32 $1.000000000e+00, v22;
	v16 =	vmul.f32 v12, v22;
	v19 =	vsub.f32 $1.000000000e+00, v12;
	v41 =	vld.idx.msk [tilespmem:v13+s13+$0x0], $0xffff  }
0x41a: {  	v43 =	vsub.f32 $1.000000000e+00, v37;
	v44 =	vunpack.i.u.bf16.f32 v39;
	v40 =	vmul.f32 v40, v9;
	v42 =	vld.idx.msk [tilespmem:v33+s13+$0x0], $0xffff  }
0x41b: {  	v46 =	vsub.f32 $1.000000000e+00, v35;
	v21 =	vmul.f32 v19, v11;
	v22 =	vmul.f32 v19, v22;
	v45 =	vld.idx.msk [tilespmem:v31+s13+$0x0], $0xffff  }
0x41c: {  	v19 =	vmul.f32 v12, v11;
	v12 =	vmul.f32 v44, v9;
	v11 =	vunpack.i.l.bf16.f32 v38;
	v47 =	vld.idx.msk [tilespmem:v14+s13+$0x0], $0xffff  }
0x41d: {  	v39 =	vunpack.i.l.bf16.f32 v39;
	v44 =	vunpack.i.u.bf16.f32 v36;
	v40 =	vadd.f32 v40, v11;
	v38 =	vld.idx.msk [tilespmem:v24+s4+$0x0], $0xffff  }
0x41e: {  	v11 =	vmul.f32 v46, v43;
	v44 =	vmul.f32 v44, v9;
	v39 =	vadd.f32 v12, v39;
	v48 =	vld.idx.msk [tilespmem:v25+s4+$0x0], $0xffff  }
0x41f: {  	v36 =	vunpack.i.l.bf16.f32 v36;
	v12 =	vmul.f32 v46, v37;
	v46 =	vunpack.i.u.bf16.f32 v32;
	v49 =	vld.idx.msk [tilespmem:v23+s4+$0x0], $0xffff  }
0x420: {  	v51 =	vunpack.i.u.bf16.f32 v41;
	v39 =	vmul.f32 v11, v39;
	v52 =	vunpack.i.u.bf16.f32 v42;
	v50 =	vld.idx.msk [tilespmem:v20+s4+$0x0], $0xffff  }
0x421: {  	v51 =	vmul.f32 v51, v30;
	v52 =	vmul.f32 v52, v30;
	v53 =	vunpack.i.u.bf16.f32 v45  }
0x422: {  	v41 =	vunpack.i.l.bf16.f32 v41;
	v42 =	vunpack.i.l.bf16.f32 v42;
	v54 =	vunpack.i.u.bf16.f32 v47  }
0x423: {  	v41 =	vadd.f32 v51, v41;
	v42 =	vadd.f32 v52, v42;
	v51 =	vmul.f32 v54, v30  }
0x424: {  	v47 =	vunpack.i.l.bf16.f32 v47;
	v53 =	vmul.f32 v53, v30;
	v52 =	vunpack.i.u.bf16.f32 v38  }
0x425: {  	v41 =	vmul.f32 v41, v26;
	v47 =	vadd.f32 v51, v47;
	v42 =	vmul.f32 v42, v29  }
0x426: {  	v45 =	vunpack.i.l.bf16.f32 v45;
	v52 =	vmul.f32 v52, v15;
	v51 =	vunpack.i.u.bf16.f32 v48  }
0x427: {  	v45 =	vadd.f32 v53, v45;
	v41 =	vadd.f32 v42, v41;
	v42 =	vmul.f32 v47, v34  }
0x428: {  	v38 =	vunpack.i.l.bf16.f32 v38;
	v47 =	vmul.f32 v51, v15;
	v51 =	vunpack.i.u.bf16.f32 v49  }
0x429: {  	v48 =	vunpack.i.l.bf16.f32 v48;
	v41 =	vadd.f32 v42, v41;
	v42 =	vmul.f32 v45, v27  }
0x42a: {  	v38 =	vadd.f32 v52, v38;
	v45 =	vadd.f32 v47, v48;
	v47 =	vmul.f32 v51, v15  }
0x42b: {  	v48 =	vunpack.i.l.bf16.f32 v49;
	v49 =	vunpack.i.u.bf16.f32 v50;
	v41 =	vadd.f32 v42, v41  }
0x42c: {  	v38 =	vmul.f32 v38, v22;
	v42 =	vadd.f32 v47, v48;
	v45 =	vmul.f32 v21, v45  }
0x42d: {  	v40 =	vmul.f32 v40, v12;
	v47 =	vunpack.i.l.bf16.f32 v50;
	v48 =	vmul.f32 v49, v15;
	[tilespmem:s20+$0x1C980] =	vst v41  }
0x42e: {  	v36 =	vadd.f32 v44, v36;
	v38 =	vadd.f32 v38, v45;
	v41 =	vmul.f32 v42, v19;
	v42 =	vld.idx.msk [tilespmem:v13+s14+$0x0], $0xffff  }
0x42f: {  	v44 =	vadd.f32 v48, v47;
	v13 =	vmul.f32 v35, v43;
	v43 =	vmul.f32 v46, v9;
	v33 =	vld.idx.msk [tilespmem:v33+s14+$0x0], $0xffff  }
0x430: {  	v38 =	vadd.f32 v41, v38;
	v41 =	vld.idx.msk [tilespmem:v31+s14+$0x0], $0xffff;
	v31 =	vunpack.i.l.bf16.f32 v32;
	v32 =	vadd.f32 v40, v39  }
0x431: {  	v39 =	vmul.f32 v44, v16;
	v36 =	vmul.f32 v36, v13;
	v40 =	vld.idx.msk [tilespmem:v14+s14+$0x0], $0xffff;
	v31 =	vadd.f32 v43, v31  }
0x432: {  	v14 =	vmul.f32 v35, v37;
	v35 =	vunpack.i.u.bf16.f32 v18;
	v37 =	vunpack.i.u.bf16.f32 v28  }
0x433: {  	v38 =	vadd.f32 v39, v38;
	v32 =	vadd.f32 v36, v32;
	v35 =	vmul.f32 v35, v0  }
0x434: {  	s9 =	sadd.s32 $0x40, s9;
	v18 =	vunpack.i.l.bf16.f32 v18;
	v36 =	vmul.f32 v31, v14;
	v31 =	vmul.f32 v37, v0  }
0x435: {  	v28 =	vunpack.i.l.bf16.f32 v28;
	v37 =	vunpack.i.u.bf16.f32 v42;
	[tilespmem:s9+$0x0] =	vst v38;
	v38 =	vunpack.i.u.bf16.f32 v33  }
0x436: {  	v37 =	vmul.f32 v37, v30;
	v43 =	vunpack.i.u.bf16.f32 v41;
	v39 =	vld.idx.msk [tilespmem:v25+s13+$0x0], $0xffff;
	v38 =	vmul.f32 v38, v30  }
0x437: {  	v42 =	vunpack.i.l.bf16.f32 v42;
	v33 =	vunpack.i.l.bf16.f32 v33;
	v45 =	vunpack.i.u.bf16.f32 v40;
	v44 =	vld.idx.msk [tilespmem:v24+s13+$0x0], $0xffff  }
0x438: {  	v37 =	vadd.f32 v37, v42;
	v46 =	vld.idx.msk [tilespmem:v23+s13+$0x0], $0xffff;
	v33 =	vadd.f32 v38, v33;
	v38 =	vmul.f32 v45, v30  }
0x439: {  	v32 =	vadd.f32 v36, v32;
	v40 =	vunpack.i.l.bf16.f32 v40;
	v30 =	vmul.f32 v43, v30;
	v42 =	vld.idx.msk [tilespmem:v20+s13+$0x0], $0xffff  }
0x43a: {  	v26 =	vmul.f32 v37, v26;
	v36 =	vadd.f32 v38, v40;
	v29 =	vmul.f32 v33, v29  }
0x43b: {  	v18 =	vadd.f32 v35, v18;
	v35 =	vunpack.i.u.bf16.f32 v17;
	v33 =	vunpack.i.l.bf16.f32 v41;
	[tilespmem:s7+$0x1C980] =	vst v32;
	s7 =	smov.u32 s16  }
0x43c: {  	v30 =	vadd.f32 v30, v33;
	v26 =	vadd.f32 v29, v26;
	v29 =	vmul.f32 v36, v34;
	v32 =	vld.idx.msk [tilespmem:v8+s13+$0x0], $0xffff  }
0x43d: {  	v33 =	vunpack.i.u.bf16.f32 v39;
	v34 =	vunpack.i.l.bf16.f32 v39;
	v36 =	vunpack.i.u.bf16.f32 v44;
	v37 =	vld.idx.msk [tilespmem:v7+s13+$0x0], $0xffff  }
0x43e: {  	v33 =	vmul.f32 v33, v15;
	v27 =	vmul.f32 v30, v27;
	v26 =	vadd.f32 v29, v26;
	v29 =	vld.idx.msk [tilespmem:v6+s13+$0x0], $0xffff  }
0x43f: {  	v30 =	vunpack.i.l.bf16.f32 v44;
	v36 =	vmul.f32 v36, v15;
	v38 =	vunpack.i.u.bf16.f32 v46;
	v39 =	vld.idx.msk [tilespmem:v5+s13+$0x0], $0xffff  }
0x440: {  	v33 =	vadd.f32 v33, v34;
	v34 =	vmul.f32 v38, v15;
	v26 =	vadd.f32 v27, v26  }
0x441: {  	s2 =	sor.u32 $0x30, s2;
	v27 =	vadd.f32 v36, v30;
	v30 =	vunpack.i.l.bf16.f32 v46;
	v36 =	vunpack.i.u.bf16.f32 v42  }
0x442: {  	s25 =	sor.u32 s2, s3;
	v33 =	vmul.f32 v33, v21;
	v30 =	vadd.f32 v34, v30;
	v34 =	vmul.f32 v36, v15;
	[tilespmem:s15+$0x1C980] =	vst v26  }
0x443: {  	s12 =	sor.u32 s2, s11;
	v38 =	vunpack.i.u.bf16.f32 v32;
	v26 =	vunpack.i.l.bf16.f32 v42;
	v27 =	vmul.f32 v27, v22;
	v36 =	vld [tilespmem:s25+$0x1B180]  }
0x444: {  	s2 =	sor.u32 s2, s23;
	v40 =	vunpack.i.u.bf16.f32 v37;
	v26 =	vadd.f32 v34, v26;
	v30 =	vmul.f32 v30, v19;
	v34 =	vld [tilespmem:s12+$0x1B180]  }
0x445: {  	v38 =	vmul.f32 v38, v9;
	v40 =	vmul.f32 v40, v9;
	v27 =	vadd.f32 v27, v33;
	v33 =	vld [tilespmem:s2+$0x1B180]  }
0x446: {  	v32 =	vunpack.i.l.bf16.f32 v32;
	v37 =	vunpack.i.l.bf16.f32 v37;
	v26 =	vmul.f32 v26, v16  }
0x447: {  	v27 =	vadd.f32 v30, v27;
	v30 =	vadd.f32 v38, v32;
	v32 =	vunpack.i.u.bf16.f32 v29  }
0x448: {  	v37 =	vadd.f32 v40, v37;
	v32 =	vmul.f32 v32, v9;
	v36 =	vmul.f32 $3.200000000e+01, v36  }
0x449: {  	v29 =	vunpack.i.l.bf16.f32 v29;
	v26 =	vadd.f32 v26, v27;
	v27 =	vmul.f32 $3.200000000e+01, v34  }
0x44a: {  	v34 =	vunpack.i.u.bf16.f32 v39;
	v38 =	vmul.f32 $3.200000000e+01, v33;
	v33 =	vtrunc.f32 v36  }
0x44b: {  	v29 =	vadd.f32 v32, v29;
	[tilespmem:s21+$0x1C980] =	vst v26;
	v26 =	vcvt.f32.s32 v33;
	v33 =	vtrunc.f32 v27  }
0x44c: {  	v40 =	vld.idx.msk [tilespmem:v25+s14+$0x0], $0xffff;
	v25 =	vtrunc.f32 v38;
	v41 =	vcvt.f32.s32 v33;
	v33 =	vunpack.i.l.bf16.f32 v39  }
0x44d: {  	v30 =	vmul.f32 v30, v11;
	v39 =	vld.idx.msk [tilespmem:v24+s14+$0x0], $0xffff;
	v42 =	vcvt.f32.s32 v25;
	v24 =	vmul.u32 $0x21, v26  }
0x44e: {  	v37 =	vmul.f32 v37, v12;
	v34 =	vmul.f32 v34, v9;
	v43 =	vld.idx.msk [tilespmem:v23+s14+$0x0], $0xffff;
	v23 =	vmul.u32 $0x441, v41  }
0x44f: {  	v32 =	vmul.f32 v29, v13;
	v29 =	vadd.f32 v31, v28;
	v44 =	vld.idx.msk [tilespmem:v20+s14+$0x0], $0xffff;
	v20 =	vadd.s32 v42, v24  }
0x450: {  	v33 =	vadd.f32 v34, v33;
	v34 =	vadd.f32 v37, v30;
	v25 =	vadd.s32 v23, v20  }
0x451: {  	v31 =	vmul.f32 v35, v0;
	v30 =	vunpack.i.l.bf16.f32 v17;
	v23 =	vadd.s32 $0x21, v25  }
0x452: {  	v17 =	vunpack.i.u.bf16.f32 v40;
	v28 =	vunpack.i.l.bf16.f32 v40;
	v20 =	vadd.s32 $0x462, v25  }
0x453: {  	v24 =	vadd.s32 $0x441, v25;
	v17 =	vmul.f32 v17, v15;
	v35 =	vunpack.i.u.bf16.f32 v39  }
0x454: {  	v37 =	vunpack.i.l.bf16.f32 v39;
	v35 =	vmul.f32 v35, v15;
	v39 =	vunpack.i.u.bf16.f32 v43  }
0x455: {  	v26 =	vcvt.s32.f32 v26;
	v17 =	vadd.f32 v17, v28;
	v28 =	vcvt.s32.f32 v41;
	v40 =	vld.idx.msk [tilespmem:v25+s4+$0x0], $0xffff  }
0x456: {  	v39 =	vmul.f32 v39, v15;
	v35 =	vadd.f32 v35, v37;
	v37 =	vunpack.i.l.bf16.f32 v43;
	v41 =	vld.idx.msk [tilespmem:v23+s4+$0x0], $0xffff  }
0x457: {  	v36 =	vsub.f32 v36, v26;
	v43 =	vunpack.i.u.bf16.f32 v44;
	v27 =	vsub.f32 v27, v28;
	v28 =	vld.idx.msk [tilespmem:v20+s4+$0x0], $0xffff  }
0x458: {  	v26 =	vadd.f32 v39, v37;
	v17 =	vmul.f32 v17, v21;
	v21 =	vmul.f32 v35, v22;
	v37 =	vld.idx.msk [tilespmem:v24+s4+$0x0], $0xffff  }
0x459: {  	v39 =	vsub.f32 $1.000000000e+00, v36;
	v22 =	vcvt.s32.f32 v42;
	v42 =	vsub.f32 $1.000000000e+00, v27  }
0x45a: {  	v44 =	vunpack.i.l.bf16.f32 v44;
	v43 =	vmul.f32 v43, v15;
	v15 =	vadd.f32 v21, v17  }
0x45b: {  	v35 =	vmul.f32 v26, v19;
	v19 =	vsub.f32 v38, v22;
	v21 =	vmul.f32 v42, v39  }
0x45c: {  	v22 =	vmul.f32 v42, v36;
	v17 =	vunpack.i.u.bf16.f32 v40;
	v26 =	vunpack.i.u.bf16.f32 v41  }
0x45d: {  	v38 =	vunpack.i.l.bf16.f32 v40;
	v17 =	vmul.f32 v17, v19;
	v26 =	vmul.f32 v26, v19  }
0x45e: {  	v40 =	vunpack.i.l.bf16.f32 v41;
	v42 =	vunpack.i.u.bf16.f32 v28;
	v41 =	vunpack.i.u.bf16.f32 v37  }
.Ltmp1:
0x45f: {  	v17 =	vadd.f32 v17, v38;
	v38 =	vadd.f32 v26, v40;
	v40 =	vmul.f32 v41, v19;
	(pc) =	sbr.rel @p1 .LBB2_5-.Ltmp1, $4  }
0x460: {  	v37 =	vunpack.i.l.bf16.f32 v37;
	v26 =	vmul.f32 v27, v39;
	v39 =	vmul.f32 v42, v19  }
0x461: {  	v41 =	vmul.f32 v21, v17;
	v40 =	vadd.f32 v40, v37;
	v38 =	vmul.f32 v38, v22  }
0x462: {  	v27 =	vmul.f32 v27, v36;
	v17 =	vunpack.i.l.bf16.f32 v28;
	v37 =	vadd.f32 v43, v44  }
0x463: {  	s19 =	sadd.s32 $0x40, s19;
	v17 =	vadd.f32 v39, v17;
	v28 =	vadd.f32 v38, v41;
	v36 =	vmul.f32 v40, v26  }
0x464: {  	v15 =	vadd.f32 v35, v15;
	v16 =	vmul.f32 v37, v16;
	_ =	sdelay $0x1  }
0x465: {  	v15 =	vadd.f32 v16, v15;
	_ =	sdelay $0x1  }
0x466: {  	[tilespmem:s6+$0x1C980] =	vst v15  }
0x467: {  	v15 =	vld [tilespmem:s10+$0x1B180]  }
0x468: {  	v52 =	vld [tilespmem:s18+$0x1B180]  }
0x469: {  	v53 =	vld [tilespmem:s7+$0x1B180];
	_ =	sdelay $0x2  }
0x46a: {  	v15 =	vmul.f32 $3.200000000e+01, v15  }
0x46b: {  	v38 =	vmul.f32 $3.200000000e+01, v52  }
0x46c: {  	v35 =	vmul.f32 $3.200000000e+01, v53;
	v54 =	vtrunc.f32 v15  }
0x46d: {  	v55 =	vtrunc.f32 v38;
	v16 =	vcvt.f32.s32 v54  }
0x46e: {  	v39 =	vtrunc.f32 v35;
	v40 =	vcvt.f32.s32 v55  }
0x46f: {  	v39 =	vcvt.f32.s32 v39;
	v56 =	vmul.u32 $0x21, v16  }
0x470: {  	v28 =	vadd.f32 v36, v28;
	v17 =	vmul.f32 v17, v27;
	v57 =	vmul.u32 $0x441, v40  }
0x471: {  	v37 =	vadd.s32 v39, v56  }
0x472: {  	v17 =	vadd.f32 v17, v28;
	v37 =	vadd.s32 v57, v37  }
0x473: {  	v28 =	vadd.s32 $0x21, v37  }
0x474: {  	[tilespmem:s2+$0x1C980] =	vst v17;
	v17 =	vadd.s32 $0x441, v37  }
0x475: {  	v58 =	vld.idx.msk [tilespmem:v25+s13+$0x0], $0xffff;
	v45 =	vcvt.s32.f32 v16;
	v16 =	vadd.s32 $0x462, v37  }
0x476: {  	v41 =	vld.idx.msk [tilespmem:v23+s13+$0x0], $0xffff;
	v40 =	vcvt.s32.f32 v40  }
0x477: {  	v43 =	vld.idx.msk [tilespmem:v37+s4+$0x0], $0xffff  }
0x478: {  	v45 =	vsub.f32 v15, v45;
	v40 =	vsub.f32 v38, v40;
	v42 =	vld.idx.msk [tilespmem:v28+s4+$0x0], $0xffff  }
0x479: {  	v47 =	vld.idx.msk [tilespmem:v17+s4+$0x0], $0xffff  }
0x47a: {  	v39 =	vcvt.s32.f32 v39;
	v60 =	vsub.f32 $1.000000000e+00, v45;
	v50 =	vsub.f32 $1.000000000e+00, v40;
	v48 =	vld.idx.msk [tilespmem:v16+s4+$0x0], $0xffff  }
0x47b: {  	v44 =	vunpack.i.u.bf16.f32 v58;
	v46 =	vunpack.i.u.bf16.f32 v41;
	v36 =	vunpack.i.l.bf16.f32 v58  }
0x47c: {  	v44 =	vmul.f32 v44, v19;
	v15 =	vsub.f32 v35, v39;
	v35 =	vmul.f32 v50, v60  }
0x47d: {  	v61 =	vunpack.i.u.bf16.f32 v43;
	v43 =	vunpack.i.l.bf16.f32 v43;
	v59 =	vunpack.i.u.bf16.f32 v42  }
0x47e: {  	v39 =	vmul.f32 v61, v15;
	v51 =	vunpack.i.u.bf16.f32 v47;
	v49 =	vmul.f32 v59, v15  }
0x47f: {  	v42 =	vunpack.i.l.bf16.f32 v42;
	v63 =	vunpack.i.u.bf16.f32 v48;
	v51 =	vmul.f32 v51, v15  }
0x480: {  	v43 =	vadd.f32 v39, v43;
	v39 =	vmul.f32 v50, v45;
	v42 =	vadd.f32 v49, v42  }
0x481: {  	v38 =	vmul.f32 v40, v60;
	v47 =	vunpack.i.l.bf16.f32 v47;
	v53 =	vmul.f32 v63, v15  }
0x482: {  	v52 =	vld.idx.msk [tilespmem:v24+s13+$0x0], $0xffff;
	v47 =	vadd.f32 v51, v47;
	v43 =	vmul.f32 v35, v43;
	v42 =	vmul.f32 v42, v39  }
0x483: {  	v44 =	vadd.f32 v44, v36;
	v36 =	vmul.f32 v40, v45;
	v54 =	vunpack.i.l.bf16.f32 v48  }
0x484: {  	v62 =	vld.idx.msk [tilespmem:v20+s13+$0x0], $0xffff;
	v55 =	vmul.f32 v47, v38;
	v42 =	vadd.f32 v42, v43;
	v43 =	vadd.f32 v53, v54  }
0x485: {  	v32 =	vadd.f32 v32, v34;
	v33 =	vmul.f32 v33, v14;
	v46 =	vmul.f32 v46, v19  }
0x486: {  	v41 =	vunpack.i.l.bf16.f32 v41;
	v42 =	vadd.f32 v55, v42;
	v43 =	vmul.f32 v43, v36  }
0x487: {  	v1 =	vmul.f32 v18, v1;
	v41 =	vadd.f32 v46, v41;
	v56 =	vunpack.i.u.bf16.f32 v52  }
0x488: {  	v58 =	vunpack.i.l.bf16.f32 v52;
	v40 =	vmul.f32 v56, v19;
	v42 =	vadd.f32 v43, v42  }
0x489: {  	v44 =	vmul.f32 v44, v21;
	v41 =	vmul.f32 v41, v22;
	v57 =	vunpack.i.u.bf16.f32 v62  }
0x48a: {  	v2 =	vmul.f32 v29, v2;
	v40 =	vadd.f32 v40, v58;
	v45 =	vmul.f32 v57, v19;
	[tilespmem:s7+$0x1C980] =	vst v42  }
0x48b: {  	v30 =	vadd.f32 v31, v30;
	v41 =	vadd.f32 v41, v44;
	v59 =	vunpack.i.l.bf16.f32 v62;
	v42 =	vld.idx.msk [tilespmem:v37+s13+$0x0], $0xffff  }
0x48c: {  	v40 =	vmul.f32 v40, v26;
	v43 =	vadd.f32 v45, v59;
	v45 =	vadd.f32 v33, v32;
	v61 =	vld.idx.msk [tilespmem:v28+s13+$0x0], $0xffff  }
0x48d: {  	v1 =	vadd.f32 v2, v1;
	v4 =	vmul.f32 v30, v4;
	v63 =	vld.idx.msk [tilespmem:v17+s13+$0x0], $0xffff  }
0x48e: {  	v40 =	vadd.f32 v40, v41;
	v62 =	vunpack.i.u.bf16.f32 v10;
	v60 =	vmul.f32 v43, v27;
	[tilespmem:s1+$0x1C980] =	vst v45;
	v44 =	vld.idx.msk [tilespmem:v16+s13+$0x0], $0xffff  }
0x48f: {  	v0 =	vmul.f32 v62, v0;
	v7 =	vld.idx.msk [tilespmem:v7+s14+$0x0], $0xffff  }
0x490: {  	v1 =	vadd.f32 v4, v1;
	v46 =	vunpack.i.l.bf16.f32 v10;
	v40 =	vadd.f32 v60, v40  }
0x491: {  	v0 =	vadd.f32 v0, v46;
	v6 =	vld.idx.msk [tilespmem:v6+s14+$0x0], $0xffff;
	v48 =	vunpack.i.u.bf16.f32 v42;
	v49 =	vunpack.i.u.bf16.f32 v61  }
0x492: {  	v5 =	vld.idx.msk [tilespmem:v5+s14+$0x0], $0xffff;
	[tilespmem:s25+$0x1C980] =	vst v40;
	v51 =	vunpack.i.l.bf16.f32 v42;
	v52 =	vunpack.i.l.bf16.f32 v61;
	v53 =	vunpack.i.u.bf16.f32 v63  }
0x493: {  	v47 =	vld.idx.msk [tilespmem:v25+s14+$0x0], $0xffff;
	v54 =	vunpack.i.u.bf16.f32 v44;
	v10 =	vmul.f32 v48, v15;
	v25 =	vmul.f32 v49, v15  }
0x494: {  	v58 =	vunpack.i.l.bf16.f32 v63;
	v18 =	vunpack.i.l.bf16.f32 v44;
	v33 =	vunpack.i.u.bf16.f32 v7  }
0x495: {  	v30 =	vmul.f32 v53, v15;
	v10 =	vadd.f32 v10, v51;
	v25 =	vadd.f32 v25, v52  }
0x496: {  	v7 =	vunpack.i.l.bf16.f32 v7;
	v42 =	vunpack.i.u.bf16.f32 v6;
	v56 =	vmul.f32 v54, v15  }
0x497: {  	v30 =	vadd.f32 v30, v58;
	v10 =	vmul.f32 v10, v35;
	v25 =	vmul.f32 v25, v39  }
0x498: {  	v50 =	vld.idx.msk [tilespmem:v23+s14+$0x0], $0xffff;
	v6 =	vunpack.i.l.bf16.f32 v6;
	v45 =	vunpack.i.u.bf16.f32 v5;
	v4 =	vmul.f32 v33, v9  }
0x499: {  	v55 =	vld.idx.msk [tilespmem:v24+s14+$0x0], $0xffff;
	v18 =	vadd.f32 v56, v18;
	v30 =	vmul.f32 v30, v38;
	v10 =	vadd.f32 v25, v10  }
0x49a: {  	v59 =	vld.idx.msk [tilespmem:v20+s14+$0x0], $0xffff;
	v5 =	vunpack.i.l.bf16.f32 v5;
	v43 =	vmul.f32 v42, v9;
	v49 =	vmul.f32 v45, v9  }
0x49b: {  	v4 =	vadd.f32 v4, v7;
	v18 =	vmul.f32 v18, v36;
	v10 =	vadd.f32 v30, v10  }
0x49c: {  	v0 =	vmul.f32 v0, v3;
	v8 =	vld.idx.msk [tilespmem:v8+s14+$0x0], $0xffff;
	v6 =	vadd.f32 v43, v6;
	v5 =	vadd.f32 v49, v5  }
0x49d: {  	v57 =	vunpack.i.u.bf16.f32 v47;
	v60 =	vunpack.i.u.bf16.f32 v50;
	v10 =	vadd.f32 v18, v10  }
0x49e: {  	v2 =	vunpack.i.l.bf16.f32 v47;
	v23 =	vunpack.i.l.bf16.f32 v50;
	v61 =	vunpack.i.u.bf16.f32 v55  }
0x49f: {  	v63 =	vunpack.i.u.bf16.f32 v59;
	v32 =	vmul.f32 v57, v19;
	v31 =	vmul.f32 v60, v19;
	[tilespmem:s10+$0x1C980] =	vst v10  }
0x4a0: {  	v24 =	vunpack.i.l.bf16.f32 v55;
	v62 =	vmul.f32 v61, v19;
	v29 =	vmul.f32 v63, v19;
	v40 =	vld.idx.msk [tilespmem:v37+s14+$0x0], $0xffff  }
0x4a1: {  	v2 =	vadd.f32 v32, v2;
	v23 =	vadd.f32 v31, v23;
	v32 =	vunpack.i.u.bf16.f32 v8;
	v41 =	vld.idx.msk [tilespmem:v28+s14+$0x0], $0xffff  }
0x4a2: {  	v4 =	vmul.f32 v4, v12;
	v24 =	vadd.f32 v62, v24;
	v34 =	vmul.f32 v32, v9;
	v44 =	vld.idx.msk [tilespmem:v17+s14+$0x0], $0xffff  }
0x4a3: {  	v8 =	vunpack.i.l.bf16.f32 v8;
	v2 =	vmul.f32 v2, v21;
	v25 =	vmul.f32 v23, v22;
	v46 =	vld.idx.msk [tilespmem:v16+s14+$0x0], $0xffff  }
0x4a4: {  	v6 =	vmul.f32 v6, v13;
	v30 =	vunpack.i.l.bf16.f32 v59;
	v8 =	vadd.f32 v34, v8  }
0x4a5: {  	v31 =	vmul.f32 v24, v26;
	v3 =	vadd.f32 v29, v30;
	v2 =	vadd.f32 v25, v2  }
0x4a6: {  	v8 =	vmul.f32 v8, v11;
	v47 =	vunpack.i.u.bf16.f32 v40;
	v48 =	vunpack.i.u.bf16.f32 v41  }
0x4a7: {  	v50 =	vunpack.i.l.bf16.f32 v40;
	v11 =	vmul.f32 v47, v15;
	v12 =	vmul.f32 v48, v15  }
0x4a8: {  	v51 =	vunpack.i.l.bf16.f32 v41;
	v52 =	vunpack.i.u.bf16.f32 v44;
	v55 =	vunpack.i.u.bf16.f32 v46  }
0x4a9: {  	v54 =	vmul.f32 v52, v15;
	v11 =	vadd.f32 v11, v50;
	v53 =	vadd.f32 v12, v51  }
0x4aa: {  	v4 =	vadd.f32 v4, v8;
	v10 =	vunpack.i.l.bf16.f32 v44;
	v56 =	vmul.f32 v55, v15  }
0x4ab: {  	v10 =	vadd.f32 v54, v10;
	v11 =	vmul.f32 v11, v35;
	v8 =	vmul.f32 v53, v39  }
0x4ac: {  	v3 =	vmul.f32 v3, v27;
	v2 =	vadd.f32 v31, v2;
	v7 =	vunpack.i.l.bf16.f32 v46  }
0x4ad: {  	s1 =	sadd.s32 @!p0 $0x3, s28;
	v7 =	vadd.f32 v56, v7;
	v57 =	vmul.f32 v10, v38;
	v8 =	vadd.f32 v8, v11  }
0x4ae: {  	v0 =	vadd.f32 v0, v1;
	s2 =	sshrl.u32 @!p0 s1, $0x3;
	s1 =	sand.u32 @!p0 $0x7, s1;
	v59 =	vmul.f32 v5, v14;
	v58 =	vadd.f32 v6, v4  }
0x4af: {  	s2 =	smul.u32 @!p0 $0xC0000, s2;
	s1 =	sor.u32 @!p0 s5, s1;
	v2 =	vadd.f32 v3, v2;
	v61 =	vmul.f32 v7, v36;
	v60 =	vadd.f32 v57, v8  }
0x4b0: {  	[tilespmem:s31+$0x1C980] =	vst v0;
	s1 =	sshll.u32 @!p0 s1, $0xA;
	v62 =	vadd.f32 v59, v58  }
0x4b1: {  	s3 =	simm.s32 @!p0 $0x1B180;
	s1 =	sor.u32 @!p0 s2, s1;
	[tilespmem:s12+$0x1C980] =	vst v2;
	v63 =	vadd.f32 v61, v60  }
0x4b2: {  	s26 =	sadd.s32 $0x1, s26;
	s1 =	sshrl.u32 @!p0 s1, $0x3;
	[tilespmem:s0+$0x1C980] =	vst v62;
	s0 =	rddreg [dreg:$0x1]  }
0x4b3: {  	s2 =	simm.s32 @!p0 $0x40000;
	s0 =	sadd.s32 @!p0 s0, s1;
	s1 =	simm.s32 @!p0 $0x400;
	[tilespmem:s18+$0x1C980] =	vst v63  }
0x4b4: {  	[tilespmem:s3], [sflag:$0x2] =	stream.strided.gather @!p0 [hbm4b:s0+s1], $0xC00, s2, s1, $0x38;
	[tilespmem:$0x1D580] =	vst v63  }
0x4b5: {  	p0 =	sne.s32 s26, $0x10  }
.Ltmp2:
0x4b6: {  	s25 =	sshll.u32 s8, $0xA;
	(pc) =	sbr.rel @p0 .LBB2_2-.Ltmp2, $4  }
0x4b7: {  	s0 =	sadd.s32 s29, s25  }
0x4b8: {  	s30 =	simm.s32 $0x40000;
	s28 =	rddreg [dreg:$0x2];
	s0 =	sshrl.u32 s0, $0x3  }
0x4b9: {  	s31 =	simm.s32 $0x1C980;
	s29 =	simm.s32 $0x400;
	s0 =	sadd.s32 s28, s0  }
0x4ba: {  	[hbm4b:s0+s29] =	stream.strided.scatter [tilespmem:s31], [sflag:$0x4], $0xC00, s30, s29, $0x38;
	[tilespmem:$0x1D580] =	vst v63  }
0x4bb: {  	s6 =	simm.s32 $0x3  }
0x4bc: {  	_ =	swait.ge [sflag:s6], $0xC00  }
0x4bd: {  	[sflag:s6] =	ssyncset.done $0x0  }
0x4be: {  	s1 =	simm.s32 $0x4;
	[sflag:s6] =	ssyncadd.s32 $0xFFFFF400  }
0x4bf: {  	_ =	swait.ge [sflag:s1], $0xC00  }
0x4c0: {  	s2 =	rddreg [dreg:$0xb]  }
0x4c1: {  	s0 =	rddreg [dreg:$0xa];
	s2 =	sadd.s32 $0x1, s2  }
0x4c2: {  	p0 =	sne.s32 s2, s0  }
.Ltmp3:
0x4c3: {  	_ = 	snop;
	(pc) =	sbr.rel @p0 .LBB2_1-.Ltmp3, $3  }
0x4c4: {  	_ =	sdelay $0x1  }
0x4c5: {  	[sflag:s1] =	ssyncset.done $0x0  }
0x4c6: {  	[sflag:s1] =	ssyncadd.s32 $0xFFFFF400  }
0x4c7: {  	_ =	sfence.sel $0x180000  }
0x4c8: {  	[bflag:$0x0] =	sbarrier.arrive $0xFFFF  }
0x4c9: {  	_ =	strace $0x90000047  }
0x4ca: {  	s0 =	stileid.u32;
	[bflag:$0x2] =	sbarrier.arrive $0xFFFF  }
0x4cb: {  	p0 =	sne.s32 s0, $0x0;
	s0 =	rddreg [dreg:$0x3]  }
0x4cc: {  	s0 =	sadd.s32 @!p0 $0x100000, s0  }
0x4cd: {  	[sflag:s0] =	ssyncadd.tile.s32 @!p0 $0x1;
	_ =	shalt  }
.Lfunc_end2:
_tile_overlayer_lowered:
.L_overlay_start_2:
0x4ce: {  	(tag) =	ssettag $0x2  }
0x4cf: {  	s0 =	rddreg [dreg:$0x0];
	s2 =	stileid.u32  }
0x4d0: {  	s1 =	rddreg [dreg:$0x1];
	p0 =	sne.s32 s2, $0x0  }
0x4d1: {  	s3 =	rddreg [dreg:$0x2];
	[bflag:$0x3] =	sbarrier.arrive $0xFFFF;
	s2 =	simm.s32 @!p0 $0x1C05  }
0x4d2: {  	[timem:s3], [sflag:s2] =	dma.local @!p0 [hbm:s0], s1  }
0x4d3: {  	s0 =	simm.s32 @!p0 $0x5  }
0x4d4: {  	_ =	swait.ge @!p0 [sflag:s0], s1  }
0x4d5: {  	s1 =	ssub.s32 @!p0 $0x0, s1;
	[sflag:s0] =	ssyncset.done @!p0 $0x0  }
0x4d6: {  	[sflag:s0] =	ssyncadd.s32 @!p0 s1  }
0x4d7: {  	[bflag:$0x3] =	sbarrier.arrive $0xFFFF  }
0x4d8: {  	_ =	shalt  }

</sc_bundles>
